<compile_context>
chip_gen: v7x
topology: tpu7x:2x2x1
jax: 0.10.2.dev20260603
libtpu: 0.0.44.dev20260713+nightly
codegen_flags: <defaults>
</compile_context>

<pallas_src>
import functools

import jax
import jax.numpy as jnp
from jax import lax
from jax.experimental import pallas as pl
from jax.experimental.pallas import tpu as pltpu
from jax.experimental.pallas import tpu_sc as plsc

N = 10000
E = 320000
D = 128

NC = 2
NS = 16
NW = NC * NS
CH = 120
GRP = 6
NR = 3
NI = 6

NCHUNK = 84
EPW = NCHUNK * CH
EPAD = EPW * NW
NG = NCHUNK // GRP
TOTAL_CHUNKS = EPAD // CH

NPAD = 10368
RPT = NPAD // NS


def _spmm_sc(table, epack):
    mesh = plsc.VectorSubcoreMesh(core_axis_name="c", subcore_axis_name="s")

    @functools.partial(
        pl.kernel,
        out_type=jax.ShapeDtypeStruct((NC * NPAD, D), jnp.float32),
        mesh=mesh,
        scratch_types=(
            [pltpu.VMEM((2, CH), jnp.int32) for _ in range(NI)]
            + [pltpu.VMEM((CH, D), jnp.float32) for _ in range(NR)]
            + [pltpu.VMEM_SHARED((NPAD, D), jnp.float32)]
            + [pltpu.SemaphoreType.DMA
               for _ in range(NI + 2 * NR + 1)]
        ),
    )
    def spmm(table_hbm, epack_hbm, out_hbm, *refs):
        idxb = refs[0:NI]
        rows = refs[NI:NI + NR]
        acc = refs[NI + NR]
        isem = refs[NI + NR + 1:2 * NI + NR + 1]
        gsem = refs[2 * NI + NR + 1:2 * NI + 2 * NR + 1]
        ssem = refs[2 * NI + 2 * NR + 1:2 * NI + 3 * NR + 1]
        zsem = refs[2 * NI + 3 * NR + 1]

        cid = lax.axis_index("c")
        sid = lax.axis_index("s")
        wid = sid * NC + cid
        cbase = wid * NCHUNK

        def idx_start(c, s):
            pltpu.async_copy(epack_hbm.at[c], idxb[s], isem[s])

        def idx_wait(c, s):
            pltpu.make_async_copy(epack_hbm.at[c], idxb[s], isem[s]).wait()

        def gather_start(s, p):
            pltpu.async_copy(table_hbm.at[idxb[s].at[0]], rows[p], gsem[p])

        def gather_wait(s, p):
            pltpu.make_async_copy(table_hbm.at[idxb[s].at[0]], rows[p],
                                  gsem[p]).wait()

        def scatter_start(s, p):
            pltpu.async_copy(rows[p], acc.at[idxb[s].at[1]], ssem[p],
                             add=True)

        def scatter_wait(s, p):
            pltpu.make_async_copy(rows[p], acc.at[idxb[s].at[1]],
                                  ssem[p]).wait()

        def step(j, pos, wait_s2, idx_pre, gather_next):
            p = pos % NR
            pn = (pos + 1) % NR
            s_cur = pos % NI
            s_next = (pos + 1) % NI
            s_pre = (pos + 4) % NI
            if wait_s2:
                scatter_wait(s_pre, pn)
            if idx_pre:
                idx_start(j + 4, s_pre)
            if gather_next:
                idx_wait(j + 1, s_next)
                gather_start(s_next, pn)
            gather_wait(s_cur, p)
            scatter_start(s_cur, p)

        for s in range(4):
            idx_start(cbase + s, s)
        idx_wait(cbase + 0, 0)
        gather_start(0, 0)

        zrow = rows[NR - 1]

        def zbody(i, carry):
            for k in range(D // 16):
                zrow[i, pl.ds(16 * k, 16)] = jnp.zeros((16,), jnp.float32)
            return carry

        lax.fori_loop(0, CH, zbody, 0)
        nfull = RPT // CH
        for z in range(nfull):
            pltpu.async_copy(zrow, acc.at[pl.ds(sid * RPT + z * CH, CH)],
                             zsem)
        rem = RPT - nfull * CH
        pltpu.async_copy(zrow.at[pl.ds(0, rem)],
                         acc.at[pl.ds(sid * RPT + nfull * CH, rem)], zsem)
        for z in range(nfull):
            pltpu.make_async_copy(
                zrow, acc.at[pl.ds(sid * RPT + z * CH, CH)], zsem).wait()
        pltpu.make_async_copy(
            zrow.at[pl.ds(0, rem)],
            acc.at[pl.ds(sid * RPT + nfull * CH, rem)], zsem).wait()
        plsc.subcore_barrier()

        step(cbase + 0, 0, False, True, True)
        step(cbase + 1, 1, False, True, True)
        for pos in range(2, GRP):
            step(cbase + pos, pos, True, True, True)

        def body(t, carry):
            j0 = cbase + t * GRP
            for pos in range(GRP):
                step(j0 + pos, pos, True, True, True)
            return carry

        lax.fori_loop(1, NG - 1, body, 0)

        j0 = cbase + (NG - 1) * GRP
        step(j0 + 0, 0, True, True, True)
        step(j0 + 1, 1, True, True, True)
        step(j0 + 2, 2, True, False, True)
        step(j0 + 3, 3, True, False, True)
        step(j0 + 4, 4, True, False, True)
        step(j0 + 5, 5, True, False, False)
        scatter_wait((GRP - 2) % NI, (GRP - 2) % NR)
        scatter_wait((GRP - 1) % NI, (GRP - 1) % NR)

        plsc.subcore_barrier()

        pltpu.sync_copy(acc.at[pl.ds(sid * RPT, RPT)],
                        out_hbm.at[pl.ds(cid * NPAD + sid * RPT, RPT)])

    return spmm(table, epack)


def _dense_kernel(p0_ref, p1_ref, h_ref, wrel_ref, wroot_ref, b_ref, o_ref,
                  *, relu):
    agg = p0_ref[...] + p1_ref[...]
    y = lax.dot_general(agg, wrel_ref[...], (((1,), (1,)), ((), ())),
                        preferred_element_type=jnp.float32)
    y += lax.dot_general(h_ref[...], wroot_ref[...], (((1,), (1,)), ((), ())),
                         preferred_element_type=jnp.float32)
    y += b_ref[...]
    o_ref[...] = jnp.maximum(y, 0.0) if relu else y


def _dense_tc(parts, h, w_rel, w_root, b, relu):
    blk = RPT
    grid = NPAD // blk
    row_spec = pl.BlockSpec((blk, D), lambda i: (i, 0))
    full_spec = pl.BlockSpec((D, D), lambda i: (0, 0))
    return pl.pallas_call(
        functools.partial(_dense_kernel, relu=relu),
        grid=(grid,),
        in_specs=[row_spec,
                  pl.BlockSpec((blk, D), lambda i: (i + grid, 0)),
                  row_spec, full_spec, full_spec,
                  pl.BlockSpec((1, D), lambda i: (0, 0))],
        out_specs=row_spec,
        out_shape=jax.ShapeDtypeStruct((NPAD, D), jnp.float32),
    )(parts, parts, h, w_rel, w_root, b)


def kernel(x, edge_index, W_rel1, b_rel1, W_root1, W_rel2, b_rel2, W_root2):
    src = edge_index[0].astype(jnp.int32)
    dst = edge_index[1].astype(jnp.int32)

    npad_e = EPAD - E
    pad_src = (jnp.arange(npad_e, dtype=jnp.int32) * 37) % N
    pad_dst = N + (jnp.arange(npad_e, dtype=jnp.int32) % (NPAD - N))
    src_p = jnp.concatenate([src, pad_src]).reshape(TOTAL_CHUNKS, 1, CH)
    dst_p = jnp.concatenate([dst, pad_dst]).reshape(TOTAL_CHUNKS, 1, CH)
    epack = jnp.concatenate([src_p, dst_p], axis=1)

    b1 = b_rel1.reshape(1, D)
    b2 = b_rel2.reshape(1, D)
    xp = jnp.pad(x, ((0, NPAD - N), (0, 0)))

    parts = _spmm_sc(xp, epack)
    h = _dense_tc(parts, xp, W_rel1, W_root1, b1, relu=True)
    parts2 = _spmm_sc(h, epack)
    out = _dense_tc(parts2, h, W_rel2, W_root2, b2, relu=False)
    return out[:N]

# --- scband reference (transcript-rebuilt; emitter-appended) ---
"""Pipeline reference for scband-two-agent-gnn-37589553775265 (READ-ONLY COPY).

The authoritative reference and input builder live on the scoring server;
editing this copy changes nothing except your own understanding.
"""

import jax, jax.numpy as jnp
import numpy as np

N = 10000
E = 320000
D_IN = 128
D_HID = 128
D_OUT = 128


def setup_inputs(seed: int = 0) -> dict:
    key = jax.random.key(seed)
    k_x, k_ei, k1, k2, k3, k4, k5, k6 = jax.random.split(key, 8)
    x = jax.random.normal(k_x, (N, D_IN), dtype=jnp.float32)
    edge_index = jax.random.randint(k_ei, (2, E), 0, N, dtype=jnp.int64)
    s1 = 1.0 / np.sqrt(D_IN)
    s2 = 1.0 / np.sqrt(D_HID)
    W_rel1 = jax.random.uniform(k1, (D_HID, D_IN), jnp.float32, -s1, s1)
    b_rel1 = jax.random.uniform(k2, (D_HID,), jnp.float32, -s1, s1)
    W_root1 = jax.random.uniform(k3, (D_HID, D_IN), jnp.float32, -s1, s1)
    W_rel2 = jax.random.uniform(k4, (D_OUT, D_HID), jnp.float32, -s2, s2)
    b_rel2 = jax.random.uniform(k5, (D_OUT,), jnp.float32, -s2, s2)
    W_root2 = jax.random.uniform(k6, (D_OUT, D_HID), jnp.float32, -s2, s2)
    return {
        "x": x,
        "edge_index": edge_index,
        "W_rel1": W_rel1,
        "b_rel1": b_rel1,
        "W_root1": W_root1,
        "W_rel2": W_rel2,
        "b_rel2": b_rel2,
        "W_root2": W_root2,
    }


def _graph_conv(h, src, dst, W_rel, b_rel, W_root, n_nodes):
    # PyG GraphConv (aggr='add'): out = lin_rel(sum_{j->i} h_j) + lin_root(h_i)
    msgs = jnp.take(h, src, axis=0)  # gather source-node features per edge
    agg = jax.ops.segment_sum(msgs, dst, num_segments=n_nodes)  # scatter-add to dst
    return agg @ W_rel.T + b_rel + h @ W_root.T


def reference(x, edge_index, W_rel1, b_rel1, W_root1, W_rel2, b_rel2, W_root2):
    src = edge_index[0]
    dst = edge_index[1]
    h = _graph_conv(x, src, dst, W_rel1, b_rel1, W_root1, N)
    h = jax.nn.relu(h)
    out = _graph_conv(h, src, dst, W_rel2, b_rel2, W_root2, N)
    return out

if __name__ == "__main__":
    import jax
    _d = setup_inputs()
    print(jax.jit(kernel)(*tuple(_d.values())))

</pallas_src>

<mosaic_0001>
#map = affine_map<(d0, d1) -> (0, 0)>
#map1 = affine_map<(d0, d1) -> (0, 0, 0)>
module attributes {stable_mosaic.version = 14 : i64} {
  func.func @spmm(%arg0: i32, %arg1: i32, %arg2: memref<10368x128xf32, #tpu.memory_space<hbm>>, %arg3: memref<2688x2x120xi32, #tpu.memory_space<hbm>>, %arg4: memref<20736x128xf32, #tpu.memory_space<hbm>>, %arg5: memref<2x120xi32, #tpu.memory_space<vmem>>, %arg6: memref<2x120xi32, #tpu.memory_space<vmem>>, %arg7: memref<2x120xi32, #tpu.memory_space<vmem>>, %arg8: memref<2x120xi32, #tpu.memory_space<vmem>>, %arg9: memref<2x120xi32, #tpu.memory_space<vmem>>, %arg10: memref<2x120xi32, #tpu.memory_space<vmem>>, %arg11: memref<120x128xf32, #tpu.memory_space<vmem>>, %arg12: memref<120x128xf32, #tpu.memory_space<vmem>>, %arg13: memref<120x128xf32, #tpu.memory_space<vmem>>, %arg14: memref<10368x128xf32, #tpu.memory_space<vmem_shared>>, %arg15: memref<!tpu.dma_semaphore, #tpu.memory_space<semaphore_mem>>, %arg16: memref<!tpu.dma_semaphore, #tpu.memory_space<semaphore_mem>>, %arg17: memref<!tpu.dma_semaphore, #tpu.memory_space<semaphore_mem>>, %arg18: memref<!tpu.dma_semaphore, #tpu.memory_space<semaphore_mem>>, %arg19: memref<!tpu.dma_semaphore, #tpu.memory_space<semaphore_mem>>, %arg20: memref<!tpu.dma_semaphore, #tpu.memory_space<semaphore_mem>>, %arg21: memref<!tpu.dma_semaphore, #tpu.memory_space<semaphore_mem>>, %arg22: memref<!tpu.dma_semaphore, #tpu.memory_space<semaphore_mem>>, %arg23: memref<!tpu.dma_semaphore, #tpu.memory_space<semaphore_mem>>, %arg24: memref<!tpu.dma_semaphore, #tpu.memory_space<semaphore_mem>>, %arg25: memref<!tpu.dma_semaphore, #tpu.memory_space<semaphore_mem>>, %arg26: memref<!tpu.dma_semaphore, #tpu.memory_space<semaphore_mem>>, %arg27: memref<!tpu.dma_semaphore, #tpu.memory_space<semaphore_mem>>) attributes {dimension_semantics = [#tpu.dimension_semantics<core_parallel>, #tpu.dimension_semantics<subcore_parallel>], iteration_bounds = array<i64: 2, 16>, scalar_prefetch = 0 : i64, scratch_operands = 23 : i64, tpu.core_type = #tpu.core_type<sc_vector_subcore>, window_params = [{transform_indices = #map}, {transform_indices = #map1}, {transform_indices = #map}]} {
    %mul3A = arith.constant 2 : i32
    %mul3A_0 = arith.muli %arg1, %mul3A : i32
    %add3A = arith.addi %mul3A_0, %arg0 : i32
    %mul3A_1 = arith.constant 84 : i32
    %mul3A_2 = arith.muli %add3A, %mul3A_1 : i32
    %add3A_3 = arith.constant 0 : i32
    %add3A_4 = arith.addi %mul3A_2, %add3A_3 : i32
    %dma_start3A = arith.constant 0 : i32
    %dma_start3A_5 = arith.constant 0 : i32
    %dma_start3A_6 = tpu.memref_slice %arg3[%add3A_4, %dma_start3A, %dma_start3A_5] : memref<2688x2x120xi32, #tpu.memory_space<hbm>> -> memref<1x2x120xi32, #tpu.memory_space<hbm>>
    %dma_start3A_7 = tpu.memref_squeeze %dma_start3A_6 : memref<1x2x120xi32, #tpu.memory_space<hbm>> -> memref<2x120xi32, #tpu.memory_space<hbm>>
    %dma_start3A_8 = arith.constant 0 : i32
    %dma_start3A_9 = arith.constant 0 : i32
    %dma_start3A_10 = tpu.memref_slice %arg3[%add3A_4, %dma_start3A_8, %dma_start3A_9] : memref<2688x2x120xi32, #tpu.memory_space<hbm>> -> memref<1x2x120xi32, #tpu.memory_space<hbm>>
    %dma_start3A_11 = tpu.memref_squeeze %dma_start3A_10 : memref<1x2x120xi32, #tpu.memory_space<hbm>> -> memref<2x120xi32, #tpu.memory_space<hbm>>
    tpu.enqueue_dma source(%dma_start3A_11 : memref<2x120xi32, #tpu.memory_space<hbm>>) target(%arg5 : memref<2x120xi32, #tpu.memory_space<vmem>>) target_semaphore(%arg15 : memref<!tpu.dma_semaphore, #tpu.memory_space<semaphore_mem>>)
    %add3A_12 = arith.constant 1 : i32
    %add3A_13 = arith.addi %mul3A_2, %add3A_12 : i32
    %dma_start3A_14 = arith.constant 0 : i32
    %dma_start3A_15 = arith.constant 0 : i32
    %dma_start3A_16 = tpu.memref_slice %arg3[%add3A_13, %dma_start3A_14, %dma_start3A_15] : memref<2688x2x120xi32, #tpu.memory_space<hbm>> -> memref<1x2x120xi32, #tpu.memory_space<hbm>>
    %dma_start3A_17 = tpu.memref_squeeze %dma_start3A_16 : memref<1x2x120xi32, #tpu.memory_space<hbm>> -> memref<2x120xi32, #tpu.memory_space<hbm>>
    %dma_start3A_18 = arith.constant 0 : i32
    %dma_start3A_19 = arith.constant 0 : i32
    %dma_start3A_20 = tpu.memref_slice %arg3[%add3A_13, %dma_start3A_18, %dma_start3A_19] : memref<2688x2x120xi32, #tpu.memory_space<hbm>> -> memref<1x2x120xi32, #tpu.memory_space<hbm>>
    %dma_start3A_21 = tpu.memref_squeeze %dma_start3A_20 : memref<1x2x120xi32, #tpu.memory_space<hbm>> -> memref<2x120xi32, #tpu.memory_space<hbm>>
    tpu.enqueue_dma source(%dma_start3A_21 : memref<2x120xi32, #tpu.memory_space<hbm>>) target(%arg6 : memref<2x120xi32, #tpu.memory_space<vmem>>) target_semaphore(%arg16 : memref<!tpu.dma_semaphore, #tpu.memory_space<semaphore_mem>>)
    %add3A_22 = arith.constant 2 : i32
    %add3A_23 = arith.addi %mul3A_2, %add3A_22 : i32
    %dma_start3A_24 = arith.constant 0 : i32
    %dma_start3A_25 = arith.constant 0 : i32
    %dma_start3A_26 = tpu.memref_slice %arg3[%add3A_23, %dma_start3A_24, %dma_start3A_25] : memref<2688x2x120xi32, #tpu.memory_space<hbm>> -> memref<1x2x120xi32, #tpu.memory_space<hbm>>
    %dma_start3A_27 = tpu.memref_squeeze %dma_start3A_26 : memref<1x2x120xi32, #tpu.memory_space<hbm>> -> memref<2x120xi32, #tpu.memory_space<hbm>>
    %dma_start3A_28 = arith.constant 0 : i32
    %dma_start3A_29 = arith.constant 0 : i32
    %dma_start3A_30 = tpu.memref_slice %arg3[%add3A_23, %dma_start3A_28, %dma_start3A_29] : memref<2688x2x120xi32, #tpu.memory_space<hbm>> -> memref<1x2x120xi32, #tpu.memory_space<hbm>>
    %dma_start3A_31 = tpu.memref_squeeze %dma_start3A_30 : memref<1x2x120xi32, #tpu.memory_space<hbm>> -> memref<2x120xi32, #tpu.memory_space<hbm>>
    tpu.enqueue_dma source(%dma_start3A_31 : memref<2x120xi32, #tpu.memory_space<hbm>>) target(%arg7 : memref<2x120xi32, #tpu.memory_space<vmem>>) target_semaphore(%arg17 : memref<!tpu.dma_semaphore, #tpu.memory_space<semaphore_mem>>)
    %add3A_32 = arith.constant 3 : i32
    %add3A_33 = arith.addi %mul3A_2, %add3A_32 : i32
    %dma_start3A_34 = arith.constant 0 : i32
    %dma_start3A_35 = arith.constant 0 : i32
    %dma_start3A_36 = tpu.memref_slice %arg3[%add3A_33, %dma_start3A_34, %dma_start3A_35] : memref<2688x2x120xi32, #tpu.memory_space<hbm>> -> memref<1x2x120xi32, #tpu.memory_space<hbm>>
    %dma_start3A_37 = tpu.memref_squeeze %dma_start3A_36 : memref<1x2x120xi32, #tpu.memory_space<hbm>> -> memref<2x120xi32, #tpu.memory_space<hbm>>
    %dma_start3A_38 = arith.constant 0 : i32
    %dma_start3A_39 = arith.constant 0 : i32
    %dma_start3A_40 = tpu.memref_slice %arg3[%add3A_33, %dma_start3A_38, %dma_start3A_39] : memref<2688x2x120xi32, #tpu.memory_space<hbm>> -> memref<1x2x120xi32, #tpu.memory_space<hbm>>
    %dma_start3A_41 = tpu.memref_squeeze %dma_start3A_40 : memref<1x2x120xi32, #tpu.memory_space<hbm>> -> memref<2x120xi32, #tpu.memory_space<hbm>>
    tpu.enqueue_dma source(%dma_start3A_41 : memref<2x120xi32, #tpu.memory_space<hbm>>) target(%arg8 : memref<2x120xi32, #tpu.memory_space<vmem>>) target_semaphore(%arg18 : memref<!tpu.dma_semaphore, #tpu.memory_space<semaphore_mem>>)
    %add3A_42 = arith.constant 0 : i32
    %add3A_43 = arith.addi %mul3A_2, %add3A_42 : i32
    %dma_wait3A = arith.constant 0 : i32
    %dma_wait3A_44 = arith.constant 0 : i32
    %dma_wait3A_45 = tpu.memref_slice %arg3[%add3A_43, %dma_wait3A, %dma_wait3A_44] : memref<2688x2x120xi32, #tpu.memory_space<hbm>> -> memref<1x2x120xi32, #tpu.memory_space<hbm>>
    %dma_wait3A_46 = tpu.memref_squeeze %dma_wait3A_45 : memref<1x2x120xi32, #tpu.memory_space<hbm>> -> memref<2x120xi32, #tpu.memory_space<hbm>>
    %dma_wait3A_47 = arith.constant 0 : i32
    %dma_wait3A_48 = arith.constant 0 : i32
    %dma_wait3A_49 = tpu.memref_slice %arg3[%add3A_43, %dma_wait3A_47, %dma_wait3A_48] : memref<2688x2x120xi32, #tpu.memory_space<hbm>> -> memref<1x2x120xi32, #tpu.memory_space<hbm>>
    %dma_wait3A_50 = tpu.memref_squeeze %dma_wait3A_49 : memref<1x2x120xi32, #tpu.memory_space<hbm>> -> memref<2x120xi32, #tpu.memory_space<hbm>>
    tpu.wait_dma2 semaphore(%arg15 : memref<!tpu.dma_semaphore, #tpu.memory_space<semaphore_mem>>) src(%dma_wait3A_50 : memref<2x120xi32, #tpu.memory_space<hbm>>) dst(%arg5 : memref<2x120xi32, #tpu.memory_space<vmem>>)
    %dma_start3A_51 = arith.constant 0 : i32
    %dma_start3A_52 = arith.constant 0 : i32
    %dma_start3A_53 = tpu.memref_slice %arg5[%dma_start3A_51, %dma_start3A_52] : memref<2x120xi32, #tpu.memory_space<vmem>> -> memref<1x120xi32, #tpu.memory_space<vmem>>
    %dma_start3A_54 = tpu.memref_squeeze %dma_start3A_53 : memref<1x120xi32, #tpu.memory_space<vmem>> -> memref<120xi32, #tpu.memory_space<vmem>>
    %dma_start3A_55 = arith.constant 0 : i32
    %dma_start3A_56 = arith.constant 0 : i32
    %dma_start3A_57 = tpu.memref_slice %arg2[%dma_start3A_55, %dma_start3A_56] : memref<10368x128xf32, #tpu.memory_space<hbm>> -> memref<10368x128xf32, #tpu.memory_space<hbm>>
    tpu.enqueue_indirect_dma source(%dma_start3A_57 : memref<10368x128xf32, #tpu.memory_space<hbm>>) target(%arg11 : memref<120x128xf32, #tpu.memory_space<vmem>>) offsets(%dma_start3A_54 : memref<120xi32, #tpu.memory_space<vmem>>) semaphore(%arg21 : memref<!tpu.dma_semaphore, #tpu.memory_space<semaphore_mem>>)
    %scan3A = arith.constant 0 : i32
    %scan3A_58 = arith.constant 0 : i32
    %scan3A_59 = arith.constant 120 : i32
    %scan3A_60 = arith.addi %scan3A_58, %scan3A_59 : i32
    %scan3A_61 = arith.constant 1 : i32
    scf.for %scan3A_730 = %scan3A_58 to %scan3A_60 step %scan3A_61  : i32 {
      %broadcast_in_dim3A = arith.constant 0.000000e+00 : f32
      %broadcast_in_dim3A_731 = vector.broadcast %broadcast_in_dim3A : f32 to vector<16xf32>
      %swap3A = arith.index_cast %scan3A_730 : i32 to index
      %swap3A_732 = arith.constant 0 : index
      %swap3A_733 = tpu.vector_load %arg13[%swap3A, %swap3A_732] {strides = array<i32>} : memref<120x128xf32, #tpu.memory_space<vmem>>, vector<1x16xf32>,
      %swap3A_734 = vector.shape_cast %swap3A_733 : vector<1x16xf32> to vector<16xf32>
      %swap3A_735 = vector.shape_cast %broadcast_in_dim3A_731 : vector<16xf32> to vector<1x16xf32>
      tpu.vector_store %arg13[%swap3A, %swap3A_732], %swap3A_735 {strides = array<i32>} : memref<120x128xf32, #tpu.memory_space<vmem>>, vector<1x16xf32>,
      %broadcast_in_dim3A_736 = arith.constant 0.000000e+00 : f32
      %broadcast_in_dim3A_737 = vector.broadcast %broadcast_in_dim3A_736 : f32 to vector<16xf32>
      %swap3A_738 = arith.index_cast %scan3A_730 : i32 to index
      %swap3A_739 = arith.constant 16 : index
      %swap3A_740 = tpu.vector_load %arg13[%swap3A_738, %swap3A_739] {strides = array<i32>} : memref<120x128xf32, #tpu.memory_space<vmem>>, vector<1x16xf32>,
      %swap3A_741 = vector.shape_cast %swap3A_740 : vector<1x16xf32> to vector<16xf32>
      %swap3A_742 = vector.shape_cast %broadcast_in_dim3A_737 : vector<16xf32> to vector<1x16xf32>
      tpu.vector_store %arg13[%swap3A_738, %swap3A_739], %swap3A_742 {strides = array<i32>} : memref<120x128xf32, #tpu.memory_space<vmem>>, vector<1x16xf32>,
      %broadcast_in_dim3A_743 = arith.constant 0.000000e+00 : f32
      %broadcast_in_dim3A_744 = vector.broadcast %broadcast_in_dim3A_743 : f32 to vector<16xf32>
      %swap3A_745 = arith.index_cast %scan3A_730 : i32 to index
      %swap3A_746 = arith.constant 32 : index
      %swap3A_747 = tpu.vector_load %arg13[%swap3A_745, %swap3A_746] {strides = array<i32>} : memref<120x128xf32, #tpu.memory_space<vmem>>, vector<1x16xf32>,
      %swap3A_748 = vector.shape_cast %swap3A_747 : vector<1x16xf32> to vector<16xf32>
      %swap3A_749 = vector.shape_cast %broadcast_in_dim3A_744 : vector<16xf32> to vector<1x16xf32>
      tpu.vector_store %arg13[%swap3A_745, %swap3A_746], %swap3A_749 {strides = array<i32>} : memref<120x128xf32, #tpu.memory_space<vmem>>, vector<1x16xf32>,
      %broadcast_in_dim3A_750 = arith.constant 0.000000e+00 : f32
      %broadcast_in_dim3A_751 = vector.broadcast %broadcast_in_dim3A_750 : f32 to vector<16xf32>
      %swap3A_752 = arith.index_cast %scan3A_730 : i32 to index
      %swap3A_753 = arith.constant 48 : index
      %swap3A_754 = tpu.vector_load %arg13[%swap3A_752, %swap3A_753] {strides = array<i32>} : memref<120x128xf32, #tpu.memory_space<vmem>>, vector<1x16xf32>,
      %swap3A_755 = vector.shape_cast %swap3A_754 : vector<1x16xf32> to vector<16xf32>
      %swap3A_756 = vector.shape_cast %broadcast_in_dim3A_751 : vector<16xf32> to vector<1x16xf32>
      tpu.vector_store %arg13[%swap3A_752, %swap3A_753], %swap3A_756 {strides = array<i32>} : memref<120x128xf32, #tpu.memory_space<vmem>>, vector<1x16xf32>,
      %broadcast_in_dim3A_757 = arith.constant 0.000000e+00 : f32
      %broadcast_in_dim3A_758 = vector.broadcast %broadcast_in_dim3A_757 : f32 to vector<16xf32>
      %swap3A_759 = arith.index_cast %scan3A_730 : i32 to index
      %swap3A_760 = arith.constant 64 : index
      %swap3A_761 = tpu.vector_load %arg13[%swap3A_759, %swap3A_760] {strides = array<i32>} : memref<120x128xf32, #tpu.memory_space<vmem>>, vector<1x16xf32>,
      %swap3A_762 = vector.shape_cast %swap3A_761 : vector<1x16xf32> to vector<16xf32>
      %swap3A_763 = vector.shape_cast %broadcast_in_dim3A_758 : vector<16xf32> to vector<1x16xf32>
      tpu.vector_store %arg13[%swap3A_759, %swap3A_760], %swap3A_763 {strides = array<i32>} : memref<120x128xf32, #tpu.memory_space<vmem>>, vector<1x16xf32>,
      %broadcast_in_dim3A_764 = arith.constant 0.000000e+00 : f32
      %broadcast_in_dim3A_765 = vector.broadcast %broadcast_in_dim3A_764 : f32 to vector<16xf32>
      %swap3A_766 = arith.index_cast %scan3A_730 : i32 to index
      %swap3A_767 = arith.constant 80 : index
      %swap3A_768 = tpu.vector_load %arg13[%swap3A_766, %swap3A_767] {strides = array<i32>} : memref<120x128xf32, #tpu.memory_space<vmem>>, vector<1x16xf32>,
      %swap3A_769 = vector.shape_cast %swap3A_768 : vector<1x16xf32> to vector<16xf32>
      %swap3A_770 = vector.shape_cast %broadcast_in_dim3A_765 : vector<16xf32> to vector<1x16xf32>
      tpu.vector_store %arg13[%swap3A_766, %swap3A_767], %swap3A_770 {strides = array<i32>} : memref<120x128xf32, #tpu.memory_space<vmem>>, vector<1x16xf32>,
      %broadcast_in_dim3A_771 = arith.constant 0.000000e+00 : f32
      %broadcast_in_dim3A_772 = vector.broadcast %broadcast_in_dim3A_771 : f32 to vector<16xf32>
      %swap3A_773 = arith.index_cast %scan3A_730 : i32 to index
      %swap3A_774 = arith.constant 96 : index
      %swap3A_775 = tpu.vector_load %arg13[%swap3A_773, %swap3A_774] {strides = array<i32>} : memref<120x128xf32, #tpu.memory_space<vmem>>, vector<1x16xf32>,
      %swap3A_776 = vector.shape_cast %swap3A_775 : vector<1x16xf32> to vector<16xf32>
      %swap3A_777 = vector.shape_cast %broadcast_in_dim3A_772 : vector<16xf32> to vector<1x16xf32>
      tpu.vector_store %arg13[%swap3A_773, %swap3A_774], %swap3A_777 {strides = array<i32>} : memref<120x128xf32, #tpu.memory_space<vmem>>, vector<1x16xf32>,
      %broadcast_in_dim3A_778 = arith.constant 0.000000e+00 : f32
      %broadcast_in_dim3A_779 = vector.broadcast %broadcast_in_dim3A_778 : f32 to vector<16xf32>
      %swap3A_780 = arith.index_cast %scan3A_730 : i32 to index
      %swap3A_781 = arith.constant 112 : index
      %swap3A_782 = tpu.vector_load %arg13[%swap3A_780, %swap3A_781] {strides = array<i32>} : memref<120x128xf32, #tpu.memory_space<vmem>>, vector<1x16xf32>,
      %swap3A_783 = vector.shape_cast %swap3A_782 : vector<1x16xf32> to vector<16xf32>
      %swap3A_784 = vector.shape_cast %broadcast_in_dim3A_779 : vector<16xf32> to vector<1x16xf32>
      tpu.vector_store %arg13[%swap3A_780, %swap3A_781], %swap3A_784 {strides = array<i32>} : memref<120x128xf32, #tpu.memory_space<vmem>>, vector<1x16xf32>,
    }
    %scan3A_62 = arith.constant 120 : i32
    %mul3A_63 = arith.constant 648 : i32
    %mul3A_64 = arith.muli %arg1, %mul3A_63 : i32
    %add3A_65 = arith.constant 0 : i32
    %add3A_66 = arith.addi %mul3A_64, %add3A_65 : i32
    %dma_start3A_67 = arith.constant 0 : i32
    %dma_start3A_68 = tpu.memref_slice %arg14[%add3A_66, %dma_start3A_67] : memref<10368x128xf32, #tpu.memory_space<vmem_shared>> -> memref<120x128xf32, #tpu.memory_space<vmem_shared>>
    %dma_start3A_69 = arith.constant 0 : i32
    %dma_start3A_70 = tpu.memref_slice %arg14[%add3A_66, %dma_start3A_69] : memref<10368x128xf32, #tpu.memory_space<vmem_shared>> -> memref<120x128xf32, #tpu.memory_space<vmem_shared>>
    tpu.enqueue_dma source(%arg13 : memref<120x128xf32, #tpu.memory_space<vmem>>) target(%dma_start3A_70 : memref<120x128xf32, #tpu.memory_space<vmem_shared>>) target_semaphore(%arg27 : memref<!tpu.dma_semaphore, #tpu.memory_space<semaphore_mem>>)
    %mul3A_71 = arith.constant 648 : i32
    %mul3A_72 = arith.muli %arg1, %mul3A_71 : i32
    %add3A_73 = arith.constant 120 : i32
    %add3A_74 = arith.addi %mul3A_72, %add3A_73 : i32
    %dma_start3A_75 = arith.constant 0 : i32
    %dma_start3A_76 = tpu.memref_slice %arg14[%add3A_74, %dma_start3A_75] : memref<10368x128xf32, #tpu.memory_space<vmem_shared>> -> memref<120x128xf32, #tpu.memory_space<vmem_shared>>
    %dma_start3A_77 = arith.constant 0 : i32
    %dma_start3A_78 = tpu.memref_slice %arg14[%add3A_74, %dma_start3A_77] : memref<10368x128xf32, #tpu.memory_space<vmem_shared>> -> memref<120x128xf32, #tpu.memory_space<vmem_shared>>
    tpu.enqueue_dma source(%arg13 : memref<120x128xf32, #tpu.memory_space<vmem>>) target(%dma_start3A_78 : memref<120x128xf32, #tpu.memory_space<vmem_shared>>) target_semaphore(%arg27 : memref<!tpu.dma_semaphore, #tpu.memory_space<semaphore_mem>>)
    %mul3A_79 = arith.constant 648 : i32
    %mul3A_80 = arith.muli %arg1, %mul3A_79 : i32
    %add3A_81 = arith.constant 240 : i32
    %add3A_82 = arith.addi %mul3A_80, %add3A_81 : i32
    %dma_start3A_83 = arith.constant 0 : i32
    %dma_start3A_84 = tpu.memref_slice %arg14[%add3A_82, %dma_start3A_83] : memref<10368x128xf32, #tpu.memory_space<vmem_shared>> -> memref<120x128xf32, #tpu.memory_space<vmem_shared>>
    %dma_start3A_85 = arith.constant 0 : i32
    %dma_start3A_86 = tpu.memref_slice %arg14[%add3A_82, %dma_start3A_85] : memref<10368x128xf32, #tpu.memory_space<vmem_shared>> -> memref<120x128xf32, #tpu.memory_space<vmem_shared>>
    tpu.enqueue_dma source(%arg13 : memref<120x128xf32, #tpu.memory_space<vmem>>) target(%dma_start3A_86 : memref<120x128xf32, #tpu.memory_space<vmem_shared>>) target_semaphore(%arg27 : memref<!tpu.dma_semaphore, #tpu.memory_space<semaphore_mem>>)
    %mul3A_87 = arith.constant 648 : i32
    %mul3A_88 = arith.muli %arg1, %mul3A_87 : i32
    %add3A_89 = arith.constant 360 : i32
    %add3A_90 = arith.addi %mul3A_88, %add3A_89 : i32
    %dma_start3A_91 = arith.constant 0 : i32
    %dma_start3A_92 = tpu.memref_slice %arg14[%add3A_90, %dma_start3A_91] : memref<10368x128xf32, #tpu.memory_space<vmem_shared>> -> memref<120x128xf32, #tpu.memory_space<vmem_shared>>
    %dma_start3A_93 = arith.constant 0 : i32
    %dma_start3A_94 = tpu.memref_slice %arg14[%add3A_90, %dma_start3A_93] : memref<10368x128xf32, #tpu.memory_space<vmem_shared>> -> memref<120x128xf32, #tpu.memory_space<vmem_shared>>
    tpu.enqueue_dma source(%arg13 : memref<120x128xf32, #tpu.memory_space<vmem>>) target(%dma_start3A_94 : memref<120x128xf32, #tpu.memory_space<vmem_shared>>) target_semaphore(%arg27 : memref<!tpu.dma_semaphore, #tpu.memory_space<semaphore_mem>>)
    %mul3A_95 = arith.constant 648 : i32
    %mul3A_96 = arith.muli %arg1, %mul3A_95 : i32
    %add3A_97 = arith.constant 480 : i32
    %add3A_98 = arith.addi %mul3A_96, %add3A_97 : i32
    %dma_start3A_99 = arith.constant 0 : i32
    %dma_start3A_100 = tpu.memref_slice %arg14[%add3A_98, %dma_start3A_99] : memref<10368x128xf32, #tpu.memory_space<vmem_shared>> -> memref<120x128xf32, #tpu.memory_space<vmem_shared>>
    %dma_start3A_101 = arith.constant 0 : i32
    %dma_start3A_102 = tpu.memref_slice %arg14[%add3A_98, %dma_start3A_101] : memref<10368x128xf32, #tpu.memory_space<vmem_shared>> -> memref<120x128xf32, #tpu.memory_space<vmem_shared>>
    tpu.enqueue_dma source(%arg13 : memref<120x128xf32, #tpu.memory_space<vmem>>) target(%dma_start3A_102 : memref<120x128xf32, #tpu.memory_space<vmem_shared>>) target_semaphore(%arg27 : memref<!tpu.dma_semaphore, #tpu.memory_space<semaphore_mem>>)
    %mul3A_103 = arith.constant 648 : i32
    %mul3A_104 = arith.muli %arg1, %mul3A_103 : i32
    %add3A_105 = arith.constant 600 : i32
    %add3A_106 = arith.addi %mul3A_104, %add3A_105 : i32
    %dma_start3A_107 = arith.constant 0 : i32
    %dma_start3A_108 = arith.constant 0 : i32
    %dma_start3A_109 = tpu.memref_slice %arg13[%dma_start3A_107, %dma_start3A_108] : memref<120x128xf32, #tpu.memory_space<vmem>> -> memref<48x128xf32, #tpu.memory_space<vmem>>
    %dma_start3A_110 = arith.constant 0 : i32
    %dma_start3A_111 = tpu.memref_slice %arg14[%add3A_106, %dma_start3A_110] : memref<10368x128xf32, #tpu.memory_space<vmem_shared>> -> memref<48x128xf32, #tpu.memory_space<vmem_shared>>
    %dma_start3A_112 = arith.constant 0 : i32
    %dma_start3A_113 = tpu.memref_slice %arg14[%add3A_106, %dma_start3A_112] : memref<10368x128xf32, #tpu.memory_space<vmem_shared>> -> memref<48x128xf32, #tpu.memory_space<vmem_shared>>
    %dma_start3A_114 = arith.constant 0 : i32
    %dma_start3A_115 = arith.constant 0 : i32
    %dma_start3A_116 = tpu.memref_slice %arg13[%dma_start3A_114, %dma_start3A_115] : memref<120x128xf32, #tpu.memory_space<vmem>> -> memref<48x128xf32, #tpu.memory_space<vmem>>
    tpu.enqueue_dma source(%dma_start3A_116 : memref<48x128xf32, #tpu.memory_space<vmem>>) target(%dma_start3A_113 : memref<48x128xf32, #tpu.memory_space<vmem_shared>>) target_semaphore(%arg27 : memref<!tpu.dma_semaphore, #tpu.memory_space<semaphore_mem>>)
    %mul3A_117 = arith.constant 648 : i32
    %mul3A_118 = arith.muli %arg1, %mul3A_117 : i32
    %add3A_119 = arith.constant 0 : i32
    %add3A_120 = arith.addi %mul3A_118, %add3A_119 : i32
    %dma_wait3A_121 = arith.constant 0 : i32
    %dma_wait3A_122 = tpu.memref_slice %arg14[%add3A_120, %dma_wait3A_121] : memref<10368x128xf32, #tpu.memory_space<vmem_shared>> -> memref<120x128xf32, #tpu.memory_space<vmem_shared>>
    %dma_wait3A_123 = arith.constant 0 : i32
    %dma_wait3A_124 = tpu.memref_slice %arg14[%add3A_120, %dma_wait3A_123] : memref<10368x128xf32, #tpu.memory_space<vmem_shared>> -> memref<120x128xf32, #tpu.memory_space<vmem_shared>>
    tpu.wait_dma2 semaphore(%arg27 : memref<!tpu.dma_semaphore, #tpu.memory_space<semaphore_mem>>) src(%arg13 : memref<120x128xf32, #tpu.memory_space<vmem>>) dst(%dma_wait3A_124 : memref<120x128xf32, #tpu.memory_space<vmem_shared>>)
    %mul3A_125 = arith.constant 648 : i32
    %mul3A_126 = arith.muli %arg1, %mul3A_125 : i32
    %add3A_127 = arith.constant 120 : i32
    %add3A_128 = arith.addi %mul3A_126, %add3A_127 : i32
    %dma_wait3A_129 = arith.constant 0 : i32
    %dma_wait3A_130 = tpu.memref_slice %arg14[%add3A_128, %dma_wait3A_129] : memref<10368x128xf32, #tpu.memory_space<vmem_shared>> -> memref<120x128xf32, #tpu.memory_space<vmem_shared>>
    %dma_wait3A_131 = arith.constant 0 : i32
    %dma_wait3A_132 = tpu.memref_slice %arg14[%add3A_128, %dma_wait3A_131] : memref<10368x128xf32, #tpu.memory_space<vmem_shared>> -> memref<120x128xf32, #tpu.memory_space<vmem_shared>>
    tpu.wait_dma2 semaphore(%arg27 : memref<!tpu.dma_semaphore, #tpu.memory_space<semaphore_mem>>) src(%arg13 : memref<120x128xf32, #tpu.memory_space<vmem>>) dst(%dma_wait3A_132 : memref<120x128xf32, #tpu.memory_space<vmem_shared>>)
    %mul3A_133 = arith.constant 648 : i32
    %mul3A_134 = arith.muli %arg1, %mul3A_133 : i32
    %add3A_135 = arith.constant 240 : i32
    %add3A_136 = arith.addi %mul3A_134, %add3A_135 : i32
    %dma_wait3A_137 = arith.constant 0 : i32
    %dma_wait3A_138 = tpu.memref_slice %arg14[%add3A_136, %dma_wait3A_137] : memref<10368x128xf32, #tpu.memory_space<vmem_shared>> -> memref<120x128xf32, #tpu.memory_space<vmem_shared>>
    %dma_wait3A_139 = arith.constant 0 : i32
    %dma_wait3A_140 = tpu.memref_slice %arg14[%add3A_136, %dma_wait3A_139] : memref<10368x128xf32, #tpu.memory_space<vmem_shared>> -> memref<120x128xf32, #tpu.memory_space<vmem_shared>>
    tpu.wait_dma2 semaphore(%arg27 : memref<!tpu.dma_semaphore, #tpu.memory_space<semaphore_mem>>) src(%arg13 : memref<120x128xf32, #tpu.memory_space<vmem>>) dst(%dma_wait3A_140 : memref<120x128xf32, #tpu.memory_space<vmem_shared>>)
    %mul3A_141 = arith.constant 648 : i32
    %mul3A_142 = arith.muli %arg1, %mul3A_141 : i32
    %add3A_143 = arith.constant 360 : i32
    %add3A_144 = arith.addi %mul3A_142, %add3A_143 : i32
    %dma_wait3A_145 = arith.constant 0 : i32
    %dma_wait3A_146 = tpu.memref_slice %arg14[%add3A_144, %dma_wait3A_145] : memref<10368x128xf32, #tpu.memory_space<vmem_shared>> -> memref<120x128xf32, #tpu.memory_space<vmem_shared>>
    %dma_wait3A_147 = arith.constant 0 : i32
    %dma_wait3A_148 = tpu.memref_slice %arg14[%add3A_144, %dma_wait3A_147] : memref<10368x128xf32, #tpu.memory_space<vmem_shared>> -> memref<120x128xf32, #tpu.memory_space<vmem_shared>>
    tpu.wait_dma2 semaphore(%arg27 : memref<!tpu.dma_semaphore, #tpu.memory_space<semaphore_mem>>) src(%arg13 : memref<120x128xf32, #tpu.memory_space<vmem>>) dst(%dma_wait3A_148 : memref<120x128xf32, #tpu.memory_space<vmem_shared>>)
    %mul3A_149 = arith.constant 648 : i32
    %mul3A_150 = arith.muli %arg1, %mul3A_149 : i32
    %add3A_151 = arith.constant 480 : i32
    %add3A_152 = arith.addi %mul3A_150, %add3A_151 : i32
    %dma_wait3A_153 = arith.constant 0 : i32
    %dma_wait3A_154 = tpu.memref_slice %arg14[%add3A_152, %dma_wait3A_153] : memref<10368x128xf32, #tpu.memory_space<vmem_shared>> -> memref<120x128xf32, #tpu.memory_space<vmem_shared>>
    %dma_wait3A_155 = arith.constant 0 : i32
    %dma_wait3A_156 = tpu.memref_slice %arg14[%add3A_152, %dma_wait3A_155] : memref<10368x128xf32, #tpu.memory_space<vmem_shared>> -> memref<120x128xf32, #tpu.memory_space<vmem_shared>>
    tpu.wait_dma2 semaphore(%arg27 : memref<!tpu.dma_semaphore, #tpu.memory_space<semaphore_mem>>) src(%arg13 : memref<120x128xf32, #tpu.memory_space<vmem>>) dst(%dma_wait3A_156 : memref<120x128xf32, #tpu.memory_space<vmem_shared>>)
    %mul3A_157 = arith.constant 648 : i32
    %mul3A_158 = arith.muli %arg1, %mul3A_157 : i32
    %add3A_159 = arith.constant 600 : i32
    %add3A_160 = arith.addi %mul3A_158, %add3A_159 : i32
    %dma_wait3A_161 = arith.constant 0 : i32
    %dma_wait3A_162 = arith.constant 0 : i32
    %dma_wait3A_163 = tpu.memref_slice %arg13[%dma_wait3A_161, %dma_wait3A_162] : memref<120x128xf32, #tpu.memory_space<vmem>> -> memref<48x128xf32, #tpu.memory_space<vmem>>
    %dma_wait3A_164 = arith.constant 0 : i32
    %dma_wait3A_165 = tpu.memref_slice %arg14[%add3A_160, %dma_wait3A_164] : memref<10368x128xf32, #tpu.memory_space<vmem_shared>> -> memref<48x128xf32, #tpu.memory_space<vmem_shared>>
    %dma_wait3A_166 = arith.constant 0 : i32
    %dma_wait3A_167 = tpu.memref_slice %arg14[%add3A_160, %dma_wait3A_166] : memref<10368x128xf32, #tpu.memory_space<vmem_shared>> -> memref<48x128xf32, #tpu.memory_space<vmem_shared>>
    %dma_wait3A_168 = arith.constant 0 : i32
    %dma_wait3A_169 = arith.constant 0 : i32
    %dma_wait3A_170 = tpu.memref_slice %arg13[%dma_wait3A_168, %dma_wait3A_169] : memref<120x128xf32, #tpu.memory_space<vmem>> -> memref<48x128xf32, #tpu.memory_space<vmem>>
    tpu.wait_dma2 semaphore(%arg27 : memref<!tpu.dma_semaphore, #tpu.memory_space<semaphore_mem>>) src(%dma_wait3A_170 : memref<48x128xf32, #tpu.memory_space<vmem>>) dst(%dma_wait3A_167 : memref<48x128xf32, #tpu.memory_space<vmem_shared>>)
    %barrier3A = arith.constant 0 : index
    tpu.barrier barrier_id(%barrier3A)
    %add3A_171 = arith.constant 0 : i32
    %add3A_172 = arith.addi %mul3A_2, %add3A_171 : i32
    %add3A_173 = arith.constant 4 : i32
    %add3A_174 = arith.addi %add3A_172, %add3A_173 : i32
    %dma_start3A_175 = arith.constant 0 : i32
    %dma_start3A_176 = arith.constant 0 : i32
    %dma_start3A_177 = tpu.memref_slice %arg3[%add3A_174, %dma_start3A_175, %dma_start3A_176] : memref<2688x2x120xi32, #tpu.memory_space<hbm>> -> memref<1x2x120xi32, #tpu.memory_space<hbm>>
    %dma_start3A_178 = tpu.memref_squeeze %dma_start3A_177 : memref<1x2x120xi32, #tpu.memory_space<hbm>> -> memref<2x120xi32, #tpu.memory_space<hbm>>
    %dma_start3A_179 = arith.constant 0 : i32
    %dma_start3A_180 = arith.constant 0 : i32
    %dma_start3A_181 = tpu.memref_slice %arg3[%add3A_174, %dma_start3A_179, %dma_start3A_180] : memref<2688x2x120xi32, #tpu.memory_space<hbm>> -> memref<1x2x120xi32, #tpu.memory_space<hbm>>
    %dma_start3A_182 = tpu.memref_squeeze %dma_start3A_181 : memref<1x2x120xi32, #tpu.memory_space<hbm>> -> memref<2x120xi32, #tpu.memory_space<hbm>>
    tpu.enqueue_dma source(%dma_start3A_182 : memref<2x120xi32, #tpu.memory_space<hbm>>) target(%arg9 : memref<2x120xi32, #tpu.memory_space<vmem>>) target_semaphore(%arg19 : memref<!tpu.dma_semaphore, #tpu.memory_space<semaphore_mem>>)
    %add3A_183 = arith.constant 1 : i32
    %add3A_184 = arith.addi %add3A_172, %add3A_183 : i32
    %dma_wait3A_185 = arith.constant 0 : i32
    %dma_wait3A_186 = arith.constant 0 : i32
    %dma_wait3A_187 = tpu.memref_slice %arg3[%add3A_184, %dma_wait3A_185, %dma_wait3A_186] : memref<2688x2x120xi32, #tpu.memory_space<hbm>> -> memref<1x2x120xi32, #tpu.memory_space<hbm>>
    %dma_wait3A_188 = tpu.memref_squeeze %dma_wait3A_187 : memref<1x2x120xi32, #tpu.memory_space<hbm>> -> memref<2x120xi32, #tpu.memory_space<hbm>>
    %dma_wait3A_189 = arith.constant 0 : i32
    %dma_wait3A_190 = arith.constant 0 : i32
    %dma_wait3A_191 = tpu.memref_slice %arg3[%add3A_184, %dma_wait3A_189, %dma_wait3A_190] : memref<2688x2x120xi32, #tpu.memory_space<hbm>> -> memref<1x2x120xi32, #tpu.memory_space<hbm>>
    %dma_wait3A_192 = tpu.memref_squeeze %dma_wait3A_191 : memref<1x2x120xi32, #tpu.memory_space<hbm>> -> memref<2x120xi32, #tpu.memory_space<hbm>>
    tpu.wait_dma2 semaphore(%arg16 : memref<!tpu.dma_semaphore, #tpu.memory_space<semaphore_mem>>) src(%dma_wait3A_192 : memref<2x120xi32, #tpu.memory_space<hbm>>) dst(%arg6 : memref<2x120xi32, #tpu.memory_space<vmem>>)
    %dma_start3A_193 = arith.constant 0 : i32
    %dma_start3A_194 = arith.constant 0 : i32
    %dma_start3A_195 = tpu.memref_slice %arg6[%dma_start3A_193, %dma_start3A_194] : memref<2x120xi32, #tpu.memory_space<vmem>> -> memref<1x120xi32, #tpu.memory_space<vmem>>
    %dma_start3A_196 = tpu.memref_squeeze %dma_start3A_195 : memref<1x120xi32, #tpu.memory_space<vmem>> -> memref<120xi32, #tpu.memory_space<vmem>>
    %dma_start3A_197 = arith.constant 0 : i32
    %dma_start3A_198 = arith.constant 0 : i32
    %dma_start3A_199 = tpu.memref_slice %arg2[%dma_start3A_197, %dma_start3A_198] : memref<10368x128xf32, #tpu.memory_space<hbm>> -> memref<10368x128xf32, #tpu.memory_space<hbm>>
    tpu.enqueue_indirect_dma source(%dma_start3A_199 : memref<10368x128xf32, #tpu.memory_space<hbm>>) target(%arg12 : memref<120x128xf32, #tpu.memory_space<vmem>>) offsets(%dma_start3A_196 : memref<120xi32, #tpu.memory_space<vmem>>) semaphore(%arg22 : memref<!tpu.dma_semaphore, #tpu.memory_space<semaphore_mem>>)
    %dma_wait3A_200 = arith.constant 0 : i32
    %dma_wait3A_201 = arith.constant 0 : i32
    %dma_wait3A_202 = tpu.memref_slice %arg5[%dma_wait3A_200, %dma_wait3A_201] : memref<2x120xi32, #tpu.memory_space<vmem>> -> memref<1x120xi32, #tpu.memory_space<vmem>>
    %dma_wait3A_203 = tpu.memref_squeeze %dma_wait3A_202 : memref<1x120xi32, #tpu.memory_space<vmem>> -> memref<120xi32, #tpu.memory_space<vmem>>
    %dma_wait3A_204 = arith.constant 0 : i32
    %dma_wait3A_205 = arith.constant 0 : i32
    %dma_wait3A_206 = tpu.memref_slice %arg2[%dma_wait3A_204, %dma_wait3A_205] : memref<10368x128xf32, #tpu.memory_space<hbm>> -> memref<10368x128xf32, #tpu.memory_space<hbm>>
    tpu.wait_indirect_dma semaphore(%arg21 : memref<!tpu.dma_semaphore, #tpu.memory_space<semaphore_mem>>) src(%dma_wait3A_206 : memref<10368x128xf32, #tpu.memory_space<hbm>>) dst(%arg11 : memref<120x128xf32, #tpu.memory_space<vmem>>)
    %dma_start3A_207 = arith.constant 1 : i32
    %dma_start3A_208 = arith.constant 0 : i32
    %dma_start3A_209 = tpu.memref_slice %arg5[%dma_start3A_207, %dma_start3A_208] : memref<2x120xi32, #tpu.memory_space<vmem>> -> memref<1x120xi32, #tpu.memory_space<vmem>>
    %dma_start3A_210 = tpu.memref_squeeze %dma_start3A_209 : memref<1x120xi32, #tpu.memory_space<vmem>> -> memref<120xi32, #tpu.memory_space<vmem>>
    %dma_start3A_211 = arith.constant 0 : i32
    %dma_start3A_212 = arith.constant 0 : i32
    %dma_start3A_213 = tpu.memref_slice %arg14[%dma_start3A_211, %dma_start3A_212] : memref<10368x128xf32, #tpu.memory_space<vmem_shared>> -> memref<10368x128xf32, #tpu.memory_space<vmem_shared>>
    tpu.enqueue_indirect_dma source(%arg11 : memref<120x128xf32, #tpu.memory_space<vmem>>) target(%dma_start3A_213 : memref<10368x128xf32, #tpu.memory_space<vmem_shared>>) offsets(%dma_start3A_210 : memref<120xi32, #tpu.memory_space<vmem>>) semaphore(%arg24 : memref<!tpu.dma_semaphore, #tpu.memory_space<semaphore_mem>>) {add = true}
    %add3A_214 = arith.constant 1 : i32
    %add3A_215 = arith.addi %mul3A_2, %add3A_214 : i32
    %add3A_216 = arith.constant 4 : i32
    %add3A_217 = arith.addi %add3A_215, %add3A_216 : i32
    %dma_start3A_218 = arith.constant 0 : i32
    %dma_start3A_219 = arith.constant 0 : i32
    %dma_start3A_220 = tpu.memref_slice %arg3[%add3A_217, %dma_start3A_218, %dma_start3A_219] : memref<2688x2x120xi32, #tpu.memory_space<hbm>> -> memref<1x2x120xi32, #tpu.memory_space<hbm>>
    %dma_start3A_221 = tpu.memref_squeeze %dma_start3A_220 : memref<1x2x120xi32, #tpu.memory_space<hbm>> -> memref<2x120xi32, #tpu.memory_space<hbm>>
    %dma_start3A_222 = arith.constant 0 : i32
    %dma_start3A_223 = arith.constant 0 : i32
    %dma_start3A_224 = tpu.memref_slice %arg3[%add3A_217, %dma_start3A_222, %dma_start3A_223] : memref<2688x2x120xi32, #tpu.memory_space<hbm>> -> memref<1x2x120xi32, #tpu.memory_space<hbm>>
    %dma_start3A_225 = tpu.memref_squeeze %dma_start3A_224 : memref<1x2x120xi32, #tpu.memory_space<hbm>> -> memref<2x120xi32, #tpu.memory_space<hbm>>
    tpu.enqueue_dma source(%dma_start3A_225 : memref<2x120xi32, #tpu.memory_space<hbm>>) target(%arg10 : memref<2x120xi32, #tpu.memory_space<vmem>>) target_semaphore(%arg20 : memref<!tpu.dma_semaphore, #tpu.memory_space<semaphore_mem>>)
    %add3A_226 = arith.constant 1 : i32
    %add3A_227 = arith.addi %add3A_215, %add3A_226 : i32
    %dma_wait3A_228 = arith.constant 0 : i32
    %dma_wait3A_229 = arith.constant 0 : i32
    %dma_wait3A_230 = tpu.memref_slice %arg3[%add3A_227, %dma_wait3A_228, %dma_wait3A_229] : memref<2688x2x120xi32, #tpu.memory_space<hbm>> -> memref<1x2x120xi32, #tpu.memory_space<hbm>>
    %dma_wait3A_231 = tpu.memref_squeeze %dma_wait3A_230 : memref<1x2x120xi32, #tpu.memory_space<hbm>> -> memref<2x120xi32, #tpu.memory_space<hbm>>
    %dma_wait3A_232 = arith.constant 0 : i32
    %dma_wait3A_233 = arith.constant 0 : i32
    %dma_wait3A_234 = tpu.memref_slice %arg3[%add3A_227, %dma_wait3A_232, %dma_wait3A_233] : memref<2688x2x120xi32, #tpu.memory_space<hbm>> -> memref<1x2x120xi32, #tpu.memory_space<hbm>>
    %dma_wait3A_235 = tpu.memref_squeeze %dma_wait3A_234 : memref<1x2x120xi32, #tpu.memory_space<hbm>> -> memref<2x120xi32, #tpu.memory_space<hbm>>
    tpu.wait_dma2 semaphore(%arg17 : memref<!tpu.dma_semaphore, #tpu.memory_space<semaphore_mem>>) src(%dma_wait3A_235 : memref<2x120xi32, #tpu.memory_space<hbm>>) dst(%arg7 : memref<2x120xi32, #tpu.memory_space<vmem>>)
    %dma_start3A_236 = arith.constant 0 : i32
    %dma_start3A_237 = arith.constant 0 : i32
    %dma_start3A_238 = tpu.memref_slice %arg7[%dma_start3A_236, %dma_start3A_237] : memref<2x120xi32, #tpu.memory_space<vmem>> -> memref<1x120xi32, #tpu.memory_space<vmem>>
    %dma_start3A_239 = tpu.memref_squeeze %dma_start3A_238 : memref<1x120xi32, #tpu.memory_space<vmem>> -> memref<120xi32, #tpu.memory_space<vmem>>
    %dma_start3A_240 = arith.constant 0 : i32
    %dma_start3A_241 = arith.constant 0 : i32
    %dma_start3A_242 = tpu.memref_slice %arg2[%dma_start3A_240, %dma_start3A_241] : memref<10368x128xf32, #tpu.memory_space<hbm>> -> memref<10368x128xf32, #tpu.memory_space<hbm>>
    tpu.enqueue_indirect_dma source(%dma_start3A_242 : memref<10368x128xf32, #tpu.memory_space<hbm>>) target(%arg13 : memref<120x128xf32, #tpu.memory_space<vmem>>) offsets(%dma_start3A_239 : memref<120xi32, #tpu.memory_space<vmem>>) semaphore(%arg23 : memref<!tpu.dma_semaphore, #tpu.memory_space<semaphore_mem>>)
    %dma_wait3A_243 = arith.constant 0 : i32
    %dma_wait3A_244 = arith.constant 0 : i32
    %dma_wait3A_245 = tpu.memref_slice %arg6[%dma_wait3A_243, %dma_wait3A_244] : memref<2x120xi32, #tpu.memory_space<vmem>> -> memref<1x120xi32, #tpu.memory_space<vmem>>
    %dma_wait3A_246 = tpu.memref_squeeze %dma_wait3A_245 : memref<1x120xi32, #tpu.memory_space<vmem>> -> memref<120xi32, #tpu.memory_space<vmem>>
    %dma_wait3A_247 = arith.constant 0 : i32
    %dma_wait3A_248 = arith.constant 0 : i32
    %dma_wait3A_249 = tpu.memref_slice %arg2[%dma_wait3A_247, %dma_wait3A_248] : memref<10368x128xf32, #tpu.memory_space<hbm>> -> memref<10368x128xf32, #tpu.memory_space<hbm>>
    tpu.wait_indirect_dma semaphore(%arg22 : memref<!tpu.dma_semaphore, #tpu.memory_space<semaphore_mem>>) src(%dma_wait3A_249 : memref<10368x128xf32, #tpu.memory_space<hbm>>) dst(%arg12 : memref<120x128xf32, #tpu.memory_space<vmem>>)
    %dma_start3A_250 = arith.constant 1 : i32
    %dma_start3A_251 = arith.constant 0 : i32
    %dma_start3A_252 = tpu.memref_slice %arg6[%dma_start3A_250, %dma_start3A_251] : memref<2x120xi32, #tpu.memory_space<vmem>> -> memref<1x120xi32, #tpu.memory_space<vmem>>
    %dma_start3A_253 = tpu.memref_squeeze %dma_start3A_252 : memref<1x120xi32, #tpu.memory_space<vmem>> -> memref<120xi32, #tpu.memory_space<vmem>>
    %dma_start3A_254 = arith.constant 0 : i32
    %dma_start3A_255 = arith.constant 0 : i32
    %dma_start3A_256 = tpu.memref_slice %arg14[%dma_start3A_254, %dma_start3A_255] : memref<10368x128xf32, #tpu.memory_space<vmem_shared>> -> memref<10368x128xf32, #tpu.memory_space<vmem_shared>>
    tpu.enqueue_indirect_dma source(%arg12 : memref<120x128xf32, #tpu.memory_space<vmem>>) target(%dma_start3A_256 : memref<10368x128xf32, #tpu.memory_space<vmem_shared>>) offsets(%dma_start3A_253 : memref<120xi32, #tpu.memory_space<vmem>>) semaphore(%arg25 : memref<!tpu.dma_semaphore, #tpu.memory_space<semaphore_mem>>) {add = true}
    %add3A_257 = arith.constant 2 : i32
    %add3A_258 = arith.addi %mul3A_2, %add3A_257 : i32
    %dma_wait3A_259 = arith.constant 1 : i32
    %dma_wait3A_260 = arith.constant 0 : i32
    %dma_wait3A_261 = tpu.memref_slice %arg5[%dma_wait3A_259, %dma_wait3A_260] : memref<2x120xi32, #tpu.memory_space<vmem>> -> memref<1x120xi32, #tpu.memory_space<vmem>>
    %dma_wait3A_262 = tpu.memref_squeeze %dma_wait3A_261 : memref<1x120xi32, #tpu.memory_space<vmem>> -> memref<120xi32, #tpu.memory_space<vmem>>
    %dma_wait3A_263 = arith.constant 0 : i32
    %dma_wait3A_264 = arith.constant 0 : i32
    %dma_wait3A_265 = tpu.memref_slice %arg14[%dma_wait3A_263, %dma_wait3A_264] : memref<10368x128xf32, #tpu.memory_space<vmem_shared>> -> memref<10368x128xf32, #tpu.memory_space<vmem_shared>>
    tpu.wait_indirect_dma semaphore(%arg24 : memref<!tpu.dma_semaphore, #tpu.memory_space<semaphore_mem>>) src(%arg11 : memref<120x128xf32, #tpu.memory_space<vmem>>) dst(%dma_wait3A_265 : memref<10368x128xf32, #tpu.memory_space<vmem_shared>>)
    %add3A_266 = arith.constant 4 : i32
    %add3A_267 = arith.addi %add3A_258, %add3A_266 : i32
    %dma_start3A_268 = arith.constant 0 : i32
    %dma_start3A_269 = arith.constant 0 : i32
    %dma_start3A_270 = tpu.memref_slice %arg3[%add3A_267, %dma_start3A_268, %dma_start3A_269] : memref<2688x2x120xi32, #tpu.memory_space<hbm>> -> memref<1x2x120xi32, #tpu.memory_space<hbm>>
    %dma_start3A_271 = tpu.memref_squeeze %dma_start3A_270 : memref<1x2x120xi32, #tpu.memory_space<hbm>> -> memref<2x120xi32, #tpu.memory_space<hbm>>
    %dma_start3A_272 = arith.constant 0 : i32
    %dma_start3A_273 = arith.constant 0 : i32
    %dma_start3A_274 = tpu.memref_slice %arg3[%add3A_267, %dma_start3A_272, %dma_start3A_273] : memref<2688x2x120xi32, #tpu.memory_space<hbm>> -> memref<1x2x120xi32, #tpu.memory_space<hbm>>
    %dma_start3A_275 = tpu.memref_squeeze %dma_start3A_274 : memref<1x2x120xi32, #tpu.memory_space<hbm>> -> memref<2x120xi32, #tpu.memory_space<hbm>>
    tpu.enqueue_dma source(%dma_start3A_275 : memref<2x120xi32, #tpu.memory_space<hbm>>) target(%arg5 : memref<2x120xi32, #tpu.memory_space<vmem>>) target_semaphore(%arg15 : memref<!tpu.dma_semaphore, #tpu.memory_space<semaphore_mem>>)
    %add3A_276 = arith.constant 1 : i32
    %add3A_277 = arith.addi %add3A_258, %add3A_276 : i32
    %dma_wait3A_278 = arith.constant 0 : i32
    %dma_wait3A_279 = arith.constant 0 : i32
    %dma_wait3A_280 = tpu.memref_slice %arg3[%add3A_277, %dma_wait3A_278, %dma_wait3A_279] : memref<2688x2x120xi32, #tpu.memory_space<hbm>> -> memref<1x2x120xi32, #tpu.memory_space<hbm>>
    %dma_wait3A_281 = tpu.memref_squeeze %dma_wait3A_280 : memref<1x2x120xi32, #tpu.memory_space<hbm>> -> memref<2x120xi32, #tpu.memory_space<hbm>>
    %dma_wait3A_282 = arith.constant 0 : i32
    %dma_wait3A_283 = arith.constant 0 : i32
    %dma_wait3A_284 = tpu.memref_slice %arg3[%add3A_277, %dma_wait3A_282, %dma_wait3A_283] : memref<2688x2x120xi32, #tpu.memory_space<hbm>> -> memref<1x2x120xi32, #tpu.memory_space<hbm>>
    %dma_wait3A_285 = tpu.memref_squeeze %dma_wait3A_284 : memref<1x2x120xi32, #tpu.memory_space<hbm>> -> memref<2x120xi32, #tpu.memory_space<hbm>>
    tpu.wait_dma2 semaphore(%arg18 : memref<!tpu.dma_semaphore, #tpu.memory_space<semaphore_mem>>) src(%dma_wait3A_285 : memref<2x120xi32, #tpu.memory_space<hbm>>) dst(%arg8 : memref<2x120xi32, #tpu.memory_space<vmem>>)
    %dma_start3A_286 = arith.constant 0 : i32
    %dma_start3A_287 = arith.constant 0 : i32
    %dma_start3A_288 = tpu.memref_slice %arg8[%dma_start3A_286, %dma_start3A_287] : memref<2x120xi32, #tpu.memory_space<vmem>> -> memref<1x120xi32, #tpu.memory_space<vmem>>
    %dma_start3A_289 = tpu.memref_squeeze %dma_start3A_288 : memref<1x120xi32, #tpu.memory_space<vmem>> -> memref<120xi32, #tpu.memory_space<vmem>>
    %dma_start3A_290 = arith.constant 0 : i32
    %dma_start3A_291 = arith.constant 0 : i32
    %dma_start3A_292 = tpu.memref_slice %arg2[%dma_start3A_290, %dma_start3A_291] : memref<10368x128xf32, #tpu.memory_space<hbm>> -> memref<10368x128xf32, #tpu.memory_space<hbm>>
    tpu.enqueue_indirect_dma source(%dma_start3A_292 : memref<10368x128xf32, #tpu.memory_space<hbm>>) target(%arg11 : memref<120x128xf32, #tpu.memory_space<vmem>>) offsets(%dma_start3A_289 : memref<120xi32, #tpu.memory_space<vmem>>) semaphore(%arg21 : memref<!tpu.dma_semaphore, #tpu.memory_space<semaphore_mem>>)
    %dma_wait3A_293 = arith.constant 0 : i32
    %dma_wait3A_294 = arith.constant 0 : i32
    %dma_wait3A_295 = tpu.memref_slice %arg7[%dma_wait3A_293, %dma_wait3A_294] : memref<2x120xi32, #tpu.memory_space<vmem>> -> memref<1x120xi32, #tpu.memory_space<vmem>>
    %dma_wait3A_296 = tpu.memref_squeeze %dma_wait3A_295 : memref<1x120xi32, #tpu.memory_space<vmem>> -> memref<120xi32, #tpu.memory_space<vmem>>
    %dma_wait3A_297 = arith.constant 0 : i32
    %dma_wait3A_298 = arith.constant 0 : i32
    %dma_wait3A_299 = tpu.memref_slice %arg2[%dma_wait3A_297, %dma_wait3A_298] : memref<10368x128xf32, #tpu.memory_space<hbm>> -> memref<10368x128xf32, #tpu.memory_space<hbm>>
    tpu.wait_indirect_dma semaphore(%arg23 : memref<!tpu.dma_semaphore, #tpu.memory_space<semaphore_mem>>) src(%dma_wait3A_299 : memref<10368x128xf32, #tpu.memory_space<hbm>>) dst(%arg13 : memref<120x128xf32, #tpu.memory_space<vmem>>)
    %dma_start3A_300 = arith.constant 1 : i32
    %dma_start3A_301 = arith.constant 0 : i32
    %dma_start3A_302 = tpu.memref_slice %arg7[%dma_start3A_300, %dma_start3A_301] : memref<2x120xi32, #tpu.memory_space<vmem>> -> memref<1x120xi32, #tpu.memory_space<vmem>>
    %dma_start3A_303 = tpu.memref_squeeze %dma_start3A_302 : memref<1x120xi32, #tpu.memory_space<vmem>> -> memref<120xi32, #tpu.memory_space<vmem>>
    %dma_start3A_304 = arith.constant 0 : i32
    %dma_start3A_305 = arith.constant 0 : i32
    %dma_start3A_306 = tpu.memref_slice %arg14[%dma_start3A_304, %dma_start3A_305] : memref<10368x128xf32, #tpu.memory_space<vmem_shared>> -> memref<10368x128xf32, #tpu.memory_space<vmem_shared>>
    tpu.enqueue_indirect_dma source(%arg13 : memref<120x128xf32, #tpu.memory_space<vmem>>) target(%dma_start3A_306 : memref<10368x128xf32, #tpu.memory_space<vmem_shared>>) offsets(%dma_start3A_303 : memref<120xi32, #tpu.memory_space<vmem>>) semaphore(%arg26 : memref<!tpu.dma_semaphore, #tpu.memory_space<semaphore_mem>>) {add = true}
    %add3A_307 = arith.constant 3 : i32
    %add3A_308 = arith.addi %mul3A_2, %add3A_307 : i32
    %dma_wait3A_309 = arith.constant 1 : i32
    %dma_wait3A_310 = arith.constant 0 : i32
    %dma_wait3A_311 = tpu.memref_slice %arg6[%dma_wait3A_309, %dma_wait3A_310] : memref<2x120xi32, #tpu.memory_space<vmem>> -> memref<1x120xi32, #tpu.memory_space<vmem>>
    %dma_wait3A_312 = tpu.memref_squeeze %dma_wait3A_311 : memref<1x120xi32, #tpu.memory_space<vmem>> -> memref<120xi32, #tpu.memory_space<vmem>>
    %dma_wait3A_313 = arith.constant 0 : i32
    %dma_wait3A_314 = arith.constant 0 : i32
    %dma_wait3A_315 = tpu.memref_slice %arg14[%dma_wait3A_313, %dma_wait3A_314] : memref<10368x128xf32, #tpu.memory_space<vmem_shared>> -> memref<10368x128xf32, #tpu.memory_space<vmem_shared>>
    tpu.wait_indirect_dma semaphore(%arg25 : memref<!tpu.dma_semaphore, #tpu.memory_space<semaphore_mem>>) src(%arg12 : memref<120x128xf32, #tpu.memory_space<vmem>>) dst(%dma_wait3A_315 : memref<10368x128xf32, #tpu.memory_space<vmem_shared>>)
    %add3A_316 = arith.constant 4 : i32
    %add3A_317 = arith.addi %add3A_308, %add3A_316 : i32
    %dma_start3A_318 = arith.constant 0 : i32
    %dma_start3A_319 = arith.constant 0 : i32
    %dma_start3A_320 = tpu.memref_slice %arg3[%add3A_317, %dma_start3A_318, %dma_start3A_319] : memref<2688x2x120xi32, #tpu.memory_space<hbm>> -> memref<1x2x120xi32, #tpu.memory_space<hbm>>
    %dma_start3A_321 = tpu.memref_squeeze %dma_start3A_320 : memref<1x2x120xi32, #tpu.memory_space<hbm>> -> memref<2x120xi32, #tpu.memory_space<hbm>>
    %dma_start3A_322 = arith.constant 0 : i32
    %dma_start3A_323 = arith.constant 0 : i32
    %dma_start3A_324 = tpu.memref_slice %arg3[%add3A_317, %dma_start3A_322, %dma_start3A_323] : memref<2688x2x120xi32, #tpu.memory_space<hbm>> -> memref<1x2x120xi32, #tpu.memory_space<hbm>>
    %dma_start3A_325 = tpu.memref_squeeze %dma_start3A_324 : memref<1x2x120xi32, #tpu.memory_space<hbm>> -> memref<2x120xi32, #tpu.memory_space<hbm>>
    tpu.enqueue_dma source(%dma_start3A_325 : memref<2x120xi32, #tpu.memory_space<hbm>>) target(%arg6 : memref<2x120xi32, #tpu.memory_space<vmem>>) target_semaphore(%arg16 : memref<!tpu.dma_semaphore, #tpu.memory_space<semaphore_mem>>)
    %add3A_326 = arith.constant 1 : i32
    %add3A_327 = arith.addi %add3A_308, %add3A_326 : i32
    %dma_wait3A_328 = arith.constant 0 : i32
    %dma_wait3A_329 = arith.constant 0 : i32
    %dma_wait3A_330 = tpu.memref_slice %arg3[%add3A_327, %dma_wait3A_328, %dma_wait3A_329] : memref<2688x2x120xi32, #tpu.memory_space<hbm>> -> memref<1x2x120xi32, #tpu.memory_space<hbm>>
    %dma_wait3A_331 = tpu.memref_squeeze %dma_wait3A_330 : memref<1x2x120xi32, #tpu.memory_space<hbm>> -> memref<2x120xi32, #tpu.memory_space<hbm>>
    %dma_wait3A_332 = arith.constant 0 : i32
    %dma_wait3A_333 = arith.constant 0 : i32
    %dma_wait3A_334 = tpu.memref_slice %arg3[%add3A_327, %dma_wait3A_332, %dma_wait3A_333] : memref<2688x2x120xi32, #tpu.memory_space<hbm>> -> memref<1x2x120xi32, #tpu.memory_space<hbm>>
    %dma_wait3A_335 = tpu.memref_squeeze %dma_wait3A_334 : memref<1x2x120xi32, #tpu.memory_space<hbm>> -> memref<2x120xi32, #tpu.memory_space<hbm>>
    tpu.wait_dma2 semaphore(%arg19 : memref<!tpu.dma_semaphore, #tpu.memory_space<semaphore_mem>>) src(%dma_wait3A_335 : memref<2x120xi32, #tpu.memory_space<hbm>>) dst(%arg9 : memref<2x120xi32, #tpu.memory_space<vmem>>)
    %dma_start3A_336 = arith.constant 0 : i32
    %dma_start3A_337 = arith.constant 0 : i32
    %dma_start3A_338 = tpu.memref_slice %arg9[%dma_start3A_336, %dma_start3A_337] : memref<2x120xi32, #tpu.memory_space<vmem>> -> memref<1x120xi32, #tpu.memory_space<vmem>>
    %dma_start3A_339 = tpu.memref_squeeze %dma_start3A_338 : memref<1x120xi32, #tpu.memory_space<vmem>> -> memref<120xi32, #tpu.memory_space<vmem>>
    %dma_start3A_340 = arith.constant 0 : i32
    %dma_start3A_341 = arith.constant 0 : i32
    %dma_start3A_342 = tpu.memref_slice %arg2[%dma_start3A_340, %dma_start3A_341] : memref<10368x128xf32, #tpu.memory_space<hbm>> -> memref<10368x128xf32, #tpu.memory_space<hbm>>
    tpu.enqueue_indirect_dma source(%dma_start3A_342 : memref<10368x128xf32, #tpu.memory_space<hbm>>) target(%arg12 : memref<120x128xf32, #tpu.memory_space<vmem>>) offsets(%dma_start3A_339 : memref<120xi32, #tpu.memory_space<vmem>>) semaphore(%arg22 : memref<!tpu.dma_semaphore, #tpu.memory_space<semaphore_mem>>)
    %dma_wait3A_343 = arith.constant 0 : i32
    %dma_wait3A_344 = arith.constant 0 : i32
    %dma_wait3A_345 = tpu.memref_slice %arg8[%dma_wait3A_343, %dma_wait3A_344] : memref<2x120xi32, #tpu.memory_space<vmem>> -> memref<1x120xi32, #tpu.memory_space<vmem>>
    %dma_wait3A_346 = tpu.memref_squeeze %dma_wait3A_345 : memref<1x120xi32, #tpu.memory_space<vmem>> -> memref<120xi32, #tpu.memory_space<vmem>>
    %dma_wait3A_347 = arith.constant 0 : i32
    %dma_wait3A_348 = arith.constant 0 : i32
    %dma_wait3A_349 = tpu.memref_slice %arg2[%dma_wait3A_347, %dma_wait3A_348] : memref<10368x128xf32, #tpu.memory_space<hbm>> -> memref<10368x128xf32, #tpu.memory_space<hbm>>
    tpu.wait_indirect_dma semaphore(%arg21 : memref<!tpu.dma_semaphore, #tpu.memory_space<semaphore_mem>>) src(%dma_wait3A_349 : memref<10368x128xf32, #tpu.memory_space<hbm>>) dst(%arg11 : memref<120x128xf32, #tpu.memory_space<vmem>>)
    %dma_start3A_350 = arith.constant 1 : i32
    %dma_start3A_351 = arith.constant 0 : i32
    %dma_start3A_352 = tpu.memref_slice %arg8[%dma_start3A_350, %dma_start3A_351] : memref<2x120xi32, #tpu.memory_space<vmem>> -> memref<1x120xi32, #tpu.memory_space<vmem>>
    %dma_start3A_353 = tpu.memref_squeeze %dma_start3A_352 : memref<1x120xi32, #tpu.memory_space<vmem>> -> memref<120xi32, #tpu.memory_space<vmem>>
    %dma_start3A_354 = arith.constant 0 : i32
    %dma_start3A_355 = arith.constant 0 : i32
    %dma_start3A_356 = tpu.memref_slice %arg14[%dma_start3A_354, %dma_start3A_355] : memref<10368x128xf32, #tpu.memory_space<vmem_shared>> -> memref<10368x128xf32, #tpu.memory_space<vmem_shared>>
    tpu.enqueue_indirect_dma source(%arg11 : memref<120x128xf32, #tpu.memory_space<vmem>>) target(%dma_start3A_356 : memref<10368x128xf32, #tpu.memory_space<vmem_shared>>) offsets(%dma_start3A_353 : memref<120xi32, #tpu.memory_space<vmem>>) semaphore(%arg24 : memref<!tpu.dma_semaphore, #tpu.memory_space<semaphore_mem>>) {add = true}
    %add3A_357 = arith.constant 4 : i32
    %add3A_358 = arith.addi %mul3A_2, %add3A_357 : i32
    %dma_wait3A_359 = arith.constant 1 : i32
    %dma_wait3A_360 = arith.constant 0 : i32
    %dma_wait3A_361 = tpu.memref_slice %arg7[%dma_wait3A_359, %dma_wait3A_360] : memref<2x120xi32, #tpu.memory_space<vmem>> -> memref<1x120xi32, #tpu.memory_space<vmem>>
    %dma_wait3A_362 = tpu.memref_squeeze %dma_wait3A_361 : memref<1x120xi32, #tpu.memory_space<vmem>> -> memref<120xi32, #tpu.memory_space<vmem>>
    %dma_wait3A_363 = arith.constant 0 : i32
    %dma_wait3A_364 = arith.constant 0 : i32
    %dma_wait3A_365 = tpu.memref_slice %arg14[%dma_wait3A_363, %dma_wait3A_364] : memref<10368x128xf32, #tpu.memory_space<vmem_shared>> -> memref<10368x128xf32, #tpu.memory_space<vmem_shared>>
    tpu.wait_indirect_dma semaphore(%arg26 : memref<!tpu.dma_semaphore, #tpu.memory_space<semaphore_mem>>) src(%arg13 : memref<120x128xf32, #tpu.memory_space<vmem>>) dst(%dma_wait3A_365 : memref<10368x128xf32, #tpu.memory_space<vmem_shared>>)
    %add3A_366 = arith.constant 4 : i32
    %add3A_367 = arith.addi %add3A_358, %add3A_366 : i32
    %dma_start3A_368 = arith.constant 0 : i32
    %dma_start3A_369 = arith.constant 0 : i32
    %dma_start3A_370 = tpu.memref_slice %arg3[%add3A_367, %dma_start3A_368, %dma_start3A_369] : memref<2688x2x120xi32, #tpu.memory_space<hbm>> -> memref<1x2x120xi32, #tpu.memory_space<hbm>>
    %dma_start3A_371 = tpu.memref_squeeze %dma_start3A_370 : memref<1x2x120xi32, #tpu.memory_space<hbm>> -> memref<2x120xi32, #tpu.memory_space<hbm>>
    %dma_start3A_372 = arith.constant 0 : i32
    %dma_start3A_373 = arith.constant 0 : i32
    %dma_start3A_374 = tpu.memref_slice %arg3[%add3A_367, %dma_start3A_372, %dma_start3A_373] : memref<2688x2x120xi32, #tpu.memory_space<hbm>> -> memref<1x2x120xi32, #tpu.memory_space<hbm>>
    %dma_start3A_375 = tpu.memref_squeeze %dma_start3A_374 : memref<1x2x120xi32, #tpu.memory_space<hbm>> -> memref<2x120xi32, #tpu.memory_space<hbm>>
    tpu.enqueue_dma source(%dma_start3A_375 : memref<2x120xi32, #tpu.memory_space<hbm>>) target(%arg7 : memref<2x120xi32, #tpu.memory_space<vmem>>) target_semaphore(%arg17 : memref<!tpu.dma_semaphore, #tpu.memory_space<semaphore_mem>>)
    %add3A_376 = arith.constant 1 : i32
    %add3A_377 = arith.addi %add3A_358, %add3A_376 : i32
    %dma_wait3A_378 = arith.constant 0 : i32
    %dma_wait3A_379 = arith.constant 0 : i32
    %dma_wait3A_380 = tpu.memref_slice %arg3[%add3A_377, %dma_wait3A_378, %dma_wait3A_379] : memref<2688x2x120xi32, #tpu.memory_space<hbm>> -> memref<1x2x120xi32, #tpu.memory_space<hbm>>
    %dma_wait3A_381 = tpu.memref_squeeze %dma_wait3A_380 : memref<1x2x120xi32, #tpu.memory_space<hbm>> -> memref<2x120xi32, #tpu.memory_space<hbm>>
    %dma_wait3A_382 = arith.constant 0 : i32
    %dma_wait3A_383 = arith.constant 0 : i32
    %dma_wait3A_384 = tpu.memref_slice %arg3[%add3A_377, %dma_wait3A_382, %dma_wait3A_383] : memref<2688x2x120xi32, #tpu.memory_space<hbm>> -> memref<1x2x120xi32, #tpu.memory_space<hbm>>
    %dma_wait3A_385 = tpu.memref_squeeze %dma_wait3A_384 : memref<1x2x120xi32, #tpu.memory_space<hbm>> -> memref<2x120xi32, #tpu.memory_space<hbm>>
    tpu.wait_dma2 semaphore(%arg20 : memref<!tpu.dma_semaphore, #tpu.memory_space<semaphore_mem>>) src(%dma_wait3A_385 : memref<2x120xi32, #tpu.memory_space<hbm>>) dst(%arg10 : memref<2x120xi32, #tpu.memory_space<vmem>>)
    %dma_start3A_386 = arith.constant 0 : i32
    %dma_start3A_387 = arith.constant 0 : i32
    %dma_start3A_388 = tpu.memref_slice %arg10[%dma_start3A_386, %dma_start3A_387] : memref<2x120xi32, #tpu.memory_space<vmem>> -> memref<1x120xi32, #tpu.memory_space<vmem>>
    %dma_start3A_389 = tpu.memref_squeeze %dma_start3A_388 : memref<1x120xi32, #tpu.memory_space<vmem>> -> memref<120xi32, #tpu.memory_space<vmem>>
    %dma_start3A_390 = arith.constant 0 : i32
    %dma_start3A_391 = arith.constant 0 : i32
    %dma_start3A_392 = tpu.memref_slice %arg2[%dma_start3A_390, %dma_start3A_391] : memref<10368x128xf32, #tpu.memory_space<hbm>> -> memref<10368x128xf32, #tpu.memory_space<hbm>>
    tpu.enqueue_indirect_dma source(%dma_start3A_392 : memref<10368x128xf32, #tpu.memory_space<hbm>>) target(%arg13 : memref<120x128xf32, #tpu.memory_space<vmem>>) offsets(%dma_start3A_389 : memref<120xi32, #tpu.memory_space<vmem>>) semaphore(%arg23 : memref<!tpu.dma_semaphore, #tpu.memory_space<semaphore_mem>>)
    %dma_wait3A_393 = arith.constant 0 : i32
    %dma_wait3A_394 = arith.constant 0 : i32
    %dma_wait3A_395 = tpu.memref_slice %arg9[%dma_wait3A_393, %dma_wait3A_394] : memref<2x120xi32, #tpu.memory_space<vmem>> -> memref<1x120xi32, #tpu.memory_space<vmem>>
    %dma_wait3A_396 = tpu.memref_squeeze %dma_wait3A_395 : memref<1x120xi32, #tpu.memory_space<vmem>> -> memref<120xi32, #tpu.memory_space<vmem>>
    %dma_wait3A_397 = arith.constant 0 : i32
    %dma_wait3A_398 = arith.constant 0 : i32
    %dma_wait3A_399 = tpu.memref_slice %arg2[%dma_wait3A_397, %dma_wait3A_398] : memref<10368x128xf32, #tpu.memory_space<hbm>> -> memref<10368x128xf32, #tpu.memory_space<hbm>>
    tpu.wait_indirect_dma semaphore(%arg22 : memref<!tpu.dma_semaphore, #tpu.memory_space<semaphore_mem>>) src(%dma_wait3A_399 : memref<10368x128xf32, #tpu.memory_space<hbm>>) dst(%arg12 : memref<120x128xf32, #tpu.memory_space<vmem>>)
    %dma_start3A_400 = arith.constant 1 : i32
    %dma_start3A_401 = arith.constant 0 : i32
    %dma_start3A_402 = tpu.memref_slice %arg9[%dma_start3A_400, %dma_start3A_401] : memref<2x120xi32, #tpu.memory_space<vmem>> -> memref<1x120xi32, #tpu.memory_space<vmem>>
    %dma_start3A_403 = tpu.memref_squeeze %dma_start3A_402 : memref<1x120xi32, #tpu.memory_space<vmem>> -> memref<120xi32, #tpu.memory_space<vmem>>
    %dma_start3A_404 = arith.constant 0 : i32
    %dma_start3A_405 = arith.constant 0 : i32
    %dma_start3A_406 = tpu.memref_slice %arg14[%dma_start3A_404, %dma_start3A_405] : memref<10368x128xf32, #tpu.memory_space<vmem_shared>> -> memref<10368x128xf32, #tpu.memory_space<vmem_shared>>
    tpu.enqueue_indirect_dma source(%arg12 : memref<120x128xf32, #tpu.memory_space<vmem>>) target(%dma_start3A_406 : memref<10368x128xf32, #tpu.memory_space<vmem_shared>>) offsets(%dma_start3A_403 : memref<120xi32, #tpu.memory_space<vmem>>) semaphore(%arg25 : memref<!tpu.dma_semaphore, #tpu.memory_space<semaphore_mem>>) {add = true}
    %add3A_407 = arith.constant 5 : i32
    %add3A_408 = arith.addi %mul3A_2, %add3A_407 : i32
    %dma_wait3A_409 = arith.constant 1 : i32
    %dma_wait3A_410 = arith.constant 0 : i32
    %dma_wait3A_411 = tpu.memref_slice %arg8[%dma_wait3A_409, %dma_wait3A_410] : memref<2x120xi32, #tpu.memory_space<vmem>> -> memref<1x120xi32, #tpu.memory_space<vmem>>
    %dma_wait3A_412 = tpu.memref_squeeze %dma_wait3A_411 : memref<1x120xi32, #tpu.memory_space<vmem>> -> memref<120xi32, #tpu.memory_space<vmem>>
    %dma_wait3A_413 = arith.constant 0 : i32
    %dma_wait3A_414 = arith.constant 0 : i32
    %dma_wait3A_415 = tpu.memref_slice %arg14[%dma_wait3A_413, %dma_wait3A_414] : memref<10368x128xf32, #tpu.memory_space<vmem_shared>> -> memref<10368x128xf32, #tpu.memory_space<vmem_shared>>
    tpu.wait_indirect_dma semaphore(%arg24 : memref<!tpu.dma_semaphore, #tpu.memory_space<semaphore_mem>>) src(%arg11 : memref<120x128xf32, #tpu.memory_space<vmem>>) dst(%dma_wait3A_415 : memref<10368x128xf32, #tpu.memory_space<vmem_shared>>)
    %add3A_416 = arith.constant 4 : i32
    %add3A_417 = arith.addi %add3A_408, %add3A_416 : i32
    %dma_start3A_418 = arith.constant 0 : i32
    %dma_start3A_419 = arith.constant 0 : i32
    %dma_start3A_420 = tpu.memref_slice %arg3[%add3A_417, %dma_start3A_418, %dma_start3A_419] : memref<2688x2x120xi32, #tpu.memory_space<hbm>> -> memref<1x2x120xi32, #tpu.memory_space<hbm>>
    %dma_start3A_421 = tpu.memref_squeeze %dma_start3A_420 : memref<1x2x120xi32, #tpu.memory_space<hbm>> -> memref<2x120xi32, #tpu.memory_space<hbm>>
    %dma_start3A_422 = arith.constant 0 : i32
    %dma_start3A_423 = arith.constant 0 : i32
    %dma_start3A_424 = tpu.memref_slice %arg3[%add3A_417, %dma_start3A_422, %dma_start3A_423] : memref<2688x2x120xi32, #tpu.memory_space<hbm>> -> memref<1x2x120xi32, #tpu.memory_space<hbm>>
    %dma_start3A_425 = tpu.memref_squeeze %dma_start3A_424 : memref<1x2x120xi32, #tpu.memory_space<hbm>> -> memref<2x120xi32, #tpu.memory_space<hbm>>
    tpu.enqueue_dma source(%dma_start3A_425 : memref<2x120xi32, #tpu.memory_space<hbm>>) target(%arg8 : memref<2x120xi32, #tpu.memory_space<vmem>>) target_semaphore(%arg18 : memref<!tpu.dma_semaphore, #tpu.memory_space<semaphore_mem>>)
    %add3A_426 = arith.constant 1 : i32
    %add3A_427 = arith.addi %add3A_408, %add3A_426 : i32
    %dma_wait3A_428 = arith.constant 0 : i32
    %dma_wait3A_429 = arith.constant 0 : i32
    %dma_wait3A_430 = tpu.memref_slice %arg3[%add3A_427, %dma_wait3A_428, %dma_wait3A_429] : memref<2688x2x120xi32, #tpu.memory_space<hbm>> -> memref<1x2x120xi32, #tpu.memory_space<hbm>>
    %dma_wait3A_431 = tpu.memref_squeeze %dma_wait3A_430 : memref<1x2x120xi32, #tpu.memory_space<hbm>> -> memref<2x120xi32, #tpu.memory_space<hbm>>
    %dma_wait3A_432 = arith.constant 0 : i32
    %dma_wait3A_433 = arith.constant 0 : i32
    %dma_wait3A_434 = tpu.memref_slice %arg3[%add3A_427, %dma_wait3A_432, %dma_wait3A_433] : memref<2688x2x120xi32, #tpu.memory_space<hbm>> -> memref<1x2x120xi32, #tpu.memory_space<hbm>>
    %dma_wait3A_435 = tpu.memref_squeeze %dma_wait3A_434 : memref<1x2x120xi32, #tpu.memory_space<hbm>> -> memref<2x120xi32, #tpu.memory_space<hbm>>
    tpu.wait_dma2 semaphore(%arg15 : memref<!tpu.dma_semaphore, #tpu.memory_space<semaphore_mem>>) src(%dma_wait3A_435 : memref<2x120xi32, #tpu.memory_space<hbm>>) dst(%arg5 : memref<2x120xi32, #tpu.memory_space<vmem>>)
    %dma_start3A_436 = arith.constant 0 : i32
    %dma_start3A_437 = arith.constant 0 : i32
    %dma_start3A_438 = tpu.memref_slice %arg5[%dma_start3A_436, %dma_start3A_437] : memref<2x120xi32, #tpu.memory_space<vmem>> -> memref<1x120xi32, #tpu.memory_space<vmem>>
    %dma_start3A_439 = tpu.memref_squeeze %dma_start3A_438 : memref<1x120xi32, #tpu.memory_space<vmem>> -> memref<120xi32, #tpu.memory_space<vmem>>
    %dma_start3A_440 = arith.constant 0 : i32
    %dma_start3A_441 = arith.constant 0 : i32
    %dma_start3A_442 = tpu.memref_slice %arg2[%dma_start3A_440, %dma_start3A_441] : memref<10368x128xf32, #tpu.memory_space<hbm>> -> memref<10368x128xf32, #tpu.memory_space<hbm>>
    tpu.enqueue_indirect_dma source(%dma_start3A_442 : memref<10368x128xf32, #tpu.memory_space<hbm>>) target(%arg11 : memref<120x128xf32, #tpu.memory_space<vmem>>) offsets(%dma_start3A_439 : memref<120xi32, #tpu.memory_space<vmem>>) semaphore(%arg21 : memref<!tpu.dma_semaphore, #tpu.memory_space<semaphore_mem>>)
    %dma_wait3A_443 = arith.constant 0 : i32
    %dma_wait3A_444 = arith.constant 0 : i32
    %dma_wait3A_445 = tpu.memref_slice %arg10[%dma_wait3A_443, %dma_wait3A_444] : memref<2x120xi32, #tpu.memory_space<vmem>> -> memref<1x120xi32, #tpu.memory_space<vmem>>
    %dma_wait3A_446 = tpu.memref_squeeze %dma_wait3A_445 : memref<1x120xi32, #tpu.memory_space<vmem>> -> memref<120xi32, #tpu.memory_space<vmem>>
    %dma_wait3A_447 = arith.constant 0 : i32
    %dma_wait3A_448 = arith.constant 0 : i32
    %dma_wait3A_449 = tpu.memref_slice %arg2[%dma_wait3A_447, %dma_wait3A_448] : memref<10368x128xf32, #tpu.memory_space<hbm>> -> memref<10368x128xf32, #tpu.memory_space<hbm>>
    tpu.wait_indirect_dma semaphore(%arg23 : memref<!tpu.dma_semaphore, #tpu.memory_space<semaphore_mem>>) src(%dma_wait3A_449 : memref<10368x128xf32, #tpu.memory_space<hbm>>) dst(%arg13 : memref<120x128xf32, #tpu.memory_space<vmem>>)
    %dma_start3A_450 = arith.constant 1 : i32
    %dma_start3A_451 = arith.constant 0 : i32
    %dma_start3A_452 = tpu.memref_slice %arg10[%dma_start3A_450, %dma_start3A_451] : memref<2x120xi32, #tpu.memory_space<vmem>> -> memref<1x120xi32, #tpu.memory_space<vmem>>
    %dma_start3A_453 = tpu.memref_squeeze %dma_start3A_452 : memref<1x120xi32, #tpu.memory_space<vmem>> -> memref<120xi32, #tpu.memory_space<vmem>>
    %dma_start3A_454 = arith.constant 0 : i32
    %dma_start3A_455 = arith.constant 0 : i32
    %dma_start3A_456 = tpu.memref_slice %arg14[%dma_start3A_454, %dma_start3A_455] : memref<10368x128xf32, #tpu.memory_space<vmem_shared>> -> memref<10368x128xf32, #tpu.memory_space<vmem_shared>>
    tpu.enqueue_indirect_dma source(%arg13 : memref<120x128xf32, #tpu.memory_space<vmem>>) target(%dma_start3A_456 : memref<10368x128xf32, #tpu.memory_space<vmem_shared>>) offsets(%dma_start3A_453 : memref<120xi32, #tpu.memory_space<vmem>>) semaphore(%arg26 : memref<!tpu.dma_semaphore, #tpu.memory_space<semaphore_mem>>) {add = true}
    %scan3A_457 = arith.constant 0 : i32
    %scan3A_458 = arith.constant 1 : i32
    %scan3A_459 = arith.constant 12 : i32
    %scan3A_460 = arith.addi %scan3A_458, %scan3A_459 : i32
    %scan3A_461 = arith.constant 1 : i32
    scf.for %scan3A_730 = %scan3A_458 to %scan3A_460 step %scan3A_461  : i32 {
      %mul3A_731 = arith.constant 6 : i32
      %mul3A_732 = arith.muli %scan3A_730, %mul3A_731 : i32
      %add3A_733 = arith.addi %mul3A_2, %mul3A_732 : i32
      %add3A_734 = arith.constant 0 : i32
      %add3A_735 = arith.addi %add3A_733, %add3A_734 : i32
      %dma_wait3A_736 = arith.constant 1 : i32
      %dma_wait3A_737 = arith.constant 0 : i32
      %dma_wait3A_738 = tpu.memref_slice %arg9[%dma_wait3A_736, %dma_wait3A_737] : memref<2x120xi32, #tpu.memory_space<vmem>> -> memref<1x120xi32, #tpu.memory_space<vmem>>
      %dma_wait3A_739 = tpu.memref_squeeze %dma_wait3A_738 : memref<1x120xi32, #tpu.memory_space<vmem>> -> memref<120xi32, #tpu.memory_space<vmem>>
      %dma_wait3A_740 = arith.constant 0 : i32
      %dma_wait3A_741 = arith.constant 0 : i32
      %dma_wait3A_742 = tpu.memref_slice %arg14[%dma_wait3A_740, %dma_wait3A_741] : memref<10368x128xf32, #tpu.memory_space<vmem_shared>> -> memref<10368x128xf32, #tpu.memory_space<vmem_shared>>
      tpu.wait_indirect_dma semaphore(%arg25 : memref<!tpu.dma_semaphore, #tpu.memory_space<semaphore_mem>>) src(%arg12 : memref<120x128xf32, #tpu.memory_space<vmem>>) dst(%dma_wait3A_742 : memref<10368x128xf32, #tpu.memory_space<vmem_shared>>)
      %add3A_743 = arith.constant 4 : i32
      %add3A_744 = arith.addi %add3A_735, %add3A_743 : i32
      %dma_start3A_745 = arith.constant 0 : i32
      %dma_start3A_746 = arith.constant 0 : i32
      %dma_start3A_747 = tpu.memref_slice %arg3[%add3A_744, %dma_start3A_745, %dma_start3A_746] : memref<2688x2x120xi32, #tpu.memory_space<hbm>> -> memref<1x2x120xi32, #tpu.memory_space<hbm>>
      %dma_start3A_748 = tpu.memref_squeeze %dma_start3A_747 : memref<1x2x120xi32, #tpu.memory_space<hbm>> -> memref<2x120xi32, #tpu.memory_space<hbm>>
      %dma_start3A_749 = arith.constant 0 : i32
      %dma_start3A_750 = arith.constant 0 : i32
      %dma_start3A_751 = tpu.memref_slice %arg3[%add3A_744, %dma_start3A_749, %dma_start3A_750] : memref<2688x2x120xi32, #tpu.memory_space<hbm>> -> memref<1x2x120xi32, #tpu.memory_space<hbm>>
      %dma_start3A_752 = tpu.memref_squeeze %dma_start3A_751 : memref<1x2x120xi32, #tpu.memory_space<hbm>> -> memref<2x120xi32, #tpu.memory_space<hbm>>
      tpu.enqueue_dma source(%dma_start3A_752 : memref<2x120xi32, #tpu.memory_space<hbm>>) target(%arg9 : memref<2x120xi32, #tpu.memory_space<vmem>>) target_semaphore(%arg19 : memref<!tpu.dma_semaphore, #tpu.memory_space<semaphore_mem>>)
      %add3A_753 = arith.constant 1 : i32
      %add3A_754 = arith.addi %add3A_735, %add3A_753 : i32
      %dma_wait3A_755 = arith.constant 0 : i32
      %dma_wait3A_756 = arith.constant 0 : i32
      %dma_wait3A_757 = tpu.memref_slice %arg3[%add3A_754, %dma_wait3A_755, %dma_wait3A_756] : memref<2688x2x120xi32, #tpu.memory_space<hbm>> -> memref<1x2x120xi32, #tpu.memory_space<hbm>>
      %dma_wait3A_758 = tpu.memref_squeeze %dma_wait3A_757 : memref<1x2x120xi32, #tpu.memory_space<hbm>> -> memref<2x120xi32, #tpu.memory_space<hbm>>
      %dma_wait3A_759 = arith.constant 0 : i32
      %dma_wait3A_760 = arith.constant 0 : i32
      %dma_wait3A_761 = tpu.memref_slice %arg3[%add3A_754, %dma_wait3A_759, %dma_wait3A_760] : memref<2688x2x120xi32, #tpu.memory_space<hbm>> -> memref<1x2x120xi32, #tpu.memory_space<hbm>>
      %dma_wait3A_762 = tpu.memref_squeeze %dma_wait3A_761 : memref<1x2x120xi32, #tpu.memory_space<hbm>> -> memref<2x120xi32, #tpu.memory_space<hbm>>
      tpu.wait_dma2 semaphore(%arg16 : memref<!tpu.dma_semaphore, #tpu.memory_space<semaphore_mem>>) src(%dma_wait3A_762 : memref<2x120xi32, #tpu.memory_space<hbm>>) dst(%arg6 : memref<2x120xi32, #tpu.memory_space<vmem>>)
      %dma_start3A_763 = arith.constant 0 : i32
      %dma_start3A_764 = arith.constant 0 : i32
      %dma_start3A_765 = tpu.memref_slice %arg6[%dma_start3A_763, %dma_start3A_764] : memref<2x120xi32, #tpu.memory_space<vmem>> -> memref<1x120xi32, #tpu.memory_space<vmem>>
      %dma_start3A_766 = tpu.memref_squeeze %dma_start3A_765 : memref<1x120xi32, #tpu.memory_space<vmem>> -> memref<120xi32, #tpu.memory_space<vmem>>
      %dma_start3A_767 = arith.constant 0 : i32
      %dma_start3A_768 = arith.constant 0 : i32
      %dma_start3A_769 = tpu.memref_slice %arg2[%dma_start3A_767, %dma_start3A_768] : memref<10368x128xf32, #tpu.memory_space<hbm>> -> memref<10368x128xf32, #tpu.memory_space<hbm>>
      tpu.enqueue_indirect_dma source(%dma_start3A_769 : memref<10368x128xf32, #tpu.memory_space<hbm>>) target(%arg12 : memref<120x128xf32, #tpu.memory_space<vmem>>) offsets(%dma_start3A_766 : memref<120xi32, #tpu.memory_space<vmem>>) semaphore(%arg22 : memref<!tpu.dma_semaphore, #tpu.memory_space<semaphore_mem>>)
      %dma_wait3A_770 = arith.constant 0 : i32
      %dma_wait3A_771 = arith.constant 0 : i32
      %dma_wait3A_772 = tpu.memref_slice %arg5[%dma_wait3A_770, %dma_wait3A_771] : memref<2x120xi32, #tpu.memory_space<vmem>> -> memref<1x120xi32, #tpu.memory_space<vmem>>
      %dma_wait3A_773 = tpu.memref_squeeze %dma_wait3A_772 : memref<1x120xi32, #tpu.memory_space<vmem>> -> memref<120xi32, #tpu.memory_space<vmem>>
      %dma_wait3A_774 = arith.constant 0 : i32
      %dma_wait3A_775 = arith.constant 0 : i32
      %dma_wait3A_776 = tpu.memref_slice %arg2[%dma_wait3A_774, %dma_wait3A_775] : memref<10368x128xf32, #tpu.memory_space<hbm>> -> memref<10368x128xf32, #tpu.memory_space<hbm>>
      tpu.wait_indirect_dma semaphore(%arg21 : memref<!tpu.dma_semaphore, #tpu.memory_space<semaphore_mem>>) src(%dma_wait3A_776 : memref<10368x128xf32, #tpu.memory_space<hbm>>) dst(%arg11 : memref<120x128xf32, #tpu.memory_space<vmem>>)
      %dma_start3A_777 = arith.constant 1 : i32
      %dma_start3A_778 = arith.constant 0 : i32
      %dma_start3A_779 = tpu.memref_slice %arg5[%dma_start3A_777, %dma_start3A_778] : memref<2x120xi32, #tpu.memory_space<vmem>> -> memref<1x120xi32, #tpu.memory_space<vmem>>
      %dma_start3A_780 = tpu.memref_squeeze %dma_start3A_779 : memref<1x120xi32, #tpu.memory_space<vmem>> -> memref<120xi32, #tpu.memory_space<vmem>>
      %dma_start3A_781 = arith.constant 0 : i32
      %dma_start3A_782 = arith.constant 0 : i32
      %dma_start3A_783 = tpu.memref_slice %arg14[%dma_start3A_781, %dma_start3A_782] : memref<10368x128xf32, #tpu.memory_space<vmem_shared>> -> memref<10368x128xf32, #tpu.memory_space<vmem_shared>>
      tpu.enqueue_indirect_dma source(%arg11 : memref<120x128xf32, #tpu.memory_space<vmem>>) target(%dma_start3A_783 : memref<10368x128xf32, #tpu.memory_space<vmem_shared>>) offsets(%dma_start3A_780 : memref<120xi32, #tpu.memory_space<vmem>>) semaphore(%arg24 : memref<!tpu.dma_semaphore, #tpu.memory_space<semaphore_mem>>) {add = true}
      %add3A_784 = arith.constant 1 : i32
      %add3A_785 = arith.addi %add3A_733, %add3A_784 : i32
      %dma_wait3A_786 = arith.constant 1 : i32
      %dma_wait3A_787 = arith.constant 0 : i32
      %dma_wait3A_788 = tpu.memref_slice %arg10[%dma_wait3A_786, %dma_wait3A_787] : memref<2x120xi32, #tpu.memory_space<vmem>> -> memref<1x120xi32, #tpu.memory_space<vmem>>
      %dma_wait3A_789 = tpu.memref_squeeze %dma_wait3A_788 : memref<1x120xi32, #tpu.memory_space<vmem>> -> memref<120xi32, #tpu.memory_space<vmem>>
      %dma_wait3A_790 = arith.constant 0 : i32
      %dma_wait3A_791 = arith.constant 0 : i32
      %dma_wait3A_792 = tpu.memref_slice %arg14[%dma_wait3A_790, %dma_wait3A_791] : memref<10368x128xf32, #tpu.memory_space<vmem_shared>> -> memref<10368x128xf32, #tpu.memory_space<vmem_shared>>
      tpu.wait_indirect_dma semaphore(%arg26 : memref<!tpu.dma_semaphore, #tpu.memory_space<semaphore_mem>>) src(%arg13 : memref<120x128xf32, #tpu.memory_space<vmem>>) dst(%dma_wait3A_792 : memref<10368x128xf32, #tpu.memory_space<vmem_shared>>)
      %add3A_793 = arith.constant 4 : i32
      %add3A_794 = arith.addi %add3A_785, %add3A_793 : i32
      %dma_start3A_795 = arith.constant 0 : i32
      %dma_start3A_796 = arith.constant 0 : i32
      %dma_start3A_797 = tpu.memref_slice %arg3[%add3A_794, %dma_start3A_795, %dma_start3A_796] : memref<2688x2x120xi32, #tpu.memory_space<hbm>> -> memref<1x2x120xi32, #tpu.memory_space<hbm>>
      %dma_start3A_798 = tpu.memref_squeeze %dma_start3A_797 : memref<1x2x120xi32, #tpu.memory_space<hbm>> -> memref<2x120xi32, #tpu.memory_space<hbm>>
      %dma_start3A_799 = arith.constant 0 : i32
      %dma_start3A_800 = arith.constant 0 : i32
      %dma_start3A_801 = tpu.memref_slice %arg3[%add3A_794, %dma_start3A_799, %dma_start3A_800] : memref<2688x2x120xi32, #tpu.memory_space<hbm>> -> memref<1x2x120xi32, #tpu.memory_space<hbm>>
      %dma_start3A_802 = tpu.memref_squeeze %dma_start3A_801 : memref<1x2x120xi32, #tpu.memory_space<hbm>> -> memref<2x120xi32, #tpu.memory_space<hbm>>
      tpu.enqueue_dma source(%dma_start3A_802 : memref<2x120xi32, #tpu.memory_space<hbm>>) target(%arg10 : memref<2x120xi32, #tpu.memory_space<vmem>>) target_semaphore(%arg20 : memref<!tpu.dma_semaphore, #tpu.memory_space<semaphore_mem>>)
      %add3A_803 = arith.constant 1 : i32
      %add3A_804 = arith.addi %add3A_785, %add3A_803 : i32
      %dma_wait3A_805 = arith.constant 0 : i32
      %dma_wait3A_806 = arith.constant 0 : i32
      %dma_wait3A_807 = tpu.memref_slice %arg3[%add3A_804, %dma_wait3A_805, %dma_wait3A_806] : memref<2688x2x120xi32, #tpu.memory_space<hbm>> -> memref<1x2x120xi32, #tpu.memory_space<hbm>>
      %dma_wait3A_808 = tpu.memref_squeeze %dma_wait3A_807 : memref<1x2x120xi32, #tpu.memory_space<hbm>> -> memref<2x120xi32, #tpu.memory_space<hbm>>
      %dma_wait3A_809 = arith.constant 0 : i32
      %dma_wait3A_810 = arith.constant 0 : i32
      %dma_wait3A_811 = tpu.memref_slice %arg3[%add3A_804, %dma_wait3A_809, %dma_wait3A_810] : memref<2688x2x120xi32, #tpu.memory_space<hbm>> -> memref<1x2x120xi32, #tpu.memory_space<hbm>>
      %dma_wait3A_812 = tpu.memref_squeeze %dma_wait3A_811 : memref<1x2x120xi32, #tpu.memory_space<hbm>> -> memref<2x120xi32, #tpu.memory_space<hbm>>
      tpu.wait_dma2 semaphore(%arg17 : memref<!tpu.dma_semaphore, #tpu.memory_space<semaphore_mem>>) src(%dma_wait3A_812 : memref<2x120xi32, #tpu.memory_space<hbm>>) dst(%arg7 : memref<2x120xi32, #tpu.memory_space<vmem>>)
      %dma_start3A_813 = arith.constant 0 : i32
      %dma_start3A_814 = arith.constant 0 : i32
      %dma_start3A_815 = tpu.memref_slice %arg7[%dma_start3A_813, %dma_start3A_814] : memref<2x120xi32, #tpu.memory_space<vmem>> -> memref<1x120xi32, #tpu.memory_space<vmem>>
      %dma_start3A_816 = tpu.memref_squeeze %dma_start3A_815 : memref<1x120xi32, #tpu.memory_space<vmem>> -> memref<120xi32, #tpu.memory_space<vmem>>
      %dma_start3A_817 = arith.constant 0 : i32
      %dma_start3A_818 = arith.constant 0 : i32
      %dma_start3A_819 = tpu.memref_slice %arg2[%dma_start3A_817, %dma_start3A_818] : memref<10368x128xf32, #tpu.memory_space<hbm>> -> memref<10368x128xf32, #tpu.memory_space<hbm>>
      tpu.enqueue_indirect_dma source(%dma_start3A_819 : memref<10368x128xf32, #tpu.memory_space<hbm>>) target(%arg13 : memref<120x128xf32, #tpu.memory_space<vmem>>) offsets(%dma_start3A_816 : memref<120xi32, #tpu.memory_space<vmem>>) semaphore(%arg23 : memref<!tpu.dma_semaphore, #tpu.memory_space<semaphore_mem>>)
      %dma_wait3A_820 = arith.constant 0 : i32
      %dma_wait3A_821 = arith.constant 0 : i32
      %dma_wait3A_822 = tpu.memref_slice %arg6[%dma_wait3A_820, %dma_wait3A_821] : memref<2x120xi32, #tpu.memory_space<vmem>> -> memref<1x120xi32, #tpu.memory_space<vmem>>
      %dma_wait3A_823 = tpu.memref_squeeze %dma_wait3A_822 : memref<1x120xi32, #tpu.memory_space<vmem>> -> memref<120xi32, #tpu.memory_space<vmem>>
      %dma_wait3A_824 = arith.constant 0 : i32
      %dma_wait3A_825 = arith.constant 0 : i32
      %dma_wait3A_826 = tpu.memref_slice %arg2[%dma_wait3A_824, %dma_wait3A_825] : memref<10368x128xf32, #tpu.memory_space<hbm>> -> memref<10368x128xf32, #tpu.memory_space<hbm>>
      tpu.wait_indirect_dma semaphore(%arg22 : memref<!tpu.dma_semaphore, #tpu.memory_space<semaphore_mem>>) src(%dma_wait3A_826 : memref<10368x128xf32, #tpu.memory_space<hbm>>) dst(%arg12 : memref<120x128xf32, #tpu.memory_space<vmem>>)
      %dma_start3A_827 = arith.constant 1 : i32
      %dma_start3A_828 = arith.constant 0 : i32
      %dma_start3A_829 = tpu.memref_slice %arg6[%dma_start3A_827, %dma_start3A_828] : memref<2x120xi32, #tpu.memory_space<vmem>> -> memref<1x120xi32, #tpu.memory_space<vmem>>
      %dma_start3A_830 = tpu.memref_squeeze %dma_start3A_829 : memref<1x120xi32, #tpu.memory_space<vmem>> -> memref<120xi32, #tpu.memory_space<vmem>>
      %dma_start3A_831 = arith.constant 0 : i32
      %dma_start3A_832 = arith.constant 0 : i32
      %dma_start3A_833 = tpu.memref_slice %arg14[%dma_start3A_831, %dma_start3A_832] : memref<10368x128xf32, #tpu.memory_space<vmem_shared>> -> memref<10368x128xf32, #tpu.memory_space<vmem_shared>>
      tpu.enqueue_indirect_dma source(%arg12 : memref<120x128xf32, #tpu.memory_space<vmem>>) target(%dma_start3A_833 : memref<10368x128xf32, #tpu.memory_space<vmem_shared>>) offsets(%dma_start3A_830 : memref<120xi32, #tpu.memory_space<vmem>>) semaphore(%arg25 : memref<!tpu.dma_semaphore, #tpu.memory_space<semaphore_mem>>) {add = true}
      %add3A_834 = arith.constant 2 : i32
      %add3A_835 = arith.addi %add3A_733, %add3A_834 : i32
      %dma_wait3A_836 = arith.constant 1 : i32
      %dma_wait3A_837 = arith.constant 0 : i32
      %dma_wait3A_838 = tpu.memref_slice %arg5[%dma_wait3A_836, %dma_wait3A_837] : memref<2x120xi32, #tpu.memory_space<vmem>> -> memref<1x120xi32, #tpu.memory_space<vmem>>
      %dma_wait3A_839 = tpu.memref_squeeze %dma_wait3A_838 : memref<1x120xi32, #tpu.memory_space<vmem>> -> memref<120xi32, #tpu.memory_space<vmem>>
      %dma_wait3A_840 = arith.constant 0 : i32
      %dma_wait3A_841 = arith.constant 0 : i32
      %dma_wait3A_842 = tpu.memref_slice %arg14[%dma_wait3A_840, %dma_wait3A_841] : memref<10368x128xf32, #tpu.memory_space<vmem_shared>> -> memref<10368x128xf32, #tpu.memory_space<vmem_shared>>
      tpu.wait_indirect_dma semaphore(%arg24 : memref<!tpu.dma_semaphore, #tpu.memory_space<semaphore_mem>>) src(%arg11 : memref<120x128xf32, #tpu.memory_space<vmem>>) dst(%dma_wait3A_842 : memref<10368x128xf32, #tpu.memory_space<vmem_shared>>)
      %add3A_843 = arith.constant 4 : i32
      %add3A_844 = arith.addi %add3A_835, %add3A_843 : i32
      %dma_start3A_845 = arith.constant 0 : i32
      %dma_start3A_846 = arith.constant 0 : i32
      %dma_start3A_847 = tpu.memref_slice %arg3[%add3A_844, %dma_start3A_845, %dma_start3A_846] : memref<2688x2x120xi32, #tpu.memory_space<hbm>> -> memref<1x2x120xi32, #tpu.memory_space<hbm>>
      %dma_start3A_848 = tpu.memref_squeeze %dma_start3A_847 : memref<1x2x120xi32, #tpu.memory_space<hbm>> -> memref<2x120xi32, #tpu.memory_space<hbm>>
      %dma_start3A_849 = arith.constant 0 : i32
      %dma_start3A_850 = arith.constant 0 : i32
      %dma_start3A_851 = tpu.memref_slice %arg3[%add3A_844, %dma_start3A_849, %dma_start3A_850] : memref<2688x2x120xi32, #tpu.memory_space<hbm>> -> memref<1x2x120xi32, #tpu.memory_space<hbm>>
      %dma_start3A_852 = tpu.memref_squeeze %dma_start3A_851 : memref<1x2x120xi32, #tpu.memory_space<hbm>> -> memref<2x120xi32, #tpu.memory_space<hbm>>
      tpu.enqueue_dma source(%dma_start3A_852 : memref<2x120xi32, #tpu.memory_space<hbm>>) target(%arg5 : memref<2x120xi32, #tpu.memory_space<vmem>>) target_semaphore(%arg15 : memref<!tpu.dma_semaphore, #tpu.memory_space<semaphore_mem>>)
      %add3A_853 = arith.constant 1 : i32
      %add3A_854 = arith.addi %add3A_835, %add3A_853 : i32
      %dma_wait3A_855 = arith.constant 0 : i32
      %dma_wait3A_856 = arith.constant 0 : i32
      %dma_wait3A_857 = tpu.memref_slice %arg3[%add3A_854, %dma_wait3A_855, %dma_wait3A_856] : memref<2688x2x120xi32, #tpu.memory_space<hbm>> -> memref<1x2x120xi32, #tpu.memory_space<hbm>>
      %dma_wait3A_858 = tpu.memref_squeeze %dma_wait3A_857 : memref<1x2x120xi32, #tpu.memory_space<hbm>> -> memref<2x120xi32, #tpu.memory_space<hbm>>
      %dma_wait3A_859 = arith.constant 0 : i32
      %dma_wait3A_860 = arith.constant 0 : i32
      %dma_wait3A_861 = tpu.memref_slice %arg3[%add3A_854, %dma_wait3A_859, %dma_wait3A_860] : memref<2688x2x120xi32, #tpu.memory_space<hbm>> -> memref<1x2x120xi32, #tpu.memory_space<hbm>>
      %dma_wait3A_862 = tpu.memref_squeeze %dma_wait3A_861 : memref<1x2x120xi32, #tpu.memory_space<hbm>> -> memref<2x120xi32, #tpu.memory_space<hbm>>
      tpu.wait_dma2 semaphore(%arg18 : memref<!tpu.dma_semaphore, #tpu.memory_space<semaphore_mem>>) src(%dma_wait3A_862 : memref<2x120xi32, #tpu.memory_space<hbm>>) dst(%arg8 : memref<2x120xi32, #tpu.memory_space<vmem>>)
      %dma_start3A_863 = arith.constant 0 : i32
      %dma_start3A_864 = arith.constant 0 : i32
      %dma_start3A_865 = tpu.memref_slice %arg8[%dma_start3A_863, %dma_start3A_864] : memref<2x120xi32, #tpu.memory_space<vmem>> -> memref<1x120xi32, #tpu.memory_space<vmem>>
      %dma_start3A_866 = tpu.memref_squeeze %dma_start3A_865 : memref<1x120xi32, #tpu.memory_space<vmem>> -> memref<120xi32, #tpu.memory_space<vmem>>
      %dma_start3A_867 = arith.constant 0 : i32
      %dma_start3A_868 = arith.constant 0 : i32
      %dma_start3A_869 = tpu.memref_slice %arg2[%dma_start3A_867, %dma_start3A_868] : memref<10368x128xf32, #tpu.memory_space<hbm>> -> memref<10368x128xf32, #tpu.memory_space<hbm>>
      tpu.enqueue_indirect_dma source(%dma_start3A_869 : memref<10368x128xf32, #tpu.memory_space<hbm>>) target(%arg11 : memref<120x128xf32, #tpu.memory_space<vmem>>) offsets(%dma_start3A_866 : memref<120xi32, #tpu.memory_space<vmem>>) semaphore(%arg21 : memref<!tpu.dma_semaphore, #tpu.memory_space<semaphore_mem>>)
      %dma_wait3A_870 = arith.constant 0 : i32
      %dma_wait3A_871 = arith.constant 0 : i32
      %dma_wait3A_872 = tpu.memref_slice %arg7[%dma_wait3A_870, %dma_wait3A_871] : memref<2x120xi32, #tpu.memory_space<vmem>> -> memref<1x120xi32, #tpu.memory_space<vmem>>
      %dma_wait3A_873 = tpu.memref_squeeze %dma_wait3A_872 : memref<1x120xi32, #tpu.memory_space<vmem>> -> memref<120xi32, #tpu.memory_space<vmem>>
      %dma_wait3A_874 = arith.constant 0 : i32
      %dma_wait3A_875 = arith.constant 0 : i32
      %dma_wait3A_876 = tpu.memref_slice %arg2[%dma_wait3A_874, %dma_wait3A_875] : memref<10368x128xf32, #tpu.memory_space<hbm>> -> memref<10368x128xf32, #tpu.memory_space<hbm>>
      tpu.wait_indirect_dma semaphore(%arg23 : memref<!tpu.dma_semaphore, #tpu.memory_space<semaphore_mem>>) src(%dma_wait3A_876 : memref<10368x128xf32, #tpu.memory_space<hbm>>) dst(%arg13 : memref<120x128xf32, #tpu.memory_space<vmem>>)
      %dma_start3A_877 = arith.constant 1 : i32
      %dma_start3A_878 = arith.constant 0 : i32
      %dma_start3A_879 = tpu.memref_slice %arg7[%dma_start3A_877, %dma_start3A_878] : memref<2x120xi32, #tpu.memory_space<vmem>> -> memref<1x120xi32, #tpu.memory_space<vmem>>
      %dma_start3A_880 = tpu.memref_squeeze %dma_start3A_879 : memref<1x120xi32, #tpu.memory_space<vmem>> -> memref<120xi32, #tpu.memory_space<vmem>>
      %dma_start3A_881 = arith.constant 0 : i32
      %dma_start3A_882 = arith.constant 0 : i32
      %dma_start3A_883 = tpu.memref_slice %arg14[%dma_start3A_881, %dma_start3A_882] : memref<10368x128xf32, #tpu.memory_space<vmem_shared>> -> memref<10368x128xf32, #tpu.memory_space<vmem_shared>>
      tpu.enqueue_indirect_dma source(%arg13 : memref<120x128xf32, #tpu.memory_space<vmem>>) target(%dma_start3A_883 : memref<10368x128xf32, #tpu.memory_space<vmem_shared>>) offsets(%dma_start3A_880 : memref<120xi32, #tpu.memory_space<vmem>>) semaphore(%arg26 : memref<!tpu.dma_semaphore, #tpu.memory_space<semaphore_mem>>) {add = true}
      %add3A_884 = arith.constant 3 : i32
      %add3A_885 = arith.addi %add3A_733, %add3A_884 : i32
      %dma_wait3A_886 = arith.constant 1 : i32
      %dma_wait3A_887 = arith.constant 0 : i32
      %dma_wait3A_888 = tpu.memref_slice %arg6[%dma_wait3A_886, %dma_wait3A_887] : memref<2x120xi32, #tpu.memory_space<vmem>> -> memref<1x120xi32, #tpu.memory_space<vmem>>
      %dma_wait3A_889 = tpu.memref_squeeze %dma_wait3A_888 : memref<1x120xi32, #tpu.memory_space<vmem>> -> memref<120xi32, #tpu.memory_space<vmem>>
      %dma_wait3A_890 = arith.constant 0 : i32
      %dma_wait3A_891 = arith.constant 0 : i32
      %dma_wait3A_892 = tpu.memref_slice %arg14[%dma_wait3A_890, %dma_wait3A_891] : memref<10368x128xf32, #tpu.memory_space<vmem_shared>> -> memref<10368x128xf32, #tpu.memory_space<vmem_shared>>
      tpu.wait_indirect_dma semaphore(%arg25 : memref<!tpu.dma_semaphore, #tpu.memory_space<semaphore_mem>>) src(%arg12 : memref<120x128xf32, #tpu.memory_space<vmem>>) dst(%dma_wait3A_892 : memref<10368x128xf32, #tpu.memory_space<vmem_shared>>)
      %add3A_893 = arith.constant 4 : i32
      %add3A_894 = arith.addi %add3A_885, %add3A_893 : i32
      %dma_start3A_895 = arith.constant 0 : i32
      %dma_start3A_896 = arith.constant 0 : i32
      %dma_start3A_897 = tpu.memref_slice %arg3[%add3A_894, %dma_start3A_895, %dma_start3A_896] : memref<2688x2x120xi32, #tpu.memory_space<hbm>> -> memref<1x2x120xi32, #tpu.memory_space<hbm>>
      %dma_start3A_898 = tpu.memref_squeeze %dma_start3A_897 : memref<1x2x120xi32, #tpu.memory_space<hbm>> -> memref<2x120xi32, #tpu.memory_space<hbm>>
      %dma_start3A_899 = arith.constant 0 : i32
      %dma_start3A_900 = arith.constant 0 : i32
      %dma_start3A_901 = tpu.memref_slice %arg3[%add3A_894, %dma_start3A_899, %dma_start3A_900] : memref<2688x2x120xi32, #tpu.memory_space<hbm>> -> memref<1x2x120xi32, #tpu.memory_space<hbm>>
      %dma_start3A_902 = tpu.memref_squeeze %dma_start3A_901 : memref<1x2x120xi32, #tpu.memory_space<hbm>> -> memref<2x120xi32, #tpu.memory_space<hbm>>
      tpu.enqueue_dma source(%dma_start3A_902 : memref<2x120xi32, #tpu.memory_space<hbm>>) target(%arg6 : memref<2x120xi32, #tpu.memory_space<vmem>>) target_semaphore(%arg16 : memref<!tpu.dma_semaphore, #tpu.memory_space<semaphore_mem>>)
      %add3A_903 = arith.constant 1 : i32
      %add3A_904 = arith.addi %add3A_885, %add3A_903 : i32
      %dma_wait3A_905 = arith.constant 0 : i32
      %dma_wait3A_906 = arith.constant 0 : i32
      %dma_wait3A_907 = tpu.memref_slice %arg3[%add3A_904, %dma_wait3A_905, %dma_wait3A_906] : memref<2688x2x120xi32, #tpu.memory_space<hbm>> -> memref<1x2x120xi32, #tpu.memory_space<hbm>>
      %dma_wait3A_908 = tpu.memref_squeeze %dma_wait3A_907 : memref<1x2x120xi32, #tpu.memory_space<hbm>> -> memref<2x120xi32, #tpu.memory_space<hbm>>
      %dma_wait3A_909 = arith.constant 0 : i32
      %dma_wait3A_910 = arith.constant 0 : i32
      %dma_wait3A_911 = tpu.memref_slice %arg3[%add3A_904, %dma_wait3A_909, %dma_wait3A_910] : memref<2688x2x120xi32, #tpu.memory_space<hbm>> -> memref<1x2x120xi32, #tpu.memory_space<hbm>>
      %dma_wait3A_912 = tpu.memref_squeeze %dma_wait3A_911 : memref<1x2x120xi32, #tpu.memory_space<hbm>> -> memref<2x120xi32, #tpu.memory_space<hbm>>
      tpu.wait_dma2 semaphore(%arg19 : memref<!tpu.dma_semaphore, #tpu.memory_space<semaphore_mem>>) src(%dma_wait3A_912 : memref<2x120xi32, #tpu.memory_space<hbm>>) dst(%arg9 : memref<2x120xi32, #tpu.memory_space<vmem>>)
      %dma_start3A_913 = arith.constant 0 : i32
      %dma_start3A_914 = arith.constant 0 : i32
      %dma_start3A_915 = tpu.memref_slice %arg9[%dma_start3A_913, %dma_start3A_914] : memref<2x120xi32, #tpu.memory_space<vmem>> -> memref<1x120xi32, #tpu.memory_space<vmem>>
      %dma_start3A_916 = tpu.memref_squeeze %dma_start3A_915 : memref<1x120xi32, #tpu.memory_space<vmem>> -> memref<120xi32, #tpu.memory_space<vmem>>
      %dma_start3A_917 = arith.constant 0 : i32
      %dma_start3A_918 = arith.constant 0 : i32
      %dma_start3A_919 = tpu.memref_slice %arg2[%dma_start3A_917, %dma_start3A_918] : memref<10368x128xf32, #tpu.memory_space<hbm>> -> memref<10368x128xf32, #tpu.memory_space<hbm>>
      tpu.enqueue_indirect_dma source(%dma_start3A_919 : memref<10368x128xf32, #tpu.memory_space<hbm>>) target(%arg12 : memref<120x128xf32, #tpu.memory_space<vmem>>) offsets(%dma_start3A_916 : memref<120xi32, #tpu.memory_space<vmem>>) semaphore(%arg22 : memref<!tpu.dma_semaphore, #tpu.memory_space<semaphore_mem>>)
      %dma_wait3A_920 = arith.constant 0 : i32
      %dma_wait3A_921 = arith.constant 0 : i32
      %dma_wait3A_922 = tpu.memref_slice %arg8[%dma_wait3A_920, %dma_wait3A_921] : memref<2x120xi32, #tpu.memory_space<vmem>> -> memref<1x120xi32, #tpu.memory_space<vmem>>
      %dma_wait3A_923 = tpu.memref_squeeze %dma_wait3A_922 : memref<1x120xi32, #tpu.memory_space<vmem>> -> memref<120xi32, #tpu.memory_space<vmem>>
      %dma_wait3A_924 = arith.constant 0 : i32
      %dma_wait3A_925 = arith.constant 0 : i32
      %dma_wait3A_926 = tpu.memref_slice %arg2[%dma_wait3A_924, %dma_wait3A_925] : memref<10368x128xf32, #tpu.memory_space<hbm>> -> memref<10368x128xf32, #tpu.memory_space<hbm>>
      tpu.wait_indirect_dma semaphore(%arg21 : memref<!tpu.dma_semaphore, #tpu.memory_space<semaphore_mem>>) src(%dma_wait3A_926 : memref<10368x128xf32, #tpu.memory_space<hbm>>) dst(%arg11 : memref<120x128xf32, #tpu.memory_space<vmem>>)
      %dma_start3A_927 = arith.constant 1 : i32
      %dma_start3A_928 = arith.constant 0 : i32
      %dma_start3A_929 = tpu.memref_slice %arg8[%dma_start3A_927, %dma_start3A_928] : memref<2x120xi32, #tpu.memory_space<vmem>> -> memref<1x120xi32, #tpu.memory_space<vmem>>
      %dma_start3A_930 = tpu.memref_squeeze %dma_start3A_929 : memref<1x120xi32, #tpu.memory_space<vmem>> -> memref<120xi32, #tpu.memory_space<vmem>>
      %dma_start3A_931 = arith.constant 0 : i32
      %dma_start3A_932 = arith.constant 0 : i32
      %dma_start3A_933 = tpu.memref_slice %arg14[%dma_start3A_931, %dma_start3A_932] : memref<10368x128xf32, #tpu.memory_space<vmem_shared>> -> memref<10368x128xf32, #tpu.memory_space<vmem_shared>>
      tpu.enqueue_indirect_dma source(%arg11 : memref<120x128xf32, #tpu.memory_space<vmem>>) target(%dma_start3A_933 : memref<10368x128xf32, #tpu.memory_space<vmem_shared>>) offsets(%dma_start3A_930 : memref<120xi32, #tpu.memory_space<vmem>>) semaphore(%arg24 : memref<!tpu.dma_semaphore, #tpu.memory_space<semaphore_mem>>) {add = true}
      %add3A_934 = arith.constant 4 : i32
      %add3A_935 = arith.addi %add3A_733, %add3A_934 : i32
      %dma_wait3A_936 = arith.constant 1 : i32
      %dma_wait3A_937 = arith.constant 0 : i32
      %dma_wait3A_938 = tpu.memref_slice %arg7[%dma_wait3A_936, %dma_wait3A_937] : memref<2x120xi32, #tpu.memory_space<vmem>> -> memref<1x120xi32, #tpu.memory_space<vmem>>
      %dma_wait3A_939 = tpu.memref_squeeze %dma_wait3A_938 : memref<1x120xi32, #tpu.memory_space<vmem>> -> memref<120xi32, #tpu.memory_space<vmem>>
      %dma_wait3A_940 = arith.constant 0 : i32
      %dma_wait3A_941 = arith.constant 0 : i32
      %dma_wait3A_942 = tpu.memref_slice %arg14[%dma_wait3A_940, %dma_wait3A_941] : memref<10368x128xf32, #tpu.memory_space<vmem_shared>> -> memref<10368x128xf32, #tpu.memory_space<vmem_shared>>
      tpu.wait_indirect_dma semaphore(%arg26 : memref<!tpu.dma_semaphore, #tpu.memory_space<semaphore_mem>>) src(%arg13 : memref<120x128xf32, #tpu.memory_space<vmem>>) dst(%dma_wait3A_942 : memref<10368x128xf32, #tpu.memory_space<vmem_shared>>)
      %add3A_943 = arith.constant 4 : i32
      %add3A_944 = arith.addi %add3A_935, %add3A_943 : i32
      %dma_start3A_945 = arith.constant 0 : i32
      %dma_start3A_946 = arith.constant 0 : i32
      %dma_start3A_947 = tpu.memref_slice %arg3[%add3A_944, %dma_start3A_945, %dma_start3A_946] : memref<2688x2x120xi32, #tpu.memory_space<hbm>> -> memref<1x2x120xi32, #tpu.memory_space<hbm>>
      %dma_start3A_948 = tpu.memref_squeeze %dma_start3A_947 : memref<1x2x120xi32, #tpu.memory_space<hbm>> -> memref<2x120xi32, #tpu.memory_space<hbm>>
      %dma_start3A_949 = arith.constant 0 : i32
      %dma_start3A_950 = arith.constant 0 : i32
      %dma_start3A_951 = tpu.memref_slice %arg3[%add3A_944, %dma_start3A_949, %dma_start3A_950] : memref<2688x2x120xi32, #tpu.memory_space<hbm>> -> memref<1x2x120xi32, #tpu.memory_space<hbm>>
      %dma_start3A_952 = tpu.memref_squeeze %dma_start3A_951 : memref<1x2x120xi32, #tpu.memory_space<hbm>> -> memref<2x120xi32, #tpu.memory_space<hbm>>
      tpu.enqueue_dma source(%dma_start3A_952 : memref<2x120xi32, #tpu.memory_space<hbm>>) target(%arg7 : memref<2x120xi32, #tpu.memory_space<vmem>>) target_semaphore(%arg17 : memref<!tpu.dma_semaphore, #tpu.memory_space<semaphore_mem>>)
      %add3A_953 = arith.constant 1 : i32
      %add3A_954 = arith.addi %add3A_935, %add3A_953 : i32
      %dma_wait3A_955 = arith.constant 0 : i32
      %dma_wait3A_956 = arith.constant 0 : i32
      %dma_wait3A_957 = tpu.memref_slice %arg3[%add3A_954, %dma_wait3A_955, %dma_wait3A_956] : memref<2688x2x120xi32, #tpu.memory_space<hbm>> -> memref<1x2x120xi32, #tpu.memory_space<hbm>>
      %dma_wait3A_958 = tpu.memref_squeeze %dma_wait3A_957 : memref<1x2x120xi32, #tpu.memory_space<hbm>> -> memref<2x120xi32, #tpu.memory_space<hbm>>
      %dma_wait3A_959 = arith.constant 0 : i32
      %dma_wait3A_960 = arith.constant 0 : i32
      %dma_wait3A_961 = tpu.memref_slice %arg3[%add3A_954, %dma_wait3A_959, %dma_wait3A_960] : memref<2688x2x120xi32, #tpu.memory_space<hbm>> -> memref<1x2x120xi32, #tpu.memory_space<hbm>>
      %dma_wait3A_962 = tpu.memref_squeeze %dma_wait3A_961 : memref<1x2x120xi32, #tpu.memory_space<hbm>> -> memref<2x120xi32, #tpu.memory_space<hbm>>
      tpu.wait_dma2 semaphore(%arg20 : memref<!tpu.dma_semaphore, #tpu.memory_space<semaphore_mem>>) src(%dma_wait3A_962 : memref<2x120xi32, #tpu.memory_space<hbm>>) dst(%arg10 : memref<2x120xi32, #tpu.memory_space<vmem>>)
      %dma_start3A_963 = arith.constant 0 : i32
      %dma_start3A_964 = arith.constant 0 : i32
      %dma_start3A_965 = tpu.memref_slice %arg10[%dma_start3A_963, %dma_start3A_964] : memref<2x120xi32, #tpu.memory_space<vmem>> -> memref<1x120xi32, #tpu.memory_space<vmem>>
      %dma_start3A_966 = tpu.memref_squeeze %dma_start3A_965 : memref<1x120xi32, #tpu.memory_space<vmem>> -> memref<120xi32, #tpu.memory_space<vmem>>
      %dma_start3A_967 = arith.constant 0 : i32
      %dma_start3A_968 = arith.constant 0 : i32
      %dma_start3A_969 = tpu.memref_slice %arg2[%dma_start3A_967, %dma_start3A_968] : memref<10368x128xf32, #tpu.memory_space<hbm>> -> memref<10368x128xf32, #tpu.memory_space<hbm>>
      tpu.enqueue_indirect_dma source(%dma_start3A_969 : memref<10368x128xf32, #tpu.memory_space<hbm>>) target(%arg13 : memref<120x128xf32, #tpu.memory_space<vmem>>) offsets(%dma_start3A_966 : memref<120xi32, #tpu.memory_space<vmem>>) semaphore(%arg23 : memref<!tpu.dma_semaphore, #tpu.memory_space<semaphore_mem>>)
      %dma_wait3A_970 = arith.constant 0 : i32
      %dma_wait3A_971 = arith.constant 0 : i32
      %dma_wait3A_972 = tpu.memref_slice %arg9[%dma_wait3A_970, %dma_wait3A_971] : memref<2x120xi32, #tpu.memory_space<vmem>> -> memref<1x120xi32, #tpu.memory_space<vmem>>
      %dma_wait3A_973 = tpu.memref_squeeze %dma_wait3A_972 : memref<1x120xi32, #tpu.memory_space<vmem>> -> memref<120xi32, #tpu.memory_space<vmem>>
      %dma_wait3A_974 = arith.constant 0 : i32
      %dma_wait3A_975 = arith.constant 0 : i32
      %dma_wait3A_976 = tpu.memref_slice %arg2[%dma_wait3A_974, %dma_wait3A_975] : memref<10368x128xf32, #tpu.memory_space<hbm>> -> memref<10368x128xf32, #tpu.memory_space<hbm>>
      tpu.wait_indirect_dma semaphore(%arg22 : memref<!tpu.dma_semaphore, #tpu.memory_space<semaphore_mem>>) src(%dma_wait3A_976 : memref<10368x128xf32, #tpu.memory_space<hbm>>) dst(%arg12 : memref<120x128xf32, #tpu.memory_space<vmem>>)
      %dma_start3A_977 = arith.constant 1 : i32
      %dma_start3A_978 = arith.constant 0 : i32
      %dma_start3A_979 = tpu.memref_slice %arg9[%dma_start3A_977, %dma_start3A_978] : memref<2x120xi32, #tpu.memory_space<vmem>> -> memref<1x120xi32, #tpu.memory_space<vmem>>
      %dma_start3A_980 = tpu.memref_squeeze %dma_start3A_979 : memref<1x120xi32, #tpu.memory_space<vmem>> -> memref<120xi32, #tpu.memory_space<vmem>>
      %dma_start3A_981 = arith.constant 0 : i32
      %dma_start3A_982 = arith.constant 0 : i32
      %dma_start3A_983 = tpu.memref_slice %arg14[%dma_start3A_981, %dma_start3A_982] : memref<10368x128xf32, #tpu.memory_space<vmem_shared>> -> memref<10368x128xf32, #tpu.memory_space<vmem_shared>>
      tpu.enqueue_indirect_dma source(%arg12 : memref<120x128xf32, #tpu.memory_space<vmem>>) target(%dma_start3A_983 : memref<10368x128xf32, #tpu.memory_space<vmem_shared>>) offsets(%dma_start3A_980 : memref<120xi32, #tpu.memory_space<vmem>>) semaphore(%arg25 : memref<!tpu.dma_semaphore, #tpu.memory_space<semaphore_mem>>) {add = true}
      %add3A_984 = arith.constant 5 : i32
      %add3A_985 = arith.addi %add3A_733, %add3A_984 : i32
      %dma_wait3A_986 = arith.constant 1 : i32
      %dma_wait3A_987 = arith.constant 0 : i32
      %dma_wait3A_988 = tpu.memref_slice %arg8[%dma_wait3A_986, %dma_wait3A_987] : memref<2x120xi32, #tpu.memory_space<vmem>> -> memref<1x120xi32, #tpu.memory_space<vmem>>
      %dma_wait3A_989 = tpu.memref_squeeze %dma_wait3A_988 : memref<1x120xi32, #tpu.memory_space<vmem>> -> memref<120xi32, #tpu.memory_space<vmem>>
      %dma_wait3A_990 = arith.constant 0 : i32
      %dma_wait3A_991 = arith.constant 0 : i32
      %dma_wait3A_992 = tpu.memref_slice %arg14[%dma_wait3A_990, %dma_wait3A_991] : memref<10368x128xf32, #tpu.memory_space<vmem_shared>> -> memref<10368x128xf32, #tpu.memory_space<vmem_shared>>
      tpu.wait_indirect_dma semaphore(%arg24 : memref<!tpu.dma_semaphore, #tpu.memory_space<semaphore_mem>>) src(%arg11 : memref<120x128xf32, #tpu.memory_space<vmem>>) dst(%dma_wait3A_992 : memref<10368x128xf32, #tpu.memory_space<vmem_shared>>)
      %add3A_993 = arith.constant 4 : i32
      %add3A_994 = arith.addi %add3A_985, %add3A_993 : i32
      %dma_start3A_995 = arith.constant 0 : i32
      %dma_start3A_996 = arith.constant 0 : i32
      %dma_start3A_997 = tpu.memref_slice %arg3[%add3A_994, %dma_start3A_995, %dma_start3A_996] : memref<2688x2x120xi32, #tpu.memory_space<hbm>> -> memref<1x2x120xi32, #tpu.memory_space<hbm>>
      %dma_start3A_998 = tpu.memref_squeeze %dma_start3A_997 : memref<1x2x120xi32, #tpu.memory_space<hbm>> -> memref<2x120xi32, #tpu.memory_space<hbm>>
      %dma_start3A_999 = arith.constant 0 : i32
      %dma_start3A_1000 = arith.constant 0 : i32
      %dma_start3A_1001 = tpu.memref_slice %arg3[%add3A_994, %dma_start3A_999, %dma_start3A_1000] : memref<2688x2x120xi32, #tpu.memory_space<hbm>> -> memref<1x2x120xi32, #tpu.memory_space<hbm>>
      %dma_start3A_1002 = tpu.memref_squeeze %dma_start3A_1001 : memref<1x2x120xi32, #tpu.memory_space<hbm>> -> memref<2x120xi32, #tpu.memory_space<hbm>>
      tpu.enqueue_dma source(%dma_start3A_1002 : memref<2x120xi32, #tpu.memory_space<hbm>>) target(%arg8 : memref<2x120xi32, #tpu.memory_space<vmem>>) target_semaphore(%arg18 : memref<!tpu.dma_semaphore, #tpu.memory_space<semaphore_mem>>)
      %add3A_1003 = arith.constant 1 : i32
      %add3A_1004 = arith.addi %add3A_985, %add3A_1003 : i32
      %dma_wait3A_1005 = arith.constant 0 : i32
      %dma_wait3A_1006 = arith.constant 0 : i32
      %dma_wait3A_1007 = tpu.memref_slice %arg3[%add3A_1004, %dma_wait3A_1005, %dma_wait3A_1006] : memref<2688x2x120xi32, #tpu.memory_space<hbm>> -> memref<1x2x120xi32, #tpu.memory_space<hbm>>
      %dma_wait3A_1008 = tpu.memref_squeeze %dma_wait3A_1007 : memref<1x2x120xi32, #tpu.memory_space<hbm>> -> memref<2x120xi32, #tpu.memory_space<hbm>>
      %dma_wait3A_1009 = arith.constant 0 : i32
      %dma_wait3A_1010 = arith.constant 0 : i32
      %dma_wait3A_1011 = tpu.memref_slice %arg3[%add3A_1004, %dma_wait3A_1009, %dma_wait3A_1010] : memref<2688x2x120xi32, #tpu.memory_space<hbm>> -> memref<1x2x120xi32, #tpu.memory_space<hbm>>
      %dma_wait3A_1012 = tpu.memref_squeeze %dma_wait3A_1011 : memref<1x2x120xi32, #tpu.memory_space<hbm>> -> memref<2x120xi32, #tpu.memory_space<hbm>>
      tpu.wait_dma2 semaphore(%arg15 : memref<!tpu.dma_semaphore, #tpu.memory_space<semaphore_mem>>) src(%dma_wait3A_1012 : memref<2x120xi32, #tpu.memory_space<hbm>>) dst(%arg5 : memref<2x120xi32, #tpu.memory_space<vmem>>)
      %dma_start3A_1013 = arith.constant 0 : i32
      %dma_start3A_1014 = arith.constant 0 : i32
      %dma_start3A_1015 = tpu.memref_slice %arg5[%dma_start3A_1013, %dma_start3A_1014] : memref<2x120xi32, #tpu.memory_space<vmem>> -> memref<1x120xi32, #tpu.memory_space<vmem>>
      %dma_start3A_1016 = tpu.memref_squeeze %dma_start3A_1015 : memref<1x120xi32, #tpu.memory_space<vmem>> -> memref<120xi32, #tpu.memory_space<vmem>>
      %dma_start3A_1017 = arith.constant 0 : i32
      %dma_start3A_1018 = arith.constant 0 : i32
      %dma_start3A_1019 = tpu.memref_slice %arg2[%dma_start3A_1017, %dma_start3A_1018] : memref<10368x128xf32, #tpu.memory_space<hbm>> -> memref<10368x128xf32, #tpu.memory_space<hbm>>
      tpu.enqueue_indirect_dma source(%dma_start3A_1019 : memref<10368x128xf32, #tpu.memory_space<hbm>>) target(%arg11 : memref<120x128xf32, #tpu.memory_space<vmem>>) offsets(%dma_start3A_1016 : memref<120xi32, #tpu.memory_space<vmem>>) semaphore(%arg21 : memref<!tpu.dma_semaphore, #tpu.memory_space<semaphore_mem>>)
      %dma_wait3A_1020 = arith.constant 0 : i32
      %dma_wait3A_1021 = arith.constant 0 : i32
      %dma_wait3A_1022 = tpu.memref_slice %arg10[%dma_wait3A_1020, %dma_wait3A_1021] : memref<2x120xi32, #tpu.memory_space<vmem>> -> memref<1x120xi32, #tpu.memory_space<vmem>>
      %dma_wait3A_1023 = tpu.memref_squeeze %dma_wait3A_1022 : memref<1x120xi32, #tpu.memory_space<vmem>> -> memref<120xi32, #tpu.memory_space<vmem>>
      %dma_wait3A_1024 = arith.constant 0 : i32
      %dma_wait3A_1025 = arith.constant 0 : i32
      %dma_wait3A_1026 = tpu.memref_slice %arg2[%dma_wait3A_1024, %dma_wait3A_1025] : memref<10368x128xf32, #tpu.memory_space<hbm>> -> memref<10368x128xf32, #tpu.memory_space<hbm>>
      tpu.wait_indirect_dma semaphore(%arg23 : memref<!tpu.dma_semaphore, #tpu.memory_space<semaphore_mem>>) src(%dma_wait3A_1026 : memref<10368x128xf32, #tpu.memory_space<hbm>>) dst(%arg13 : memref<120x128xf32, #tpu.memory_space<vmem>>)
      %dma_start3A_1027 = arith.constant 1 : i32
      %dma_start3A_1028 = arith.constant 0 : i32
      %dma_start3A_1029 = tpu.memref_slice %arg10[%dma_start3A_1027, %dma_start3A_1028] : memref<2x120xi32, #tpu.memory_space<vmem>> -> memref<1x120xi32, #tpu.memory_space<vmem>>
      %dma_start3A_1030 = tpu.memref_squeeze %dma_start3A_1029 : memref<1x120xi32, #tpu.memory_space<vmem>> -> memref<120xi32, #tpu.memory_space<vmem>>
      %dma_start3A_1031 = arith.constant 0 : i32
      %dma_start3A_1032 = arith.constant 0 : i32
      %dma_start3A_1033 = tpu.memref_slice %arg14[%dma_start3A_1031, %dma_start3A_1032] : memref<10368x128xf32, #tpu.memory_space<vmem_shared>> -> memref<10368x128xf32, #tpu.memory_space<vmem_shared>>
      tpu.enqueue_indirect_dma source(%arg13 : memref<120x128xf32, #tpu.memory_space<vmem>>) target(%dma_start3A_1033 : memref<10368x128xf32, #tpu.memory_space<vmem_shared>>) offsets(%dma_start3A_1030 : memref<120xi32, #tpu.memory_space<vmem>>) semaphore(%arg26 : memref<!tpu.dma_semaphore, #tpu.memory_space<semaphore_mem>>) {add = true}
    }
    %scan3A_462 = arith.constant 12 : i32
    %add3A_463 = arith.constant 78 : i32
    %add3A_464 = arith.addi %mul3A_2, %add3A_463 : i32
    %add3A_465 = arith.constant 0 : i32
    %add3A_466 = arith.addi %add3A_464, %add3A_465 : i32
    %dma_wait3A_467 = arith.constant 1 : i32
    %dma_wait3A_468 = arith.constant 0 : i32
    %dma_wait3A_469 = tpu.memref_slice %arg9[%dma_wait3A_467, %dma_wait3A_468] : memref<2x120xi32, #tpu.memory_space<vmem>> -> memref<1x120xi32, #tpu.memory_space<vmem>>
    %dma_wait3A_470 = tpu.memref_squeeze %dma_wait3A_469 : memref<1x120xi32, #tpu.memory_space<vmem>> -> memref<120xi32, #tpu.memory_space<vmem>>
    %dma_wait3A_471 = arith.constant 0 : i32
    %dma_wait3A_472 = arith.constant 0 : i32
    %dma_wait3A_473 = tpu.memref_slice %arg14[%dma_wait3A_471, %dma_wait3A_472] : memref<10368x128xf32, #tpu.memory_space<vmem_shared>> -> memref<10368x128xf32, #tpu.memory_space<vmem_shared>>
    tpu.wait_indirect_dma semaphore(%arg25 : memref<!tpu.dma_semaphore, #tpu.memory_space<semaphore_mem>>) src(%arg12 : memref<120x128xf32, #tpu.memory_space<vmem>>) dst(%dma_wait3A_473 : memref<10368x128xf32, #tpu.memory_space<vmem_shared>>)
    %add3A_474 = arith.constant 4 : i32
    %add3A_475 = arith.addi %add3A_466, %add3A_474 : i32
    %dma_start3A_476 = arith.constant 0 : i32
    %dma_start3A_477 = arith.constant 0 : i32
    %dma_start3A_478 = tpu.memref_slice %arg3[%add3A_475, %dma_start3A_476, %dma_start3A_477] : memref<2688x2x120xi32, #tpu.memory_space<hbm>> -> memref<1x2x120xi32, #tpu.memory_space<hbm>>
    %dma_start3A_479 = tpu.memref_squeeze %dma_start3A_478 : memref<1x2x120xi32, #tpu.memory_space<hbm>> -> memref<2x120xi32, #tpu.memory_space<hbm>>
    %dma_start3A_480 = arith.constant 0 : i32
    %dma_start3A_481 = arith.constant 0 : i32
    %dma_start3A_482 = tpu.memref_slice %arg3[%add3A_475, %dma_start3A_480, %dma_start3A_481] : memref<2688x2x120xi32, #tpu.memory_space<hbm>> -> memref<1x2x120xi32, #tpu.memory_space<hbm>>
    %dma_start3A_483 = tpu.memref_squeeze %dma_start3A_482 : memref<1x2x120xi32, #tpu.memory_space<hbm>> -> memref<2x120xi32, #tpu.memory_space<hbm>>
    tpu.enqueue_dma source(%dma_start3A_483 : memref<2x120xi32, #tpu.memory_space<hbm>>) target(%arg9 : memref<2x120xi32, #tpu.memory_space<vmem>>) target_semaphore(%arg19 : memref<!tpu.dma_semaphore, #tpu.memory_space<semaphore_mem>>)
    %add3A_484 = arith.constant 1 : i32
    %add3A_485 = arith.addi %add3A_466, %add3A_484 : i32
    %dma_wait3A_486 = arith.constant 0 : i32
    %dma_wait3A_487 = arith.constant 0 : i32
    %dma_wait3A_488 = tpu.memref_slice %arg3[%add3A_485, %dma_wait3A_486, %dma_wait3A_487] : memref<2688x2x120xi32, #tpu.memory_space<hbm>> -> memref<1x2x120xi32, #tpu.memory_space<hbm>>
    %dma_wait3A_489 = tpu.memref_squeeze %dma_wait3A_488 : memref<1x2x120xi32, #tpu.memory_space<hbm>> -> memref<2x120xi32, #tpu.memory_space<hbm>>
    %dma_wait3A_490 = arith.constant 0 : i32
    %dma_wait3A_491 = arith.constant 0 : i32
    %dma_wait3A_492 = tpu.memref_slice %arg3[%add3A_485, %dma_wait3A_490, %dma_wait3A_491] : memref<2688x2x120xi32, #tpu.memory_space<hbm>> -> memref<1x2x120xi32, #tpu.memory_space<hbm>>
    %dma_wait3A_493 = tpu.memref_squeeze %dma_wait3A_492 : memref<1x2x120xi32, #tpu.memory_space<hbm>> -> memref<2x120xi32, #tpu.memory_space<hbm>>
    tpu.wait_dma2 semaphore(%arg16 : memref<!tpu.dma_semaphore, #tpu.memory_space<semaphore_mem>>) src(%dma_wait3A_493 : memref<2x120xi32, #tpu.memory_space<hbm>>) dst(%arg6 : memref<2x120xi32, #tpu.memory_space<vmem>>)
    %dma_start3A_494 = arith.constant 0 : i32
    %dma_start3A_495 = arith.constant 0 : i32
    %dma_start3A_496 = tpu.memref_slice %arg6[%dma_start3A_494, %dma_start3A_495] : memref<2x120xi32, #tpu.memory_space<vmem>> -> memref<1x120xi32, #tpu.memory_space<vmem>>
    %dma_start3A_497 = tpu.memref_squeeze %dma_start3A_496 : memref<1x120xi32, #tpu.memory_space<vmem>> -> memref<120xi32, #tpu.memory_space<vmem>>
    %dma_start3A_498 = arith.constant 0 : i32
    %dma_start3A_499 = arith.constant 0 : i32
    %dma_start3A_500 = tpu.memref_slice %arg2[%dma_start3A_498, %dma_start3A_499] : memref<10368x128xf32, #tpu.memory_space<hbm>> -> memref<10368x128xf32, #tpu.memory_space<hbm>>
    tpu.enqueue_indirect_dma source(%dma_start3A_500 : memref<10368x128xf32, #tpu.memory_space<hbm>>) target(%arg12 : memref<120x128xf32, #tpu.memory_space<vmem>>) offsets(%dma_start3A_497 : memref<120xi32, #tpu.memory_space<vmem>>) semaphore(%arg22 : memref<!tpu.dma_semaphore, #tpu.memory_space<semaphore_mem>>)
    %dma_wait3A_501 = arith.constant 0 : i32
    %dma_wait3A_502 = arith.constant 0 : i32
    %dma_wait3A_503 = tpu.memref_slice %arg5[%dma_wait3A_501, %dma_wait3A_502] : memref<2x120xi32, #tpu.memory_space<vmem>> -> memref<1x120xi32, #tpu.memory_space<vmem>>
    %dma_wait3A_504 = tpu.memref_squeeze %dma_wait3A_503 : memref<1x120xi32, #tpu.memory_space<vmem>> -> memref<120xi32, #tpu.memory_space<vmem>>
    %dma_wait3A_505 = arith.constant 0 : i32
    %dma_wait3A_506 = arith.constant 0 : i32
    %dma_wait3A_507 = tpu.memref_slice %arg2[%dma_wait3A_505, %dma_wait3A_506] : memref<10368x128xf32, #tpu.memory_space<hbm>> -> memref<10368x128xf32, #tpu.memory_space<hbm>>
    tpu.wait_indirect_dma semaphore(%arg21 : memref<!tpu.dma_semaphore, #tpu.memory_space<semaphore_mem>>) src(%dma_wait3A_507 : memref<10368x128xf32, #tpu.memory_space<hbm>>) dst(%arg11 : memref<120x128xf32, #tpu.memory_space<vmem>>)
    %dma_start3A_508 = arith.constant 1 : i32
    %dma_start3A_509 = arith.constant 0 : i32
    %dma_start3A_510 = tpu.memref_slice %arg5[%dma_start3A_508, %dma_start3A_509] : memref<2x120xi32, #tpu.memory_space<vmem>> -> memref<1x120xi32, #tpu.memory_space<vmem>>
    %dma_start3A_511 = tpu.memref_squeeze %dma_start3A_510 : memref<1x120xi32, #tpu.memory_space<vmem>> -> memref<120xi32, #tpu.memory_space<vmem>>
    %dma_start3A_512 = arith.constant 0 : i32
    %dma_start3A_513 = arith.constant 0 : i32
    %dma_start3A_514 = tpu.memref_slice %arg14[%dma_start3A_512, %dma_start3A_513] : memref<10368x128xf32, #tpu.memory_space<vmem_shared>> -> memref<10368x128xf32, #tpu.memory_space<vmem_shared>>
    tpu.enqueue_indirect_dma source(%arg11 : memref<120x128xf32, #tpu.memory_space<vmem>>) target(%dma_start3A_514 : memref<10368x128xf32, #tpu.memory_space<vmem_shared>>) offsets(%dma_start3A_511 : memref<120xi32, #tpu.memory_space<vmem>>) semaphore(%arg24 : memref<!tpu.dma_semaphore, #tpu.memory_space<semaphore_mem>>) {add = true}
    %add3A_515 = arith.constant 1 : i32
    %add3A_516 = arith.addi %add3A_464, %add3A_515 : i32
    %dma_wait3A_517 = arith.constant 1 : i32
    %dma_wait3A_518 = arith.constant 0 : i32
    %dma_wait3A_519 = tpu.memref_slice %arg10[%dma_wait3A_517, %dma_wait3A_518] : memref<2x120xi32, #tpu.memory_space<vmem>> -> memref<1x120xi32, #tpu.memory_space<vmem>>
    %dma_wait3A_520 = tpu.memref_squeeze %dma_wait3A_519 : memref<1x120xi32, #tpu.memory_space<vmem>> -> memref<120xi32, #tpu.memory_space<vmem>>
    %dma_wait3A_521 = arith.constant 0 : i32
    %dma_wait3A_522 = arith.constant 0 : i32
    %dma_wait3A_523 = tpu.memref_slice %arg14[%dma_wait3A_521, %dma_wait3A_522] : memref<10368x128xf32, #tpu.memory_space<vmem_shared>> -> memref<10368x128xf32, #tpu.memory_space<vmem_shared>>
    tpu.wait_indirect_dma semaphore(%arg26 : memref<!tpu.dma_semaphore, #tpu.memory_space<semaphore_mem>>) src(%arg13 : memref<120x128xf32, #tpu.memory_space<vmem>>) dst(%dma_wait3A_523 : memref<10368x128xf32, #tpu.memory_space<vmem_shared>>)
    %add3A_524 = arith.constant 4 : i32
    %add3A_525 = arith.addi %add3A_516, %add3A_524 : i32
    %dma_start3A_526 = arith.constant 0 : i32
    %dma_start3A_527 = arith.constant 0 : i32
    %dma_start3A_528 = tpu.memref_slice %arg3[%add3A_525, %dma_start3A_526, %dma_start3A_527] : memref<2688x2x120xi32, #tpu.memory_space<hbm>> -> memref<1x2x120xi32, #tpu.memory_space<hbm>>
    %dma_start3A_529 = tpu.memref_squeeze %dma_start3A_528 : memref<1x2x120xi32, #tpu.memory_space<hbm>> -> memref<2x120xi32, #tpu.memory_space<hbm>>
    %dma_start3A_530 = arith.constant 0 : i32
    %dma_start3A_531 = arith.constant 0 : i32
    %dma_start3A_532 = tpu.memref_slice %arg3[%add3A_525, %dma_start3A_530, %dma_start3A_531] : memref<2688x2x120xi32, #tpu.memory_space<hbm>> -> memref<1x2x120xi32, #tpu.memory_space<hbm>>
    %dma_start3A_533 = tpu.memref_squeeze %dma_start3A_532 : memref<1x2x120xi32, #tpu.memory_space<hbm>> -> memref<2x120xi32, #tpu.memory_space<hbm>>
    tpu.enqueue_dma source(%dma_start3A_533 : memref<2x120xi32, #tpu.memory_space<hbm>>) target(%arg10 : memref<2x120xi32, #tpu.memory_space<vmem>>) target_semaphore(%arg20 : memref<!tpu.dma_semaphore, #tpu.memory_space<semaphore_mem>>)
    %add3A_534 = arith.constant 1 : i32
    %add3A_535 = arith.addi %add3A_516, %add3A_534 : i32
    %dma_wait3A_536 = arith.constant 0 : i32
    %dma_wait3A_537 = arith.constant 0 : i32
    %dma_wait3A_538 = tpu.memref_slice %arg3[%add3A_535, %dma_wait3A_536, %dma_wait3A_537] : memref<2688x2x120xi32, #tpu.memory_space<hbm>> -> memref<1x2x120xi32, #tpu.memory_space<hbm>>
    %dma_wait3A_539 = tpu.memref_squeeze %dma_wait3A_538 : memref<1x2x120xi32, #tpu.memory_space<hbm>> -> memref<2x120xi32, #tpu.memory_space<hbm>>
    %dma_wait3A_540 = arith.constant 0 : i32
    %dma_wait3A_541 = arith.constant 0 : i32
    %dma_wait3A_542 = tpu.memref_slice %arg3[%add3A_535, %dma_wait3A_540, %dma_wait3A_541] : memref<2688x2x120xi32, #tpu.memory_space<hbm>> -> memref<1x2x120xi32, #tpu.memory_space<hbm>>
    %dma_wait3A_543 = tpu.memref_squeeze %dma_wait3A_542 : memref<1x2x120xi32, #tpu.memory_space<hbm>> -> memref<2x120xi32, #tpu.memory_space<hbm>>
    tpu.wait_dma2 semaphore(%arg17 : memref<!tpu.dma_semaphore, #tpu.memory_space<semaphore_mem>>) src(%dma_wait3A_543 : memref<2x120xi32, #tpu.memory_space<hbm>>) dst(%arg7 : memref<2x120xi32, #tpu.memory_space<vmem>>)
    %dma_start3A_544 = arith.constant 0 : i32
    %dma_start3A_545 = arith.constant 0 : i32
    %dma_start3A_546 = tpu.memref_slice %arg7[%dma_start3A_544, %dma_start3A_545] : memref<2x120xi32, #tpu.memory_space<vmem>> -> memref<1x120xi32, #tpu.memory_space<vmem>>
    %dma_start3A_547 = tpu.memref_squeeze %dma_start3A_546 : memref<1x120xi32, #tpu.memory_space<vmem>> -> memref<120xi32, #tpu.memory_space<vmem>>
    %dma_start3A_548 = arith.constant 0 : i32
    %dma_start3A_549 = arith.constant 0 : i32
    %dma_start3A_550 = tpu.memref_slice %arg2[%dma_start3A_548, %dma_start3A_549] : memref<10368x128xf32, #tpu.memory_space<hbm>> -> memref<10368x128xf32, #tpu.memory_space<hbm>>
    tpu.enqueue_indirect_dma source(%dma_start3A_550 : memref<10368x128xf32, #tpu.memory_space<hbm>>) target(%arg13 : memref<120x128xf32, #tpu.memory_space<vmem>>) offsets(%dma_start3A_547 : memref<120xi32, #tpu.memory_space<vmem>>) semaphore(%arg23 : memref<!tpu.dma_semaphore, #tpu.memory_space<semaphore_mem>>)
    %dma_wait3A_551 = arith.constant 0 : i32
    %dma_wait3A_552 = arith.constant 0 : i32
    %dma_wait3A_553 = tpu.memref_slice %arg6[%dma_wait3A_551, %dma_wait3A_552] : memref<2x120xi32, #tpu.memory_space<vmem>> -> memref<1x120xi32, #tpu.memory_space<vmem>>
    %dma_wait3A_554 = tpu.memref_squeeze %dma_wait3A_553 : memref<1x120xi32, #tpu.memory_space<vmem>> -> memref<120xi32, #tpu.memory_space<vmem>>
    %dma_wait3A_555 = arith.constant 0 : i32
    %dma_wait3A_556 = arith.constant 0 : i32
    %dma_wait3A_557 = tpu.memref_slice %arg2[%dma_wait3A_555, %dma_wait3A_556] : memref<10368x128xf32, #tpu.memory_space<hbm>> -> memref<10368x128xf32, #tpu.memory_space<hbm>>
    tpu.wait_indirect_dma semaphore(%arg22 : memref<!tpu.dma_semaphore, #tpu.memory_space<semaphore_mem>>) src(%dma_wait3A_557 : memref<10368x128xf32, #tpu.memory_space<hbm>>) dst(%arg12 : memref<120x128xf32, #tpu.memory_space<vmem>>)
    %dma_start3A_558 = arith.constant 1 : i32
    %dma_start3A_559 = arith.constant 0 : i32
    %dma_start3A_560 = tpu.memref_slice %arg6[%dma_start3A_558, %dma_start3A_559] : memref<2x120xi32, #tpu.memory_space<vmem>> -> memref<1x120xi32, #tpu.memory_space<vmem>>
    %dma_start3A_561 = tpu.memref_squeeze %dma_start3A_560 : memref<1x120xi32, #tpu.memory_space<vmem>> -> memref<120xi32, #tpu.memory_space<vmem>>
    %dma_start3A_562 = arith.constant 0 : i32
    %dma_start3A_563 = arith.constant 0 : i32
    %dma_start3A_564 = tpu.memref_slice %arg14[%dma_start3A_562, %dma_start3A_563] : memref<10368x128xf32, #tpu.memory_space<vmem_shared>> -> memref<10368x128xf32, #tpu.memory_space<vmem_shared>>
    tpu.enqueue_indirect_dma source(%arg12 : memref<120x128xf32, #tpu.memory_space<vmem>>) target(%dma_start3A_564 : memref<10368x128xf32, #tpu.memory_space<vmem_shared>>) offsets(%dma_start3A_561 : memref<120xi32, #tpu.memory_space<vmem>>) semaphore(%arg25 : memref<!tpu.dma_semaphore, #tpu.memory_space<semaphore_mem>>) {add = true}
    %add3A_565 = arith.constant 2 : i32
    %add3A_566 = arith.addi %add3A_464, %add3A_565 : i32
    %dma_wait3A_567 = arith.constant 1 : i32
    %dma_wait3A_568 = arith.constant 0 : i32
    %dma_wait3A_569 = tpu.memref_slice %arg5[%dma_wait3A_567, %dma_wait3A_568] : memref<2x120xi32, #tpu.memory_space<vmem>> -> memref<1x120xi32, #tpu.memory_space<vmem>>
    %dma_wait3A_570 = tpu.memref_squeeze %dma_wait3A_569 : memref<1x120xi32, #tpu.memory_space<vmem>> -> memref<120xi32, #tpu.memory_space<vmem>>
    %dma_wait3A_571 = arith.constant 0 : i32
    %dma_wait3A_572 = arith.constant 0 : i32
    %dma_wait3A_573 = tpu.memref_slice %arg14[%dma_wait3A_571, %dma_wait3A_572] : memref<10368x128xf32, #tpu.memory_space<vmem_shared>> -> memref<10368x128xf32, #tpu.memory_space<vmem_shared>>
    tpu.wait_indirect_dma semaphore(%arg24 : memref<!tpu.dma_semaphore, #tpu.memory_space<semaphore_mem>>) src(%arg11 : memref<120x128xf32, #tpu.memory_space<vmem>>) dst(%dma_wait3A_573 : memref<10368x128xf32, #tpu.memory_space<vmem_shared>>)
    %add3A_574 = arith.constant 1 : i32
    %add3A_575 = arith.addi %add3A_566, %add3A_574 : i32
    %dma_wait3A_576 = arith.constant 0 : i32
    %dma_wait3A_577 = arith.constant 0 : i32
    %dma_wait3A_578 = tpu.memref_slice %arg3[%add3A_575, %dma_wait3A_576, %dma_wait3A_577] : memref<2688x2x120xi32, #tpu.memory_space<hbm>> -> memref<1x2x120xi32, #tpu.memory_space<hbm>>
    %dma_wait3A_579 = tpu.memref_squeeze %dma_wait3A_578 : memref<1x2x120xi32, #tpu.memory_space<hbm>> -> memref<2x120xi32, #tpu.memory_space<hbm>>
    %dma_wait3A_580 = arith.constant 0 : i32
    %dma_wait3A_581 = arith.constant 0 : i32
    %dma_wait3A_582 = tpu.memref_slice %arg3[%add3A_575, %dma_wait3A_580, %dma_wait3A_581] : memref<2688x2x120xi32, #tpu.memory_space<hbm>> -> memref<1x2x120xi32, #tpu.memory_space<hbm>>
    %dma_wait3A_583 = tpu.memref_squeeze %dma_wait3A_582 : memref<1x2x120xi32, #tpu.memory_space<hbm>> -> memref<2x120xi32, #tpu.memory_space<hbm>>
    tpu.wait_dma2 semaphore(%arg18 : memref<!tpu.dma_semaphore, #tpu.memory_space<semaphore_mem>>) src(%dma_wait3A_583 : memref<2x120xi32, #tpu.memory_space<hbm>>) dst(%arg8 : memref<2x120xi32, #tpu.memory_space<vmem>>)
    %dma_start3A_584 = arith.constant 0 : i32
    %dma_start3A_585 = arith.constant 0 : i32
    %dma_start3A_586 = tpu.memref_slice %arg8[%dma_start3A_584, %dma_start3A_585] : memref<2x120xi32, #tpu.memory_space<vmem>> -> memref<1x120xi32, #tpu.memory_space<vmem>>
    %dma_start3A_587 = tpu.memref_squeeze %dma_start3A_586 : memref<1x120xi32, #tpu.memory_space<vmem>> -> memref<120xi32, #tpu.memory_space<vmem>>
    %dma_start3A_588 = arith.constant 0 : i32
    %dma_start3A_589 = arith.constant 0 : i32
    %dma_start3A_590 = tpu.memref_slice %arg2[%dma_start3A_588, %dma_start3A_589] : memref<10368x128xf32, #tpu.memory_space<hbm>> -> memref<10368x128xf32, #tpu.memory_space<hbm>>
    tpu.enqueue_indirect_dma source(%dma_start3A_590 : memref<10368x128xf32, #tpu.memory_space<hbm>>) target(%arg11 : memref<120x128xf32, #tpu.memory_space<vmem>>) offsets(%dma_start3A_587 : memref<120xi32, #tpu.memory_space<vmem>>) semaphore(%arg21 : memref<!tpu.dma_semaphore, #tpu.memory_space<semaphore_mem>>)
    %dma_wait3A_591 = arith.constant 0 : i32
    %dma_wait3A_592 = arith.constant 0 : i32
    %dma_wait3A_593 = tpu.memref_slice %arg7[%dma_wait3A_591, %dma_wait3A_592] : memref<2x120xi32, #tpu.memory_space<vmem>> -> memref<1x120xi32, #tpu.memory_space<vmem>>
    %dma_wait3A_594 = tpu.memref_squeeze %dma_wait3A_593 : memref<1x120xi32, #tpu.memory_space<vmem>> -> memref<120xi32, #tpu.memory_space<vmem>>
    %dma_wait3A_595 = arith.constant 0 : i32
    %dma_wait3A_596 = arith.constant 0 : i32
    %dma_wait3A_597 = tpu.memref_slice %arg2[%dma_wait3A_595, %dma_wait3A_596] : memref<10368x128xf32, #tpu.memory_space<hbm>> -> memref<10368x128xf32, #tpu.memory_space<hbm>>
    tpu.wait_indirect_dma semaphore(%arg23 : memref<!tpu.dma_semaphore, #tpu.memory_space<semaphore_mem>>) src(%dma_wait3A_597 : memref<10368x128xf32, #tpu.memory_space<hbm>>) dst(%arg13 : memref<120x128xf32, #tpu.memory_space<vmem>>)
    %dma_start3A_598 = arith.constant 1 : i32
    %dma_start3A_599 = arith.constant 0 : i32
    %dma_start3A_600 = tpu.memref_slice %arg7[%dma_start3A_598, %dma_start3A_599] : memref<2x120xi32, #tpu.memory_space<vmem>> -> memref<1x120xi32, #tpu.memory_space<vmem>>
    %dma_start3A_601 = tpu.memref_squeeze %dma_start3A_600 : memref<1x120xi32, #tpu.memory_space<vmem>> -> memref<120xi32, #tpu.memory_space<vmem>>
    %dma_start3A_602 = arith.constant 0 : i32
    %dma_start3A_603 = arith.constant 0 : i32
    %dma_start3A_604 = tpu.memref_slice %arg14[%dma_start3A_602, %dma_start3A_603] : memref<10368x128xf32, #tpu.memory_space<vmem_shared>> -> memref<10368x128xf32, #tpu.memory_space<vmem_shared>>
    tpu.enqueue_indirect_dma source(%arg13 : memref<120x128xf32, #tpu.memory_space<vmem>>) target(%dma_start3A_604 : memref<10368x128xf32, #tpu.memory_space<vmem_shared>>) offsets(%dma_start3A_601 : memref<120xi32, #tpu.memory_space<vmem>>) semaphore(%arg26 : memref<!tpu.dma_semaphore, #tpu.memory_space<semaphore_mem>>) {add = true}
    %add3A_605 = arith.constant 3 : i32
    %add3A_606 = arith.addi %add3A_464, %add3A_605 : i32
    %dma_wait3A_607 = arith.constant 1 : i32
    %dma_wait3A_608 = arith.constant 0 : i32
    %dma_wait3A_609 = tpu.memref_slice %arg6[%dma_wait3A_607, %dma_wait3A_608] : memref<2x120xi32, #tpu.memory_space<vmem>> -> memref<1x120xi32, #tpu.memory_space<vmem>>
    %dma_wait3A_610 = tpu.memref_squeeze %dma_wait3A_609 : memref<1x120xi32, #tpu.memory_space<vmem>> -> memref<120xi32, #tpu.memory_space<vmem>>
    %dma_wait3A_611 = arith.constant 0 : i32
    %dma_wait3A_612 = arith.constant 0 : i32
    %dma_wait3A_613 = tpu.memref_slice %arg14[%dma_wait3A_611, %dma_wait3A_612] : memref<10368x128xf32, #tpu.memory_space<vmem_shared>> -> memref<10368x128xf32, #tpu.memory_space<vmem_shared>>
    tpu.wait_indirect_dma semaphore(%arg25 : memref<!tpu.dma_semaphore, #tpu.memory_space<semaphore_mem>>) src(%arg12 : memref<120x128xf32, #tpu.memory_space<vmem>>) dst(%dma_wait3A_613 : memref<10368x128xf32, #tpu.memory_space<vmem_shared>>)
    %add3A_614 = arith.constant 1 : i32
    %add3A_615 = arith.addi %add3A_606, %add3A_614 : i32
    %dma_wait3A_616 = arith.constant 0 : i32
    %dma_wait3A_617 = arith.constant 0 : i32
    %dma_wait3A_618 = tpu.memref_slice %arg3[%add3A_615, %dma_wait3A_616, %dma_wait3A_617] : memref<2688x2x120xi32, #tpu.memory_space<hbm>> -> memref<1x2x120xi32, #tpu.memory_space<hbm>>
    %dma_wait3A_619 = tpu.memref_squeeze %dma_wait3A_618 : memref<1x2x120xi32, #tpu.memory_space<hbm>> -> memref<2x120xi32, #tpu.memory_space<hbm>>
    %dma_wait3A_620 = arith.constant 0 : i32
    %dma_wait3A_621 = arith.constant 0 : i32
    %dma_wait3A_622 = tpu.memref_slice %arg3[%add3A_615, %dma_wait3A_620, %dma_wait3A_621] : memref<2688x2x120xi32, #tpu.memory_space<hbm>> -> memref<1x2x120xi32, #tpu.memory_space<hbm>>
    %dma_wait3A_623 = tpu.memref_squeeze %dma_wait3A_622 : memref<1x2x120xi32, #tpu.memory_space<hbm>> -> memref<2x120xi32, #tpu.memory_space<hbm>>
    tpu.wait_dma2 semaphore(%arg19 : memref<!tpu.dma_semaphore, #tpu.memory_space<semaphore_mem>>) src(%dma_wait3A_623 : memref<2x120xi32, #tpu.memory_space<hbm>>) dst(%arg9 : memref<2x120xi32, #tpu.memory_space<vmem>>)
    %dma_start3A_624 = arith.constant 0 : i32
    %dma_start3A_625 = arith.constant 0 : i32
    %dma_start3A_626 = tpu.memref_slice %arg9[%dma_start3A_624, %dma_start3A_625] : memref<2x120xi32, #tpu.memory_space<vmem>> -> memref<1x120xi32, #tpu.memory_space<vmem>>
    %dma_start3A_627 = tpu.memref_squeeze %dma_start3A_626 : memref<1x120xi32, #tpu.memory_space<vmem>> -> memref<120xi32, #tpu.memory_space<vmem>>
    %dma_start3A_628 = arith.constant 0 : i32
    %dma_start3A_629 = arith.constant 0 : i32
    %dma_start3A_630 = tpu.memref_slice %arg2[%dma_start3A_628, %dma_start3A_629] : memref<10368x128xf32, #tpu.memory_space<hbm>> -> memref<10368x128xf32, #tpu.memory_space<hbm>>
    tpu.enqueue_indirect_dma source(%dma_start3A_630 : memref<10368x128xf32, #tpu.memory_space<hbm>>) target(%arg12 : memref<120x128xf32, #tpu.memory_space<vmem>>) offsets(%dma_start3A_627 : memref<120xi32, #tpu.memory_space<vmem>>) semaphore(%arg22 : memref<!tpu.dma_semaphore, #tpu.memory_space<semaphore_mem>>)
    %dma_wait3A_631 = arith.constant 0 : i32
    %dma_wait3A_632 = arith.constant 0 : i32
    %dma_wait3A_633 = tpu.memref_slice %arg8[%dma_wait3A_631, %dma_wait3A_632] : memref<2x120xi32, #tpu.memory_space<vmem>> -> memref<1x120xi32, #tpu.memory_space<vmem>>
    %dma_wait3A_634 = tpu.memref_squeeze %dma_wait3A_633 : memref<1x120xi32, #tpu.memory_space<vmem>> -> memref<120xi32, #tpu.memory_space<vmem>>
    %dma_wait3A_635 = arith.constant 0 : i32
    %dma_wait3A_636 = arith.constant 0 : i32
    %dma_wait3A_637 = tpu.memref_slice %arg2[%dma_wait3A_635, %dma_wait3A_636] : memref<10368x128xf32, #tpu.memory_space<hbm>> -> memref<10368x128xf32, #tpu.memory_space<hbm>>
    tpu.wait_indirect_dma semaphore(%arg21 : memref<!tpu.dma_semaphore, #tpu.memory_space<semaphore_mem>>) src(%dma_wait3A_637 : memref<10368x128xf32, #tpu.memory_space<hbm>>) dst(%arg11 : memref<120x128xf32, #tpu.memory_space<vmem>>)
    %dma_start3A_638 = arith.constant 1 : i32
    %dma_start3A_639 = arith.constant 0 : i32
    %dma_start3A_640 = tpu.memref_slice %arg8[%dma_start3A_638, %dma_start3A_639] : memref<2x120xi32, #tpu.memory_space<vmem>> -> memref<1x120xi32, #tpu.memory_space<vmem>>
    %dma_start3A_641 = tpu.memref_squeeze %dma_start3A_640 : memref<1x120xi32, #tpu.memory_space<vmem>> -> memref<120xi32, #tpu.memory_space<vmem>>
    %dma_start3A_642 = arith.constant 0 : i32
    %dma_start3A_643 = arith.constant 0 : i32
    %dma_start3A_644 = tpu.memref_slice %arg14[%dma_start3A_642, %dma_start3A_643] : memref<10368x128xf32, #tpu.memory_space<vmem_shared>> -> memref<10368x128xf32, #tpu.memory_space<vmem_shared>>
    tpu.enqueue_indirect_dma source(%arg11 : memref<120x128xf32, #tpu.memory_space<vmem>>) target(%dma_start3A_644 : memref<10368x128xf32, #tpu.memory_space<vmem_shared>>) offsets(%dma_start3A_641 : memref<120xi32, #tpu.memory_space<vmem>>) semaphore(%arg24 : memref<!tpu.dma_semaphore, #tpu.memory_space<semaphore_mem>>) {add = true}
    %add3A_645 = arith.constant 4 : i32
    %add3A_646 = arith.addi %add3A_464, %add3A_645 : i32
    %dma_wait3A_647 = arith.constant 1 : i32
    %dma_wait3A_648 = arith.constant 0 : i32
    %dma_wait3A_649 = tpu.memref_slice %arg7[%dma_wait3A_647, %dma_wait3A_648] : memref<2x120xi32, #tpu.memory_space<vmem>> -> memref<1x120xi32, #tpu.memory_space<vmem>>
    %dma_wait3A_650 = tpu.memref_squeeze %dma_wait3A_649 : memref<1x120xi32, #tpu.memory_space<vmem>> -> memref<120xi32, #tpu.memory_space<vmem>>
    %dma_wait3A_651 = arith.constant 0 : i32
    %dma_wait3A_652 = arith.constant 0 : i32
    %dma_wait3A_653 = tpu.memref_slice %arg14[%dma_wait3A_651, %dma_wait3A_652] : memref<10368x128xf32, #tpu.memory_space<vmem_shared>> -> memref<10368x128xf32, #tpu.memory_space<vmem_shared>>
    tpu.wait_indirect_dma semaphore(%arg26 : memref<!tpu.dma_semaphore, #tpu.memory_space<semaphore_mem>>) src(%arg13 : memref<120x128xf32, #tpu.memory_space<vmem>>) dst(%dma_wait3A_653 : memref<10368x128xf32, #tpu.memory_space<vmem_shared>>)
    %add3A_654 = arith.constant 1 : i32
    %add3A_655 = arith.addi %add3A_646, %add3A_654 : i32
    %dma_wait3A_656 = arith.constant 0 : i32
    %dma_wait3A_657 = arith.constant 0 : i32
    %dma_wait3A_658 = tpu.memref_slice %arg3[%add3A_655, %dma_wait3A_656, %dma_wait3A_657] : memref<2688x2x120xi32, #tpu.memory_space<hbm>> -> memref<1x2x120xi32, #tpu.memory_space<hbm>>
    %dma_wait3A_659 = tpu.memref_squeeze %dma_wait3A_658 : memref<1x2x120xi32, #tpu.memory_space<hbm>> -> memref<2x120xi32, #tpu.memory_space<hbm>>
    %dma_wait3A_660 = arith.constant 0 : i32
    %dma_wait3A_661 = arith.constant 0 : i32
    %dma_wait3A_662 = tpu.memref_slice %arg3[%add3A_655, %dma_wait3A_660, %dma_wait3A_661] : memref<2688x2x120xi32, #tpu.memory_space<hbm>> -> memref<1x2x120xi32, #tpu.memory_space<hbm>>
    %dma_wait3A_663 = tpu.memref_squeeze %dma_wait3A_662 : memref<1x2x120xi32, #tpu.memory_space<hbm>> -> memref<2x120xi32, #tpu.memory_space<hbm>>
    tpu.wait_dma2 semaphore(%arg20 : memref<!tpu.dma_semaphore, #tpu.memory_space<semaphore_mem>>) src(%dma_wait3A_663 : memref<2x120xi32, #tpu.memory_space<hbm>>) dst(%arg10 : memref<2x120xi32, #tpu.memory_space<vmem>>)
    %dma_start3A_664 = arith.constant 0 : i32
    %dma_start3A_665 = arith.constant 0 : i32
    %dma_start3A_666 = tpu.memref_slice %arg10[%dma_start3A_664, %dma_start3A_665] : memref<2x120xi32, #tpu.memory_space<vmem>> -> memref<1x120xi32, #tpu.memory_space<vmem>>
    %dma_start3A_667 = tpu.memref_squeeze %dma_start3A_666 : memref<1x120xi32, #tpu.memory_space<vmem>> -> memref<120xi32, #tpu.memory_space<vmem>>
    %dma_start3A_668 = arith.constant 0 : i32
    %dma_start3A_669 = arith.constant 0 : i32
    %dma_start3A_670 = tpu.memref_slice %arg2[%dma_start3A_668, %dma_start3A_669] : memref<10368x128xf32, #tpu.memory_space<hbm>> -> memref<10368x128xf32, #tpu.memory_space<hbm>>
    tpu.enqueue_indirect_dma source(%dma_start3A_670 : memref<10368x128xf32, #tpu.memory_space<hbm>>) target(%arg13 : memref<120x128xf32, #tpu.memory_space<vmem>>) offsets(%dma_start3A_667 : memref<120xi32, #tpu.memory_space<vmem>>) semaphore(%arg23 : memref<!tpu.dma_semaphore, #tpu.memory_space<semaphore_mem>>)
    %dma_wait3A_671 = arith.constant 0 : i32
    %dma_wait3A_672 = arith.constant 0 : i32
    %dma_wait3A_673 = tpu.memref_slice %arg9[%dma_wait3A_671, %dma_wait3A_672] : memref<2x120xi32, #tpu.memory_space<vmem>> -> memref<1x120xi32, #tpu.memory_space<vmem>>
    %dma_wait3A_674 = tpu.memref_squeeze %dma_wait3A_673 : memref<1x120xi32, #tpu.memory_space<vmem>> -> memref<120xi32, #tpu.memory_space<vmem>>
    %dma_wait3A_675 = arith.constant 0 : i32
    %dma_wait3A_676 = arith.constant 0 : i32
    %dma_wait3A_677 = tpu.memref_slice %arg2[%dma_wait3A_675, %dma_wait3A_676] : memref<10368x128xf32, #tpu.memory_space<hbm>> -> memref<10368x128xf32, #tpu.memory_space<hbm>>
    tpu.wait_indirect_dma semaphore(%arg22 : memref<!tpu.dma_semaphore, #tpu.memory_space<semaphore_mem>>) src(%dma_wait3A_677 : memref<10368x128xf32, #tpu.memory_space<hbm>>) dst(%arg12 : memref<120x128xf32, #tpu.memory_space<vmem>>)
    %dma_start3A_678 = arith.constant 1 : i32
    %dma_start3A_679 = arith.constant 0 : i32
    %dma_start3A_680 = tpu.memref_slice %arg9[%dma_start3A_678, %dma_start3A_679] : memref<2x120xi32, #tpu.memory_space<vmem>> -> memref<1x120xi32, #tpu.memory_space<vmem>>
    %dma_start3A_681 = tpu.memref_squeeze %dma_start3A_680 : memref<1x120xi32, #tpu.memory_space<vmem>> -> memref<120xi32, #tpu.memory_space<vmem>>
    %dma_start3A_682 = arith.constant 0 : i32
    %dma_start3A_683 = arith.constant 0 : i32
    %dma_start3A_684 = tpu.memref_slice %arg14[%dma_start3A_682, %dma_start3A_683] : memref<10368x128xf32, #tpu.memory_space<vmem_shared>> -> memref<10368x128xf32, #tpu.memory_space<vmem_shared>>
    tpu.enqueue_indirect_dma source(%arg12 : memref<120x128xf32, #tpu.memory_space<vmem>>) target(%dma_start3A_684 : memref<10368x128xf32, #tpu.memory_space<vmem_shared>>) offsets(%dma_start3A_681 : memref<120xi32, #tpu.memory_space<vmem>>) semaphore(%arg25 : memref<!tpu.dma_semaphore, #tpu.memory_space<semaphore_mem>>) {add = true}
    %add3A_685 = arith.constant 5 : i32
    %add3A_686 = arith.addi %add3A_464, %add3A_685 : i32
    %dma_wait3A_687 = arith.constant 1 : i32
    %dma_wait3A_688 = arith.constant 0 : i32
    %dma_wait3A_689 = tpu.memref_slice %arg8[%dma_wait3A_687, %dma_wait3A_688] : memref<2x120xi32, #tpu.memory_space<vmem>> -> memref<1x120xi32, #tpu.memory_space<vmem>>
    %dma_wait3A_690 = tpu.memref_squeeze %dma_wait3A_689 : memref<1x120xi32, #tpu.memory_space<vmem>> -> memref<120xi32, #tpu.memory_space<vmem>>
    %dma_wait3A_691 = arith.constant 0 : i32
    %dma_wait3A_692 = arith.constant 0 : i32
    %dma_wait3A_693 = tpu.memref_slice %arg14[%dma_wait3A_691, %dma_wait3A_692] : memref<10368x128xf32, #tpu.memory_space<vmem_shared>> -> memref<10368x128xf32, #tpu.memory_space<vmem_shared>>
    tpu.wait_indirect_dma semaphore(%arg24 : memref<!tpu.dma_semaphore, #tpu.memory_space<semaphore_mem>>) src(%arg11 : memref<120x128xf32, #tpu.memory_space<vmem>>) dst(%dma_wait3A_693 : memref<10368x128xf32, #tpu.memory_space<vmem_shared>>)
    %dma_wait3A_694 = arith.constant 0 : i32
    %dma_wait3A_695 = arith.constant 0 : i32
    %dma_wait3A_696 = tpu.memref_slice %arg10[%dma_wait3A_694, %dma_wait3A_695] : memref<2x120xi32, #tpu.memory_space<vmem>> -> memref<1x120xi32, #tpu.memory_space<vmem>>
    %dma_wait3A_697 = tpu.memref_squeeze %dma_wait3A_696 : memref<1x120xi32, #tpu.memory_space<vmem>> -> memref<120xi32, #tpu.memory_space<vmem>>
    %dma_wait3A_698 = arith.constant 0 : i32
    %dma_wait3A_699 = arith.constant 0 : i32
    %dma_wait3A_700 = tpu.memref_slice %arg2[%dma_wait3A_698, %dma_wait3A_699] : memref<10368x128xf32, #tpu.memory_space<hbm>> -> memref<10368x128xf32, #tpu.memory_space<hbm>>
    tpu.wait_indirect_dma semaphore(%arg23 : memref<!tpu.dma_semaphore, #tpu.memory_space<semaphore_mem>>) src(%dma_wait3A_700 : memref<10368x128xf32, #tpu.memory_space<hbm>>) dst(%arg13 : memref<120x128xf32, #tpu.memory_space<vmem>>)
    %dma_start3A_701 = arith.constant 1 : i32
    %dma_start3A_702 = arith.constant 0 : i32
    %dma_start3A_703 = tpu.memref_slice %arg10[%dma_start3A_701, %dma_start3A_702] : memref<2x120xi32, #tpu.memory_space<vmem>> -> memref<1x120xi32, #tpu.memory_space<vmem>>
    %dma_start3A_704 = tpu.memref_squeeze %dma_start3A_703 : memref<1x120xi32, #tpu.memory_space<vmem>> -> memref<120xi32, #tpu.memory_space<vmem>>
    %dma_start3A_705 = arith.constant 0 : i32
    %dma_start3A_706 = arith.constant 0 : i32
    %dma_start3A_707 = tpu.memref_slice %arg14[%dma_start3A_705, %dma_start3A_706] : memref<10368x128xf32, #tpu.memory_space<vmem_shared>> -> memref<10368x128xf32, #tpu.memory_space<vmem_shared>>
    tpu.enqueue_indirect_dma source(%arg13 : memref<120x128xf32, #tpu.memory_space<vmem>>) target(%dma_start3A_707 : memref<10368x128xf32, #tpu.memory_space<vmem_shared>>) offsets(%dma_start3A_704 : memref<120xi32, #tpu.memory_space<vmem>>) semaphore(%arg26 : memref<!tpu.dma_semaphore, #tpu.memory_space<semaphore_mem>>) {add = true}
    %dma_wait3A_708 = arith.constant 1 : i32
    %dma_wait3A_709 = arith.constant 0 : i32
    %dma_wait3A_710 = tpu.memref_slice %arg9[%dma_wait3A_708, %dma_wait3A_709] : memref<2x120xi32, #tpu.memory_space<vmem>> -> memref<1x120xi32, #tpu.memory_space<vmem>>
    %dma_wait3A_711 = tpu.memref_squeeze %dma_wait3A_710 : memref<1x120xi32, #tpu.memory_space<vmem>> -> memref<120xi32, #tpu.memory_space<vmem>>
    %dma_wait3A_712 = arith.constant 0 : i32
    %dma_wait3A_713 = arith.constant 0 : i32
    %dma_wait3A_714 = tpu.memref_slice %arg14[%dma_wait3A_712, %dma_wait3A_713] : memref<10368x128xf32, #tpu.memory_space<vmem_shared>> -> memref<10368x128xf32, #tpu.memory_space<vmem_shared>>
    tpu.wait_indirect_dma semaphore(%arg25 : memref<!tpu.dma_semaphore, #tpu.memory_space<semaphore_mem>>) src(%arg12 : memref<120x128xf32, #tpu.memory_space<vmem>>) dst(%dma_wait3A_714 : memref<10368x128xf32, #tpu.memory_space<vmem_shared>>)
    %dma_wait3A_715 = arith.constant 1 : i32
    %dma_wait3A_716 = arith.constant 0 : i32
    %dma_wait3A_717 = tpu.memref_slice %arg10[%dma_wait3A_715, %dma_wait3A_716] : memref<2x120xi32, #tpu.memory_space<vmem>> -> memref<1x120xi32, #tpu.memory_space<vmem>>
    %dma_wait3A_718 = tpu.memref_squeeze %dma_wait3A_717 : memref<1x120xi32, #tpu.memory_space<vmem>> -> memref<120xi32, #tpu.memory_space<vmem>>
    %dma_wait3A_719 = arith.constant 0 : i32
    %dma_wait3A_720 = arith.constant 0 : i32
    %dma_wait3A_721 = tpu.memref_slice %arg14[%dma_wait3A_719, %dma_wait3A_720] : memref<10368x128xf32, #tpu.memory_space<vmem_shared>> -> memref<10368x128xf32, #tpu.memory_space<vmem_shared>>
    tpu.wait_indirect_dma semaphore(%arg26 : memref<!tpu.dma_semaphore, #tpu.memory_space<semaphore_mem>>) src(%arg13 : memref<120x128xf32, #tpu.memory_space<vmem>>) dst(%dma_wait3A_721 : memref<10368x128xf32, #tpu.memory_space<vmem_shared>>)
    %barrier3A_722 = arith.constant 0 : index
    tpu.barrier barrier_id(%barrier3A_722)
    %mul3A_723 = arith.constant 648 : i32
    %mul3A_724 = arith.muli %arg1, %mul3A_723 : i32
    %mul3A_725 = arith.constant 10368 : i32
    %mul3A_726 = arith.muli %arg0, %mul3A_725 : i32
    %mul3A_727 = arith.constant 648 : i32
    %mul3A_728 = arith.muli %arg1, %mul3A_727 : i32
    %add3A_729 = arith.addi %mul3A_726, %mul3A_728 : i32
    "tpu.region"() ({
      %run_scoped3A = tpu.sem_alloc : memref<!tpu.dma_semaphore, #tpu.memory_space<semaphore_mem>>
      %dma_start3A_730 = arith.constant 0 : i32
      %dma_start3A_731 = tpu.memref_slice %arg4[%add3A_729, %dma_start3A_730] : memref<20736x128xf32, #tpu.memory_space<hbm>> -> memref<648x128xf32, #tpu.memory_space<hbm>>
      %dma_start3A_732 = arith.constant 0 : i32
      %dma_start3A_733 = tpu.memref_slice %arg14[%mul3A_724, %dma_start3A_732] : memref<10368x128xf32, #tpu.memory_space<vmem_shared>> -> memref<648x128xf32, #tpu.memory_space<vmem_shared>>
      tpu.enqueue_dma source(%dma_start3A_733 : memref<648x128xf32, #tpu.memory_space<vmem_shared>>) target(%dma_start3A_731 : memref<648x128xf32, #tpu.memory_space<hbm>>) target_semaphore(%run_scoped3A : memref<!tpu.dma_semaphore, #tpu.memory_space<semaphore_mem>>)
      %dma_wait3A_734 = arith.constant 0 : i32
      %dma_wait3A_735 = tpu.memref_slice %arg4[%add3A_729, %dma_wait3A_734] : memref<20736x128xf32, #tpu.memory_space<hbm>> -> memref<648x128xf32, #tpu.memory_space<hbm>>
      %dma_wait3A_736 = arith.constant 0 : i32
      %dma_wait3A_737 = tpu.memref_slice %arg14[%mul3A_724, %dma_wait3A_736] : memref<10368x128xf32, #tpu.memory_space<vmem_shared>> -> memref<648x128xf32, #tpu.memory_space<vmem_shared>>
      tpu.wait_dma2 semaphore(%run_scoped3A : memref<!tpu.dma_semaphore, #tpu.memory_space<semaphore_mem>>) src(%dma_wait3A_737 : memref<648x128xf32, #tpu.memory_space<vmem_shared>>) dst(%dma_wait3A_735 : memref<648x128xf32, #tpu.memory_space<hbm>>)
      tpu.yield
    }) : () -> ()
    return
  }
}

#map = affine_map<(d0, d1) -> (0, 0)>
#map1 = affine_map<(d0, d1) -> (0, 0, 0)>
module attributes {stable_mosaic.version = 14 : i64} {
  func.func @spmm(%arg0: i32, %arg1: i32, %arg2: memref<10368x128xf32, #tpu.memory_space<hbm>>, %arg3: memref<2688x2x120xi32, #tpu.memory_space<hbm>>, %arg4: memref<20736x128xf32, #tpu.memory_space<hbm>>, %arg5: memref<2x120xi32, #tpu.memory_space<vmem>>, %arg6: memref<2x120xi32, #tpu.memory_space<vmem>>, %arg7: memref<2x120xi32, #tpu.memory_space<vmem>>, %arg8: memref<2x120xi32, #tpu.memory_space<vmem>>, %arg9: memref<2x120xi32, #tpu.memory_space<vmem>>, %arg10: memref<2x120xi32, #tpu.memory_space<vmem>>, %arg11: memref<120x128xf32, #tpu.memory_space<vmem>>, %arg12: memref<120x128xf32, #tpu.memory_space<vmem>>, %arg13: memref<120x128xf32, #tpu.memory_space<vmem>>, %arg14: memref<10368x128xf32, #tpu.memory_space<vmem_shared>>, %arg15: memref<!tpu.dma_semaphore, #tpu.memory_space<semaphore_mem>>, %arg16: memref<!tpu.dma_semaphore, #tpu.memory_space<semaphore_mem>>, %arg17: memref<!tpu.dma_semaphore, #tpu.memory_space<semaphore_mem>>, %arg18: memref<!tpu.dma_semaphore, #tpu.memory_space<semaphore_mem>>, %arg19: memref<!tpu.dma_semaphore, #tpu.memory_space<semaphore_mem>>, %arg20: memref<!tpu.dma_semaphore, #tpu.memory_space<semaphore_mem>>, %arg21: memref<!tpu.dma_semaphore, #tpu.memory_space<semaphore_mem>>, %arg22: memref<!tpu.dma_semaphore, #tpu.memory_space<semaphore_mem>>, %arg23: memref<!tpu.dma_semaphore, #tpu.memory_space<semaphore_mem>>, %arg24: memref<!tpu.dma_semaphore, #tpu.memory_space<semaphore_mem>>, %arg25: memref<!tpu.dma_semaphore, #tpu.memory_space<semaphore_mem>>, %arg26: memref<!tpu.dma_semaphore, #tpu.memory_space<semaphore_mem>>, %arg27: memref<!tpu.dma_semaphore, #tpu.memory_space<semaphore_mem>>) attributes {dimension_semantics = [#tpu.dimension_semantics<core_parallel>, #tpu.dimension_semantics<subcore_parallel>], iteration_bounds = array<i64: 2, 16>, scalar_prefetch = 0 : i64, scratch_operands = 23 : i64, tpu.core_type = #tpu.core_type<sc_vector_subcore>, window_params = [{transform_indices = #map}, {transform_indices = #map1}, {transform_indices = #map}]} {
    %mul3A = arith.constant 2 : i32
    %mul3A_0 = arith.muli %arg1, %mul3A : i32
    %add3A = arith.addi %mul3A_0, %arg0 : i32
    %mul3A_1 = arith.constant 84 : i32
    %mul3A_2 = arith.muli %add3A, %mul3A_1 : i32
    %add3A_3 = arith.constant 0 : i32
    %add3A_4 = arith.addi %mul3A_2, %add3A_3 : i32
    %dma_start3A = arith.constant 0 : i32
    %dma_start3A_5 = arith.constant 0 : i32
    %dma_start3A_6 = tpu.memref_slice %arg3[%add3A_4, %dma_start3A, %dma_start3A_5] : memref<2688x2x120xi32, #tpu.memory_space<hbm>> -> memref<1x2x120xi32, #tpu.memory_space<hbm>>
    %dma_start3A_7 = tpu.memref_squeeze %dma_start3A_6 : memref<1x2x120xi32, #tpu.memory_space<hbm>> -> memref<2x120xi32, #tpu.memory_space<hbm>>
    %dma_start3A_8 = arith.constant 0 : i32
    %dma_start3A_9 = arith.constant 0 : i32
    %dma_start3A_10 = tpu.memref_slice %arg3[%add3A_4, %dma_start3A_8, %dma_start3A_9] : memref<2688x2x120xi32, #tpu.memory_space<hbm>> -> memref<1x2x120xi32, #tpu.memory_space<hbm>>
    %dma_start3A_11 = tpu.memref_squeeze %dma_start3A_10 : memref<1x2x120xi32, #tpu.memory_space<hbm>> -> memref<2x120xi32, #tpu.memory_space<hbm>>
    tpu.enqueue_dma source(%dma_start3A_11 : memref<2x120xi32, #tpu.memory_space<hbm>>) target(%arg5 : memref<2x120xi32, #tpu.memory_space<vmem>>) target_semaphore(%arg15 : memref<!tpu.dma_semaphore, #tpu.memory_space<semaphore_mem>>)
    %add3A_12 = arith.constant 1 : i32
    %add3A_13 = arith.addi %mul3A_2, %add3A_12 : i32
    %dma_start3A_14 = arith.constant 0 : i32
    %dma_start3A_15 = arith.constant 0 : i32
    %dma_start3A_16 = tpu.memref_slice %arg3[%add3A_13, %dma_start3A_14, %dma_start3A_15] : memref<2688x2x120xi32, #tpu.memory_space<hbm>> -> memref<1x2x120xi32, #tpu.memory_space<hbm>>
    %dma_start3A_17 = tpu.memref_squeeze %dma_start3A_16 : memref<1x2x120xi32, #tpu.memory_space<hbm>> -> memref<2x120xi32, #tpu.memory_space<hbm>>
    %dma_start3A_18 = arith.constant 0 : i32
    %dma_start3A_19 = arith.constant 0 : i32
    %dma_start3A_20 = tpu.memref_slice %arg3[%add3A_13, %dma_start3A_18, %dma_start3A_19] : memref<2688x2x120xi32, #tpu.memory_space<hbm>> -> memref<1x2x120xi32, #tpu.memory_space<hbm>>
    %dma_start3A_21 = tpu.memref_squeeze %dma_start3A_20 : memref<1x2x120xi32, #tpu.memory_space<hbm>> -> memref<2x120xi32, #tpu.memory_space<hbm>>
    tpu.enqueue_dma source(%dma_start3A_21 : memref<2x120xi32, #tpu.memory_space<hbm>>) target(%arg6 : memref<2x120xi32, #tpu.memory_space<vmem>>) target_semaphore(%arg16 : memref<!tpu.dma_semaphore, #tpu.memory_space<semaphore_mem>>)
    %add3A_22 = arith.constant 2 : i32
    %add3A_23 = arith.addi %mul3A_2, %add3A_22 : i32
    %dma_start3A_24 = arith.constant 0 : i32
    %dma_start3A_25 = arith.constant 0 : i32
    %dma_start3A_26 = tpu.memref_slice %arg3[%add3A_23, %dma_start3A_24, %dma_start3A_25] : memref<2688x2x120xi32, #tpu.memory_space<hbm>> -> memref<1x2x120xi32, #tpu.memory_space<hbm>>
    %dma_start3A_27 = tpu.memref_squeeze %dma_start3A_26 : memref<1x2x120xi32, #tpu.memory_space<hbm>> -> memref<2x120xi32, #tpu.memory_space<hbm>>
    %dma_start3A_28 = arith.constant 0 : i32
    %dma_start3A_29 = arith.constant 0 : i32
    %dma_start3A_30 = tpu.memref_slice %arg3[%add3A_23, %dma_start3A_28, %dma_start3A_29] : memref<2688x2x120xi32, #tpu.memory_space<hbm>> -> memref<1x2x120xi32, #tpu.memory_space<hbm>>
    %dma_start3A_31 = tpu.memref_squeeze %dma_start3A_30 : memref<1x2x120xi32, #tpu.memory_space<hbm>> -> memref<2x120xi32, #tpu.memory_space<hbm>>
    tpu.enqueue_dma source(%dma_start3A_31 : memref<2x120xi32, #tpu.memory_space<hbm>>) target(%arg7 : memref<2x120xi32, #tpu.memory_space<vmem>>) target_semaphore(%arg17 : memref<!tpu.dma_semaphore, #tpu.memory_space<semaphore_mem>>)
    %add3A_32 = arith.constant 3 : i32
    %add3A_33 = arith.addi %mul3A_2, %add3A_32 : i32
    %dma_start3A_34 = arith.constant 0 : i32
    %dma_start3A_35 = arith.constant 0 : i32
    %dma_start3A_36 = tpu.memref_slice %arg3[%add3A_33, %dma_start3A_34, %dma_start3A_35] : memref<2688x2x120xi32, #tpu.memory_space<hbm>> -> memref<1x2x120xi32, #tpu.memory_space<hbm>>
    %dma_start3A_37 = tpu.memref_squeeze %dma_start3A_36 : memref<1x2x120xi32, #tpu.memory_space<hbm>> -> memref<2x120xi32, #tpu.memory_space<hbm>>
    %dma_start3A_38 = arith.constant 0 : i32
    %dma_start3A_39 = arith.constant 0 : i32
    %dma_start3A_40 = tpu.memref_slice %arg3[%add3A_33, %dma_start3A_38, %dma_start3A_39] : memref<2688x2x120xi32, #tpu.memory_space<hbm>> -> memref<1x2x120xi32, #tpu.memory_space<hbm>>
    %dma_start3A_41 = tpu.memref_squeeze %dma_start3A_40 : memref<1x2x120xi32, #tpu.memory_space<hbm>> -> memref<2x120xi32, #tpu.memory_space<hbm>>
    tpu.enqueue_dma source(%dma_start3A_41 : memref<2x120xi32, #tpu.memory_space<hbm>>) target(%arg8 : memref<2x120xi32, #tpu.memory_space<vmem>>) target_semaphore(%arg18 : memref<!tpu.dma_semaphore, #tpu.memory_space<semaphore_mem>>)
    %add3A_42 = arith.constant 0 : i32
    %add3A_43 = arith.addi %mul3A_2, %add3A_42 : i32
    %dma_wait3A = arith.constant 0 : i32
    %dma_wait3A_44 = arith.constant 0 : i32
    %dma_wait3A_45 = tpu.memref_slice %arg3[%add3A_43, %dma_wait3A, %dma_wait3A_44] : memref<2688x2x120xi32, #tpu.memory_space<hbm>> -> memref<1x2x120xi32, #tpu.memory_space<hbm>>
    %dma_wait3A_46 = tpu.memref_squeeze %dma_wait3A_45 : memref<1x2x120xi32, #tpu.memory_space<hbm>> -> memref<2x120xi32, #tpu.memory_space<hbm>>
    %dma_wait3A_47 = arith.constant 0 : i32
    %dma_wait3A_48 = arith.constant 0 : i32
    %dma_wait3A_49 = tpu.memref_slice %arg3[%add3A_43, %dma_wait3A_47, %dma_wait3A_48] : memref<2688x2x120xi32, #tpu.memory_space<hbm>> -> memref<1x2x120xi32, #tpu.memory_space<hbm>>
    %dma_wait3A_50 = tpu.memref_squeeze %dma_wait3A_49 : memref<1x2x120xi32, #tpu.memory_space<hbm>> -> memref<2x120xi32, #tpu.memory_space<hbm>>
    tpu.wait_dma2 semaphore(%arg15 : memref<!tpu.dma_semaphore, #tpu.memory_space<semaphore_mem>>) src(%dma_wait3A_50 : memref<2x120xi32, #tpu.memory_space<hbm>>) dst(%arg5 : memref<2x120xi32, #tpu.memory_space<vmem>>)
    %dma_start3A_51 = arith.constant 0 : i32
    %dma_start3A_52 = arith.constant 0 : i32
    %dma_start3A_53 = tpu.memref_slice %arg5[%dma_start3A_51, %dma_start3A_52] : memref<2x120xi32, #tpu.memory_space<vmem>> -> memref<1x120xi32, #tpu.memory_space<vmem>>
    %dma_start3A_54 = tpu.memref_squeeze %dma_start3A_53 : memref<1x120xi32, #tpu.memory_space<vmem>> -> memref<120xi32, #tpu.memory_space<vmem>>
    %dma_start3A_55 = arith.constant 0 : i32
    %dma_start3A_56 = arith.constant 0 : i32
    %dma_start3A_57 = tpu.memref_slice %arg2[%dma_start3A_55, %dma_start3A_56] : memref<10368x128xf32, #tpu.memory_space<hbm>> -> memref<10368x128xf32, #tpu.memory_space<hbm>>
    tpu.enqueue_indirect_dma source(%dma_start3A_57 : memref<10368x128xf32, #tpu.memory_space<hbm>>) target(%arg11 : memref<120x128xf32, #tpu.memory_space<vmem>>) offsets(%dma_start3A_54 : memref<120xi32, #tpu.memory_space<vmem>>) semaphore(%arg21 : memref<!tpu.dma_semaphore, #tpu.memory_space<semaphore_mem>>)
    %scan3A = arith.constant 0 : i32
    %scan3A_58 = arith.constant 0 : i32
    %scan3A_59 = arith.constant 120 : i32
    %scan3A_60 = arith.addi %scan3A_58, %scan3A_59 : i32
    %scan3A_61 = arith.constant 1 : i32
    scf.for %scan3A_730 = %scan3A_58 to %scan3A_60 step %scan3A_61  : i32 {
      %broadcast_in_dim3A = arith.constant 0.000000e+00 : f32
      %broadcast_in_dim3A_731 = vector.broadcast %broadcast_in_dim3A : f32 to vector<16xf32>
      %swap3A = arith.index_cast %scan3A_730 : i32 to index
      %swap3A_732 = arith.constant 0 : index
      %swap3A_733 = tpu.vector_load %arg13[%swap3A, %swap3A_732] {strides = array<i32>} : memref<120x128xf32, #tpu.memory_space<vmem>>, vector<1x16xf32>,
      %swap3A_734 = vector.shape_cast %swap3A_733 : vector<1x16xf32> to vector<16xf32>
      %swap3A_735 = vector.shape_cast %broadcast_in_dim3A_731 : vector<16xf32> to vector<1x16xf32>
      tpu.vector_store %arg13[%swap3A, %swap3A_732], %swap3A_735 {strides = array<i32>} : memref<120x128xf32, #tpu.memory_space<vmem>>, vector<1x16xf32>,
      %broadcast_in_dim3A_736 = arith.constant 0.000000e+00 : f32
      %broadcast_in_dim3A_737 = vector.broadcast %broadcast_in_dim3A_736 : f32 to vector<16xf32>
      %swap3A_738 = arith.index_cast %scan3A_730 : i32 to index
      %swap3A_739 = arith.constant 16 : index
      %swap3A_740 = tpu.vector_load %arg13[%swap3A_738, %swap3A_739] {strides = array<i32>} : memref<120x128xf32, #tpu.memory_space<vmem>>, vector<1x16xf32>,
      %swap3A_741 = vector.shape_cast %swap3A_740 : vector<1x16xf32> to vector<16xf32>
      %swap3A_742 = vector.shape_cast %broadcast_in_dim3A_737 : vector<16xf32> to vector<1x16xf32>
      tpu.vector_store %arg13[%swap3A_738, %swap3A_739], %swap3A_742 {strides = array<i32>} : memref<120x128xf32, #tpu.memory_space<vmem>>, vector<1x16xf32>,
      %broadcast_in_dim3A_743 = arith.constant 0.000000e+00 : f32
      %broadcast_in_dim3A_744 = vector.broadcast %broadcast_in_dim3A_743 : f32 to vector<16xf32>
      %swap3A_745 = arith.index_cast %scan3A_730 : i32 to index
      %swap3A_746 = arith.constant 32 : index
      %swap3A_747 = tpu.vector_load %arg13[%swap3A_745, %swap3A_746] {strides = array<i32>} : memref<120x128xf32, #tpu.memory_space<vmem>>, vector<1x16xf32>,
      %swap3A_748 = vector.shape_cast %swap3A_747 : vector<1x16xf32> to vector<16xf32>
      %swap3A_749 = vector.shape_cast %broadcast_in_dim3A_744 : vector<16xf32> to vector<1x16xf32>
      tpu.vector_store %arg13[%swap3A_745, %swap3A_746], %swap3A_749 {strides = array<i32>} : memref<120x128xf32, #tpu.memory_space<vmem>>, vector<1x16xf32>,
      %broadcast_in_dim3A_750 = arith.constant 0.000000e+00 : f32
      %broadcast_in_dim3A_751 = vector.broadcast %broadcast_in_dim3A_750 : f32 to vector<16xf32>
      %swap3A_752 = arith.index_cast %scan3A_730 : i32 to index
      %swap3A_753 = arith.constant 48 : index
      %swap3A_754 = tpu.vector_load %arg13[%swap3A_752, %swap3A_753] {strides = array<i32>} : memref<120x128xf32, #tpu.memory_space<vmem>>, vector<1x16xf32>,
      %swap3A_755 = vector.shape_cast %swap3A_754 : vector<1x16xf32> to vector<16xf32>
      %swap3A_756 = vector.shape_cast %broadcast_in_dim3A_751 : vector<16xf32> to vector<1x16xf32>
      tpu.vector_store %arg13[%swap3A_752, %swap3A_753], %swap3A_756 {strides = array<i32>} : memref<120x128xf32, #tpu.memory_space<vmem>>, vector<1x16xf32>,
      %broadcast_in_dim3A_757 = arith.constant 0.000000e+00 : f32
      %broadcast_in_dim3A_758 = vector.broadcast %broadcast_in_dim3A_757 : f32 to vector<16xf32>
      %swap3A_759 = arith.index_cast %scan3A_730 : i32 to index
      %swap3A_760 = arith.constant 64 : index
      %swap3A_761 = tpu.vector_load %arg13[%swap3A_759, %swap3A_760] {strides = array<i32>} : memref<120x128xf32, #tpu.memory_space<vmem>>, vector<1x16xf32>,
      %swap3A_762 = vector.shape_cast %swap3A_761 : vector<1x16xf32> to vector<16xf32>
      %swap3A_763 = vector.shape_cast %broadcast_in_dim3A_758 : vector<16xf32> to vector<1x16xf32>
      tpu.vector_store %arg13[%swap3A_759, %swap3A_760], %swap3A_763 {strides = array<i32>} : memref<120x128xf32, #tpu.memory_space<vmem>>, vector<1x16xf32>,
      %broadcast_in_dim3A_764 = arith.constant 0.000000e+00 : f32
      %broadcast_in_dim3A_765 = vector.broadcast %broadcast_in_dim3A_764 : f32 to vector<16xf32>
      %swap3A_766 = arith.index_cast %scan3A_730 : i32 to index
      %swap3A_767 = arith.constant 80 : index
      %swap3A_768 = tpu.vector_load %arg13[%swap3A_766, %swap3A_767] {strides = array<i32>} : memref<120x128xf32, #tpu.memory_space<vmem>>, vector<1x16xf32>,
      %swap3A_769 = vector.shape_cast %swap3A_768 : vector<1x16xf32> to vector<16xf32>
      %swap3A_770 = vector.shape_cast %broadcast_in_dim3A_765 : vector<16xf32> to vector<1x16xf32>
      tpu.vector_store %arg13[%swap3A_766, %swap3A_767], %swap3A_770 {strides = array<i32>} : memref<120x128xf32, #tpu.memory_space<vmem>>, vector<1x16xf32>,
      %broadcast_in_dim3A_771 = arith.constant 0.000000e+00 : f32
      %broadcast_in_dim3A_772 = vector.broadcast %broadcast_in_dim3A_771 : f32 to vector<16xf32>
      %swap3A_773 = arith.index_cast %scan3A_730 : i32 to index
      %swap3A_774 = arith.constant 96 : index
      %swap3A_775 = tpu.vector_load %arg13[%swap3A_773, %swap3A_774] {strides = array<i32>} : memref<120x128xf32, #tpu.memory_space<vmem>>, vector<1x16xf32>,
      %swap3A_776 = vector.shape_cast %swap3A_775 : vector<1x16xf32> to vector<16xf32>
      %swap3A_777 = vector.shape_cast %broadcast_in_dim3A_772 : vector<16xf32> to vector<1x16xf32>
      tpu.vector_store %arg13[%swap3A_773, %swap3A_774], %swap3A_777 {strides = array<i32>} : memref<120x128xf32, #tpu.memory_space<vmem>>, vector<1x16xf32>,
      %broadcast_in_dim3A_778 = arith.constant 0.000000e+00 : f32
      %broadcast_in_dim3A_779 = vector.broadcast %broadcast_in_dim3A_778 : f32 to vector<16xf32>
      %swap3A_780 = arith.index_cast %scan3A_730 : i32 to index
      %swap3A_781 = arith.constant 112 : index
      %swap3A_782 = tpu.vector_load %arg13[%swap3A_780, %swap3A_781] {strides = array<i32>} : memref<120x128xf32, #tpu.memory_space<vmem>>, vector<1x16xf32>,
      %swap3A_783 = vector.shape_cast %swap3A_782 : vector<1x16xf32> to vector<16xf32>
      %swap3A_784 = vector.shape_cast %broadcast_in_dim3A_779 : vector<16xf32> to vector<1x16xf32>
      tpu.vector_store %arg13[%swap3A_780, %swap3A_781], %swap3A_784 {strides = array<i32>} : memref<120x128xf32, #tpu.memory_space<vmem>>, vector<1x16xf32>,
    }
    %scan3A_62 = arith.constant 120 : i32
    %mul3A_63 = arith.constant 648 : i32
    %mul3A_64 = arith.muli %arg1, %mul3A_63 : i32
    %add3A_65 = arith.constant 0 : i32
    %add3A_66 = arith.addi %mul3A_64, %add3A_65 : i32
    %dma_start3A_67 = arith.constant 0 : i32
    %dma_start3A_68 = tpu.memref_slice %arg14[%add3A_66, %dma_start3A_67] : memref<10368x128xf32, #tpu.memory_space<vmem_shared>> -> memref<120x128xf32, #tpu.memory_space<vmem_shared>>
    %dma_start3A_69 = arith.constant 0 : i32
    %dma_start3A_70 = tpu.memref_slice %arg14[%add3A_66, %dma_start3A_69] : memref<10368x128xf32, #tpu.memory_space<vmem_shared>> -> memref<120x128xf32, #tpu.memory_space<vmem_shared>>
    tpu.enqueue_dma source(%arg13 : memref<120x128xf32, #tpu.memory_space<vmem>>) target(%dma_start3A_70 : memref<120x128xf32, #tpu.memory_space<vmem_shared>>) target_semaphore(%arg27 : memref<!tpu.dma_semaphore, #tpu.memory_space<semaphore_mem>>)
    %mul3A_71 = arith.constant 648 : i32
    %mul3A_72 = arith.muli %arg1, %mul3A_71 : i32
    %add3A_73 = arith.constant 120 : i32
    %add3A_74 = arith.addi %mul3A_72, %add3A_73 : i32
    %dma_start3A_75 = arith.constant 0 : i32
    %dma_start3A_76 = tpu.memref_slice %arg14[%add3A_74, %dma_start3A_75] : memref<10368x128xf32, #tpu.memory_space<vmem_shared>> -> memref<120x128xf32, #tpu.memory_space<vmem_shared>>
    %dma_start3A_77 = arith.constant 0 : i32
    %dma_start3A_78 = tpu.memref_slice %arg14[%add3A_74, %dma_start3A_77] : memref<10368x128xf32, #tpu.memory_space<vmem_shared>> -> memref<120x128xf32, #tpu.memory_space<vmem_shared>>
    tpu.enqueue_dma source(%arg13 : memref<120x128xf32, #tpu.memory_space<vmem>>) target(%dma_start3A_78 : memref<120x128xf32, #tpu.memory_space<vmem_shared>>) target_semaphore(%arg27 : memref<!tpu.dma_semaphore, #tpu.memory_space<semaphore_mem>>)
    %mul3A_79 = arith.constant 648 : i32
    %mul3A_80 = arith.muli %arg1, %mul3A_79 : i32
    %add3A_81 = arith.constant 240 : i32
    %add3A_82 = arith.addi %mul3A_80, %add3A_81 : i32
    %dma_start3A_83 = arith.constant 0 : i32
    %dma_start3A_84 = tpu.memref_slice %arg14[%add3A_82, %dma_start3A_83] : memref<10368x128xf32, #tpu.memory_space<vmem_shared>> -> memref<120x128xf32, #tpu.memory_space<vmem_shared>>
    %dma_start3A_85 = arith.constant 0 : i32
    %dma_start3A_86 = tpu.memref_slice %arg14[%add3A_82, %dma_start3A_85] : memref<10368x128xf32, #tpu.memory_space<vmem_shared>> -> memref<120x128xf32, #tpu.memory_space<vmem_shared>>
    tpu.enqueue_dma source(%arg13 : memref<120x128xf32, #tpu.memory_space<vmem>>) target(%dma_start3A_86 : memref<120x128xf32, #tpu.memory_space<vmem_shared>>) target_semaphore(%arg27 : memref<!tpu.dma_semaphore, #tpu.memory_space<semaphore_mem>>)
    %mul3A_87 = arith.constant 648 : i32
    %mul3A_88 = arith.muli %arg1, %mul3A_87 : i32
    %add3A_89 = arith.constant 360 : i32
    %add3A_90 = arith.addi %mul3A_88, %add3A_89 : i32
    %dma_start3A_91 = arith.constant 0 : i32
    %dma_start3A_92 = tpu.memref_slice %arg14[%add3A_90, %dma_start3A_91] : memref<10368x128xf32, #tpu.memory_space<vmem_shared>> -> memref<120x128xf32, #tpu.memory_space<vmem_shared>>
    %dma_start3A_93 = arith.constant 0 : i32
    %dma_start3A_94 = tpu.memref_slice %arg14[%add3A_90, %dma_start3A_93] : memref<10368x128xf32, #tpu.memory_space<vmem_shared>> -> memref<120x128xf32, #tpu.memory_space<vmem_shared>>
    tpu.enqueue_dma source(%arg13 : memref<120x128xf32, #tpu.memory_space<vmem>>) target(%dma_start3A_94 : memref<120x128xf32, #tpu.memory_space<vmem_shared>>) target_semaphore(%arg27 : memref<!tpu.dma_semaphore, #tpu.memory_space<semaphore_mem>>)
    %mul3A_95 = arith.constant 648 : i32
    %mul3A_96 = arith.muli %arg1, %mul3A_95 : i32
    %add3A_97 = arith.constant 480 : i32
    %add3A_98 = arith.addi %mul3A_96, %add3A_97 : i32
    %dma_start3A_99 = arith.constant 0 : i32
    %dma_start3A_100 = tpu.memref_slice %arg14[%add3A_98, %dma_start3A_99] : memref<10368x128xf32, #tpu.memory_space<vmem_shared>> -> memref<120x128xf32, #tpu.memory_space<vmem_shared>>
    %dma_start3A_101 = arith.constant 0 : i32
    %dma_start3A_102 = tpu.memref_slice %arg14[%add3A_98, %dma_start3A_101] : memref<10368x128xf32, #tpu.memory_space<vmem_shared>> -> memref<120x128xf32, #tpu.memory_space<vmem_shared>>
    tpu.enqueue_dma source(%arg13 : memref<120x128xf32, #tpu.memory_space<vmem>>) target(%dma_start3A_102 : memref<120x128xf32, #tpu.memory_space<vmem_shared>>) target_semaphore(%arg27 : memref<!tpu.dma_semaphore, #tpu.memory_space<semaphore_mem>>)
    %mul3A_103 = arith.constant 648 : i32
    %mul3A_104 = arith.muli %arg1, %mul3A_103 : i32
    %add3A_105 = arith.constant 600 : i32
    %add3A_106 = arith.addi %mul3A_104, %add3A_105 : i32
    %dma_start3A_107 = arith.constant 0 : i32
    %dma_start3A_108 = arith.constant 0 : i32
    %dma_start3A_109 = tpu.memref_slice %arg13[%dma_start3A_107, %dma_start3A_108] : memref<120x128xf32, #tpu.memory_space<vmem>> -> memref<48x128xf32, #tpu.memory_space<vmem>>
    %dma_start3A_110 = arith.constant 0 : i32
    %dma_start3A_111 = tpu.memref_slice %arg14[%add3A_106, %dma_start3A_110] : memref<10368x128xf32, #tpu.memory_space<vmem_shared>> -> memref<48x128xf32, #tpu.memory_space<vmem_shared>>
    %dma_start3A_112 = arith.constant 0 : i32
    %dma_start3A_113 = tpu.memref_slice %arg14[%add3A_106, %dma_start3A_112] : memref<10368x128xf32, #tpu.memory_space<vmem_shared>> -> memref<48x128xf32, #tpu.memory_space<vmem_shared>>
    %dma_start3A_114 = arith.constant 0 : i32
    %dma_start3A_115 = arith.constant 0 : i32
    %dma_start3A_116 = tpu.memref_slice %arg13[%dma_start3A_114, %dma_start3A_115] : memref<120x128xf32, #tpu.memory_space<vmem>> -> memref<48x128xf32, #tpu.memory_space<vmem>>
    tpu.enqueue_dma source(%dma_start3A_116 : memref<48x128xf32, #tpu.memory_space<vmem>>) target(%dma_start3A_113 : memref<48x128xf32, #tpu.memory_space<vmem_shared>>) target_semaphore(%arg27 : memref<!tpu.dma_semaphore, #tpu.memory_space<semaphore_mem>>)
    %mul3A_117 = arith.constant 648 : i32
    %mul3A_118 = arith.muli %arg1, %mul3A_117 : i32
    %add3A_119 = arith.constant 0 : i32
    %add3A_120 = arith.addi %mul3A_118, %add3A_119 : i32
    %dma_wait3A_121 = arith.constant 0 : i32
    %dma_wait3A_122 = tpu.memref_slice %arg14[%add3A_120, %dma_wait3A_121] : memref<10368x128xf32, #tpu.memory_space<vmem_shared>> -> memref<120x128xf32, #tpu.memory_space<vmem_shared>>
    %dma_wait3A_123 = arith.constant 0 : i32
    %dma_wait3A_124 = tpu.memref_slice %arg14[%add3A_120, %dma_wait3A_123] : memref<10368x128xf32, #tpu.memory_space<vmem_shared>> -> memref<120x128xf32, #tpu.memory_space<vmem_shared>>
    tpu.wait_dma2 semaphore(%arg27 : memref<!tpu.dma_semaphore, #tpu.memory_space<semaphore_mem>>) src(%arg13 : memref<120x128xf32, #tpu.memory_space<vmem>>) dst(%dma_wait3A_124 : memref<120x128xf32, #tpu.memory_space<vmem_shared>>)
    %mul3A_125 = arith.constant 648 : i32
    %mul3A_126 = arith.muli %arg1, %mul3A_125 : i32
    %add3A_127 = arith.constant 120 : i32
    %add3A_128 = arith.addi %mul3A_126, %add3A_127 : i32
    %dma_wait3A_129 = arith.constant 0 : i32
    %dma_wait3A_130 = tpu.memref_slice %arg14[%add3A_128, %dma_wait3A_129] : memref<10368x128xf32, #tpu.memory_space<vmem_shared>> -> memref<120x128xf32, #tpu.memory_space<vmem_shared>>
    %dma_wait3A_131 = arith.constant 0 : i32
    %dma_wait3A_132 = tpu.memref_slice %arg14[%add3A_128, %dma_wait3A_131] : memref<10368x128xf32, #tpu.memory_space<vmem_shared>> -> memref<120x128xf32, #tpu.memory_space<vmem_shared>>
    tpu.wait_dma2 semaphore(%arg27 : memref<!tpu.dma_semaphore, #tpu.memory_space<semaphore_mem>>) src(%arg13 : memref<120x128xf32, #tpu.memory_space<vmem>>) dst(%dma_wait3A_132 : memref<120x128xf32, #tpu.memory_space<vmem_shared>>)
    %mul3A_133 = arith.constant 648 : i32
    %mul3A_134 = arith.muli %arg1, %mul3A_133 : i32
    %add3A_135 = arith.constant 240 : i32
    %add3A_136 = arith.addi %mul3A_134, %add3A_135 : i32
    %dma_wait3A_137 = arith.constant 0 : i32
    %dma_wait3A_138 = tpu.memref_slice %arg14[%add3A_136, %dma_wait3A_137] : memref<10368x128xf32, #tpu.memory_space<vmem_shared>> -> memref<120x128xf32, #tpu.memory_space<vmem_shared>>
    %dma_wait3A_139 = arith.constant 0 : i32
    %dma_wait3A_140 = tpu.memref_slice %arg14[%add3A_136, %dma_wait3A_139] : memref<10368x128xf32, #tpu.memory_space<vmem_shared>> -> memref<120x128xf32, #tpu.memory_space<vmem_shared>>
    tpu.wait_dma2 semaphore(%arg27 : memref<!tpu.dma_semaphore, #tpu.memory_space<semaphore_mem>>) src(%arg13 : memref<120x128xf32, #tpu.memory_space<vmem>>) dst(%dma_wait3A_140 : memref<120x128xf32, #tpu.memory_space<vmem_shared>>)
    %mul3A_141 = arith.constant 648 : i32
    %mul3A_142 = arith.muli %arg1, %mul3A_141 : i32
    %add3A_143 = arith.constant 360 : i32
    %add3A_144 = arith.addi %mul3A_142, %add3A_143 : i32
    %dma_wait3A_145 = arith.constant 0 : i32
    %dma_wait3A_146 = tpu.memref_slice %arg14[%add3A_144, %dma_wait3A_145] : memref<10368x128xf32, #tpu.memory_space<vmem_shared>> -> memref<120x128xf32, #tpu.memory_space<vmem_shared>>
    %dma_wait3A_147 = arith.constant 0 : i32
    %dma_wait3A_148 = tpu.memref_slice %arg14[%add3A_144, %dma_wait3A_147] : memref<10368x128xf32, #tpu.memory_space<vmem_shared>> -> memref<120x128xf32, #tpu.memory_space<vmem_shared>>
    tpu.wait_dma2 semaphore(%arg27 : memref<!tpu.dma_semaphore, #tpu.memory_space<semaphore_mem>>) src(%arg13 : memref<120x128xf32, #tpu.memory_space<vmem>>) dst(%dma_wait3A_148 : memref<120x128xf32, #tpu.memory_space<vmem_shared>>)
    %mul3A_149 = arith.constant 648 : i32
    %mul3A_150 = arith.muli %arg1, %mul3A_149 : i32
    %add3A_151 = arith.constant 480 : i32
    %add3A_152 = arith.addi %mul3A_150, %add3A_151 : i32
    %dma_wait3A_153 = arith.constant 0 : i32
    %dma_wait3A_154 = tpu.memref_slice %arg14[%add3A_152, %dma_wait3A_153] : memref<10368x128xf32, #tpu.memory_space<vmem_shared>> -> memref<120x128xf32, #tpu.memory_space<vmem_shared>>
    %dma_wait3A_155 = arith.constant 0 : i32
    %dma_wait3A_156 = tpu.memref_slice %arg14[%add3A_152, %dma_wait3A_155] : memref<10368x128xf32, #tpu.memory_space<vmem_shared>> -> memref<120x128xf32, #tpu.memory_space<vmem_shared>>
    tpu.wait_dma2 semaphore(%arg27 : memref<!tpu.dma_semaphore, #tpu.memory_space<semaphore_mem>>) src(%arg13 : memref<120x128xf32, #tpu.memory_space<vmem>>) dst(%dma_wait3A_156 : memref<120x128xf32, #tpu.memory_space<vmem_shared>>)
    %mul3A_157 = arith.constant 648 : i32
    %mul3A_158 = arith.muli %arg1, %mul3A_157 : i32
    %add3A_159 = arith.constant 600 : i32
    %add3A_160 = arith.addi %mul3A_158, %add3A_159 : i32
    %dma_wait3A_161 = arith.constant 0 : i32
    %dma_wait3A_162 = arith.constant 0 : i32
    %dma_wait3A_163 = tpu.memref_slice %arg13[%dma_wait3A_161, %dma_wait3A_162] : memref<120x128xf32, #tpu.memory_space<vmem>> -> memref<48x128xf32, #tpu.memory_space<vmem>>
    %dma_wait3A_164 = arith.constant 0 : i32
    %dma_wait3A_165 = tpu.memref_slice %arg14[%add3A_160, %dma_wait3A_164] : memref<10368x128xf32, #tpu.memory_space<vmem_shared>> -> memref<48x128xf32, #tpu.memory_space<vmem_shared>>
    %dma_wait3A_166 = arith.constant 0 : i32
    %dma_wait3A_167 = tpu.memref_slice %arg14[%add3A_160, %dma_wait3A_166] : memref<10368x128xf32, #tpu.memory_space<vmem_shared>> -> memref<48x128xf32, #tpu.memory_space<vmem_shared>>
    %dma_wait3A_168 = arith.constant 0 : i32
    %dma_wait3A_169 = arith.constant 0 : i32
    %dma_wait3A_170 = tpu.memref_slice %arg13[%dma_wait3A_168, %dma_wait3A_169] : memref<120x128xf32, #tpu.memory_space<vmem>> -> memref<48x128xf32, #tpu.memory_space<vmem>>
    tpu.wait_dma2 semaphore(%arg27 : memref<!tpu.dma_semaphore, #tpu.memory_space<semaphore_mem>>) src(%dma_wait3A_170 : memref<48x128xf32, #tpu.memory_space<vmem>>) dst(%dma_wait3A_167 : memref<48x128xf32, #tpu.memory_space<vmem_shared>>)
    %barrier3A = arith.constant 0 : index
    tpu.barrier barrier_id(%barrier3A)
    %add3A_171 = arith.constant 0 : i32
    %add3A_172 = arith.addi %mul3A_2, %add3A_171 : i32
    %add3A_173 = arith.constant 4 : i32
    %add3A_174 = arith.addi %add3A_172, %add3A_173 : i32
    %dma_start3A_175 = arith.constant 0 : i32
    %dma_start3A_176 = arith.constant 0 : i32
    %dma_start3A_177 = tpu.memref_slice %arg3[%add3A_174, %dma_start3A_175, %dma_start3A_176] : memref<2688x2x120xi32, #tpu.memory_space<hbm>> -> memref<1x2x120xi32, #tpu.memory_space<hbm>>
    %dma_start3A_178 = tpu.memref_squeeze %dma_start3A_177 : memref<1x2x120xi32, #tpu.memory_space<hbm>> -> memref<2x120xi32, #tpu.memory_space<hbm>>
    %dma_start3A_179 = arith.constant 0 : i32
    %dma_start3A_180 = arith.constant 0 : i32
    %dma_start3A_181 = tpu.memref_slice %arg3[%add3A_174, %dma_start3A_179, %dma_start3A_180] : memref<2688x2x120xi32, #tpu.memory_space<hbm>> -> memref<1x2x120xi32, #tpu.memory_space<hbm>>
    %dma_start3A_182 = tpu.memref_squeeze %dma_start3A_181 : memref<1x2x120xi32, #tpu.memory_space<hbm>> -> memref<2x120xi32, #tpu.memory_space<hbm>>
    tpu.enqueue_dma source(%dma_start3A_182 : memref<2x120xi32, #tpu.memory_space<hbm>>) target(%arg9 : memref<2x120xi32, #tpu.memory_space<vmem>>) target_semaphore(%arg19 : memref<!tpu.dma_semaphore, #tpu.memory_space<semaphore_mem>>)
    %add3A_183 = arith.constant 1 : i32
    %add3A_184 = arith.addi %add3A_172, %add3A_183 : i32
    %dma_wait3A_185 = arith.constant 0 : i32
    %dma_wait3A_186 = arith.constant 0 : i32
    %dma_wait3A_187 = tpu.memref_slice %arg3[%add3A_184, %dma_wait3A_185, %dma_wait3A_186] : memref<2688x2x120xi32, #tpu.memory_space<hbm>> -> memref<1x2x120xi32, #tpu.memory_space<hbm>>
    %dma_wait3A_188 = tpu.memref_squeeze %dma_wait3A_187 : memref<1x2x120xi32, #tpu.memory_space<hbm>> -> memref<2x120xi32, #tpu.memory_space<hbm>>
    %dma_wait3A_189 = arith.constant 0 : i32
    %dma_wait3A_190 = arith.constant 0 : i32
    %dma_wait3A_191 = tpu.memref_slice %arg3[%add3A_184, %dma_wait3A_189, %dma_wait3A_190] : memref<2688x2x120xi32, #tpu.memory_space<hbm>> -> memref<1x2x120xi32, #tpu.memory_space<hbm>>
    %dma_wait3A_192 = tpu.memref_squeeze %dma_wait3A_191 : memref<1x2x120xi32, #tpu.memory_space<hbm>> -> memref<2x120xi32, #tpu.memory_space<hbm>>
    tpu.wait_dma2 semaphore(%arg16 : memref<!tpu.dma_semaphore, #tpu.memory_space<semaphore_mem>>) src(%dma_wait3A_192 : memref<2x120xi32, #tpu.memory_space<hbm>>) dst(%arg6 : memref<2x120xi32, #tpu.memory_space<vmem>>)
    %dma_start3A_193 = arith.constant 0 : i32
    %dma_start3A_194 = arith.constant 0 : i32
    %dma_start3A_195 = tpu.memref_slice %arg6[%dma_start3A_193, %dma_start3A_194] : memref<2x120xi32, #tpu.memory_space<vmem>> -> memref<1x120xi32, #tpu.memory_space<vmem>>
    %dma_start3A_196 = tpu.memref_squeeze %dma_start3A_195 : memref<1x120xi32, #tpu.memory_space<vmem>> -> memref<120xi32, #tpu.memory_space<vmem>>
    %dma_start3A_197 = arith.constant 0 : i32
    %dma_start3A_198 = arith.constant 0 : i32
    %dma_start3A_199 = tpu.memref_slice %arg2[%dma_start3A_197, %dma_start3A_198] : memref<10368x128xf32, #tpu.memory_space<hbm>> -> memref<10368x128xf32, #tpu.memory_space<hbm>>
    tpu.enqueue_indirect_dma source(%dma_start3A_199 : memref<10368x128xf32, #tpu.memory_space<hbm>>) target(%arg12 : memref<120x128xf32, #tpu.memory_space<vmem>>) offsets(%dma_start3A_196 : memref<120xi32, #tpu.memory_space<vmem>>) semaphore(%arg22 : memref<!tpu.dma_semaphore, #tpu.memory_space<semaphore_mem>>)
    %dma_wait3A_200 = arith.constant 0 : i32
    %dma_wait3A_201 = arith.constant 0 : i32
    %dma_wait3A_202 = tpu.memref_slice %arg5[%dma_wait3A_200, %dma_wait3A_201] : memref<2x120xi32, #tpu.memory_space<vmem>> -> memref<1x120xi32, #tpu.memory_space<vmem>>
    %dma_wait3A_203 = tpu.memref_squeeze %dma_wait3A_202 : memref<1x120xi32, #tpu.memory_space<vmem>> -> memref<120xi32, #tpu.memory_space<vmem>>
    %dma_wait3A_204 = arith.constant 0 : i32
    %dma_wait3A_205 = arith.constant 0 : i32
    %dma_wait3A_206 = tpu.memref_slice %arg2[%dma_wait3A_204, %dma_wait3A_205] : memref<10368x128xf32, #tpu.memory_space<hbm>> -> memref<10368x128xf32, #tpu.memory_space<hbm>>
    tpu.wait_indirect_dma semaphore(%arg21 : memref<!tpu.dma_semaphore, #tpu.memory_space<semaphore_mem>>) src(%dma_wait3A_206 : memref<10368x128xf32, #tpu.memory_space<hbm>>) dst(%arg11 : memref<120x128xf32, #tpu.memory_space<vmem>>)
    %dma_start3A_207 = arith.constant 1 : i32
    %dma_start3A_208 = arith.constant 0 : i32
    %dma_start3A_209 = tpu.memref_slice %arg5[%dma_start3A_207, %dma_start3A_208] : memref<2x120xi32, #tpu.memory_space<vmem>> -> memref<1x120xi32, #tpu.memory_space<vmem>>
    %dma_start3A_210 = tpu.memref_squeeze %dma_start3A_209 : memref<1x120xi32, #tpu.memory_space<vmem>> -> memref<120xi32, #tpu.memory_space<vmem>>
    %dma_start3A_211 = arith.constant 0 : i32
    %dma_start3A_212 = arith.constant 0 : i32
    %dma_start3A_213 = tpu.memref_slice %arg14[%dma_start3A_211, %dma_start3A_212] : memref<10368x128xf32, #tpu.memory_space<vmem_shared>> -> memref<10368x128xf32, #tpu.memory_space<vmem_shared>>
    tpu.enqueue_indirect_dma source(%arg11 : memref<120x128xf32, #tpu.memory_space<vmem>>) target(%dma_start3A_213 : memref<10368x128xf32, #tpu.memory_space<vmem_shared>>) offsets(%dma_start3A_210 : memref<120xi32, #tpu.memory_space<vmem>>) semaphore(%arg24 : memref<!tpu.dma_semaphore, #tpu.memory_space<semaphore_mem>>) {add = true}
    %add3A_214 = arith.constant 1 : i32
    %add3A_215 = arith.addi %mul3A_2, %add3A_214 : i32
    %add3A_216 = arith.constant 4 : i32
    %add3A_217 = arith.addi %add3A_215, %add3A_216 : i32
    %dma_start3A_218 = arith.constant 0 : i32
    %dma_start3A_219 = arith.constant 0 : i32
    %dma_start3A_220 = tpu.memref_slice %arg3[%add3A_217, %dma_start3A_218, %dma_start3A_219] : memref<2688x2x120xi32, #tpu.memory_space<hbm>> -> memref<1x2x120xi32, #tpu.memory_space<hbm>>
    %dma_start3A_221 = tpu.memref_squeeze %dma_start3A_220 : memref<1x2x120xi32, #tpu.memory_space<hbm>> -> memref<2x120xi32, #tpu.memory_space<hbm>>
    %dma_start3A_222 = arith.constant 0 : i32
    %dma_start3A_223 = arith.constant 0 : i32
    %dma_start3A_224 = tpu.memref_slice %arg3[%add3A_217, %dma_start3A_222, %dma_start3A_223] : memref<2688x2x120xi32, #tpu.memory_space<hbm>> -> memref<1x2x120xi32, #tpu.memory_space<hbm>>
    %dma_start3A_225 = tpu.memref_squeeze %dma_start3A_224 : memref<1x2x120xi32, #tpu.memory_space<hbm>> -> memref<2x120xi32, #tpu.memory_space<hbm>>
    tpu.enqueue_dma source(%dma_start3A_225 : memref<2x120xi32, #tpu.memory_space<hbm>>) target(%arg10 : memref<2x120xi32, #tpu.memory_space<vmem>>) target_semaphore(%arg20 : memref<!tpu.dma_semaphore, #tpu.memory_space<semaphore_mem>>)
    %add3A_226 = arith.constant 1 : i32
    %add3A_227 = arith.addi %add3A_215, %add3A_226 : i32
    %dma_wait3A_228 = arith.constant 0 : i32
    %dma_wait3A_229 = arith.constant 0 : i32
    %dma_wait3A_230 = tpu.memref_slice %arg3[%add3A_227, %dma_wait3A_228, %dma_wait3A_229] : memref<2688x2x120xi32, #tpu.memory_space<hbm>> -> memref<1x2x120xi32, #tpu.memory_space<hbm>>
    %dma_wait3A_231 = tpu.memref_squeeze %dma_wait3A_230 : memref<1x2x120xi32, #tpu.memory_space<hbm>> -> memref<2x120xi32, #tpu.memory_space<hbm>>
    %dma_wait3A_232 = arith.constant 0 : i32
    %dma_wait3A_233 = arith.constant 0 : i32
    %dma_wait3A_234 = tpu.memref_slice %arg3[%add3A_227, %dma_wait3A_232, %dma_wait3A_233] : memref<2688x2x120xi32, #tpu.memory_space<hbm>> -> memref<1x2x120xi32, #tpu.memory_space<hbm>>
    %dma_wait3A_235 = tpu.memref_squeeze %dma_wait3A_234 : memref<1x2x120xi32, #tpu.memory_space<hbm>> -> memref<2x120xi32, #tpu.memory_space<hbm>>
    tpu.wait_dma2 semaphore(%arg17 : memref<!tpu.dma_semaphore, #tpu.memory_space<semaphore_mem>>) src(%dma_wait3A_235 : memref<2x120xi32, #tpu.memory_space<hbm>>) dst(%arg7 : memref<2x120xi32, #tpu.memory_space<vmem>>)
    %dma_start3A_236 = arith.constant 0 : i32
    %dma_start3A_237 = arith.constant 0 : i32
    %dma_start3A_238 = tpu.memref_slice %arg7[%dma_start3A_236, %dma_start3A_237] : memref<2x120xi32, #tpu.memory_space<vmem>> -> memref<1x120xi32, #tpu.memory_space<vmem>>
    %dma_start3A_239 = tpu.memref_squeeze %dma_start3A_238 : memref<1x120xi32, #tpu.memory_space<vmem>> -> memref<120xi32, #tpu.memory_space<vmem>>
    %dma_start3A_240 = arith.constant 0 : i32
    %dma_start3A_241 = arith.constant 0 : i32
    %dma_start3A_242 = tpu.memref_slice %arg2[%dma_start3A_240, %dma_start3A_241] : memref<10368x128xf32, #tpu.memory_space<hbm>> -> memref<10368x128xf32, #tpu.memory_space<hbm>>
    tpu.enqueue_indirect_dma source(%dma_start3A_242 : memref<10368x128xf32, #tpu.memory_space<hbm>>) target(%arg13 : memref<120x128xf32, #tpu.memory_space<vmem>>) offsets(%dma_start3A_239 : memref<120xi32, #tpu.memory_space<vmem>>) semaphore(%arg23 : memref<!tpu.dma_semaphore, #tpu.memory_space<semaphore_mem>>)
    %dma_wait3A_243 = arith.constant 0 : i32
    %dma_wait3A_244 = arith.constant 0 : i32
    %dma_wait3A_245 = tpu.memref_slice %arg6[%dma_wait3A_243, %dma_wait3A_244] : memref<2x120xi32, #tpu.memory_space<vmem>> -> memref<1x120xi32, #tpu.memory_space<vmem>>
    %dma_wait3A_246 = tpu.memref_squeeze %dma_wait3A_245 : memref<1x120xi32, #tpu.memory_space<vmem>> -> memref<120xi32, #tpu.memory_space<vmem>>
    %dma_wait3A_247 = arith.constant 0 : i32
    %dma_wait3A_248 = arith.constant 0 : i32
    %dma_wait3A_249 = tpu.memref_slice %arg2[%dma_wait3A_247, %dma_wait3A_248] : memref<10368x128xf32, #tpu.memory_space<hbm>> -> memref<10368x128xf32, #tpu.memory_space<hbm>>
    tpu.wait_indirect_dma semaphore(%arg22 : memref<!tpu.dma_semaphore, #tpu.memory_space<semaphore_mem>>) src(%dma_wait3A_249 : memref<10368x128xf32, #tpu.memory_space<hbm>>) dst(%arg12 : memref<120x128xf32, #tpu.memory_space<vmem>>)
    %dma_start3A_250 = arith.constant 1 : i32
    %dma_start3A_251 = arith.constant 0 : i32
    %dma_start3A_252 = tpu.memref_slice %arg6[%dma_start3A_250, %dma_start3A_251] : memref<2x120xi32, #tpu.memory_space<vmem>> -> memref<1x120xi32, #tpu.memory_space<vmem>>
    %dma_start3A_253 = tpu.memref_squeeze %dma_start3A_252 : memref<1x120xi32, #tpu.memory_space<vmem>> -> memref<120xi32, #tpu.memory_space<vmem>>
    %dma_start3A_254 = arith.constant 0 : i32
    %dma_start3A_255 = arith.constant 0 : i32
    %dma_start3A_256 = tpu.memref_slice %arg14[%dma_start3A_254, %dma_start3A_255] : memref<10368x128xf32, #tpu.memory_space<vmem_shared>> -> memref<10368x128xf32, #tpu.memory_space<vmem_shared>>
    tpu.enqueue_indirect_dma source(%arg12 : memref<120x128xf32, #tpu.memory_space<vmem>>) target(%dma_start3A_256 : memref<10368x128xf32, #tpu.memory_space<vmem_shared>>) offsets(%dma_start3A_253 : memref<120xi32, #tpu.memory_space<vmem>>) semaphore(%arg25 : memref<!tpu.dma_semaphore, #tpu.memory_space<semaphore_mem>>) {add = true}
    %add3A_257 = arith.constant 2 : i32
    %add3A_258 = arith.addi %mul3A_2, %add3A_257 : i32
    %dma_wait3A_259 = arith.constant 1 : i32
    %dma_wait3A_260 = arith.constant 0 : i32
    %dma_wait3A_261 = tpu.memref_slice %arg5[%dma_wait3A_259, %dma_wait3A_260] : memref<2x120xi32, #tpu.memory_space<vmem>> -> memref<1x120xi32, #tpu.memory_space<vmem>>
    %dma_wait3A_262 = tpu.memref_squeeze %dma_wait3A_261 : memref<1x120xi32, #tpu.memory_space<vmem>> -> memref<120xi32, #tpu.memory_space<vmem>>
    %dma_wait3A_263 = arith.constant 0 : i32
    %dma_wait3A_264 = arith.constant 0 : i32
    %dma_wait3A_265 = tpu.memref_slice %arg14[%dma_wait3A_263, %dma_wait3A_264] : memref<10368x128xf32, #tpu.memory_space<vmem_shared>> -> memref<10368x128xf32, #tpu.memory_space<vmem_shared>>
    tpu.wait_indirect_dma semaphore(%arg24 : memref<!tpu.dma_semaphore, #tpu.memory_space<semaphore_mem>>) src(%arg11 : memref<120x128xf32, #tpu.memory_space<vmem>>) dst(%dma_wait3A_265 : memref<10368x128xf32, #tpu.memory_space<vmem_shared>>)
    %add3A_266 = arith.constant 4 : i32
    %add3A_267 = arith.addi %add3A_258, %add3A_266 : i32
    %dma_start3A_268 = arith.constant 0 : i32
    %dma_start3A_269 = arith.constant 0 : i32
    %dma_start3A_270 = tpu.memref_slice %arg3[%add3A_267, %dma_start3A_268, %dma_start3A_269] : memref<2688x2x120xi32, #tpu.memory_space<hbm>> -> memref<1x2x120xi32, #tpu.memory_space<hbm>>
    %dma_start3A_271 = tpu.memref_squeeze %dma_start3A_270 : memref<1x2x120xi32, #tpu.memory_space<hbm>> -> memref<2x120xi32, #tpu.memory_space<hbm>>
    %dma_start3A_272 = arith.constant 0 : i32
    %dma_start3A_273 = arith.constant 0 : i32
    %dma_start3A_274 = tpu.memref_slice %arg3[%add3A_267, %dma_start3A_272, %dma_start3A_273] : memref<2688x2x120xi32, #tpu.memory_space<hbm>> -> memref<1x2x120xi32, #tpu.memory_space<hbm>>
    %dma_start3A_275 = tpu.memref_squeeze %dma_start3A_274 : memref<1x2x120xi32, #tpu.memory_space<hbm>> -> memref<2x120xi32, #tpu.memory_space<hbm>>
    tpu.enqueue_dma source(%dma_start3A_275 : memref<2x120xi32, #tpu.memory_space<hbm>>) target(%arg5 : memref<2x120xi32, #tpu.memory_space<vmem>>) target_semaphore(%arg15 : memref<!tpu.dma_semaphore, #tpu.memory_space<semaphore_mem>>)
    %add3A_276 = arith.constant 1 : i32
    %add3A_277 = arith.addi %add3A_258, %add3A_276 : i32
    %dma_wait3A_278 = arith.constant 0 : i32
    %dma_wait3A_279 = arith.constant 0 : i32
    %dma_wait3A_280 = tpu.memref_slice %arg3[%add3A_277, %dma_wait3A_278, %dma_wait3A_279] : memref<2688x2x120xi32, #tpu.memory_space<hbm>> -> memref<1x2x120xi32, #tpu.memory_space<hbm>>
    %dma_wait3A_281 = tpu.memref_squeeze %dma_wait3A_280 : memref<1x2x120xi32, #tpu.memory_space<hbm>> -> memref<2x120xi32, #tpu.memory_space<hbm>>
    %dma_wait3A_282 = arith.constant 0 : i32
    %dma_wait3A_283 = arith.constant 0 : i32
    %dma_wait3A_284 = tpu.memref_slice %arg3[%add3A_277, %dma_wait3A_282, %dma_wait3A_283] : memref<2688x2x120xi32, #tpu.memory_space<hbm>> -> memref<1x2x120xi32, #tpu.memory_space<hbm>>
    %dma_wait3A_285 = tpu.memref_squeeze %dma_wait3A_284 : memref<1x2x120xi32, #tpu.memory_space<hbm>> -> memref<2x120xi32, #tpu.memory_space<hbm>>
    tpu.wait_dma2 semaphore(%arg18 : memref<!tpu.dma_semaphore, #tpu.memory_space<semaphore_mem>>) src(%dma_wait3A_285 : memref<2x120xi32, #tpu.memory_space<hbm>>) dst(%arg8 : memref<2x120xi32, #tpu.memory_space<vmem>>)
    %dma_start3A_286 = arith.constant 0 : i32
    %dma_start3A_287 = arith.constant 0 : i32
    %dma_start3A_288 = tpu.memref_slice %arg8[%dma_start3A_286, %dma_start3A_287] : memref<2x120xi32, #tpu.memory_space<vmem>> -> memref<1x120xi32, #tpu.memory_space<vmem>>
    %dma_start3A_289 = tpu.memref_squeeze %dma_start3A_288 : memref<1x120xi32, #tpu.memory_space<vmem>> -> memref<120xi32, #tpu.memory_space<vmem>>
    %dma_start3A_290 = arith.constant 0 : i32
    %dma_start3A_291 = arith.constant 0 : i32
    %dma_start3A_292 = tpu.memref_slice %arg2[%dma_start3A_290, %dma_start3A_291] : memref<10368x128xf32, #tpu.memory_space<hbm>> -> memref<10368x128xf32, #tpu.memory_space<hbm>>
    tpu.enqueue_indirect_dma source(%dma_start3A_292 : memref<10368x128xf32, #tpu.memory_space<hbm>>) target(%arg11 : memref<120x128xf32, #tpu.memory_space<vmem>>) offsets(%dma_start3A_289 : memref<120xi32, #tpu.memory_space<vmem>>) semaphore(%arg21 : memref<!tpu.dma_semaphore, #tpu.memory_space<semaphore_mem>>)
    %dma_wait3A_293 = arith.constant 0 : i32
    %dma_wait3A_294 = arith.constant 0 : i32
    %dma_wait3A_295 = tpu.memref_slice %arg7[%dma_wait3A_293, %dma_wait3A_294] : memref<2x120xi32, #tpu.memory_space<vmem>> -> memref<1x120xi32, #tpu.memory_space<vmem>>
    %dma_wait3A_296 = tpu.memref_squeeze %dma_wait3A_295 : memref<1x120xi32, #tpu.memory_space<vmem>> -> memref<120xi32, #tpu.memory_space<vmem>>
    %dma_wait3A_297 = arith.constant 0 : i32
    %dma_wait3A_298 = arith.constant 0 : i32
    %dma_wait3A_299 = tpu.memref_slice %arg2[%dma_wait3A_297, %dma_wait3A_298] : memref<10368x128xf32, #tpu.memory_space<hbm>> -> memref<10368x128xf32, #tpu.memory_space<hbm>>
    tpu.wait_indirect_dma semaphore(%arg23 : memref<!tpu.dma_semaphore, #tpu.memory_space<semaphore_mem>>) src(%dma_wait3A_299 : memref<10368x128xf32, #tpu.memory_space<hbm>>) dst(%arg13 : memref<120x128xf32, #tpu.memory_space<vmem>>)
    %dma_start3A_300 = arith.constant 1 : i32
    %dma_start3A_301 = arith.constant 0 : i32
    %dma_start3A_302 = tpu.memref_slice %arg7[%dma_start3A_300, %dma_start3A_301] : memref<2x120xi32, #tpu.memory_space<vmem>> -> memref<1x120xi32, #tpu.memory_space<vmem>>
    %dma_start3A_303 = tpu.memref_squeeze %dma_start3A_302 : memref<1x120xi32, #tpu.memory_space<vmem>> -> memref<120xi32, #tpu.memory_space<vmem>>
    %dma_start3A_304 = arith.constant 0 : i32
    %dma_start3A_305 = arith.constant 0 : i32
    %dma_start3A_306 = tpu.memref_slice %arg14[%dma_start3A_304, %dma_start3A_305] : memref<10368x128xf32, #tpu.memory_space<vmem_shared>> -> memref<10368x128xf32, #tpu.memory_space<vmem_shared>>
    tpu.enqueue_indirect_dma source(%arg13 : memref<120x128xf32, #tpu.memory_space<vmem>>) target(%dma_start3A_306 : memref<10368x128xf32, #tpu.memory_space<vmem_shared>>) offsets(%dma_start3A_303 : memref<120xi32, #tpu.memory_space<vmem>>) semaphore(%arg26 : memref<!tpu.dma_semaphore, #tpu.memory_space<semaphore_mem>>) {add = true}
    %add3A_307 = arith.constant 3 : i32
    %add3A_308 = arith.addi %mul3A_2, %add3A_307 : i32
    %dma_wait3A_309 = arith.constant 1 : i32
    %dma_wait3A_310 = arith.constant 0 : i32
    %dma_wait3A_311 = tpu.memref_slice %arg6[%dma_wait3A_309, %dma_wait3A_310] : memref<2x120xi32, #tpu.memory_space<vmem>> -> memref<1x120xi32, #tpu.memory_space<vmem>>
    %dma_wait3A_312 = tpu.memref_squeeze %dma_wait3A_311 : memref<1x120xi32, #tpu.memory_space<vmem>> -> memref<120xi32, #tpu.memory_space<vmem>>
    %dma_wait3A_313 = arith.constant 0 : i32
    %dma_wait3A_314 = arith.constant 0 : i32
    %dma_wait3A_315 = tpu.memref_slice %arg14[%dma_wait3A_313, %dma_wait3A_314] : memref<10368x128xf32, #tpu.memory_space<vmem_shared>> -> memref<10368x128xf32, #tpu.memory_space<vmem_shared>>
    tpu.wait_indirect_dma semaphore(%arg25 : memref<!tpu.dma_semaphore, #tpu.memory_space<semaphore_mem>>) src(%arg12 : memref<120x128xf32, #tpu.memory_space<vmem>>) dst(%dma_wait3A_315 : memref<10368x128xf32, #tpu.memory_space<vmem_shared>>)
    %add3A_316 = arith.constant 4 : i32
    %add3A_317 = arith.addi %add3A_308, %add3A_316 : i32
    %dma_start3A_318 = arith.constant 0 : i32
    %dma_start3A_319 = arith.constant 0 : i32
    %dma_start3A_320 = tpu.memref_slice %arg3[%add3A_317, %dma_start3A_318, %dma_start3A_319] : memref<2688x2x120xi32, #tpu.memory_space<hbm>> -> memref<1x2x120xi32, #tpu.memory_space<hbm>>
    %dma_start3A_321 = tpu.memref_squeeze %dma_start3A_320 : memref<1x2x120xi32, #tpu.memory_space<hbm>> -> memref<2x120xi32, #tpu.memory_space<hbm>>
    %dma_start3A_322 = arith.constant 0 : i32
    %dma_start3A_323 = arith.constant 0 : i32
    %dma_start3A_324 = tpu.memref_slice %arg3[%add3A_317, %dma_start3A_322, %dma_start3A_323] : memref<2688x2x120xi32, #tpu.memory_space<hbm>> -> memref<1x2x120xi32, #tpu.memory_space<hbm>>
    %dma_start3A_325 = tpu.memref_squeeze %dma_start3A_324 : memref<1x2x120xi32, #tpu.memory_space<hbm>> -> memref<2x120xi32, #tpu.memory_space<hbm>>
    tpu.enqueue_dma source(%dma_start3A_325 : memref<2x120xi32, #tpu.memory_space<hbm>>) target(%arg6 : memref<2x120xi32, #tpu.memory_space<vmem>>) target_semaphore(%arg16 : memref<!tpu.dma_semaphore, #tpu.memory_space<semaphore_mem>>)
    %add3A_326 = arith.constant 1 : i32
    %add3A_327 = arith.addi %add3A_308, %add3A_326 : i32
    %dma_wait3A_328 = arith.constant 0 : i32
    %dma_wait3A_329 = arith.constant 0 : i32
    %dma_wait3A_330 = tpu.memref_slice %arg3[%add3A_327, %dma_wait3A_328, %dma_wait3A_329] : memref<2688x2x120xi32, #tpu.memory_space<hbm>> -> memref<1x2x120xi32, #tpu.memory_space<hbm>>
    %dma_wait3A_331 = tpu.memref_squeeze %dma_wait3A_330 : memref<1x2x120xi32, #tpu.memory_space<hbm>> -> memref<2x120xi32, #tpu.memory_space<hbm>>
    %dma_wait3A_332 = arith.constant 0 : i32
    %dma_wait3A_333 = arith.constant 0 : i32
    %dma_wait3A_334 = tpu.memref_slice %arg3[%add3A_327, %dma_wait3A_332, %dma_wait3A_333] : memref<2688x2x120xi32, #tpu.memory_space<hbm>> -> memref<1x2x120xi32, #tpu.memory_space<hbm>>
    %dma_wait3A_335 = tpu.memref_squeeze %dma_wait3A_334 : memref<1x2x120xi32, #tpu.memory_space<hbm>> -> memref<2x120xi32, #tpu.memory_space<hbm>>
    tpu.wait_dma2 semaphore(%arg19 : memref<!tpu.dma_semaphore, #tpu.memory_space<semaphore_mem>>) src(%dma_wait3A_335 : memref<2x120xi32, #tpu.memory_space<hbm>>) dst(%arg9 : memref<2x120xi32, #tpu.memory_space<vmem>>)
    %dma_start3A_336 = arith.constant 0 : i32
    %dma_start3A_337 = arith.constant 0 : i32
    %dma_start3A_338 = tpu.memref_slice %arg9[%dma_start3A_336, %dma_start3A_337] : memref<2x120xi32, #tpu.memory_space<vmem>> -> memref<1x120xi32, #tpu.memory_space<vmem>>
    %dma_start3A_339 = tpu.memref_squeeze %dma_start3A_338 : memref<1x120xi32, #tpu.memory_space<vmem>> -> memref<120xi32, #tpu.memory_space<vmem>>
    %dma_start3A_340 = arith.constant 0 : i32
    %dma_start3A_341 = arith.constant 0 : i32
    %dma_start3A_342 = tpu.memref_slice %arg2[%dma_start3A_340, %dma_start3A_341] : memref<10368x128xf32, #tpu.memory_space<hbm>> -> memref<10368x128xf32, #tpu.memory_space<hbm>>
    tpu.enqueue_indirect_dma source(%dma_start3A_342 : memref<10368x128xf32, #tpu.memory_space<hbm>>) target(%arg12 : memref<120x128xf32, #tpu.memory_space<vmem>>) offsets(%dma_start3A_339 : memref<120xi32, #tpu.memory_space<vmem>>) semaphore(%arg22 : memref<!tpu.dma_semaphore, #tpu.memory_space<semaphore_mem>>)
    %dma_wait3A_343 = arith.constant 0 : i32
    %dma_wait3A_344 = arith.constant 0 : i32
    %dma_wait3A_345 = tpu.memref_slice %arg8[%dma_wait3A_343, %dma_wait3A_344] : memref<2x120xi32, #tpu.memory_space<vmem>> -> memref<1x120xi32, #tpu.memory_space<vmem>>
    %dma_wait3A_346 = tpu.memref_squeeze %dma_wait3A_345 : memref<1x120xi32, #tpu.memory_space<vmem>> -> memref<120xi32, #tpu.memory_space<vmem>>
    %dma_wait3A_347 = arith.constant 0 : i32
    %dma_wait3A_348 = arith.constant 0 : i32
    %dma_wait3A_349 = tpu.memref_slice %arg2[%dma_wait3A_347, %dma_wait3A_348] : memref<10368x128xf32, #tpu.memory_space<hbm>> -> memref<10368x128xf32, #tpu.memory_space<hbm>>
    tpu.wait_indirect_dma semaphore(%arg21 : memref<!tpu.dma_semaphore, #tpu.memory_space<semaphore_mem>>) src(%dma_wait3A_349 : memref<10368x128xf32, #tpu.memory_space<hbm>>) dst(%arg11 : memref<120x128xf32, #tpu.memory_space<vmem>>)
    %dma_start3A_350 = arith.constant 1 : i32
    %dma_start3A_351 = arith.constant 0 : i32
    %dma_start3A_352 = tpu.memref_slice %arg8[%dma_start3A_350, %dma_start3A_351] : memref<2x120xi32, #tpu.memory_space<vmem>> -> memref<1x120xi32, #tpu.memory_space<vmem>>
    %dma_start3A_353 = tpu.memref_squeeze %dma_start3A_352 : memref<1x120xi32, #tpu.memory_space<vmem>> -> memref<120xi32, #tpu.memory_space<vmem>>
    %dma_start3A_354 = arith.constant 0 : i32
    %dma_start3A_355 = arith.constant 0 : i32
    %dma_start3A_356 = tpu.memref_slice %arg14[%dma_start3A_354, %dma_start3A_355] : memref<10368x128xf32, #tpu.memory_space<vmem_shared>> -> memref<10368x128xf32, #tpu.memory_space<vmem_shared>>
    tpu.enqueue_indirect_dma source(%arg11 : memref<120x128xf32, #tpu.memory_space<vmem>>) target(%dma_start3A_356 : memref<10368x128xf32, #tpu.memory_space<vmem_shared>>) offsets(%dma_start3A_353 : memref<120xi32, #tpu.memory_space<vmem>>) semaphore(%arg24 : memref<!tpu.dma_semaphore, #tpu.memory_space<semaphore_mem>>) {add = true}
    %add3A_357 = arith.constant 4 : i32
    %add3A_358 = arith.addi %mul3A_2, %add3A_357 : i32
    %dma_wait3A_359 = arith.constant 1 : i32
    %dma_wait3A_360 = arith.constant 0 : i32
    %dma_wait3A_361 = tpu.memref_slice %arg7[%dma_wait3A_359, %dma_wait3A_360] : memref<2x120xi32, #tpu.memory_space<vmem>> -> memref<1x120xi32, #tpu.memory_space<vmem>>
    %dma_wait3A_362 = tpu.memref_squeeze %dma_wait3A_361 : memref<1x120xi32, #tpu.memory_space<vmem>> -> memref<120xi32, #tpu.memory_space<vmem>>
    %dma_wait3A_363 = arith.constant 0 : i32
    %dma_wait3A_364 = arith.constant 0 : i32
    %dma_wait3A_365 = tpu.memref_slice %arg14[%dma_wait3A_363, %dma_wait3A_364] : memref<10368x128xf32, #tpu.memory_space<vmem_shared>> -> memref<10368x128xf32, #tpu.memory_space<vmem_shared>>
    tpu.wait_indirect_dma semaphore(%arg26 : memref<!tpu.dma_semaphore, #tpu.memory_space<semaphore_mem>>) src(%arg13 : memref<120x128xf32, #tpu.memory_space<vmem>>) dst(%dma_wait3A_365 : memref<10368x128xf32, #tpu.memory_space<vmem_shared>>)
    %add3A_366 = arith.constant 4 : i32
    %add3A_367 = arith.addi %add3A_358, %add3A_366 : i32
    %dma_start3A_368 = arith.constant 0 : i32
    %dma_start3A_369 = arith.constant 0 : i32
    %dma_start3A_370 = tpu.memref_slice %arg3[%add3A_367, %dma_start3A_368, %dma_start3A_369] : memref<2688x2x120xi32, #tpu.memory_space<hbm>> -> memref<1x2x120xi32, #tpu.memory_space<hbm>>
    %dma_start3A_371 = tpu.memref_squeeze %dma_start3A_370 : memref<1x2x120xi32, #tpu.memory_space<hbm>> -> memref<2x120xi32, #tpu.memory_space<hbm>>
    %dma_start3A_372 = arith.constant 0 : i32
    %dma_start3A_373 = arith.constant 0 : i32
    %dma_start3A_374 = tpu.memref_slice %arg3[%add3A_367, %dma_start3A_372, %dma_start3A_373] : memref<2688x2x120xi32, #tpu.memory_space<hbm>> -> memref<1x2x120xi32, #tpu.memory_space<hbm>>
    %dma_start3A_375 = tpu.memref_squeeze %dma_start3A_374 : memref<1x2x120xi32, #tpu.memory_space<hbm>> -> memref<2x120xi32, #tpu.memory_space<hbm>>
    tpu.enqueue_dma source(%dma_start3A_375 : memref<2x120xi32, #tpu.memory_space<hbm>>) target(%arg7 : memref<2x120xi32, #tpu.memory_space<vmem>>) target_semaphore(%arg17 : memref<!tpu.dma_semaphore, #tpu.memory_space<semaphore_mem>>)
    %add3A_376 = arith.constant 1 : i32
    %add3A_377 = arith.addi %add3A_358, %add3A_376 : i32
    %dma_wait3A_378 = arith.constant 0 : i32
    %dma_wait3A_379 = arith.constant 0 : i32
    %dma_wait3A_380 = tpu.memref_slice %arg3[%add3A_377, %dma_wait3A_378, %dma_wait3A_379] : memref<2688x2x120xi32, #tpu.memory_space<hbm>> -> memref<1x2x120xi32, #tpu.memory_space<hbm>>
    %dma_wait3A_381 = tpu.memref_squeeze %dma_wait3A_380 : memref<1x2x120xi32, #tpu.memory_space<hbm>> -> memref<2x120xi32, #tpu.memory_space<hbm>>
    %dma_wait3A_382 = arith.constant 0 : i32
    %dma_wait3A_383 = arith.constant 0 : i32
    %dma_wait3A_384 = tpu.memref_slice %arg3[%add3A_377, %dma_wait3A_382, %dma_wait3A_383] : memref<2688x2x120xi32, #tpu.memory_space<hbm>> -> memref<1x2x120xi32, #tpu.memory_space<hbm>>
    %dma_wait3A_385 = tpu.memref_squeeze %dma_wait3A_384 : memref<1x2x120xi32, #tpu.memory_space<hbm>> -> memref<2x120xi32, #tpu.memory_space<hbm>>
    tpu.wait_dma2 semaphore(%arg20 : memref<!tpu.dma_semaphore, #tpu.memory_space<semaphore_mem>>) src(%dma_wait3A_385 : memref<2x120xi32, #tpu.memory_space<hbm>>) dst(%arg10 : memref<2x120xi32, #tpu.memory_space<vmem>>)
    %dma_start3A_386 = arith.constant 0 : i32
    %dma_start3A_387 = arith.constant 0 : i32
    %dma_start3A_388 = tpu.memref_slice %arg10[%dma_start3A_386, %dma_start3A_387] : memref<2x120xi32, #tpu.memory_space<vmem>> -> memref<1x120xi32, #tpu.memory_space<vmem>>
    %dma_start3A_389 = tpu.memref_squeeze %dma_start3A_388 : memref<1x120xi32, #tpu.memory_space<vmem>> -> memref<120xi32, #tpu.memory_space<vmem>>
    %dma_start3A_390 = arith.constant 0 : i32
    %dma_start3A_391 = arith.constant 0 : i32
    %dma_start3A_392 = tpu.memref_slice %arg2[%dma_start3A_390, %dma_start3A_391] : memref<10368x128xf32, #tpu.memory_space<hbm>> -> memref<10368x128xf32, #tpu.memory_space<hbm>>
    tpu.enqueue_indirect_dma source(%dma_start3A_392 : memref<10368x128xf32, #tpu.memory_space<hbm>>) target(%arg13 : memref<120x128xf32, #tpu.memory_space<vmem>>) offsets(%dma_start3A_389 : memref<120xi32, #tpu.memory_space<vmem>>) semaphore(%arg23 : memref<!tpu.dma_semaphore, #tpu.memory_space<semaphore_mem>>)
    %dma_wait3A_393 = arith.constant 0 : i32
    %dma_wait3A_394 = arith.constant 0 : i32
    %dma_wait3A_395 = tpu.memref_slice %arg9[%dma_wait3A_393, %dma_wait3A_394] : memref<2x120xi32, #tpu.memory_space<vmem>> -> memref<1x120xi32, #tpu.memory_space<vmem>>
    %dma_wait3A_396 = tpu.memref_squeeze %dma_wait3A_395 : memref<1x120xi32, #tpu.memory_space<vmem>> -> memref<120xi32, #tpu.memory_space<vmem>>
    %dma_wait3A_397 = arith.constant 0 : i32
    %dma_wait3A_398 = arith.constant 0 : i32
    %dma_wait3A_399 = tpu.memref_slice %arg2[%dma_wait3A_397, %dma_wait3A_398] : memref<10368x128xf32, #tpu.memory_space<hbm>> -> memref<10368x128xf32, #tpu.memory_space<hbm>>
    tpu.wait_indirect_dma semaphore(%arg22 : memref<!tpu.dma_semaphore, #tpu.memory_space<semaphore_mem>>) src(%dma_wait3A_399 : memref<10368x128xf32, #tpu.memory_space<hbm>>) dst(%arg12 : memref<120x128xf32, #tpu.memory_space<vmem>>)
    %dma_start3A_400 = arith.constant 1 : i32
    %dma_start3A_401 = arith.constant 0 : i32
    %dma_start3A_402 = tpu.memref_slice %arg9[%dma_start3A_400, %dma_start3A_401] : memref<2x120xi32, #tpu.memory_space<vmem>> -> memref<1x120xi32, #tpu.memory_space<vmem>>
    %dma_start3A_403 = tpu.memref_squeeze %dma_start3A_402 : memref<1x120xi32, #tpu.memory_space<vmem>> -> memref<120xi32, #tpu.memory_space<vmem>>
    %dma_start3A_404 = arith.constant 0 : i32
    %dma_start3A_405 = arith.constant 0 : i32
    %dma_start3A_406 = tpu.memref_slice %arg14[%dma_start3A_404, %dma_start3A_405] : memref<10368x128xf32, #tpu.memory_space<vmem_shared>> -> memref<10368x128xf32, #tpu.memory_space<vmem_shared>>
    tpu.enqueue_indirect_dma source(%arg12 : memref<120x128xf32, #tpu.memory_space<vmem>>) target(%dma_start3A_406 : memref<10368x128xf32, #tpu.memory_space<vmem_shared>>) offsets(%dma_start3A_403 : memref<120xi32, #tpu.memory_space<vmem>>) semaphore(%arg25 : memref<!tpu.dma_semaphore, #tpu.memory_space<semaphore_mem>>) {add = true}
    %add3A_407 = arith.constant 5 : i32
    %add3A_408 = arith.addi %mul3A_2, %add3A_407 : i32
    %dma_wait3A_409 = arith.constant 1 : i32
    %dma_wait3A_410 = arith.constant 0 : i32
    %dma_wait3A_411 = tpu.memref_slice %arg8[%dma_wait3A_409, %dma_wait3A_410] : memref<2x120xi32, #tpu.memory_space<vmem>> -> memref<1x120xi32, #tpu.memory_space<vmem>>
    %dma_wait3A_412 = tpu.memref_squeeze %dma_wait3A_411 : memref<1x120xi32, #tpu.memory_space<vmem>> -> memref<120xi32, #tpu.memory_space<vmem>>
    %dma_wait3A_413 = arith.constant 0 : i32
    %dma_wait3A_414 = arith.constant 0 : i32
    %dma_wait3A_415 = tpu.memref_slice %arg14[%dma_wait3A_413, %dma_wait3A_414] : memref<10368x128xf32, #tpu.memory_space<vmem_shared>> -> memref<10368x128xf32, #tpu.memory_space<vmem_shared>>
    tpu.wait_indirect_dma semaphore(%arg24 : memref<!tpu.dma_semaphore, #tpu.memory_space<semaphore_mem>>) src(%arg11 : memref<120x128xf32, #tpu.memory_space<vmem>>) dst(%dma_wait3A_415 : memref<10368x128xf32, #tpu.memory_space<vmem_shared>>)
    %add3A_416 = arith.constant 4 : i32
    %add3A_417 = arith.addi %add3A_408, %add3A_416 : i32
    %dma_start3A_418 = arith.constant 0 : i32
    %dma_start3A_419 = arith.constant 0 : i32
    %dma_start3A_420 = tpu.memref_slice %arg3[%add3A_417, %dma_start3A_418, %dma_start3A_419] : memref<2688x2x120xi32, #tpu.memory_space<hbm>> -> memref<1x2x120xi32, #tpu.memory_space<hbm>>
    %dma_start3A_421 = tpu.memref_squeeze %dma_start3A_420 : memref<1x2x120xi32, #tpu.memory_space<hbm>> -> memref<2x120xi32, #tpu.memory_space<hbm>>
    %dma_start3A_422 = arith.constant 0 : i32
    %dma_start3A_423 = arith.constant 0 : i32
    %dma_start3A_424 = tpu.memref_slice %arg3[%add3A_417, %dma_start3A_422, %dma_start3A_423] : memref<2688x2x120xi32, #tpu.memory_space<hbm>> -> memref<1x2x120xi32, #tpu.memory_space<hbm>>
    %dma_start3A_425 = tpu.memref_squeeze %dma_start3A_424 : memref<1x2x120xi32, #tpu.memory_space<hbm>> -> memref<2x120xi32, #tpu.memory_space<hbm>>
    tpu.enqueue_dma source(%dma_start3A_425 : memref<2x120xi32, #tpu.memory_space<hbm>>) target(%arg8 : memref<2x120xi32, #tpu.memory_space<vmem>>) target_semaphore(%arg18 : memref<!tpu.dma_semaphore, #tpu.memory_space<semaphore_mem>>)
    %add3A_426 = arith.constant 1 : i32
    %add3A_427 = arith.addi %add3A_408, %add3A_426 : i32
    %dma_wait3A_428 = arith.constant 0 : i32
    %dma_wait3A_429 = arith.constant 0 : i32
    %dma_wait3A_430 = tpu.memref_slice %arg3[%add3A_427, %dma_wait3A_428, %dma_wait3A_429] : memref<2688x2x120xi32, #tpu.memory_space<hbm>> -> memref<1x2x120xi32, #tpu.memory_space<hbm>>
    %dma_wait3A_431 = tpu.memref_squeeze %dma_wait3A_430 : memref<1x2x120xi32, #tpu.memory_space<hbm>> -> memref<2x120xi32, #tpu.memory_space<hbm>>
    %dma_wait3A_432 = arith.constant 0 : i32
    %dma_wait3A_433 = arith.constant 0 : i32
    %dma_wait3A_434 = tpu.memref_slice %arg3[%add3A_427, %dma_wait3A_432, %dma_wait3A_433] : memref<2688x2x120xi32, #tpu.memory_space<hbm>> -> memref<1x2x120xi32, #tpu.memory_space<hbm>>
    %dma_wait3A_435 = tpu.memref_squeeze %dma_wait3A_434 : memref<1x2x120xi32, #tpu.memory_space<hbm>> -> memref<2x120xi32, #tpu.memory_space<hbm>>
    tpu.wait_dma2 semaphore(%arg15 : memref<!tpu.dma_semaphore, #tpu.memory_space<semaphore_mem>>) src(%dma_wait3A_435 : memref<2x120xi32, #tpu.memory_space<hbm>>) dst(%arg5 : memref<2x120xi32, #tpu.memory_space<vmem>>)
    %dma_start3A_436 = arith.constant 0 : i32
    %dma_start3A_437 = arith.constant 0 : i32
    %dma_start3A_438 = tpu.memref_slice %arg5[%dma_start3A_436, %dma_start3A_437] : memref<2x120xi32, #tpu.memory_space<vmem>> -> memref<1x120xi32, #tpu.memory_space<vmem>>
    %dma_start3A_439 = tpu.memref_squeeze %dma_start3A_438 : memref<1x120xi32, #tpu.memory_space<vmem>> -> memref<120xi32, #tpu.memory_space<vmem>>
    %dma_start3A_440 = arith.constant 0 : i32
    %dma_start3A_441 = arith.constant 0 : i32
    %dma_start3A_442 = tpu.memref_slice %arg2[%dma_start3A_440, %dma_start3A_441] : memref<10368x128xf32, #tpu.memory_space<hbm>> -> memref<10368x128xf32, #tpu.memory_space<hbm>>
    tpu.enqueue_indirect_dma source(%dma_start3A_442 : memref<10368x128xf32, #tpu.memory_space<hbm>>) target(%arg11 : memref<120x128xf32, #tpu.memory_space<vmem>>) offsets(%dma_start3A_439 : memref<120xi32, #tpu.memory_space<vmem>>) semaphore(%arg21 : memref<!tpu.dma_semaphore, #tpu.memory_space<semaphore_mem>>)
    %dma_wait3A_443 = arith.constant 0 : i32
    %dma_wait3A_444 = arith.constant 0 : i32
    %dma_wait3A_445 = tpu.memref_slice %arg10[%dma_wait3A_443, %dma_wait3A_444] : memref<2x120xi32, #tpu.memory_space<vmem>> -> memref<1x120xi32, #tpu.memory_space<vmem>>
    %dma_wait3A_446 = tpu.memref_squeeze %dma_wait3A_445 : memref<1x120xi32, #tpu.memory_space<vmem>> -> memref<120xi32, #tpu.memory_space<vmem>>
    %dma_wait3A_447 = arith.constant 0 : i32
    %dma_wait3A_448 = arith.constant 0 : i32
    %dma_wait3A_449 = tpu.memref_slice %arg2[%dma_wait3A_447, %dma_wait3A_448] : memref<10368x128xf32, #tpu.memory_space<hbm>> -> memref<10368x128xf32, #tpu.memory_space<hbm>>
    tpu.wait_indirect_dma semaphore(%arg23 : memref<!tpu.dma_semaphore, #tpu.memory_space<semaphore_mem>>) src(%dma_wait3A_449 : memref<10368x128xf32, #tpu.memory_space<hbm>>) dst(%arg13 : memref<120x128xf32, #tpu.memory_space<vmem>>)
    %dma_start3A_450 = arith.constant 1 : i32
    %dma_start3A_451 = arith.constant 0 : i32
    %dma_start3A_452 = tpu.memref_slice %arg10[%dma_start3A_450, %dma_start3A_451] : memref<2x120xi32, #tpu.memory_space<vmem>> -> memref<1x120xi32, #tpu.memory_space<vmem>>
    %dma_start3A_453 = tpu.memref_squeeze %dma_start3A_452 : memref<1x120xi32, #tpu.memory_space<vmem>> -> memref<120xi32, #tpu.memory_space<vmem>>
    %dma_start3A_454 = arith.constant 0 : i32
    %dma_start3A_455 = arith.constant 0 : i32
    %dma_start3A_456 = tpu.memref_slice %arg14[%dma_start3A_454, %dma_start3A_455] : memref<10368x128xf32, #tpu.memory_space<vmem_shared>> -> memref<10368x128xf32, #tpu.memory_space<vmem_shared>>
    tpu.enqueue_indirect_dma source(%arg13 : memref<120x128xf32, #tpu.memory_space<vmem>>) target(%dma_start3A_456 : memref<10368x128xf32, #tpu.memory_space<vmem_shared>>) offsets(%dma_start3A_453 : memref<120xi32, #tpu.memory_space<vmem>>) semaphore(%arg26 : memref<!tpu.dma_semaphore, #tpu.memory_space<semaphore_mem>>) {add = true}
    %scan3A_457 = arith.constant 0 : i32
    %scan3A_458 = arith.constant 1 : i32
    %scan3A_459 = arith.constant 12 : i32
    %scan3A_460 = arith.addi %scan3A_458, %scan3A_459 : i32
    %scan3A_461 = arith.constant 1 : i32
    scf.for %scan3A_730 = %scan3A_458 to %scan3A_460 step %scan3A_461  : i32 {
      %mul3A_731 = arith.constant 6 : i32
      %mul3A_732 = arith.muli %scan3A_730, %mul3A_731 : i32
      %add3A_733 = arith.addi %mul3A_2, %mul3A_732 : i32
      %add3A_734 = arith.constant 0 : i32
      %add3A_735 = arith.addi %add3A_733, %add3A_734 : i32
      %dma_wait3A_736 = arith.constant 1 : i32
      %dma_wait3A_737 = arith.constant 0 : i32
      %dma_wait3A_738 = tpu.memref_slice %arg9[%dma_wait3A_736, %dma_wait3A_737] : memref<2x120xi32, #tpu.memory_space<vmem>> -> memref<1x120xi32, #tpu.memory_space<vmem>>
      %dma_wait3A_739 = tpu.memref_squeeze %dma_wait3A_738 : memref<1x120xi32, #tpu.memory_space<vmem>> -> memref<120xi32, #tpu.memory_space<vmem>>
      %dma_wait3A_740 = arith.constant 0 : i32
      %dma_wait3A_741 = arith.constant 0 : i32
      %dma_wait3A_742 = tpu.memref_slice %arg14[%dma_wait3A_740, %dma_wait3A_741] : memref<10368x128xf32, #tpu.memory_space<vmem_shared>> -> memref<10368x128xf32, #tpu.memory_space<vmem_shared>>
      tpu.wait_indirect_dma semaphore(%arg25 : memref<!tpu.dma_semaphore, #tpu.memory_space<semaphore_mem>>) src(%arg12 : memref<120x128xf32, #tpu.memory_space<vmem>>) dst(%dma_wait3A_742 : memref<10368x128xf32, #tpu.memory_space<vmem_shared>>)
      %add3A_743 = arith.constant 4 : i32
      %add3A_744 = arith.addi %add3A_735, %add3A_743 : i32
      %dma_start3A_745 = arith.constant 0 : i32
      %dma_start3A_746 = arith.constant 0 : i32
      %dma_start3A_747 = tpu.memref_slice %arg3[%add3A_744, %dma_start3A_745, %dma_start3A_746] : memref<2688x2x120xi32, #tpu.memory_space<hbm>> -> memref<1x2x120xi32, #tpu.memory_space<hbm>>
      %dma_start3A_748 = tpu.memref_squeeze %dma_start3A_747 : memref<1x2x120xi32, #tpu.memory_space<hbm>> -> memref<2x120xi32, #tpu.memory_space<hbm>>
      %dma_start3A_749 = arith.constant 0 : i32
      %dma_start3A_750 = arith.constant 0 : i32
      %dma_start3A_751 = tpu.memref_slice %arg3[%add3A_744, %dma_start3A_749, %dma_start3A_750] : memref<2688x2x120xi32, #tpu.memory_space<hbm>> -> memref<1x2x120xi32, #tpu.memory_space<hbm>>
      %dma_start3A_752 = tpu.memref_squeeze %dma_start3A_751 : memref<1x2x120xi32, #tpu.memory_space<hbm>> -> memref<2x120xi32, #tpu.memory_space<hbm>>
      tpu.enqueue_dma source(%dma_start3A_752 : memref<2x120xi32, #tpu.memory_space<hbm>>) target(%arg9 : memref<2x120xi32, #tpu.memory_space<vmem>>) target_semaphore(%arg19 : memref<!tpu.dma_semaphore, #tpu.memory_space<semaphore_mem>>)
      %add3A_753 = arith.constant 1 : i32
      %add3A_754 = arith.addi %add3A_735, %add3A_753 : i32
      %dma_wait3A_755 = arith.constant 0 : i32
      %dma_wait3A_756 = arith.constant 0 : i32
      %dma_wait3A_757 = tpu.memref_slice %arg3[%add3A_754, %dma_wait3A_755, %dma_wait3A_756] : memref<2688x2x120xi32, #tpu.memory_space<hbm>> -> memref<1x2x120xi32, #tpu.memory_space<hbm>>
      %dma_wait3A_758 = tpu.memref_squeeze %dma_wait3A_757 : memref<1x2x120xi32, #tpu.memory_space<hbm>> -> memref<2x120xi32, #tpu.memory_space<hbm>>
      %dma_wait3A_759 = arith.constant 0 : i32
      %dma_wait3A_760 = arith.constant 0 : i32
      %dma_wait3A_761 = tpu.memref_slice %arg3[%add3A_754, %dma_wait3A_759, %dma_wait3A_760] : memref<2688x2x120xi32, #tpu.memory_space<hbm>> -> memref<1x2x120xi32, #tpu.memory_space<hbm>>
      %dma_wait3A_762 = tpu.memref_squeeze %dma_wait3A_761 : memref<1x2x120xi32, #tpu.memory_space<hbm>> -> memref<2x120xi32, #tpu.memory_space<hbm>>
      tpu.wait_dma2 semaphore(%arg16 : memref<!tpu.dma_semaphore, #tpu.memory_space<semaphore_mem>>) src(%dma_wait3A_762 : memref<2x120xi32, #tpu.memory_space<hbm>>) dst(%arg6 : memref<2x120xi32, #tpu.memory_space<vmem>>)
      %dma_start3A_763 = arith.constant 0 : i32
      %dma_start3A_764 = arith.constant 0 : i32
      %dma_start3A_765 = tpu.memref_slice %arg6[%dma_start3A_763, %dma_start3A_764] : memref<2x120xi32, #tpu.memory_space<vmem>> -> memref<1x120xi32, #tpu.memory_space<vmem>>
      %dma_start3A_766 = tpu.memref_squeeze %dma_start3A_765 : memref<1x120xi32, #tpu.memory_space<vmem>> -> memref<120xi32, #tpu.memory_space<vmem>>
      %dma_start3A_767 = arith.constant 0 : i32
      %dma_start3A_768 = arith.constant 0 : i32
      %dma_start3A_769 = tpu.memref_slice %arg2[%dma_start3A_767, %dma_start3A_768] : memref<10368x128xf32, #tpu.memory_space<hbm>> -> memref<10368x128xf32, #tpu.memory_space<hbm>>
      tpu.enqueue_indirect_dma source(%dma_start3A_769 : memref<10368x128xf32, #tpu.memory_space<hbm>>) target(%arg12 : memref<120x128xf32, #tpu.memory_space<vmem>>) offsets(%dma_start3A_766 : memref<120xi32, #tpu.memory_space<vmem>>) semaphore(%arg22 : memref<!tpu.dma_semaphore, #tpu.memory_space<semaphore_mem>>)
      %dma_wait3A_770 = arith.constant 0 : i32
      %dma_wait3A_771 = arith.constant 0 : i32
      %dma_wait3A_772 = tpu.memref_slice %arg5[%dma_wait3A_770, %dma_wait3A_771] : memref<2x120xi32, #tpu.memory_space<vmem>> -> memref<1x120xi32, #tpu.memory_space<vmem>>
      %dma_wait3A_773 = tpu.memref_squeeze %dma_wait3A_772 : memref<1x120xi32, #tpu.memory_space<vmem>> -> memref<120xi32, #tpu.memory_space<vmem>>
      %dma_wait3A_774 = arith.constant 0 : i32
      %dma_wait3A_775 = arith.constant 0 : i32
      %dma_wait3A_776 = tpu.memref_slice %arg2[%dma_wait3A_774, %dma_wait3A_775] : memref<10368x128xf32, #tpu.memory_space<hbm>> -> memref<10368x128xf32, #tpu.memory_space<hbm>>
      tpu.wait_indirect_dma semaphore(%arg21 : memref<!tpu.dma_semaphore, #tpu.memory_space<semaphore_mem>>) src(%dma_wait3A_776 : memref<10368x128xf32, #tpu.memory_space<hbm>>) dst(%arg11 : memref<120x128xf32, #tpu.memory_space<vmem>>)
      %dma_start3A_777 = arith.constant 1 : i32
      %dma_start3A_778 = arith.constant 0 : i32
      %dma_start3A_779 = tpu.memref_slice %arg5[%dma_start3A_777, %dma_start3A_778] : memref<2x120xi32, #tpu.memory_space<vmem>> -> memref<1x120xi32, #tpu.memory_space<vmem>>
      %dma_start3A_780 = tpu.memref_squeeze %dma_start3A_779 : memref<1x120xi32, #tpu.memory_space<vmem>> -> memref<120xi32, #tpu.memory_space<vmem>>
      %dma_start3A_781 = arith.constant 0 : i32
      %dma_start3A_782 = arith.constant 0 : i32
      %dma_start3A_783 = tpu.memref_slice %arg14[%dma_start3A_781, %dma_start3A_782] : memref<10368x128xf32, #tpu.memory_space<vmem_shared>> -> memref<10368x128xf32, #tpu.memory_space<vmem_shared>>
      tpu.enqueue_indirect_dma source(%arg11 : memref<120x128xf32, #tpu.memory_space<vmem>>) target(%dma_start3A_783 : memref<10368x128xf32, #tpu.memory_space<vmem_shared>>) offsets(%dma_start3A_780 : memref<120xi32, #tpu.memory_space<vmem>>) semaphore(%arg24 : memref<!tpu.dma_semaphore, #tpu.memory_space<semaphore_mem>>) {add = true}
      %add3A_784 = arith.constant 1 : i32
      %add3A_785 = arith.addi %add3A_733, %add3A_784 : i32
      %dma_wait3A_786 = arith.constant 1 : i32
      %dma_wait3A_787 = arith.constant 0 : i32
      %dma_wait3A_788 = tpu.memref_slice %arg10[%dma_wait3A_786, %dma_wait3A_787] : memref<2x120xi32, #tpu.memory_space<vmem>> -> memref<1x120xi32, #tpu.memory_space<vmem>>
      %dma_wait3A_789 = tpu.memref_squeeze %dma_wait3A_788 : memref<1x120xi32, #tpu.memory_space<vmem>> -> memref<120xi32, #tpu.memory_space<vmem>>
      %dma_wait3A_790 = arith.constant 0 : i32
      %dma_wait3A_791 = arith.constant 0 : i32
      %dma_wait3A_792 = tpu.memref_slice %arg14[%dma_wait3A_790, %dma_wait3A_791] : memref<10368x128xf32, #tpu.memory_space<vmem_shared>> -> memref<10368x128xf32, #tpu.memory_space<vmem_shared>>
      tpu.wait_indirect_dma semaphore(%arg26 : memref<!tpu.dma_semaphore, #tpu.memory_space<semaphore_mem>>) src(%arg13 : memref<120x128xf32, #tpu.memory_space<vmem>>) dst(%dma_wait3A_792 : memref<10368x128xf32, #tpu.memory_space<vmem_shared>>)
      %add3A_793 = arith.constant 4 : i32
      %add3A_794 = arith.addi %add3A_785, %add3A_793 : i32
      %dma_start3A_795 = arith.constant 0 : i32
      %dma_start3A_796 = arith.constant 0 : i32
      %dma_start3A_797 = tpu.memref_slice %arg3[%add3A_794, %dma_start3A_795, %dma_start3A_796] : memref<2688x2x120xi32, #tpu.memory_space<hbm>> -> memref<1x2x120xi32, #tpu.memory_space<hbm>>
      %dma_start3A_798 = tpu.memref_squeeze %dma_start3A_797 : memref<1x2x120xi32, #tpu.memory_space<hbm>> -> memref<2x120xi32, #tpu.memory_space<hbm>>
      %dma_start3A_799 = arith.constant 0 : i32
      %dma_start3A_800 = arith.constant 0 : i32
      %dma_start3A_801 = tpu.memref_slice %arg3[%add3A_794, %dma_start3A_799, %dma_start3A_800] : memref<2688x2x120xi32, #tpu.memory_space<hbm>> -> memref<1x2x120xi32, #tpu.memory_space<hbm>>
      %dma_start3A_802 = tpu.memref_squeeze %dma_start3A_801 : memref<1x2x120xi32, #tpu.memory_space<hbm>> -> memref<2x120xi32, #tpu.memory_space<hbm>>
      tpu.enqueue_dma source(%dma_start3A_802 : memref<2x120xi32, #tpu.memory_space<hbm>>) target(%arg10 : memref<2x120xi32, #tpu.memory_space<vmem>>) target_semaphore(%arg20 : memref<!tpu.dma_semaphore, #tpu.memory_space<semaphore_mem>>)
      %add3A_803 = arith.constant 1 : i32
      %add3A_804 = arith.addi %add3A_785, %add3A_803 : i32
      %dma_wait3A_805 = arith.constant 0 : i32
      %dma_wait3A_806 = arith.constant 0 : i32
      %dma_wait3A_807 = tpu.memref_slice %arg3[%add3A_804, %dma_wait3A_805, %dma_wait3A_806] : memref<2688x2x120xi32, #tpu.memory_space<hbm>> -> memref<1x2x120xi32, #tpu.memory_space<hbm>>
      %dma_wait3A_808 = tpu.memref_squeeze %dma_wait3A_807 : memref<1x2x120xi32, #tpu.memory_space<hbm>> -> memref<2x120xi32, #tpu.memory_space<hbm>>
      %dma_wait3A_809 = arith.constant 0 : i32
      %dma_wait3A_810 = arith.constant 0 : i32
      %dma_wait3A_811 = tpu.memref_slice %arg3[%add3A_804, %dma_wait3A_809, %dma_wait3A_810] : memref<2688x2x120xi32, #tpu.memory_space<hbm>> -> memref<1x2x120xi32, #tpu.memory_space<hbm>>
      %dma_wait3A_812 = tpu.memref_squeeze %dma_wait3A_811 : memref<1x2x120xi32, #tpu.memory_space<hbm>> -> memref<2x120xi32, #tpu.memory_space<hbm>>
      tpu.wait_dma2 semaphore(%arg17 : memref<!tpu.dma_semaphore, #tpu.memory_space<semaphore_mem>>) src(%dma_wait3A_812 : memref<2x120xi32, #tpu.memory_space<hbm>>) dst(%arg7 : memref<2x120xi32, #tpu.memory_space<vmem>>)
      %dma_start3A_813 = arith.constant 0 : i32
      %dma_start3A_814 = arith.constant 0 : i32
      %dma_start3A_815 = tpu.memref_slice %arg7[%dma_start3A_813, %dma_start3A_814] : memref<2x120xi32, #tpu.memory_space<vmem>> -> memref<1x120xi32, #tpu.memory_space<vmem>>
      %dma_start3A_816 = tpu.memref_squeeze %dma_start3A_815 : memref<1x120xi32, #tpu.memory_space<vmem>> -> memref<120xi32, #tpu.memory_space<vmem>>
      %dma_start3A_817 = arith.constant 0 : i32
      %dma_start3A_818 = arith.constant 0 : i32
      %dma_start3A_819 = tpu.memref_slice %arg2[%dma_start3A_817, %dma_start3A_818] : memref<10368x128xf32, #tpu.memory_space<hbm>> -> memref<10368x128xf32, #tpu.memory_space<hbm>>
      tpu.enqueue_indirect_dma source(%dma_start3A_819 : memref<10368x128xf32, #tpu.memory_space<hbm>>) target(%arg13 : memref<120x128xf32, #tpu.memory_space<vmem>>) offsets(%dma_start3A_816 : memref<120xi32, #tpu.memory_space<vmem>>) semaphore(%arg23 : memref<!tpu.dma_semaphore, #tpu.memory_space<semaphore_mem>>)
      %dma_wait3A_820 = arith.constant 0 : i32
      %dma_wait3A_821 = arith.constant 0 : i32
      %dma_wait3A_822 = tpu.memref_slice %arg6[%dma_wait3A_820, %dma_wait3A_821] : memref<2x120xi32, #tpu.memory_space<vmem>> -> memref<1x120xi32, #tpu.memory_space<vmem>>
      %dma_wait3A_823 = tpu.memref_squeeze %dma_wait3A_822 : memref<1x120xi32, #tpu.memory_space<vmem>> -> memref<120xi32, #tpu.memory_space<vmem>>
      %dma_wait3A_824 = arith.constant 0 : i32
      %dma_wait3A_825 = arith.constant 0 : i32
      %dma_wait3A_826 = tpu.memref_slice %arg2[%dma_wait3A_824, %dma_wait3A_825] : memref<10368x128xf32, #tpu.memory_space<hbm>> -> memref<10368x128xf32, #tpu.memory_space<hbm>>
      tpu.wait_indirect_dma semaphore(%arg22 : memref<!tpu.dma_semaphore, #tpu.memory_space<semaphore_mem>>) src(%dma_wait3A_826 : memref<10368x128xf32, #tpu.memory_space<hbm>>) dst(%arg12 : memref<120x128xf32, #tpu.memory_space<vmem>>)
      %dma_start3A_827 = arith.constant 1 : i32
      %dma_start3A_828 = arith.constant 0 : i32
      %dma_start3A_829 = tpu.memref_slice %arg6[%dma_start3A_827, %dma_start3A_828] : memref<2x120xi32, #tpu.memory_space<vmem>> -> memref<1x120xi32, #tpu.memory_space<vmem>>
      %dma_start3A_830 = tpu.memref_squeeze %dma_start3A_829 : memref<1x120xi32, #tpu.memory_space<vmem>> -> memref<120xi32, #tpu.memory_space<vmem>>
      %dma_start3A_831 = arith.constant 0 : i32
      %dma_start3A_832 = arith.constant 0 : i32
      %dma_start3A_833 = tpu.memref_slice %arg14[%dma_start3A_831, %dma_start3A_832] : memref<10368x128xf32, #tpu.memory_space<vmem_shared>> -> memref<10368x128xf32, #tpu.memory_space<vmem_shared>>
      tpu.enqueue_indirect_dma source(%arg12 : memref<120x128xf32, #tpu.memory_space<vmem>>) target(%dma_start3A_833 : memref<10368x128xf32, #tpu.memory_space<vmem_shared>>) offsets(%dma_start3A_830 : memref<120xi32, #tpu.memory_space<vmem>>) semaphore(%arg25 : memref<!tpu.dma_semaphore, #tpu.memory_space<semaphore_mem>>) {add = true}
      %add3A_834 = arith.constant 2 : i32
      %add3A_835 = arith.addi %add3A_733, %add3A_834 : i32
      %dma_wait3A_836 = arith.constant 1 : i32
      %dma_wait3A_837 = arith.constant 0 : i32
      %dma_wait3A_838 = tpu.memref_slice %arg5[%dma_wait3A_836, %dma_wait3A_837] : memref<2x120xi32, #tpu.memory_space<vmem>> -> memref<1x120xi32, #tpu.memory_space<vmem>>
      %dma_wait3A_839 = tpu.memref_squeeze %dma_wait3A_838 : memref<1x120xi32, #tpu.memory_space<vmem>> -> memref<120xi32, #tpu.memory_space<vmem>>
      %dma_wait3A_840 = arith.constant 0 : i32
      %dma_wait3A_841 = arith.constant 0 : i32
      %dma_wait3A_842 = tpu.memref_slice %arg14[%dma_wait3A_840, %dma_wait3A_841] : memref<10368x128xf32, #tpu.memory_space<vmem_shared>> -> memref<10368x128xf32, #tpu.memory_space<vmem_shared>>
      tpu.wait_indirect_dma semaphore(%arg24 : memref<!tpu.dma_semaphore, #tpu.memory_space<semaphore_mem>>) src(%arg11 : memref<120x128xf32, #tpu.memory_space<vmem>>) dst(%dma_wait3A_842 : memref<10368x128xf32, #tpu.memory_space<vmem_shared>>)
      %add3A_843 = arith.constant 4 : i32
      %add3A_844 = arith.addi %add3A_835, %add3A_843 : i32
      %dma_start3A_845 = arith.constant 0 : i32
      %dma_start3A_846 = arith.constant 0 : i32
      %dma_start3A_847 = tpu.memref_slice %arg3[%add3A_844, %dma_start3A_845, %dma_start3A_846] : memref<2688x2x120xi32, #tpu.memory_space<hbm>> -> memref<1x2x120xi32, #tpu.memory_space<hbm>>
      %dma_start3A_848 = tpu.memref_squeeze %dma_start3A_847 : memref<1x2x120xi32, #tpu.memory_space<hbm>> -> memref<2x120xi32, #tpu.memory_space<hbm>>
      %dma_start3A_849 = arith.constant 0 : i32
      %dma_start3A_850 = arith.constant 0 : i32
      %dma_start3A_851 = tpu.memref_slice %arg3[%add3A_844, %dma_start3A_849, %dma_start3A_850] : memref<2688x2x120xi32, #tpu.memory_space<hbm>> -> memref<1x2x120xi32, #tpu.memory_space<hbm>>
      %dma_start3A_852 = tpu.memref_squeeze %dma_start3A_851 : memref<1x2x120xi32, #tpu.memory_space<hbm>> -> memref<2x120xi32, #tpu.memory_space<hbm>>
      tpu.enqueue_dma source(%dma_start3A_852 : memref<2x120xi32, #tpu.memory_space<hbm>>) target(%arg5 : memref<2x120xi32, #tpu.memory_space<vmem>>) target_semaphore(%arg15 : memref<!tpu.dma_semaphore, #tpu.memory_space<semaphore_mem>>)
      %add3A_853 = arith.constant 1 : i32
      %add3A_854 = arith.addi %add3A_835, %add3A_853 : i32
      %dma_wait3A_855 = arith.constant 0 : i32
      %dma_wait3A_856 = arith.constant 0 : i32
      %dma_wait3A_857 = tpu.memref_slice %arg3[%add3A_854, %dma_wait3A_855, %dma_wait3A_856] : memref<2688x2x120xi32, #tpu.memory_space<hbm>> -> memref<1x2x120xi32, #tpu.memory_space<hbm>>
      %dma_wait3A_858 = tpu.memref_squeeze %dma_wait3A_857 : memref<1x2x120xi32, #tpu.memory_space<hbm>> -> memref<2x120xi32, #tpu.memory_space<hbm>>
      %dma_wait3A_859 = arith.constant 0 : i32
      %dma_wait3A_860 = arith.constant 0 : i32
      %dma_wait3A_861 = tpu.memref_slice %arg3[%add3A_854, %dma_wait3A_859, %dma_wait3A_860] : memref<2688x2x120xi32, #tpu.memory_space<hbm>> -> memref<1x2x120xi32, #tpu.memory_space<hbm>>
      %dma_wait3A_862 = tpu.memref_squeeze %dma_wait3A_861 : memref<1x2x120xi32, #tpu.memory_space<hbm>> -> memref<2x120xi32, #tpu.memory_space<hbm>>
      tpu.wait_dma2 semaphore(%arg18 : memref<!tpu.dma_semaphore, #tpu.memory_space<semaphore_mem>>) src(%dma_wait3A_862 : memref<2x120xi32, #tpu.memory_space<hbm>>) dst(%arg8 : memref<2x120xi32, #tpu.memory_space<vmem>>)
      %dma_start3A_863 = arith.constant 0 : i32
      %dma_start3A_864 = arith.constant 0 : i32
      %dma_start3A_865 = tpu.memref_slice %arg8[%dma_start3A_863, %dma_start3A_864] : memref<2x120xi32, #tpu.memory_space<vmem>> -> memref<1x120xi32, #tpu.memory_space<vmem>>
      %dma_start3A_866 = tpu.memref_squeeze %dma_start3A_865 : memref<1x120xi32, #tpu.memory_space<vmem>> -> memref<120xi32, #tpu.memory_space<vmem>>
      %dma_start3A_867 = arith.constant 0 : i32
      %dma_start3A_868 = arith.constant 0 : i32
      %dma_start3A_869 = tpu.memref_slice %arg2[%dma_start3A_867, %dma_start3A_868] : memref<10368x128xf32, #tpu.memory_space<hbm>> -> memref<10368x128xf32, #tpu.memory_space<hbm>>
      tpu.enqueue_indirect_dma source(%dma_start3A_869 : memref<10368x128xf32, #tpu.memory_space<hbm>>) target(%arg11 : memref<120x128xf32, #tpu.memory_space<vmem>>) offsets(%dma_start3A_866 : memref<120xi32, #tpu.memory_space<vmem>>) semaphore(%arg21 : memref<!tpu.dma_semaphore, #tpu.memory_space<semaphore_mem>>)
      %dma_wait3A_870 = arith.constant 0 : i32
      %dma_wait3A_871 = arith.constant 0 : i32
      %dma_wait3A_872 = tpu.memref_slice %arg7[%dma_wait3A_870, %dma_wait3A_871] : memref<2x120xi32, #tpu.memory_space<vmem>> -> memref<1x120xi32, #tpu.memory_space<vmem>>
      %dma_wait3A_873 = tpu.memref_squeeze %dma_wait3A_872 : memref<1x120xi32, #tpu.memory_space<vmem>> -> memref<120xi32, #tpu.memory_space<vmem>>
      %dma_wait3A_874 = arith.constant 0 : i32
      %dma_wait3A_875 = arith.constant 0 : i32
      %dma_wait3A_876 = tpu.memref_slice %arg2[%dma_wait3A_874, %dma_wait3A_875] : memref<10368x128xf32, #tpu.memory_space<hbm>> -> memref<10368x128xf32, #tpu.memory_space<hbm>>
      tpu.wait_indirect_dma semaphore(%arg23 : memref<!tpu.dma_semaphore, #tpu.memory_space<semaphore_mem>>) src(%dma_wait3A_876 : memref<10368x128xf32, #tpu.memory_space<hbm>>) dst(%arg13 : memref<120x128xf32, #tpu.memory_space<vmem>>)
      %dma_start3A_877 = arith.constant 1 : i32
      %dma_start3A_878 = arith.constant 0 : i32
      %dma_start3A_879 = tpu.memref_slice %arg7[%dma_start3A_877, %dma_start3A_878] : memref<2x120xi32, #tpu.memory_space<vmem>> -> memref<1x120xi32, #tpu.memory_space<vmem>>
      %dma_start3A_880 = tpu.memref_squeeze %dma_start3A_879 : memref<1x120xi32, #tpu.memory_space<vmem>> -> memref<120xi32, #tpu.memory_space<vmem>>
      %dma_start3A_881 = arith.constant 0 : i32
      %dma_start3A_882 = arith.constant 0 : i32
      %dma_start3A_883 = tpu.memref_slice %arg14[%dma_start3A_881, %dma_start3A_882] : memref<10368x128xf32, #tpu.memory_space<vmem_shared>> -> memref<10368x128xf32, #tpu.memory_space<vmem_shared>>
      tpu.enqueue_indirect_dma source(%arg13 : memref<120x128xf32, #tpu.memory_space<vmem>>) target(%dma_start3A_883 : memref<10368x128xf32, #tpu.memory_space<vmem_shared>>) offsets(%dma_start3A_880 : memref<120xi32, #tpu.memory_space<vmem>>) semaphore(%arg26 : memref<!tpu.dma_semaphore, #tpu.memory_space<semaphore_mem>>) {add = true}
      %add3A_884 = arith.constant 3 : i32
      %add3A_885 = arith.addi %add3A_733, %add3A_884 : i32
      %dma_wait3A_886 = arith.constant 1 : i32
      %dma_wait3A_887 = arith.constant 0 : i32
      %dma_wait3A_888 = tpu.memref_slice %arg6[%dma_wait3A_886, %dma_wait3A_887] : memref<2x120xi32, #tpu.memory_space<vmem>> -> memref<1x120xi32, #tpu.memory_space<vmem>>
      %dma_wait3A_889 = tpu.memref_squeeze %dma_wait3A_888 : memref<1x120xi32, #tpu.memory_space<vmem>> -> memref<120xi32, #tpu.memory_space<vmem>>
      %dma_wait3A_890 = arith.constant 0 : i32
      %dma_wait3A_891 = arith.constant 0 : i32
      %dma_wait3A_892 = tpu.memref_slice %arg14[%dma_wait3A_890, %dma_wait3A_891] : memref<10368x128xf32, #tpu.memory_space<vmem_shared>> -> memref<10368x128xf32, #tpu.memory_space<vmem_shared>>
      tpu.wait_indirect_dma semaphore(%arg25 : memref<!tpu.dma_semaphore, #tpu.memory_space<semaphore_mem>>) src(%arg12 : memref<120x128xf32, #tpu.memory_space<vmem>>) dst(%dma_wait3A_892 : memref<10368x128xf32, #tpu.memory_space<vmem_shared>>)
      %add3A_893 = arith.constant 4 : i32
      %add3A_894 = arith.addi %add3A_885, %add3A_893 : i32
      %dma_start3A_895 = arith.constant 0 : i32
      %dma_start3A_896 = arith.constant 0 : i32
      %dma_start3A_897 = tpu.memref_slice %arg3[%add3A_894, %dma_start3A_895, %dma_start3A_896] : memref<2688x2x120xi32, #tpu.memory_space<hbm>> -> memref<1x2x120xi32, #tpu.memory_space<hbm>>
      %dma_start3A_898 = tpu.memref_squeeze %dma_start3A_897 : memref<1x2x120xi32, #tpu.memory_space<hbm>> -> memref<2x120xi32, #tpu.memory_space<hbm>>
      %dma_start3A_899 = arith.constant 0 : i32
      %dma_start3A_900 = arith.constant 0 : i32
      %dma_start3A_901 = tpu.memref_slice %arg3[%add3A_894, %dma_start3A_899, %dma_start3A_900] : memref<2688x2x120xi32, #tpu.memory_space<hbm>> -> memref<1x2x120xi32, #tpu.memory_space<hbm>>
      %dma_start3A_902 = tpu.memref_squeeze %dma_start3A_901 : memref<1x2x120xi32, #tpu.memory_space<hbm>> -> memref<2x120xi32, #tpu.memory_space<hbm>>
      tpu.enqueue_dma source(%dma_start3A_902 : memref<2x120xi32, #tpu.memory_space<hbm>>) target(%arg6 : memref<2x120xi32, #tpu.memory_space<vmem>>) target_semaphore(%arg16 : memref<!tpu.dma_semaphore, #tpu.memory_space<semaphore_mem>>)
      %add3A_903 = arith.constant 1 : i32
      %add3A_904 = arith.addi %add3A_885, %add3A_903 : i32
      %dma_wait3A_905 = arith.constant 0 : i32
      %dma_wait3A_906 = arith.constant 0 : i32
      %dma_wait3A_907 = tpu.memref_slice %arg3[%add3A_904, %dma_wait3A_905, %dma_wait3A_906] : memref<2688x2x120xi32, #tpu.memory_space<hbm>> -> memref<1x2x120xi32, #tpu.memory_space<hbm>>
      %dma_wait3A_908 = tpu.memref_squeeze %dma_wait3A_907 : memref<1x2x120xi32, #tpu.memory_space<hbm>> -> memref<2x120xi32, #tpu.memory_space<hbm>>
      %dma_wait3A_909 = arith.constant 0 : i32
      %dma_wait3A_910 = arith.constant 0 : i32
      %dma_wait3A_911 = tpu.memref_slice %arg3[%add3A_904, %dma_wait3A_909, %dma_wait3A_910] : memref<2688x2x120xi32, #tpu.memory_space<hbm>> -> memref<1x2x120xi32, #tpu.memory_space<hbm>>
      %dma_wait3A_912 = tpu.memref_squeeze %dma_wait3A_911 : memref<1x2x120xi32, #tpu.memory_space<hbm>> -> memref<2x120xi32, #tpu.memory_space<hbm>>
      tpu.wait_dma2 semaphore(%arg19 : memref<!tpu.dma_semaphore, #tpu.memory_space<semaphore_mem>>) src(%dma_wait3A_912 : memref<2x120xi32, #tpu.memory_space<hbm>>) dst(%arg9 : memref<2x120xi32, #tpu.memory_space<vmem>>)
      %dma_start3A_913 = arith.constant 0 : i32
      %dma_start3A_914 = arith.constant 0 : i32
      %dma_start3A_915 = tpu.memref_slice %arg9[%dma_start3A_913, %dma_start3A_914] : memref<2x120xi32, #tpu.memory_space<vmem>> -> memref<1x120xi32, #tpu.memory_space<vmem>>
      %dma_start3A_916 = tpu.memref_squeeze %dma_start3A_915 : memref<1x120xi32, #tpu.memory_space<vmem>> -> memref<120xi32, #tpu.memory_space<vmem>>
      %dma_start3A_917 = arith.constant 0 : i32
      %dma_start3A_918 = arith.constant 0 : i32
      %dma_start3A_919 = tpu.memref_slice %arg2[%dma_start3A_917, %dma_start3A_918] : memref<10368x128xf32, #tpu.memory_space<hbm>> -> memref<10368x128xf32, #tpu.memory_space<hbm>>
      tpu.enqueue_indirect_dma source(%dma_start3A_919 : memref<10368x128xf32, #tpu.memory_space<hbm>>) target(%arg12 : memref<120x128xf32, #tpu.memory_space<vmem>>) offsets(%dma_start3A_916 : memref<120xi32, #tpu.memory_space<vmem>>) semaphore(%arg22 : memref<!tpu.dma_semaphore, #tpu.memory_space<semaphore_mem>>)
      %dma_wait3A_920 = arith.constant 0 : i32
      %dma_wait3A_921 = arith.constant 0 : i32
      %dma_wait3A_922 = tpu.memref_slice %arg8[%dma_wait3A_920, %dma_wait3A_921] : memref<2x120xi32, #tpu.memory_space<vmem>> -> memref<1x120xi32, #tpu.memory_space<vmem>>
      %dma_wait3A_923 = tpu.memref_squeeze %dma_wait3A_922 : memref<1x120xi32, #tpu.memory_space<vmem>> -> memref<120xi32, #tpu.memory_space<vmem>>
      %dma_wait3A_924 = arith.constant 0 : i32
      %dma_wait3A_925 = arith.constant 0 : i32
      %dma_wait3A_926 = tpu.memref_slice %arg2[%dma_wait3A_924, %dma_wait3A_925] : memref<10368x128xf32, #tpu.memory_space<hbm>> -> memref<10368x128xf32, #tpu.memory_space<hbm>>
      tpu.wait_indirect_dma semaphore(%arg21 : memref<!tpu.dma_semaphore, #tpu.memory_space<semaphore_mem>>) src(%dma_wait3A_926 : memref<10368x128xf32, #tpu.memory_space<hbm>>) dst(%arg11 : memref<120x128xf32, #tpu.memory_space<vmem>>)
      %dma_start3A_927 = arith.constant 1 : i32
      %dma_start3A_928 = arith.constant 0 : i32
      %dma_start3A_929 = tpu.memref_slice %arg8[%dma_start3A_927, %dma_start3A_928] : memref<2x120xi32, #tpu.memory_space<vmem>> -> memref<1x120xi32, #tpu.memory_space<vmem>>
      %dma_start3A_930 = tpu.memref_squeeze %dma_start3A_929 : memref<1x120xi32, #tpu.memory_space<vmem>> -> memref<120xi32, #tpu.memory_space<vmem>>
      %dma_start3A_931 = arith.constant 0 : i32
      %dma_start3A_932 = arith.constant 0 : i32
      %dma_start3A_933 = tpu.memref_slice %arg14[%dma_start3A_931, %dma_start3A_932] : memref<10368x128xf32, #tpu.memory_space<vmem_shared>> -> memref<10368x128xf32, #tpu.memory_space<vmem_shared>>
      tpu.enqueue_indirect_dma source(%arg11 : memref<120x128xf32, #tpu.memory_space<vmem>>) target(%dma_start3A_933 : memref<10368x128xf32, #tpu.memory_space<vmem_shared>>) offsets(%dma_start3A_930 : memref<120xi32, #tpu.memory_space<vmem>>) semaphore(%arg24 : memref<!tpu.dma_semaphore, #tpu.memory_space<semaphore_mem>>) {add = true}
      %add3A_934 = arith.constant 4 : i32
      %add3A_935 = arith.addi %add3A_733, %add3A_934 : i32
      %dma_wait3A_936 = arith.constant 1 : i32
      %dma_wait3A_937 = arith.constant 0 : i32
      %dma_wait3A_938 = tpu.memref_slice %arg7[%dma_wait3A_936, %dma_wait3A_937] : memref<2x120xi32, #tpu.memory_space<vmem>> -> memref<1x120xi32, #tpu.memory_space<vmem>>
      %dma_wait3A_939 = tpu.memref_squeeze %dma_wait3A_938 : memref<1x120xi32, #tpu.memory_space<vmem>> -> memref<120xi32, #tpu.memory_space<vmem>>
      %dma_wait3A_940 = arith.constant 0 : i32
      %dma_wait3A_941 = arith.constant 0 : i32
      %dma_wait3A_942 = tpu.memref_slice %arg14[%dma_wait3A_940, %dma_wait3A_941] : memref<10368x128xf32, #tpu.memory_space<vmem_shared>> -> memref<10368x128xf32, #tpu.memory_space<vmem_shared>>
      tpu.wait_indirect_dma semaphore(%arg26 : memref<!tpu.dma_semaphore, #tpu.memory_space<semaphore_mem>>) src(%arg13 : memref<120x128xf32, #tpu.memory_space<vmem>>) dst(%dma_wait3A_942 : memref<10368x128xf32, #tpu.memory_space<vmem_shared>>)
      %add3A_943 = arith.constant 4 : i32
      %add3A_944 = arith.addi %add3A_935, %add3A_943 : i32
      %dma_start3A_945 = arith.constant 0 : i32
      %dma_start3A_946 = arith.constant 0 : i32
      %dma_start3A_947 = tpu.memref_slice %arg3[%add3A_944, %dma_start3A_945, %dma_start3A_946] : memref<2688x2x120xi32, #tpu.memory_space<hbm>> -> memref<1x2x120xi32, #tpu.memory_space<hbm>>
      %dma_start3A_948 = tpu.memref_squeeze %dma_start3A_947 : memref<1x2x120xi32, #tpu.memory_space<hbm>> -> memref<2x120xi32, #tpu.memory_space<hbm>>
      %dma_start3A_949 = arith.constant 0 : i32
      %dma_start3A_950 = arith.constant 0 : i32
      %dma_start3A_951 = tpu.memref_slice %arg3[%add3A_944, %dma_start3A_949, %dma_start3A_950] : memref<2688x2x120xi32, #tpu.memory_space<hbm>> -> memref<1x2x120xi32, #tpu.memory_space<hbm>>
      %dma_start3A_952 = tpu.memref_squeeze %dma_start3A_951 : memref<1x2x120xi32, #tpu.memory_space<hbm>> -> memref<2x120xi32, #tpu.memory_space<hbm>>
      tpu.enqueue_dma source(%dma_start3A_952 : memref<2x120xi32, #tpu.memory_space<hbm>>) target(%arg7 : memref<2x120xi32, #tpu.memory_space<vmem>>) target_semaphore(%arg17 : memref<!tpu.dma_semaphore, #tpu.memory_space<semaphore_mem>>)
      %add3A_953 = arith.constant 1 : i32
      %add3A_954 = arith.addi %add3A_935, %add3A_953 : i32
      %dma_wait3A_955 = arith.constant 0 : i32
      %dma_wait3A_956 = arith.constant 0 : i32
      %dma_wait3A_957 = tpu.memref_slice %arg3[%add3A_954, %dma_wait3A_955, %dma_wait3A_956] : memref<2688x2x120xi32, #tpu.memory_space<hbm>> -> memref<1x2x120xi32, #tpu.memory_space<hbm>>
      %dma_wait3A_958 = tpu.memref_squeeze %dma_wait3A_957 : memref<1x2x120xi32, #tpu.memory_space<hbm>> -> memref<2x120xi32, #tpu.memory_space<hbm>>
      %dma_wait3A_959 = arith.constant 0 : i32
      %dma_wait3A_960 = arith.constant 0 : i32
      %dma_wait3A_961 = tpu.memref_slice %arg3[%add3A_954, %dma_wait3A_959, %dma_wait3A_960] : memref<2688x2x120xi32, #tpu.memory_space<hbm>> -> memref<1x2x120xi32, #tpu.memory_space<hbm>>
      %dma_wait3A_962 = tpu.memref_squeeze %dma_wait3A_961 : memref<1x2x120xi32, #tpu.memory_space<hbm>> -> memref<2x120xi32, #tpu.memory_space<hbm>>
      tpu.wait_dma2 semaphore(%arg20 : memref<!tpu.dma_semaphore, #tpu.memory_space<semaphore_mem>>) src(%dma_wait3A_962 : memref<2x120xi32, #tpu.memory_space<hbm>>) dst(%arg10 : memref<2x120xi32, #tpu.memory_space<vmem>>)
      %dma_start3A_963 = arith.constant 0 : i32
      %dma_start3A_964 = arith.constant 0 : i32
      %dma_start3A_965 = tpu.memref_slice %arg10[%dma_start3A_963, %dma_start3A_964] : memref<2x120xi32, #tpu.memory_space<vmem>> -> memref<1x120xi32, #tpu.memory_space<vmem>>
      %dma_start3A_966 = tpu.memref_squeeze %dma_start3A_965 : memref<1x120xi32, #tpu.memory_space<vmem>> -> memref<120xi32, #tpu.memory_space<vmem>>
      %dma_start3A_967 = arith.constant 0 : i32
      %dma_start3A_968 = arith.constant 0 : i32
      %dma_start3A_969 = tpu.memref_slice %arg2[%dma_start3A_967, %dma_start3A_968] : memref<10368x128xf32, #tpu.memory_space<hbm>> -> memref<10368x128xf32, #tpu.memory_space<hbm>>
      tpu.enqueue_indirect_dma source(%dma_start3A_969 : memref<10368x128xf32, #tpu.memory_space<hbm>>) target(%arg13 : memref<120x128xf32, #tpu.memory_space<vmem>>) offsets(%dma_start3A_966 : memref<120xi32, #tpu.memory_space<vmem>>) semaphore(%arg23 : memref<!tpu.dma_semaphore, #tpu.memory_space<semaphore_mem>>)
      %dma_wait3A_970 = arith.constant 0 : i32
      %dma_wait3A_971 = arith.constant 0 : i32
      %dma_wait3A_972 = tpu.memref_slice %arg9[%dma_wait3A_970, %dma_wait3A_971] : memref<2x120xi32, #tpu.memory_space<vmem>> -> memref<1x120xi32, #tpu.memory_space<vmem>>
      %dma_wait3A_973 = tpu.memref_squeeze %dma_wait3A_972 : memref<1x120xi32, #tpu.memory_space<vmem>> -> memref<120xi32, #tpu.memory_space<vmem>>
      %dma_wait3A_974 = arith.constant 0 : i32
      %dma_wait3A_975 = arith.constant 0 : i32
      %dma_wait3A_976 = tpu.memref_slice %arg2[%dma_wait3A_974, %dma_wait3A_975] : memref<10368x128xf32, #tpu.memory_space<hbm>> -> memref<10368x128xf32, #tpu.memory_space<hbm>>
      tpu.wait_indirect_dma semaphore(%arg22 : memref<!tpu.dma_semaphore, #tpu.memory_space<semaphore_mem>>) src(%dma_wait3A_976 : memref<10368x128xf32, #tpu.memory_space<hbm>>) dst(%arg12 : memref<120x128xf32, #tpu.memory_space<vmem>>)
      %dma_start3A_977 = arith.constant 1 : i32
      %dma_start3A_978 = arith.constant 0 : i32
      %dma_start3A_979 = tpu.memref_slice %arg9[%dma_start3A_977, %dma_start3A_978] : memref<2x120xi32, #tpu.memory_space<vmem>> -> memref<1x120xi32, #tpu.memory_space<vmem>>
      %dma_start3A_980 = tpu.memref_squeeze %dma_start3A_979 : memref<1x120xi32, #tpu.memory_space<vmem>> -> memref<120xi32, #tpu.memory_space<vmem>>
      %dma_start3A_981 = arith.constant 0 : i32
      %dma_start3A_982 = arith.constant 0 : i32
      %dma_start3A_983 = tpu.memref_slice %arg14[%dma_start3A_981, %dma_start3A_982] : memref<10368x128xf32, #tpu.memory_space<vmem_shared>> -> memref<10368x128xf32, #tpu.memory_space<vmem_shared>>
      tpu.enqueue_indirect_dma source(%arg12 : memref<120x128xf32, #tpu.memory_space<vmem>>) target(%dma_start3A_983 : memref<10368x128xf32, #tpu.memory_space<vmem_shared>>) offsets(%dma_start3A_980 : memref<120xi32, #tpu.memory_space<vmem>>) semaphore(%arg25 : memref<!tpu.dma_semaphore, #tpu.memory_space<semaphore_mem>>) {add = true}
      %add3A_984 = arith.constant 5 : i32
      %add3A_985 = arith.addi %add3A_733, %add3A_984 : i32
      %dma_wait3A_986 = arith.constant 1 : i32
      %dma_wait3A_987 = arith.constant 0 : i32
      %dma_wait3A_988 = tpu.memref_slice %arg8[%dma_wait3A_986, %dma_wait3A_987] : memref<2x120xi32, #tpu.memory_space<vmem>> -> memref<1x120xi32, #tpu.memory_space<vmem>>
      %dma_wait3A_989 = tpu.memref_squeeze %dma_wait3A_988 : memref<1x120xi32, #tpu.memory_space<vmem>> -> memref<120xi32, #tpu.memory_space<vmem>>
      %dma_wait3A_990 = arith.constant 0 : i32
      %dma_wait3A_991 = arith.constant 0 : i32
      %dma_wait3A_992 = tpu.memref_slice %arg14[%dma_wait3A_990, %dma_wait3A_991] : memref<10368x128xf32, #tpu.memory_space<vmem_shared>> -> memref<10368x128xf32, #tpu.memory_space<vmem_shared>>
      tpu.wait_indirect_dma semaphore(%arg24 : memref<!tpu.dma_semaphore, #tpu.memory_space<semaphore_mem>>) src(%arg11 : memref<120x128xf32, #tpu.memory_space<vmem>>) dst(%dma_wait3A_992 : memref<10368x128xf32, #tpu.memory_space<vmem_shared>>)
      %add3A_993 = arith.constant 4 : i32
      %add3A_994 = arith.addi %add3A_985, %add3A_993 : i32
      %dma_start3A_995 = arith.constant 0 : i32
      %dma_start3A_996 = arith.constant 0 : i32
      %dma_start3A_997 = tpu.memref_slice %arg3[%add3A_994, %dma_start3A_995, %dma_start3A_996] : memref<2688x2x120xi32, #tpu.memory_space<hbm>> -> memref<1x2x120xi32, #tpu.memory_space<hbm>>
      %dma_start3A_998 = tpu.memref_squeeze %dma_start3A_997 : memref<1x2x120xi32, #tpu.memory_space<hbm>> -> memref<2x120xi32, #tpu.memory_space<hbm>>
      %dma_start3A_999 = arith.constant 0 : i32
      %dma_start3A_1000 = arith.constant 0 : i32
      %dma_start3A_1001 = tpu.memref_slice %arg3[%add3A_994, %dma_start3A_999, %dma_start3A_1000] : memref<2688x2x120xi32, #tpu.memory_space<hbm>> -> memref<1x2x120xi32, #tpu.memory_space<hbm>>
      %dma_start3A_1002 = tpu.memref_squeeze %dma_start3A_1001 : memref<1x2x120xi32, #tpu.memory_space<hbm>> -> memref<2x120xi32, #tpu.memory_space<hbm>>
      tpu.enqueue_dma source(%dma_start3A_1002 : memref<2x120xi32, #tpu.memory_space<hbm>>) target(%arg8 : memref<2x120xi32, #tpu.memory_space<vmem>>) target_semaphore(%arg18 : memref<!tpu.dma_semaphore, #tpu.memory_space<semaphore_mem>>)
      %add3A_1003 = arith.constant 1 : i32
      %add3A_1004 = arith.addi %add3A_985, %add3A_1003 : i32
      %dma_wait3A_1005 = arith.constant 0 : i32
      %dma_wait3A_1006 = arith.constant 0 : i32
      %dma_wait3A_1007 = tpu.memref_slice %arg3[%add3A_1004, %dma_wait3A_1005, %dma_wait3A_1006] : memref<2688x2x120xi32, #tpu.memory_space<hbm>> -> memref<1x2x120xi32, #tpu.memory_space<hbm>>
      %dma_wait3A_1008 = tpu.memref_squeeze %dma_wait3A_1007 : memref<1x2x120xi32, #tpu.memory_space<hbm>> -> memref<2x120xi32, #tpu.memory_space<hbm>>
      %dma_wait3A_1009 = arith.constant 0 : i32
      %dma_wait3A_1010 = arith.constant 0 : i32
      %dma_wait3A_1011 = tpu.memref_slice %arg3[%add3A_1004, %dma_wait3A_1009, %dma_wait3A_1010] : memref<2688x2x120xi32, #tpu.memory_space<hbm>> -> memref<1x2x120xi32, #tpu.memory_space<hbm>>
      %dma_wait3A_1012 = tpu.memref_squeeze %dma_wait3A_1011 : memref<1x2x120xi32, #tpu.memory_space<hbm>> -> memref<2x120xi32, #tpu.memory_space<hbm>>
      tpu.wait_dma2 semaphore(%arg15 : memref<!tpu.dma_semaphore, #tpu.memory_space<semaphore_mem>>) src(%dma_wait3A_1012 : memref<2x120xi32, #tpu.memory_space<hbm>>) dst(%arg5 : memref<2x120xi32, #tpu.memory_space<vmem>>)
      %dma_start3A_1013 = arith.constant 0 : i32
      %dma_start3A_1014 = arith.constant 0 : i32
      %dma_start3A_1015 = tpu.memref_slice %arg5[%dma_start3A_1013, %dma_start3A_1014] : memref<2x120xi32, #tpu.memory_space<vmem>> -> memref<1x120xi32, #tpu.memory_space<vmem>>
      %dma_start3A_1016 = tpu.memref_squeeze %dma_start3A_1015 : memref<1x120xi32, #tpu.memory_space<vmem>> -> memref<120xi32, #tpu.memory_space<vmem>>
      %dma_start3A_1017 = arith.constant 0 : i32
      %dma_start3A_1018 = arith.constant 0 : i32
      %dma_start3A_1019 = tpu.memref_slice %arg2[%dma_start3A_1017, %dma_start3A_1018] : memref<10368x128xf32, #tpu.memory_space<hbm>> -> memref<10368x128xf32, #tpu.memory_space<hbm>>
      tpu.enqueue_indirect_dma source(%dma_start3A_1019 : memref<10368x128xf32, #tpu.memory_space<hbm>>) target(%arg11 : memref<120x128xf32, #tpu.memory_space<vmem>>) offsets(%dma_start3A_1016 : memref<120xi32, #tpu.memory_space<vmem>>) semaphore(%arg21 : memref<!tpu.dma_semaphore, #tpu.memory_space<semaphore_mem>>)
      %dma_wait3A_1020 = arith.constant 0 : i32
      %dma_wait3A_1021 = arith.constant 0 : i32
      %dma_wait3A_1022 = tpu.memref_slice %arg10[%dma_wait3A_1020, %dma_wait3A_1021] : memref<2x120xi32, #tpu.memory_space<vmem>> -> memref<1x120xi32, #tpu.memory_space<vmem>>
      %dma_wait3A_1023 = tpu.memref_squeeze %dma_wait3A_1022 : memref<1x120xi32, #tpu.memory_space<vmem>> -> memref<120xi32, #tpu.memory_space<vmem>>
      %dma_wait3A_1024 = arith.constant 0 : i32
      %dma_wait3A_1025 = arith.constant 0 : i32
      %dma_wait3A_1026 = tpu.memref_slice %arg2[%dma_wait3A_1024, %dma_wait3A_1025] : memref<10368x128xf32, #tpu.memory_space<hbm>> -> memref<10368x128xf32, #tpu.memory_space<hbm>>
      tpu.wait_indirect_dma semaphore(%arg23 : memref<!tpu.dma_semaphore, #tpu.memory_space<semaphore_mem>>) src(%dma_wait3A_1026 : memref<10368x128xf32, #tpu.memory_space<hbm>>) dst(%arg13 : memref<120x128xf32, #tpu.memory_space<vmem>>)
      %dma_start3A_1027 = arith.constant 1 : i32
      %dma_start3A_1028 = arith.constant 0 : i32
      %dma_start3A_1029 = tpu.memref_slice %arg10[%dma_start3A_1027, %dma_start3A_1028] : memref<2x120xi32, #tpu.memory_space<vmem>> -> memref<1x120xi32, #tpu.memory_space<vmem>>
      %dma_start3A_1030 = tpu.memref_squeeze %dma_start3A_1029 : memref<1x120xi32, #tpu.memory_space<vmem>> -> memref<120xi32, #tpu.memory_space<vmem>>
      %dma_start3A_1031 = arith.constant 0 : i32
      %dma_start3A_1032 = arith.constant 0 : i32
      %dma_start3A_1033 = tpu.memref_slice %arg14[%dma_start3A_1031, %dma_start3A_1032] : memref<10368x128xf32, #tpu.memory_space<vmem_shared>> -> memref<10368x128xf32, #tpu.memory_space<vmem_shared>>
      tpu.enqueue_indirect_dma source(%arg13 : memref<120x128xf32, #tpu.memory_space<vmem>>) target(%dma_start3A_1033 : memref<10368x128xf32, #tpu.memory_space<vmem_shared>>) offsets(%dma_start3A_1030 : memref<120xi32, #tpu.memory_space<vmem>>) semaphore(%arg26 : memref<!tpu.dma_semaphore, #tpu.memory_space<semaphore_mem>>) {add = true}
    }
    %scan3A_462 = arith.constant 12 : i32
    %add3A_463 = arith.constant 78 : i32
    %add3A_464 = arith.addi %mul3A_2, %add3A_463 : i32
    %add3A_465 = arith.constant 0 : i32
    %add3A_466 = arith.addi %add3A_464, %add3A_465 : i32
    %dma_wait3A_467 = arith.constant 1 : i32
    %dma_wait3A_468 = arith.constant 0 : i32
    %dma_wait3A_469 = tpu.memref_slice %arg9[%dma_wait3A_467, %dma_wait3A_468] : memref<2x120xi32, #tpu.memory_space<vmem>> -> memref<1x120xi32, #tpu.memory_space<vmem>>
    %dma_wait3A_470 = tpu.memref_squeeze %dma_wait3A_469 : memref<1x120xi32, #tpu.memory_space<vmem>> -> memref<120xi32, #tpu.memory_space<vmem>>
    %dma_wait3A_471 = arith.constant 0 : i32
    %dma_wait3A_472 = arith.constant 0 : i32
    %dma_wait3A_473 = tpu.memref_slice %arg14[%dma_wait3A_471, %dma_wait3A_472] : memref<10368x128xf32, #tpu.memory_space<vmem_shared>> -> memref<10368x128xf32, #tpu.memory_space<vmem_shared>>
    tpu.wait_indirect_dma semaphore(%arg25 : memref<!tpu.dma_semaphore, #tpu.memory_space<semaphore_mem>>) src(%arg12 : memref<120x128xf32, #tpu.memory_space<vmem>>) dst(%dma_wait3A_473 : memref<10368x128xf32, #tpu.memory_space<vmem_shared>>)
    %add3A_474 = arith.constant 4 : i32
    %add3A_475 = arith.addi %add3A_466, %add3A_474 : i32
    %dma_start3A_476 = arith.constant 0 : i32
    %dma_start3A_477 = arith.constant 0 : i32
    %dma_start3A_478 = tpu.memref_slice %arg3[%add3A_475, %dma_start3A_476, %dma_start3A_477] : memref<2688x2x120xi32, #tpu.memory_space<hbm>> -> memref<1x2x120xi32, #tpu.memory_space<hbm>>
    %dma_start3A_479 = tpu.memref_squeeze %dma_start3A_478 : memref<1x2x120xi32, #tpu.memory_space<hbm>> -> memref<2x120xi32, #tpu.memory_space<hbm>>
    %dma_start3A_480 = arith.constant 0 : i32
    %dma_start3A_481 = arith.constant 0 : i32
    %dma_start3A_482 = tpu.memref_slice %arg3[%add3A_475, %dma_start3A_480, %dma_start3A_481] : memref<2688x2x120xi32, #tpu.memory_space<hbm>> -> memref<1x2x120xi32, #tpu.memory_space<hbm>>
    %dma_start3A_483 = tpu.memref_squeeze %dma_start3A_482 : memref<1x2x120xi32, #tpu.memory_space<hbm>> -> memref<2x120xi32, #tpu.memory_space<hbm>>
    tpu.enqueue_dma source(%dma_start3A_483 : memref<2x120xi32, #tpu.memory_space<hbm>>) target(%arg9 : memref<2x120xi32, #tpu.memory_space<vmem>>) target_semaphore(%arg19 : memref<!tpu.dma_semaphore, #tpu.memory_space<semaphore_mem>>)
    %add3A_484 = arith.constant 1 : i32
    %add3A_485 = arith.addi %add3A_466, %add3A_484 : i32
    %dma_wait3A_486 = arith.constant 0 : i32
    %dma_wait3A_487 = arith.constant 0 : i32
    %dma_wait3A_488 = tpu.memref_slice %arg3[%add3A_485, %dma_wait3A_486, %dma_wait3A_487] : memref<2688x2x120xi32, #tpu.memory_space<hbm>> -> memref<1x2x120xi32, #tpu.memory_space<hbm>>
    %dma_wait3A_489 = tpu.memref_squeeze %dma_wait3A_488 : memref<1x2x120xi32, #tpu.memory_space<hbm>> -> memref<2x120xi32, #tpu.memory_space<hbm>>
    %dma_wait3A_490 = arith.constant 0 : i32
    %dma_wait3A_491 = arith.constant 0 : i32
    %dma_wait3A_492 = tpu.memref_slice %arg3[%add3A_485, %dma_wait3A_490, %dma_wait3A_491] : memref<2688x2x120xi32, #tpu.memory_space<hbm>> -> memref<1x2x120xi32, #tpu.memory_space<hbm>>
    %dma_wait3A_493 = tpu.memref_squeeze %dma_wait3A_492 : memref<1x2x120xi32, #tpu.memory_space<hbm>> -> memref<2x120xi32, #tpu.memory_space<hbm>>
    tpu.wait_dma2 semaphore(%arg16 : memref<!tpu.dma_semaphore, #tpu.memory_space<semaphore_mem>>) src(%dma_wait3A_493 : memref<2x120xi32, #tpu.memory_space<hbm>>) dst(%arg6 : memref<2x120xi32, #tpu.memory_space<vmem>>)
    %dma_start3A_494 = arith.constant 0 : i32
    %dma_start3A_495 = arith.constant 0 : i32
    %dma_start3A_496 = tpu.memref_slice %arg6[%dma_start3A_494, %dma_start3A_495] : memref<2x120xi32, #tpu.memory_space<vmem>> -> memref<1x120xi32, #tpu.memory_space<vmem>>
    %dma_start3A_497 = tpu.memref_squeeze %dma_start3A_496 : memref<1x120xi32, #tpu.memory_space<vmem>> -> memref<120xi32, #tpu.memory_space<vmem>>
    %dma_start3A_498 = arith.constant 0 : i32
    %dma_start3A_499 = arith.constant 0 : i32
    %dma_start3A_500 = tpu.memref_slice %arg2[%dma_start3A_498, %dma_start3A_499] : memref<10368x128xf32, #tpu.memory_space<hbm>> -> memref<10368x128xf32, #tpu.memory_space<hbm>>
    tpu.enqueue_indirect_dma source(%dma_start3A_500 : memref<10368x128xf32, #tpu.memory_space<hbm>>) target(%arg12 : memref<120x128xf32, #tpu.memory_space<vmem>>) offsets(%dma_start3A_497 : memref<120xi32, #tpu.memory_space<vmem>>) semaphore(%arg22 : memref<!tpu.dma_semaphore, #tpu.memory_space<semaphore_mem>>)
    %dma_wait3A_501 = arith.constant 0 : i32
    %dma_wait3A_502 = arith.constant 0 : i32
    %dma_wait3A_503 = tpu.memref_slice %arg5[%dma_wait3A_501, %dma_wait3A_502] : memref<2x120xi32, #tpu.memory_space<vmem>> -> memref<1x120xi32, #tpu.memory_space<vmem>>
    %dma_wait3A_504 = tpu.memref_squeeze %dma_wait3A_503 : memref<1x120xi32, #tpu.memory_space<vmem>> -> memref<120xi32, #tpu.memory_space<vmem>>
    %dma_wait3A_505 = arith.constant 0 : i32
    %dma_wait3A_506 = arith.constant 0 : i32
    %dma_wait3A_507 = tpu.memref_slice %arg2[%dma_wait3A_505, %dma_wait3A_506] : memref<10368x128xf32, #tpu.memory_space<hbm>> -> memref<10368x128xf32, #tpu.memory_space<hbm>>
    tpu.wait_indirect_dma semaphore(%arg21 : memref<!tpu.dma_semaphore, #tpu.memory_space<semaphore_mem>>) src(%dma_wait3A_507 : memref<10368x128xf32, #tpu.memory_space<hbm>>) dst(%arg11 : memref<120x128xf32, #tpu.memory_space<vmem>>)
    %dma_start3A_508 = arith.constant 1 : i32
    %dma_start3A_509 = arith.constant 0 : i32
    %dma_start3A_510 = tpu.memref_slice %arg5[%dma_start3A_508, %dma_start3A_509] : memref<2x120xi32, #tpu.memory_space<vmem>> -> memref<1x120xi32, #tpu.memory_space<vmem>>
    %dma_start3A_511 = tpu.memref_squeeze %dma_start3A_510 : memref<1x120xi32, #tpu.memory_space<vmem>> -> memref<120xi32, #tpu.memory_space<vmem>>
    %dma_start3A_512 = arith.constant 0 : i32
    %dma_start3A_513 = arith.constant 0 : i32
    %dma_start3A_514 = tpu.memref_slice %arg14[%dma_start3A_512, %dma_start3A_513] : memref<10368x128xf32, #tpu.memory_space<vmem_shared>> -> memref<10368x128xf32, #tpu.memory_space<vmem_shared>>
    tpu.enqueue_indirect_dma source(%arg11 : memref<120x128xf32, #tpu.memory_space<vmem>>) target(%dma_start3A_514 : memref<10368x128xf32, #tpu.memory_space<vmem_shared>>) offsets(%dma_start3A_511 : memref<120xi32, #tpu.memory_space<vmem>>) semaphore(%arg24 : memref<!tpu.dma_semaphore, #tpu.memory_space<semaphore_mem>>) {add = true}
    %add3A_515 = arith.constant 1 : i32
    %add3A_516 = arith.addi %add3A_464, %add3A_515 : i32
    %dma_wait3A_517 = arith.constant 1 : i32
    %dma_wait3A_518 = arith.constant 0 : i32
    %dma_wait3A_519 = tpu.memref_slice %arg10[%dma_wait3A_517, %dma_wait3A_518] : memref<2x120xi32, #tpu.memory_space<vmem>> -> memref<1x120xi32, #tpu.memory_space<vmem>>
    %dma_wait3A_520 = tpu.memref_squeeze %dma_wait3A_519 : memref<1x120xi32, #tpu.memory_space<vmem>> -> memref<120xi32, #tpu.memory_space<vmem>>
    %dma_wait3A_521 = arith.constant 0 : i32
    %dma_wait3A_522 = arith.constant 0 : i32
    %dma_wait3A_523 = tpu.memref_slice %arg14[%dma_wait3A_521, %dma_wait3A_522] : memref<10368x128xf32, #tpu.memory_space<vmem_shared>> -> memref<10368x128xf32, #tpu.memory_space<vmem_shared>>
    tpu.wait_indirect_dma semaphore(%arg26 : memref<!tpu.dma_semaphore, #tpu.memory_space<semaphore_mem>>) src(%arg13 : memref<120x128xf32, #tpu.memory_space<vmem>>) dst(%dma_wait3A_523 : memref<10368x128xf32, #tpu.memory_space<vmem_shared>>)
    %add3A_524 = arith.constant 4 : i32
    %add3A_525 = arith.addi %add3A_516, %add3A_524 : i32
    %dma_start3A_526 = arith.constant 0 : i32
    %dma_start3A_527 = arith.constant 0 : i32
    %dma_start3A_528 = tpu.memref_slice %arg3[%add3A_525, %dma_start3A_526, %dma_start3A_527] : memref<2688x2x120xi32, #tpu.memory_space<hbm>> -> memref<1x2x120xi32, #tpu.memory_space<hbm>>
    %dma_start3A_529 = tpu.memref_squeeze %dma_start3A_528 : memref<1x2x120xi32, #tpu.memory_space<hbm>> -> memref<2x120xi32, #tpu.memory_space<hbm>>
    %dma_start3A_530 = arith.constant 0 : i32
    %dma_start3A_531 = arith.constant 0 : i32
    %dma_start3A_532 = tpu.memref_slice %arg3[%add3A_525, %dma_start3A_530, %dma_start3A_531] : memref<2688x2x120xi32, #tpu.memory_space<hbm>> -> memref<1x2x120xi32, #tpu.memory_space<hbm>>
    %dma_start3A_533 = tpu.memref_squeeze %dma_start3A_532 : memref<1x2x120xi32, #tpu.memory_space<hbm>> -> memref<2x120xi32, #tpu.memory_space<hbm>>
    tpu.enqueue_dma source(%dma_start3A_533 : memref<2x120xi32, #tpu.memory_space<hbm>>) target(%arg10 : memref<2x120xi32, #tpu.memory_space<vmem>>) target_semaphore(%arg20 : memref<!tpu.dma_semaphore, #tpu.memory_space<semaphore_mem>>)
    %add3A_534 = arith.constant 1 : i32
    %add3A_535 = arith.addi %add3A_516, %add3A_534 : i32
    %dma_wait3A_536 = arith.constant 0 : i32
    %dma_wait3A_537 = arith.constant 0 : i32
    %dma_wait3A_538 = tpu.memref_slice %arg3[%add3A_535, %dma_wait3A_536, %dma_wait3A_537] : memref<2688x2x120xi32, #tpu.memory_space<hbm>> -> memref<1x2x120xi32, #tpu.memory_space<hbm>>
    %dma_wait3A_539 = tpu.memref_squeeze %dma_wait3A_538 : memref<1x2x120xi32, #tpu.memory_space<hbm>> -> memref<2x120xi32, #tpu.memory_space<hbm>>
    %dma_wait3A_540 = arith.constant 0 : i32
    %dma_wait3A_541 = arith.constant 0 : i32
    %dma_wait3A_542 = tpu.memref_slice %arg3[%add3A_535, %dma_wait3A_540, %dma_wait3A_541] : memref<2688x2x120xi32, #tpu.memory_space<hbm>> -> memref<1x2x120xi32, #tpu.memory_space<hbm>>
    %dma_wait3A_543 = tpu.memref_squeeze %dma_wait3A_542 : memref<1x2x120xi32, #tpu.memory_space<hbm>> -> memref<2x120xi32, #tpu.memory_space<hbm>>
    tpu.wait_dma2 semaphore(%arg17 : memref<!tpu.dma_semaphore, #tpu.memory_space<semaphore_mem>>) src(%dma_wait3A_543 : memref<2x120xi32, #tpu.memory_space<hbm>>) dst(%arg7 : memref<2x120xi32, #tpu.memory_space<vmem>>)
    %dma_start3A_544 = arith.constant 0 : i32
    %dma_start3A_545 = arith.constant 0 : i32
    %dma_start3A_546 = tpu.memref_slice %arg7[%dma_start3A_544, %dma_start3A_545] : memref<2x120xi32, #tpu.memory_space<vmem>> -> memref<1x120xi32, #tpu.memory_space<vmem>>
    %dma_start3A_547 = tpu.memref_squeeze %dma_start3A_546 : memref<1x120xi32, #tpu.memory_space<vmem>> -> memref<120xi32, #tpu.memory_space<vmem>>
    %dma_start3A_548 = arith.constant 0 : i32
    %dma_start3A_549 = arith.constant 0 : i32
    %dma_start3A_550 = tpu.memref_slice %arg2[%dma_start3A_548, %dma_start3A_549] : memref<10368x128xf32, #tpu.memory_space<hbm>> -> memref<10368x128xf32, #tpu.memory_space<hbm>>
    tpu.enqueue_indirect_dma source(%dma_start3A_550 : memref<10368x128xf32, #tpu.memory_space<hbm>>) target(%arg13 : memref<120x128xf32, #tpu.memory_space<vmem>>) offsets(%dma_start3A_547 : memref<120xi32, #tpu.memory_space<vmem>>) semaphore(%arg23 : memref<!tpu.dma_semaphore, #tpu.memory_space<semaphore_mem>>)
    %dma_wait3A_551 = arith.constant 0 : i32
    %dma_wait3A_552 = arith.constant 0 : i32
    %dma_wait3A_553 = tpu.memref_slice %arg6[%dma_wait3A_551, %dma_wait3A_552] : memref<2x120xi32, #tpu.memory_space<vmem>> -> memref<1x120xi32, #tpu.memory_space<vmem>>
    %dma_wait3A_554 = tpu.memref_squeeze %dma_wait3A_553 : memref<1x120xi32, #tpu.memory_space<vmem>> -> memref<120xi32, #tpu.memory_space<vmem>>
    %dma_wait3A_555 = arith.constant 0 : i32
    %dma_wait3A_556 = arith.constant 0 : i32
    %dma_wait3A_557 = tpu.memref_slice %arg2[%dma_wait3A_555, %dma_wait3A_556] : memref<10368x128xf32, #tpu.memory_space<hbm>> -> memref<10368x128xf32, #tpu.memory_space<hbm>>
    tpu.wait_indirect_dma semaphore(%arg22 : memref<!tpu.dma_semaphore, #tpu.memory_space<semaphore_mem>>) src(%dma_wait3A_557 : memref<10368x128xf32, #tpu.memory_space<hbm>>) dst(%arg12 : memref<120x128xf32, #tpu.memory_space<vmem>>)
    %dma_start3A_558 = arith.constant 1 : i32
    %dma_start3A_559 = arith.constant 0 : i32
    %dma_start3A_560 = tpu.memref_slice %arg6[%dma_start3A_558, %dma_start3A_559] : memref<2x120xi32, #tpu.memory_space<vmem>> -> memref<1x120xi32, #tpu.memory_space<vmem>>
    %dma_start3A_561 = tpu.memref_squeeze %dma_start3A_560 : memref<1x120xi32, #tpu.memory_space<vmem>> -> memref<120xi32, #tpu.memory_space<vmem>>
    %dma_start3A_562 = arith.constant 0 : i32
    %dma_start3A_563 = arith.constant 0 : i32
    %dma_start3A_564 = tpu.memref_slice %arg14[%dma_start3A_562, %dma_start3A_563] : memref<10368x128xf32, #tpu.memory_space<vmem_shared>> -> memref<10368x128xf32, #tpu.memory_space<vmem_shared>>
    tpu.enqueue_indirect_dma source(%arg12 : memref<120x128xf32, #tpu.memory_space<vmem>>) target(%dma_start3A_564 : memref<10368x128xf32, #tpu.memory_space<vmem_shared>>) offsets(%dma_start3A_561 : memref<120xi32, #tpu.memory_space<vmem>>) semaphore(%arg25 : memref<!tpu.dma_semaphore, #tpu.memory_space<semaphore_mem>>) {add = true}
    %add3A_565 = arith.constant 2 : i32
    %add3A_566 = arith.addi %add3A_464, %add3A_565 : i32
    %dma_wait3A_567 = arith.constant 1 : i32
    %dma_wait3A_568 = arith.constant 0 : i32
    %dma_wait3A_569 = tpu.memref_slice %arg5[%dma_wait3A_567, %dma_wait3A_568] : memref<2x120xi32, #tpu.memory_space<vmem>> -> memref<1x120xi32, #tpu.memory_space<vmem>>
    %dma_wait3A_570 = tpu.memref_squeeze %dma_wait3A_569 : memref<1x120xi32, #tpu.memory_space<vmem>> -> memref<120xi32, #tpu.memory_space<vmem>>
    %dma_wait3A_571 = arith.constant 0 : i32
    %dma_wait3A_572 = arith.constant 0 : i32
    %dma_wait3A_573 = tpu.memref_slice %arg14[%dma_wait3A_571, %dma_wait3A_572] : memref<10368x128xf32, #tpu.memory_space<vmem_shared>> -> memref<10368x128xf32, #tpu.memory_space<vmem_shared>>
    tpu.wait_indirect_dma semaphore(%arg24 : memref<!tpu.dma_semaphore, #tpu.memory_space<semaphore_mem>>) src(%arg11 : memref<120x128xf32, #tpu.memory_space<vmem>>) dst(%dma_wait3A_573 : memref<10368x128xf32, #tpu.memory_space<vmem_shared>>)
    %add3A_574 = arith.constant 1 : i32
    %add3A_575 = arith.addi %add3A_566, %add3A_574 : i32
    %dma_wait3A_576 = arith.constant 0 : i32
    %dma_wait3A_577 = arith.constant 0 : i32
    %dma_wait3A_578 = tpu.memref_slice %arg3[%add3A_575, %dma_wait3A_576, %dma_wait3A_577] : memref<2688x2x120xi32, #tpu.memory_space<hbm>> -> memref<1x2x120xi32, #tpu.memory_space<hbm>>
    %dma_wait3A_579 = tpu.memref_squeeze %dma_wait3A_578 : memref<1x2x120xi32, #tpu.memory_space<hbm>> -> memref<2x120xi32, #tpu.memory_space<hbm>>
    %dma_wait3A_580 = arith.constant 0 : i32
    %dma_wait3A_581 = arith.constant 0 : i32
    %dma_wait3A_582 = tpu.memref_slice %arg3[%add3A_575, %dma_wait3A_580, %dma_wait3A_581] : memref<2688x2x120xi32, #tpu.memory_space<hbm>> -> memref<1x2x120xi32, #tpu.memory_space<hbm>>
    %dma_wait3A_583 = tpu.memref_squeeze %dma_wait3A_582 : memref<1x2x120xi32, #tpu.memory_space<hbm>> -> memref<2x120xi32, #tpu.memory_space<hbm>>
    tpu.wait_dma2 semaphore(%arg18 : memref<!tpu.dma_semaphore, #tpu.memory_space<semaphore_mem>>) src(%dma_wait3A_583 : memref<2x120xi32, #tpu.memory_space<hbm>>) dst(%arg8 : memref<2x120xi32, #tpu.memory_space<vmem>>)
    %dma_start3A_584 = arith.constant 0 : i32
    %dma_start3A_585 = arith.constant 0 : i32
    %dma_start3A_586 = tpu.memref_slice %arg8[%dma_start3A_584, %dma_start3A_585] : memref<2x120xi32, #tpu.memory_space<vmem>> -> memref<1x120xi32, #tpu.memory_space<vmem>>
    %dma_start3A_587 = tpu.memref_squeeze %dma_start3A_586 : memref<1x120xi32, #tpu.memory_space<vmem>> -> memref<120xi32, #tpu.memory_space<vmem>>
    %dma_start3A_588 = arith.constant 0 : i32
    %dma_start3A_589 = arith.constant 0 : i32
    %dma_start3A_590 = tpu.memref_slice %arg2[%dma_start3A_588, %dma_start3A_589] : memref<10368x128xf32, #tpu.memory_space<hbm>> -> memref<10368x128xf32, #tpu.memory_space<hbm>>
    tpu.enqueue_indirect_dma source(%dma_start3A_590 : memref<10368x128xf32, #tpu.memory_space<hbm>>) target(%arg11 : memref<120x128xf32, #tpu.memory_space<vmem>>) offsets(%dma_start3A_587 : memref<120xi32, #tpu.memory_space<vmem>>) semaphore(%arg21 : memref<!tpu.dma_semaphore, #tpu.memory_space<semaphore_mem>>)
    %dma_wait3A_591 = arith.constant 0 : i32
    %dma_wait3A_592 = arith.constant 0 : i32
    %dma_wait3A_593 = tpu.memref_slice %arg7[%dma_wait3A_591, %dma_wait3A_592] : memref<2x120xi32, #tpu.memory_space<vmem>> -> memref<1x120xi32, #tpu.memory_space<vmem>>
    %dma_wait3A_594 = tpu.memref_squeeze %dma_wait3A_593 : memref<1x120xi32, #tpu.memory_space<vmem>> -> memref<120xi32, #tpu.memory_space<vmem>>
    %dma_wait3A_595 = arith.constant 0 : i32
    %dma_wait3A_596 = arith.constant 0 : i32
    %dma_wait3A_597 = tpu.memref_slice %arg2[%dma_wait3A_595, %dma_wait3A_596] : memref<10368x128xf32, #tpu.memory_space<hbm>> -> memref<10368x128xf32, #tpu.memory_space<hbm>>
    tpu.wait_indirect_dma semaphore(%arg23 : memref<!tpu.dma_semaphore, #tpu.memory_space<semaphore_mem>>) src(%dma_wait3A_597 : memref<10368x128xf32, #tpu.memory_space<hbm>>) dst(%arg13 : memref<120x128xf32, #tpu.memory_space<vmem>>)
    %dma_start3A_598 = arith.constant 1 : i32
    %dma_start3A_599 = arith.constant 0 : i32
    %dma_start3A_600 = tpu.memref_slice %arg7[%dma_start3A_598, %dma_start3A_599] : memref<2x120xi32, #tpu.memory_space<vmem>> -> memref<1x120xi32, #tpu.memory_space<vmem>>
    %dma_start3A_601 = tpu.memref_squeeze %dma_start3A_600 : memref<1x120xi32, #tpu.memory_space<vmem>> -> memref<120xi32, #tpu.memory_space<vmem>>
    %dma_start3A_602 = arith.constant 0 : i32
    %dma_start3A_603 = arith.constant 0 : i32
    %dma_start3A_604 = tpu.memref_slice %arg14[%dma_start3A_602, %dma_start3A_603] : memref<10368x128xf32, #tpu.memory_space<vmem_shared>> -> memref<10368x128xf32, #tpu.memory_space<vmem_shared>>
    tpu.enqueue_indirect_dma source(%arg13 : memref<120x128xf32, #tpu.memory_space<vmem>>) target(%dma_start3A_604 : memref<10368x128xf32, #tpu.memory_space<vmem_shared>>) offsets(%dma_start3A_601 : memref<120xi32, #tpu.memory_space<vmem>>) semaphore(%arg26 : memref<!tpu.dma_semaphore, #tpu.memory_space<semaphore_mem>>) {add = true}
    %add3A_605 = arith.constant 3 : i32
    %add3A_606 = arith.addi %add3A_464, %add3A_605 : i32
    %dma_wait3A_607 = arith.constant 1 : i32
    %dma_wait3A_608 = arith.constant 0 : i32
    %dma_wait3A_609 = tpu.memref_slice %arg6[%dma_wait3A_607, %dma_wait3A_608] : memref<2x120xi32, #tpu.memory_space<vmem>> -> memref<1x120xi32, #tpu.memory_space<vmem>>
    %dma_wait3A_610 = tpu.memref_squeeze %dma_wait3A_609 : memref<1x120xi32, #tpu.memory_space<vmem>> -> memref<120xi32, #tpu.memory_space<vmem>>
    %dma_wait3A_611 = arith.constant 0 : i32
    %dma_wait3A_612 = arith.constant 0 : i32
    %dma_wait3A_613 = tpu.memref_slice %arg14[%dma_wait3A_611, %dma_wait3A_612] : memref<10368x128xf32, #tpu.memory_space<vmem_shared>> -> memref<10368x128xf32, #tpu.memory_space<vmem_shared>>
    tpu.wait_indirect_dma semaphore(%arg25 : memref<!tpu.dma_semaphore, #tpu.memory_space<semaphore_mem>>) src(%arg12 : memref<120x128xf32, #tpu.memory_space<vmem>>) dst(%dma_wait3A_613 : memref<10368x128xf32, #tpu.memory_space<vmem_shared>>)
    %add3A_614 = arith.constant 1 : i32
    %add3A_615 = arith.addi %add3A_606, %add3A_614 : i32
    %dma_wait3A_616 = arith.constant 0 : i32
    %dma_wait3A_617 = arith.constant 0 : i32
    %dma_wait3A_618 = tpu.memref_slice %arg3[%add3A_615, %dma_wait3A_616, %dma_wait3A_617] : memref<2688x2x120xi32, #tpu.memory_space<hbm>> -> memref<1x2x120xi32, #tpu.memory_space<hbm>>
    %dma_wait3A_619 = tpu.memref_squeeze %dma_wait3A_618 : memref<1x2x120xi32, #tpu.memory_space<hbm>> -> memref<2x120xi32, #tpu.memory_space<hbm>>
    %dma_wait3A_620 = arith.constant 0 : i32
    %dma_wait3A_621 = arith.constant 0 : i32
    %dma_wait3A_622 = tpu.memref_slice %arg3[%add3A_615, %dma_wait3A_620, %dma_wait3A_621] : memref<2688x2x120xi32, #tpu.memory_space<hbm>> -> memref<1x2x120xi32, #tpu.memory_space<hbm>>
    %dma_wait3A_623 = tpu.memref_squeeze %dma_wait3A_622 : memref<1x2x120xi32, #tpu.memory_space<hbm>> -> memref<2x120xi32, #tpu.memory_space<hbm>>
    tpu.wait_dma2 semaphore(%arg19 : memref<!tpu.dma_semaphore, #tpu.memory_space<semaphore_mem>>) src(%dma_wait3A_623 : memref<2x120xi32, #tpu.memory_space<hbm>>) dst(%arg9 : memref<2x120xi32, #tpu.memory_space<vmem>>)
    %dma_start3A_624 = arith.constant 0 : i32
    %dma_start3A_625 = arith.constant 0 : i32
    %dma_start3A_626 = tpu.memref_slice %arg9[%dma_start3A_624, %dma_start3A_625] : memref<2x120xi32, #tpu.memory_space<vmem>> -> memref<1x120xi32, #tpu.memory_space<vmem>>
    %dma_start3A_627 = tpu.memref_squeeze %dma_start3A_626 : memref<1x120xi32, #tpu.memory_space<vmem>> -> memref<120xi32, #tpu.memory_space<vmem>>
    %dma_start3A_628 = arith.constant 0 : i32
    %dma_start3A_629 = arith.constant 0 : i32
    %dma_start3A_630 = tpu.memref_slice %arg2[%dma_start3A_628, %dma_start3A_629] : memref<10368x128xf32, #tpu.memory_space<hbm>> -> memref<10368x128xf32, #tpu.memory_space<hbm>>
    tpu.enqueue_indirect_dma source(%dma_start3A_630 : memref<10368x128xf32, #tpu.memory_space<hbm>>) target(%arg12 : memref<120x128xf32, #tpu.memory_space<vmem>>) offsets(%dma_start3A_627 : memref<120xi32, #tpu.memory_space<vmem>>) semaphore(%arg22 : memref<!tpu.dma_semaphore, #tpu.memory_space<semaphore_mem>>)
    %dma_wait3A_631 = arith.constant 0 : i32
    %dma_wait3A_632 = arith.constant 0 : i32
    %dma_wait3A_633 = tpu.memref_slice %arg8[%dma_wait3A_631, %dma_wait3A_632] : memref<2x120xi32, #tpu.memory_space<vmem>> -> memref<1x120xi32, #tpu.memory_space<vmem>>
    %dma_wait3A_634 = tpu.memref_squeeze %dma_wait3A_633 : memref<1x120xi32, #tpu.memory_space<vmem>> -> memref<120xi32, #tpu.memory_space<vmem>>
    %dma_wait3A_635 = arith.constant 0 : i32
    %dma_wait3A_636 = arith.constant 0 : i32
    %dma_wait3A_637 = tpu.memref_slice %arg2[%dma_wait3A_635, %dma_wait3A_636] : memref<10368x128xf32, #tpu.memory_space<hbm>> -> memref<10368x128xf32, #tpu.memory_space<hbm>>
    tpu.wait_indirect_dma semaphore(%arg21 : memref<!tpu.dma_semaphore, #tpu.memory_space<semaphore_mem>>) src(%dma_wait3A_637 : memref<10368x128xf32, #tpu.memory_space<hbm>>) dst(%arg11 : memref<120x128xf32, #tpu.memory_space<vmem>>)
    %dma_start3A_638 = arith.constant 1 : i32
    %dma_start3A_639 = arith.constant 0 : i32
    %dma_start3A_640 = tpu.memref_slice %arg8[%dma_start3A_638, %dma_start3A_639] : memref<2x120xi32, #tpu.memory_space<vmem>> -> memref<1x120xi32, #tpu.memory_space<vmem>>
    %dma_start3A_641 = tpu.memref_squeeze %dma_start3A_640 : memref<1x120xi32, #tpu.memory_space<vmem>> -> memref<120xi32, #tpu.memory_space<vmem>>
    %dma_start3A_642 = arith.constant 0 : i32
    %dma_start3A_643 = arith.constant 0 : i32
    %dma_start3A_644 = tpu.memref_slice %arg14[%dma_start3A_642, %dma_start3A_643] : memref<10368x128xf32, #tpu.memory_space<vmem_shared>> -> memref<10368x128xf32, #tpu.memory_space<vmem_shared>>
    tpu.enqueue_indirect_dma source(%arg11 : memref<120x128xf32, #tpu.memory_space<vmem>>) target(%dma_start3A_644 : memref<10368x128xf32, #tpu.memory_space<vmem_shared>>) offsets(%dma_start3A_641 : memref<120xi32, #tpu.memory_space<vmem>>) semaphore(%arg24 : memref<!tpu.dma_semaphore, #tpu.memory_space<semaphore_mem>>) {add = true}
    %add3A_645 = arith.constant 4 : i32
    %add3A_646 = arith.addi %add3A_464, %add3A_645 : i32
    %dma_wait3A_647 = arith.constant 1 : i32
    %dma_wait3A_648 = arith.constant 0 : i32
    %dma_wait3A_649 = tpu.memref_slice %arg7[%dma_wait3A_647, %dma_wait3A_648] : memref<2x120xi32, #tpu.memory_space<vmem>> -> memref<1x120xi32, #tpu.memory_space<vmem>>
    %dma_wait3A_650 = tpu.memref_squeeze %dma_wait3A_649 : memref<1x120xi32, #tpu.memory_space<vmem>> -> memref<120xi32, #tpu.memory_space<vmem>>
    %dma_wait3A_651 = arith.constant 0 : i32
    %dma_wait3A_652 = arith.constant 0 : i32
    %dma_wait3A_653 = tpu.memref_slice %arg14[%dma_wait3A_651, %dma_wait3A_652] : memref<10368x128xf32, #tpu.memory_space<vmem_shared>> -> memref<10368x128xf32, #tpu.memory_space<vmem_shared>>
    tpu.wait_indirect_dma semaphore(%arg26 : memref<!tpu.dma_semaphore, #tpu.memory_space<semaphore_mem>>) src(%arg13 : memref<120x128xf32, #tpu.memory_space<vmem>>) dst(%dma_wait3A_653 : memref<10368x128xf32, #tpu.memory_space<vmem_shared>>)
    %add3A_654 = arith.constant 1 : i32
    %add3A_655 = arith.addi %add3A_646, %add3A_654 : i32
    %dma_wait3A_656 = arith.constant 0 : i32
    %dma_wait3A_657 = arith.constant 0 : i32
    %dma_wait3A_658 = tpu.memref_slice %arg3[%add3A_655, %dma_wait3A_656, %dma_wait3A_657] : memref<2688x2x120xi32, #tpu.memory_space<hbm>> -> memref<1x2x120xi32, #tpu.memory_space<hbm>>
    %dma_wait3A_659 = tpu.memref_squeeze %dma_wait3A_658 : memref<1x2x120xi32, #tpu.memory_space<hbm>> -> memref<2x120xi32, #tpu.memory_space<hbm>>
    %dma_wait3A_660 = arith.constant 0 : i32
    %dma_wait3A_661 = arith.constant 0 : i32
    %dma_wait3A_662 = tpu.memref_slice %arg3[%add3A_655, %dma_wait3A_660, %dma_wait3A_661] : memref<2688x2x120xi32, #tpu.memory_space<hbm>> -> memref<1x2x120xi32, #tpu.memory_space<hbm>>
    %dma_wait3A_663 = tpu.memref_squeeze %dma_wait3A_662 : memref<1x2x120xi32, #tpu.memory_space<hbm>> -> memref<2x120xi32, #tpu.memory_space<hbm>>
    tpu.wait_dma2 semaphore(%arg20 : memref<!tpu.dma_semaphore, #tpu.memory_space<semaphore_mem>>) src(%dma_wait3A_663 : memref<2x120xi32, #tpu.memory_space<hbm>>) dst(%arg10 : memref<2x120xi32, #tpu.memory_space<vmem>>)
    %dma_start3A_664 = arith.constant 0 : i32
    %dma_start3A_665 = arith.constant 0 : i32
    %dma_start3A_666 = tpu.memref_slice %arg10[%dma_start3A_664, %dma_start3A_665] : memref<2x120xi32, #tpu.memory_space<vmem>> -> memref<1x120xi32, #tpu.memory_space<vmem>>
    %dma_start3A_667 = tpu.memref_squeeze %dma_start3A_666 : memref<1x120xi32, #tpu.memory_space<vmem>> -> memref<120xi32, #tpu.memory_space<vmem>>
    %dma_start3A_668 = arith.constant 0 : i32
    %dma_start3A_669 = arith.constant 0 : i32
    %dma_start3A_670 = tpu.memref_slice %arg2[%dma_start3A_668, %dma_start3A_669] : memref<10368x128xf32, #tpu.memory_space<hbm>> -> memref<10368x128xf32, #tpu.memory_space<hbm>>
    tpu.enqueue_indirect_dma source(%dma_start3A_670 : memref<10368x128xf32, #tpu.memory_space<hbm>>) target(%arg13 : memref<120x128xf32, #tpu.memory_space<vmem>>) offsets(%dma_start3A_667 : memref<120xi32, #tpu.memory_space<vmem>>) semaphore(%arg23 : memref<!tpu.dma_semaphore, #tpu.memory_space<semaphore_mem>>)
    %dma_wait3A_671 = arith.constant 0 : i32
    %dma_wait3A_672 = arith.constant 0 : i32
    %dma_wait3A_673 = tpu.memref_slice %arg9[%dma_wait3A_671, %dma_wait3A_672] : memref<2x120xi32, #tpu.memory_space<vmem>> -> memref<1x120xi32, #tpu.memory_space<vmem>>
    %dma_wait3A_674 = tpu.memref_squeeze %dma_wait3A_673 : memref<1x120xi32, #tpu.memory_space<vmem>> -> memref<120xi32, #tpu.memory_space<vmem>>
    %dma_wait3A_675 = arith.constant 0 : i32
    %dma_wait3A_676 = arith.constant 0 : i32
    %dma_wait3A_677 = tpu.memref_slice %arg2[%dma_wait3A_675, %dma_wait3A_676] : memref<10368x128xf32, #tpu.memory_space<hbm>> -> memref<10368x128xf32, #tpu.memory_space<hbm>>
    tpu.wait_indirect_dma semaphore(%arg22 : memref<!tpu.dma_semaphore, #tpu.memory_space<semaphore_mem>>) src(%dma_wait3A_677 : memref<10368x128xf32, #tpu.memory_space<hbm>>) dst(%arg12 : memref<120x128xf32, #tpu.memory_space<vmem>>)
    %dma_start3A_678 = arith.constant 1 : i32
    %dma_start3A_679 = arith.constant 0 : i32
    %dma_start3A_680 = tpu.memref_slice %arg9[%dma_start3A_678, %dma_start3A_679] : memref<2x120xi32, #tpu.memory_space<vmem>> -> memref<1x120xi32, #tpu.memory_space<vmem>>
    %dma_start3A_681 = tpu.memref_squeeze %dma_start3A_680 : memref<1x120xi32, #tpu.memory_space<vmem>> -> memref<120xi32, #tpu.memory_space<vmem>>
    %dma_start3A_682 = arith.constant 0 : i32
    %dma_start3A_683 = arith.constant 0 : i32
    %dma_start3A_684 = tpu.memref_slice %arg14[%dma_start3A_682, %dma_start3A_683] : memref<10368x128xf32, #tpu.memory_space<vmem_shared>> -> memref<10368x128xf32, #tpu.memory_space<vmem_shared>>
    tpu.enqueue_indirect_dma source(%arg12 : memref<120x128xf32, #tpu.memory_space<vmem>>) target(%dma_start3A_684 : memref<10368x128xf32, #tpu.memory_space<vmem_shared>>) offsets(%dma_start3A_681 : memref<120xi32, #tpu.memory_space<vmem>>) semaphore(%arg25 : memref<!tpu.dma_semaphore, #tpu.memory_space<semaphore_mem>>) {add = true}
    %add3A_685 = arith.constant 5 : i32
    %add3A_686 = arith.addi %add3A_464, %add3A_685 : i32
    %dma_wait3A_687 = arith.constant 1 : i32
    %dma_wait3A_688 = arith.constant 0 : i32
    %dma_wait3A_689 = tpu.memref_slice %arg8[%dma_wait3A_687, %dma_wait3A_688] : memref<2x120xi32, #tpu.memory_space<vmem>> -> memref<1x120xi32, #tpu.memory_space<vmem>>
    %dma_wait3A_690 = tpu.memref_squeeze %dma_wait3A_689 : memref<1x120xi32, #tpu.memory_space<vmem>> -> memref<120xi32, #tpu.memory_space<vmem>>
    %dma_wait3A_691 = arith.constant 0 : i32
    %dma_wait3A_692 = arith.constant 0 : i32
    %dma_wait3A_693 = tpu.memref_slice %arg14[%dma_wait3A_691, %dma_wait3A_692] : memref<10368x128xf32, #tpu.memory_space<vmem_shared>> -> memref<10368x128xf32, #tpu.memory_space<vmem_shared>>
    tpu.wait_indirect_dma semaphore(%arg24 : memref<!tpu.dma_semaphore, #tpu.memory_space<semaphore_mem>>) src(%arg11 : memref<120x128xf32, #tpu.memory_space<vmem>>) dst(%dma_wait3A_693 : memref<10368x128xf32, #tpu.memory_space<vmem_shared>>)
    %dma_wait3A_694 = arith.constant 0 : i32
    %dma_wait3A_695 = arith.constant 0 : i32
    %dma_wait3A_696 = tpu.memref_slice %arg10[%dma_wait3A_694, %dma_wait3A_695] : memref<2x120xi32, #tpu.memory_space<vmem>> -> memref<1x120xi32, #tpu.memory_space<vmem>>
    %dma_wait3A_697 = tpu.memref_squeeze %dma_wait3A_696 : memref<1x120xi32, #tpu.memory_space<vmem>> -> memref<120xi32, #tpu.memory_space<vmem>>
    %dma_wait3A_698 = arith.constant 0 : i32
    %dma_wait3A_699 = arith.constant 0 : i32
    %dma_wait3A_700 = tpu.memref_slice %arg2[%dma_wait3A_698, %dma_wait3A_699] : memref<10368x128xf32, #tpu.memory_space<hbm>> -> memref<10368x128xf32, #tpu.memory_space<hbm>>
    tpu.wait_indirect_dma semaphore(%arg23 : memref<!tpu.dma_semaphore, #tpu.memory_space<semaphore_mem>>) src(%dma_wait3A_700 : memref<10368x128xf32, #tpu.memory_space<hbm>>) dst(%arg13 : memref<120x128xf32, #tpu.memory_space<vmem>>)
    %dma_start3A_701 = arith.constant 1 : i32
    %dma_start3A_702 = arith.constant 0 : i32
    %dma_start3A_703 = tpu.memref_slice %arg10[%dma_start3A_701, %dma_start3A_702] : memref<2x120xi32, #tpu.memory_space<vmem>> -> memref<1x120xi32, #tpu.memory_space<vmem>>
    %dma_start3A_704 = tpu.memref_squeeze %dma_start3A_703 : memref<1x120xi32, #tpu.memory_space<vmem>> -> memref<120xi32, #tpu.memory_space<vmem>>
    %dma_start3A_705 = arith.constant 0 : i32
    %dma_start3A_706 = arith.constant 0 : i32
    %dma_start3A_707 = tpu.memref_slice %arg14[%dma_start3A_705, %dma_start3A_706] : memref<10368x128xf32, #tpu.memory_space<vmem_shared>> -> memref<10368x128xf32, #tpu.memory_space<vmem_shared>>
    tpu.enqueue_indirect_dma source(%arg13 : memref<120x128xf32, #tpu.memory_space<vmem>>) target(%dma_start3A_707 : memref<10368x128xf32, #tpu.memory_space<vmem_shared>>) offsets(%dma_start3A_704 : memref<120xi32, #tpu.memory_space<vmem>>) semaphore(%arg26 : memref<!tpu.dma_semaphore, #tpu.memory_space<semaphore_mem>>) {add = true}
    %dma_wait3A_708 = arith.constant 1 : i32
    %dma_wait3A_709 = arith.constant 0 : i32
    %dma_wait3A_710 = tpu.memref_slice %arg9[%dma_wait3A_708, %dma_wait3A_709] : memref<2x120xi32, #tpu.memory_space<vmem>> -> memref<1x120xi32, #tpu.memory_space<vmem>>
    %dma_wait3A_711 = tpu.memref_squeeze %dma_wait3A_710 : memref<1x120xi32, #tpu.memory_space<vmem>> -> memref<120xi32, #tpu.memory_space<vmem>>
    %dma_wait3A_712 = arith.constant 0 : i32
    %dma_wait3A_713 = arith.constant 0 : i32
    %dma_wait3A_714 = tpu.memref_slice %arg14[%dma_wait3A_712, %dma_wait3A_713] : memref<10368x128xf32, #tpu.memory_space<vmem_shared>> -> memref<10368x128xf32, #tpu.memory_space<vmem_shared>>
    tpu.wait_indirect_dma semaphore(%arg25 : memref<!tpu.dma_semaphore, #tpu.memory_space<semaphore_mem>>) src(%arg12 : memref<120x128xf32, #tpu.memory_space<vmem>>) dst(%dma_wait3A_714 : memref<10368x128xf32, #tpu.memory_space<vmem_shared>>)
    %dma_wait3A_715 = arith.constant 1 : i32
    %dma_wait3A_716 = arith.constant 0 : i32
    %dma_wait3A_717 = tpu.memref_slice %arg10[%dma_wait3A_715, %dma_wait3A_716] : memref<2x120xi32, #tpu.memory_space<vmem>> -> memref<1x120xi32, #tpu.memory_space<vmem>>
    %dma_wait3A_718 = tpu.memref_squeeze %dma_wait3A_717 : memref<1x120xi32, #tpu.memory_space<vmem>> -> memref<120xi32, #tpu.memory_space<vmem>>
    %dma_wait3A_719 = arith.constant 0 : i32
    %dma_wait3A_720 = arith.constant 0 : i32
    %dma_wait3A_721 = tpu.memref_slice %arg14[%dma_wait3A_719, %dma_wait3A_720] : memref<10368x128xf32, #tpu.memory_space<vmem_shared>> -> memref<10368x128xf32, #tpu.memory_space<vmem_shared>>
    tpu.wait_indirect_dma semaphore(%arg26 : memref<!tpu.dma_semaphore, #tpu.memory_space<semaphore_mem>>) src(%arg13 : memref<120x128xf32, #tpu.memory_space<vmem>>) dst(%dma_wait3A_721 : memref<10368x128xf32, #tpu.memory_space<vmem_shared>>)
    %barrier3A_722 = arith.constant 0 : index
    tpu.barrier barrier_id(%barrier3A_722)
    %mul3A_723 = arith.constant 648 : i32
    %mul3A_724 = arith.muli %arg1, %mul3A_723 : i32
    %mul3A_725 = arith.constant 10368 : i32
    %mul3A_726 = arith.muli %arg0, %mul3A_725 : i32
    %mul3A_727 = arith.constant 648 : i32
    %mul3A_728 = arith.muli %arg1, %mul3A_727 : i32
    %add3A_729 = arith.addi %mul3A_726, %mul3A_728 : i32
    "tpu.region"() ({
      %run_scoped3A = tpu.sem_alloc : memref<!tpu.dma_semaphore, #tpu.memory_space<semaphore_mem>>
      %dma_start3A_730 = arith.constant 0 : i32
      %dma_start3A_731 = tpu.memref_slice %arg4[%add3A_729, %dma_start3A_730] : memref<20736x128xf32, #tpu.memory_space<hbm>> -> memref<648x128xf32, #tpu.memory_space<hbm>>
      %dma_start3A_732 = arith.constant 0 : i32
      %dma_start3A_733 = tpu.memref_slice %arg14[%mul3A_724, %dma_start3A_732] : memref<10368x128xf32, #tpu.memory_space<vmem_shared>> -> memref<648x128xf32, #tpu.memory_space<vmem_shared>>
      tpu.enqueue_dma source(%dma_start3A_733 : memref<648x128xf32, #tpu.memory_space<vmem_shared>>) target(%dma_start3A_731 : memref<648x128xf32, #tpu.memory_space<hbm>>) target_semaphore(%run_scoped3A : memref<!tpu.dma_semaphore, #tpu.memory_space<semaphore_mem>>)
      %dma_wait3A_734 = arith.constant 0 : i32
      %dma_wait3A_735 = tpu.memref_slice %arg4[%add3A_729, %dma_wait3A_734] : memref<20736x128xf32, #tpu.memory_space<hbm>> -> memref<648x128xf32, #tpu.memory_space<hbm>>
      %dma_wait3A_736 = arith.constant 0 : i32
      %dma_wait3A_737 = tpu.memref_slice %arg14[%mul3A_724, %dma_wait3A_736] : memref<10368x128xf32, #tpu.memory_space<vmem_shared>> -> memref<648x128xf32, #tpu.memory_space<vmem_shared>>
      tpu.wait_dma2 semaphore(%run_scoped3A : memref<!tpu.dma_semaphore, #tpu.memory_space<semaphore_mem>>) src(%dma_wait3A_737 : memref<648x128xf32, #tpu.memory_space<vmem_shared>>) dst(%dma_wait3A_735 : memref<648x128xf32, #tpu.memory_space<hbm>>)
      tpu.yield
    }) : () -> ()
    return
  }
}

module attributes {stable_mosaic.version = 14 : i64} {
  func.func @_dense_kernel(%arg0: i32, %arg1: memref<648x128xf32, #tpu.memory_space<vmem>>, %arg2: memref<648x128xf32, #tpu.memory_space<vmem>>, %arg3: memref<648x128xf32, #tpu.memory_space<vmem>>, %arg4: memref<128x128xf32, #tpu.memory_space<vmem>>, %arg5: memref<128x128xf32, #tpu.memory_space<vmem>>, %arg6: memref<1x128xf32, #tpu.memory_space<vmem>>, %arg7: memref<648x128xf32, #tpu.memory_space<vmem>>) attributes {dimension_semantics = [#tpu.dimension_semantics<arbitrary>], iteration_bounds = array<i64: 16>, scalar_prefetch = 0 : i64, scratch_operands = 0 : i64, tpu.core_type = #tpu.core_type<tc>, window_params = [{transform_indices = @transform_0, window_bounds = array<i64: 648, 128>}, {transform_indices = @transform_1, window_bounds = array<i64: 648, 128>}, {transform_indices = @transform_2, window_bounds = array<i64: 648, 128>}, {pipeline_mode = #tpu.pipeline_mode<synchronous>, transform_indices = @transform_3, window_bounds = array<i64: 128, 128>}, {pipeline_mode = #tpu.pipeline_mode<synchronous>, transform_indices = @transform_4, window_bounds = array<i64: 128, 128>}, {pipeline_mode = #tpu.pipeline_mode<synchronous>, transform_indices = @transform_5, window_bounds = array<i64: 1, 128>}, {transform_indices = @transform_6, window_bounds = array<i64: 648, 128>}]} {
    %get3A = arith.constant 0 : index
    %get3A_0 = arith.constant 0 : index
    %get3A_1 = vector.load %arg1[%get3A, %get3A_0] : memref<648x128xf32, #tpu.memory_space<vmem>>, vector<648x128xf32>
    %get3A_2 = arith.constant 0 : index
    %get3A_3 = arith.constant 0 : index
    %get3A_4 = vector.load %arg2[%get3A_2, %get3A_3] : memref<648x128xf32, #tpu.memory_space<vmem>>, vector<648x128xf32>
    %add3A = arith.addf %get3A_1, %get3A_4 : vector<648x128xf32>
    %get3A_5 = arith.constant 0 : index
    %get3A_6 = arith.constant 0 : index
    %get3A_7 = vector.load %arg4[%get3A_5, %get3A_6] : memref<128x128xf32, #tpu.memory_space<vmem>>, vector<128x128xf32>
    %dot_general3A = arith.constant dense<0.000000e+00> : vector<648x128xf32>
    %dot_general3A_8 = tpu.matmul %add3A, %get3A_7, %dot_general3A {dimension_numbers = #tpu.dot_dimension_numbers<[1], [1], [0], [0], [0, 0, 1, 0], [], []>, transpose_lhs_hint = false} : vector<648x128xf32>, vector<128x128xf32>, vector<648x128xf32> -> vector<648x128xf32>
    %get3A_9 = arith.constant 0 : index
    %get3A_10 = arith.constant 0 : index
    %get3A_11 = vector.load %arg3[%get3A_9, %get3A_10] : memref<648x128xf32, #tpu.memory_space<vmem>>, vector<648x128xf32>
    %get3A_12 = arith.constant 0 : index
    %get3A_13 = arith.constant 0 : index
    %get3A_14 = vector.load %arg5[%get3A_12, %get3A_13] : memref<128x128xf32, #tpu.memory_space<vmem>>, vector<128x128xf32>
    %dot_general3A_15 = arith.constant dense<0.000000e+00> : vector<648x128xf32>
    %dot_general3A_16 = tpu.matmul %get3A_11, %get3A_14, %dot_general3A_15 {dimension_numbers = #tpu.dot_dimension_numbers<[1], [1], [0], [0], [0, 0, 1, 0], [], []>, transpose_lhs_hint = false} : vector<648x128xf32>, vector<128x128xf32>, vector<648x128xf32> -> vector<648x128xf32>
    %add3A_17 = arith.addf %dot_general3A_8, %dot_general3A_16 : vector<648x128xf32>
    %get3A_18 = arith.constant 0 : index
    %get3A_19 = arith.constant 0 : index
    %get3A_20 = vector.load %arg6[%get3A_18, %get3A_19] : memref<1x128xf32, #tpu.memory_space<vmem>>, vector<1x128xf32>
    %add3A_21 = vector.broadcast %get3A_20 : vector<1x128xf32> to vector<648x128xf32>
    %add3A_22 = arith.addf %add3A_17, %add3A_21 : vector<648x128xf32>
    %max3A = arith.constant 0.000000e+00 : f32
    %max3A_23 = vector.broadcast %max3A : f32 to vector<648x128xf32>
    %max3A_24 = arith.maximumf %add3A_22, %max3A_23 : vector<648x128xf32>
    %swap3A = arith.constant 0 : index
    %swap3A_25 = arith.constant 0 : index
    %swap3A_26 = vector.load %arg7[%swap3A, %swap3A_25] : memref<648x128xf32, #tpu.memory_space<vmem>>, vector<648x128xf32>
    tpu.vector_store %arg7[%swap3A, %swap3A_25], %max3A_24 {strides = array<i32>} : memref<648x128xf32, #tpu.memory_space<vmem>>, vector<648x128xf32>,
    return
  }
  func.func @transform_0(%arg0: i32) -> (i32, i32) {
    %c0_i32 = arith.constant 0 : i32
    %c0_i32_0 = arith.constant 0 : i32
    return %arg0, %c0_i32 : i32, i32
  }
  func.func @transform_1(%arg0: i32) -> (i32, i32) {
    %add3A = arith.constant 16 : i32
    %add3A_0 = arith.addi %arg0, %add3A : i32
    %c0_i32 = arith.constant 0 : i32
    %c0_i32_1 = arith.constant 0 : i32
    return %add3A_0, %c0_i32 : i32, i32
  }
  func.func @transform_2(%arg0: i32) -> (i32, i32) {
    %c0_i32 = arith.constant 0 : i32
    %c0_i32_0 = arith.constant 0 : i32
    return %arg0, %c0_i32 : i32, i32
  }
  func.func @transform_3(%arg0: i32) -> (i32, i32) {
    %c0_i32 = arith.constant 0 : i32
    %c0_i32_0 = arith.constant 0 : i32
    %c0_i32_1 = arith.constant 0 : i32
    return %c0_i32, %c0_i32_0 : i32, i32
  }
  func.func @transform_4(%arg0: i32) -> (i32, i32) {
    %c0_i32 = arith.constant 0 : i32
    %c0_i32_0 = arith.constant 0 : i32
    %c0_i32_1 = arith.constant 0 : i32
    return %c0_i32, %c0_i32_0 : i32, i32
  }
  func.func @transform_5(%arg0: i32) -> (i32, i32) {
    %c0_i32 = arith.constant 0 : i32
    %c0_i32_0 = arith.constant 0 : i32
    %c0_i32_1 = arith.constant 0 : i32
    return %c0_i32, %c0_i32_0 : i32, i32
  }
  func.func @transform_6(%arg0: i32) -> (i32, i32) {
    %c0_i32 = arith.constant 0 : i32
    %c0_i32_0 = arith.constant 0 : i32
    return %arg0, %c0_i32 : i32, i32
  }
}

module attributes {stable_mosaic.version = 14 : i64} {
  func.func @_dense_kernel(%arg0: i32, %arg1: memref<648x128xf32, #tpu.memory_space<vmem>>, %arg2: memref<648x128xf32, #tpu.memory_space<vmem>>, %arg3: memref<648x128xf32, #tpu.memory_space<vmem>>, %arg4: memref<128x128xf32, #tpu.memory_space<vmem>>, %arg5: memref<128x128xf32, #tpu.memory_space<vmem>>, %arg6: memref<1x128xf32, #tpu.memory_space<vmem>>, %arg7: memref<648x128xf32, #tpu.memory_space<vmem>>) attributes {dimension_semantics = [#tpu.dimension_semantics<arbitrary>], iteration_bounds = array<i64: 16>, scalar_prefetch = 0 : i64, scratch_operands = 0 : i64, tpu.core_type = #tpu.core_type<tc>, window_params = [{transform_indices = @transform_0, window_bounds = array<i64: 648, 128>}, {transform_indices = @transform_1, window_bounds = array<i64: 648, 128>}, {transform_indices = @transform_2, window_bounds = array<i64: 648, 128>}, {pipeline_mode = #tpu.pipeline_mode<synchronous>, transform_indices = @transform_3, window_bounds = array<i64: 128, 128>}, {pipeline_mode = #tpu.pipeline_mode<synchronous>, transform_indices = @transform_4, window_bounds = array<i64: 128, 128>}, {pipeline_mode = #tpu.pipeline_mode<synchronous>, transform_indices = @transform_5, window_bounds = array<i64: 1, 128>}, {transform_indices = @transform_6, window_bounds = array<i64: 648, 128>}]} {
    %get3A = arith.constant 0 : index
    %get3A_0 = arith.constant 0 : index
    %get3A_1 = vector.load %arg1[%get3A, %get3A_0] : memref<648x128xf32, #tpu.memory_space<vmem>>, vector<648x128xf32>
    %get3A_2 = arith.constant 0 : index
    %get3A_3 = arith.constant 0 : index
    %get3A_4 = vector.load %arg2[%get3A_2, %get3A_3] : memref<648x128xf32, #tpu.memory_space<vmem>>, vector<648x128xf32>
    %add3A = arith.addf %get3A_1, %get3A_4 : vector<648x128xf32>
    %get3A_5 = arith.constant 0 : index
    %get3A_6 = arith.constant 0 : index
    %get3A_7 = vector.load %arg4[%get3A_5, %get3A_6] : memref<128x128xf32, #tpu.memory_space<vmem>>, vector<128x128xf32>
    %dot_general3A = arith.constant dense<0.000000e+00> : vector<648x128xf32>
    %dot_general3A_8 = tpu.matmul %add3A, %get3A_7, %dot_general3A {dimension_numbers = #tpu.dot_dimension_numbers<[1], [1], [0], [0], [0, 0, 1, 0], [], []>, transpose_lhs_hint = false} : vector<648x128xf32>, vector<128x128xf32>, vector<648x128xf32> -> vector<648x128xf32>
    %get3A_9 = arith.constant 0 : index
    %get3A_10 = arith.constant 0 : index
    %get3A_11 = vector.load %arg3[%get3A_9, %get3A_10] : memref<648x128xf32, #tpu.memory_space<vmem>>, vector<648x128xf32>
    %get3A_12 = arith.constant 0 : index
    %get3A_13 = arith.constant 0 : index
    %get3A_14 = vector.load %arg5[%get3A_12, %get3A_13] : memref<128x128xf32, #tpu.memory_space<vmem>>, vector<128x128xf32>
    %dot_general3A_15 = arith.constant dense<0.000000e+00> : vector<648x128xf32>
    %dot_general3A_16 = tpu.matmul %get3A_11, %get3A_14, %dot_general3A_15 {dimension_numbers = #tpu.dot_dimension_numbers<[1], [1], [0], [0], [0, 0, 1, 0], [], []>, transpose_lhs_hint = false} : vector<648x128xf32>, vector<128x128xf32>, vector<648x128xf32> -> vector<648x128xf32>
    %add3A_17 = arith.addf %dot_general3A_8, %dot_general3A_16 : vector<648x128xf32>
    %get3A_18 = arith.constant 0 : index
    %get3A_19 = arith.constant 0 : index
    %get3A_20 = vector.load %arg6[%get3A_18, %get3A_19] : memref<1x128xf32, #tpu.memory_space<vmem>>, vector<1x128xf32>
    %add3A_21 = vector.broadcast %get3A_20 : vector<1x128xf32> to vector<648x128xf32>
    %add3A_22 = arith.addf %add3A_17, %add3A_21 : vector<648x128xf32>
    %swap3A = arith.constant 0 : index
    %swap3A_23 = arith.constant 0 : index
    %swap3A_24 = vector.load %arg7[%swap3A, %swap3A_23] : memref<648x128xf32, #tpu.memory_space<vmem>>, vector<648x128xf32>
    tpu.vector_store %arg7[%swap3A, %swap3A_23], %add3A_22 {strides = array<i32>} : memref<648x128xf32, #tpu.memory_space<vmem>>, vector<648x128xf32>,
    return
  }
  func.func @transform_0(%arg0: i32) -> (i32, i32) {
    %c0_i32 = arith.constant 0 : i32
    %c0_i32_0 = arith.constant 0 : i32
    return %arg0, %c0_i32 : i32, i32
  }
  func.func @transform_1(%arg0: i32) -> (i32, i32) {
    %add3A = arith.constant 16 : i32
    %add3A_0 = arith.addi %arg0, %add3A : i32
    %c0_i32 = arith.constant 0 : i32
    %c0_i32_1 = arith.constant 0 : i32
    return %add3A_0, %c0_i32 : i32, i32
  }
  func.func @transform_2(%arg0: i32) -> (i32, i32) {
    %c0_i32 = arith.constant 0 : i32
    %c0_i32_0 = arith.constant 0 : i32
    return %arg0, %c0_i32 : i32, i32
  }
  func.func @transform_3(%arg0: i32) -> (i32, i32) {
    %c0_i32 = arith.constant 0 : i32
    %c0_i32_0 = arith.constant 0 : i32
    %c0_i32_1 = arith.constant 0 : i32
    return %c0_i32, %c0_i32_0 : i32, i32
  }
  func.func @transform_4(%arg0: i32) -> (i32, i32) {
    %c0_i32 = arith.constant 0 : i32
    %c0_i32_0 = arith.constant 0 : i32
    %c0_i32_1 = arith.constant 0 : i32
    return %c0_i32, %c0_i32_0 : i32, i32
  }
  func.func @transform_5(%arg0: i32) -> (i32, i32) {
    %c0_i32 = arith.constant 0 : i32
    %c0_i32_0 = arith.constant 0 : i32
    %c0_i32_1 = arith.constant 0 : i32
    return %c0_i32, %c0_i32_0 : i32, i32
  }
  func.func @transform_6(%arg0: i32) -> (i32, i32) {
    %c0_i32 = arith.constant 0 : i32
    %c0_i32_0 = arith.constant 0 : i32
    return %arg0, %c0_i32 : i32, i32
  }
}

</mosaic_0001>

<sc_bundles>
// kernel: kernel.6.cloned.1.call-start
scs
__scs_entry_jumppad:
0x0: {  	(pc) =	sbr.rel $0x88, $3  }
0x1: {  	(tag) =	ssettag $0x0;
	lr =	simm.s32 $0x1  }
0x2: {  	[smem:$0x3F99] =	sst lr;
	_ =	strace $0xD0000000  }
0x3: {  	_ = 	snop  }
0x4: {  	_ = 	snop  }
0x5: {  	_ = 	snop  }
0x6: {  	_ = 	snop  }
0x7: {  	_ = 	snop  }
__scs_overlays_trampoline_lowered:
0x8: {  	[smem:$0x3FA8] =	sst s0  }
0x9: {  	[smem:$0x3FA9] =	sst s1  }
0xa: {  	[smem:$0x3FAA] =	sst s2  }
0xb: {  	[smem:$0x3FAB] =	sst s3  }
0xc: {  	[smem:$0x3FAC] =	sst s4  }
0xd: {  	[smem:$0x3FAD] =	sst s5  }
0xe: {  	[smem:$0x3FAE] =	sst s6  }
0xf: {  	[smem:$0x3FAF] =	sst s7  }
0x10: {  	[smem:$0x3FB0] =	sst s8  }
0x11: {  	[smem:$0x3FB1] =	sst s9;
	s0 =	simm.s32 @!p0 $0x0  }
0x12: {  	s1 =	sld [smem:$0x3F97];
	s0 =	simm.s32 @p0 $0x1  }
0x13: {  	[smem:$0x3FB2] =	sst s0;
	s0 =	simm.s32 @!p1 $0x0  }
0x14: {  	s2 =	sld [smem:$0x3F96];
	s0 =	simm.s32 @p1 $0x1  }
0x15: {  	[smem:$0x3FB3] =	sst s0;
	s0 =	simm.s32 @!p2 $0x0  }
0x16: {  	s3 =	sld [smem:$0x3FDB];
	s0 =	simm.s32 @p2 $0x1  }
0x17: {  	s4 =	simm.s32 $0x1BF5;
	[smem:$0x3FB5] =	sst s0  }
0x18: {  	s0 =	sld [smem:$0x3F98];
	_ =	swait.ge [sflag:s4], $0x0  }
0x19: {  	s7 =	sld [smem:$0x3F99]  }
0x1a: {  	s8 =	sadd.s32 $0xFFFFE003, lr  }
0x1b: {  	s9 =	sadd.s32 $0xFFFFFEF7, lr;
	s5 =	simm.s32 $0xFFFFFFFF;
	p2 =	slt.u32 s8, $0xFFFFF086  }
0x1c: {  	p1 =	slt.u32 s9, $0xF7A;
	s5 =	simm.s32 @!p2 $0x0  }
0x1d: {  	s5 =	simm.s32 @p1 $0x1;
	p0 =	seq.s32 s7, s2  }
0x1e: {  	s7 =	smul.u32 @!p0 $0xF7A, s2;
	p2 =	seq.s32 @!p0 s5, $0x0  }
0x1f: {  	s9 =	smul.u32 $0xF7A, s1;
	s8 =	simm.s32 @!p0 $0x1BF5;
	p2 =	por !p2, p0  }
0x20: {  	[sflag:s8] =	ssyncset.s32 @!p0 $0xFFFFF086;
	s6 =	sadd.s32 @!p0 s3, s7;
	s7 =	simm.s32 @!p0 $0x108  }
0x21: {  	s3 =	sadd.s32 s3, s9;
	s6 =	sadd.s32 @!p0 $0x88, s6;
	s7 =	simm.s32 @p2 $0x1082  }
0x22: {  	[simem:s7], [sflag:s8] =	dma.local @!p0 [hbm:s6], $0xF7A  }
0x23: {  	s9 =	sor.u32 $0xD0000000, s2;
	s6 =	simm.s32 $0x108;
	_ =	swait.ge @!p0 [sflag:s8], $0x0  }
0x24: {  	s3 =	sadd.s32 $0x88, s3;
	s6 =	simm.s32 @!p1 $0x1082;
	[sflag:s4] =	ssyncset.s32 $0xFFFFF086  }
0x25: {  	[simem:s6], [sflag:s4] =	dma.local [hbm:s3], $0xF7A  }
0x26: {  	[smem:$0x3F99] =	sst s1;
	(tag) =	ssettag s2;
	_ =	strace s9  }
0x27: {  	s1 =	sld [smem:$0x3FA9]  }
0x28: {  	s2 =	sld [smem:$0x3FAA]  }
0x29: {  	s4 =	sld [smem:$0x3FAC]  }
0x2a: {  	p0 =	seq.s32 s5, $0x0;
	s5 =	sld [smem:$0x3FAD]  }
0x2b: {  	s6 =	sld [smem:$0x3FAE]  }
0x2c: {  	s7 =	sld [smem:$0x3FAF]  }
0x2d: {  	s3 =	simm.s32 $0x108;
	s8 =	sld [smem:$0x3FB0]  }
0x2e: {  	s3 =	simm.s32 @!p0 $0x1082;
	s9 =	sld [smem:$0x3FB1]  }
0x2f: {  	lr =	sadd.s32 s0, s3;
	s0 =	sld [smem:$0x3FA8]  }
0x30: {  	s3 =	sld [smem:$0x3FAB]  }
0x31: {  	[smem:$0x3FB4] =	sst s10  }
0x32: {  	s10 =	sld [smem:$0x3FB2];
	_ =	sdelay $0x3  }
0x33: {  	p0 =	seq.s32 s10, $0x1;
	s10 =	sld [smem:$0x3FB4];
	_ =	sdelay $0x3  }
0x34: {  	[smem:$0x3FB4] =	sst s10  }
0x35: {  	s10 =	sld [smem:$0x3FB3];
	_ =	sdelay $0x3  }
0x36: {  	p1 =	seq.s32 s10, $0x1;
	s10 =	sld [smem:$0x3FB4];
	_ =	sdelay $0x3  }
0x37: {  	[smem:$0x3FB4] =	sst s10  }
0x38: {  	s10 =	sld [smem:$0x3FB5]  }
0x39: {  	_ = 	snop;
	(pc) =	sbr.ind lr, $3  }
0x3a: {  	_ = 	snop  }
0x3b: {  	_ = 	snop  }
0x3c: {  	p2 =	seq.s32 s10, $0x1;
	s10 =	sld [smem:$0x3FB4]  }
0x3d: {  	_ =	shalt  }
0x3e: {  	_ =	shalt  }
0x3f: {  	_ =	shalt  }
0x40: {  	_ =	shalt  }
0x41: {  	_ =	shalt  }
0x42: {  	_ =	shalt  }
0x43: {  	_ =	shalt  }
0x44: {  	_ =	shalt  }
0x45: {  	_ =	shalt  }
0x46: {  	_ =	shalt  }
0x47: {  	_ =	shalt  }
0x48: {  	_ =	shalt  }
0x49: {  	_ =	shalt  }
0x4a: {  	_ =	shalt  }
0x4b: {  	_ =	shalt  }
0x4c: {  	_ =	shalt  }
0x4d: {  	_ =	shalt  }
0x4e: {  	_ =	shalt  }
0x4f: {  	_ =	shalt  }
0x50: {  	_ =	shalt  }
0x51: {  	_ =	shalt  }
0x52: {  	_ =	shalt  }
0x53: {  	_ =	shalt  }
0x54: {  	_ =	shalt  }
0x55: {  	_ =	shalt  }
0x56: {  	_ =	shalt  }
0x57: {  	_ =	shalt  }
0x58: {  	_ =	shalt  }
0x59: {  	_ =	shalt  }
0x5a: {  	_ =	shalt  }
0x5b: {  	_ =	shalt  }
0x5c: {  	_ =	shalt  }
0x5d: {  	_ =	shalt  }
0x5e: {  	_ =	shalt  }
0x5f: {  	_ =	shalt  }
0x60: {  	_ =	shalt  }
0x61: {  	_ =	shalt  }
0x62: {  	_ =	shalt  }
0x63: {  	_ =	shalt  }
0x64: {  	_ =	shalt  }
0x65: {  	_ =	shalt  }
0x66: {  	_ =	shalt  }
0x67: {  	_ =	shalt  }
0x68: {  	_ =	shalt  }
0x69: {  	_ =	shalt  }
0x6a: {  	_ =	shalt  }
0x6b: {  	_ =	shalt  }
0x6c: {  	_ =	shalt  }
0x6d: {  	_ =	shalt  }
0x6e: {  	_ =	shalt  }
0x6f: {  	_ =	shalt  }
0x70: {  	_ =	shalt  }
0x71: {  	_ =	shalt  }
0x72: {  	_ =	shalt  }
0x73: {  	_ =	shalt  }
0x74: {  	_ =	shalt  }
0x75: {  	_ =	shalt  }
0x76: {  	_ =	shalt  }
0x77: {  	_ =	shalt  }
0x78: {  	_ =	shalt  }
0x79: {  	_ =	shalt  }
0x7a: {  	_ =	shalt  }
0x7b: {  	_ =	shalt  }
0x7c: {  	_ =	shalt  }
0x7d: {  	_ =	shalt  }
0x7e: {  	_ =	shalt  }
0x7f: {  	_ =	shalt  }
0x80: {  	_ =	shalt  }
0x81: {  	_ =	shalt  }
0x82: {  	_ =	shalt  }
0x83: {  	_ =	shalt  }
0x84: {  	_ =	shalt  }
0x85: {  	_ =	shalt  }
0x86: {  	_ =	shalt  }
0x87: {  	_ =	shalt  }
.Lfunc_end0:
.L_simem_size_0:
called_computation_lowered:
.L_overlay_start_0:
0x88: {  	s2 =	sld [smem:$0x3FD9]  }
0x89: {  	s3 =	sld [smem:$0x3FFE];
	_ =	sdelay $0x1  }
0x8a: {  	s1 =	srdreg.scid  }
0x8b: {  	s0 =	sand.u32 $0x1, s1  }
0x8c: {  	s17 =	sshll.u32 s0, $0xA;
	s2 =	sadd.s32 s3, s2  }
0x8d: {  	s2 =	sadd.s32 s2, s17  }
0x8e: {  	[smem:$0x3FC0] =	sst s2  }
0x8f: {  	_ = 	snop  }
0x90: {  	s2 =	sld [smem:$0x3FD0];
	(tm) =	ssettm $0x1  }
0x91: {  	s18 =	sld [smem:$0x3FFB];
	_ =	sdelay $0x3  }
0x92: {  	_ =	strace s18  }
0x93: {  	s3 =	sld [smem:$0x3FFC];
	_ =	sdelay $0x3  }
0x94: {  	_ =	strace s3  }
0x95: {  	s3 =	sld [smem:$0x3FFD];
	_ =	sdelay $0x3  }
0x96: {  	_ =	strace s3  }
0x97: {  	_ =	strace $0x8FFFFFFF  }
0x98: {  	s19 =	sld [smem:$0x3FDB];
	_ =	sdelay $0x1  }
0x99: {  	s4 =	simm.s32 $_scs_section_size  }
0x9a: {  	s5 =	simm.s32 $_size__tile_overlayer_lowered;
	s6 =	simm.s32 $_tile_overlayer_lowered  }
0x9b: {  	s22 =	simm.s32 $0x1BFF;
	s21 =	sshll.u32 s6, $0x1;
	s3 =	sadd.s32 s4, s19  }
0x9c: {  	s7 =	simm.s32 $0x0;
	s20 =	sshll.u32 s5, $0x1;
	s5 =	sadd.s32 s21, s3  }
0x9d: {  	[timem:s7], [sflag:s22] =	dma.local [hbm:s5], s20  }
0x9e: {  	_ =	swait.ge [sflag:s22], s20  }
0x9f: {  	s4 =	ssub.s32 $0x0, s20;
	[sflag:s22] =	ssyncset.done $0x0  }
0xa0: {  	[sflag:s22] =	ssyncadd.s32 s4;
	_ =	sdelay $0x1  }
0xa1: {  	s23 =	simm.s32 $0x1B8B  }
0xa2: {  	_ =	swait.ge [sflag:s23], $0x1  }
0xa3: {  	[sflag:s23] =	ssyncset.done $0x0  }
0xa4: {  	s25 =	simm.s32 $0x1B8E;
	s24 =	sld [smem:$0x3FFE];
	[sflag:s23] =	ssyncadd.s32 $0xFFFFFFFF  }
0xa5: {  	s26 =	simm.s32 $execute0_lowered;
	[smem:$0x3FD2] =	sst s25  }
0xa6: {  	s5 =	sshll.u32 s26, $0x1;
	_ =	strace $0x80000046;
	[dreg:$0x1] =	wrdreg $0xFFFFFFFF  }
0xa7: {  	s28 =	simm.s32 $_size_execute0_lowered;
	s3 =	sadd.s32 s3, s5;
	[dreg:$0x0] =	wrdreg $0x0  }
0xa8: {  	s5 =	sshll.u32 s28, $0x1;
	[dreg:$0x2] =	wrdreg s3  }
0xa9: {  	[dreg:$0x3] =	wrdreg s5  }
0xaa: {  	[dreg:$0x4] =	wrdreg $0xC0  }
0xab: {  	_ =	task [dreg:s7], $0x5FFFF  }
0xac: {  	[dreg:$0x1] =	wrdreg $0xFFFFFFFF  }
0xad: {  	[dreg:$0x0] =	wrdreg $0x60  }
0xae: {  	[dreg:$0x2] =	wrdreg s24  }
0xaf: {  	[dreg:$0x3] =	wrdreg s2  }
0xb0: {  	[dreg:$0x4] =	wrdreg $0xBA000  }
0xb1: {  	[dreg:$0x5] =	wrdreg $0x9  }
0xb2: {  	_ =	task.clear_ibuf [dreg:s7], $0x6FFFF;
	_ =	strace $0x90000046  }
0xb3: {  	s29 =	simm.s32 $0x9;
	_ =	strace $0x80000048  }
0xb4: {  	_ =	swait.ge [sflag:s29], $0x1  }
0xb5: {  	[sflag:s29] =	ssyncadd.s32 $0xFFFFFFFF  }
0xb6: {  	_ =	strace $0x90000048  }
0xb7: {  	_ =	sfence  }
0xb8: {  	s30 =	sld [smem:$0x0];
	_ =	sdelay $0x2  }
0xb9: {  	s31 =	sshll.u32 s1, $0xD;
	s1 =	sshrl.u32 s1, $0x2  }
0xba: {  	s3 =	sand.u32 $0x4000, s31;
	s1 =	sadd.s32 s1, s30  }
0xbb: {  	s0 =	sor.u32 s3, s0;
	s1 =	sshll.u32 s1, $0x11  }
0xbc: {  	s0 =	sor.u32 s1, s0  }
0xbd: {  	s0 =	sadd.s32 $0x8F2B, s0  }
0xbe: {  	[sflag:s0] =	ssyncadd.remote.s32 $0x1  }
0xbf: {  	_ =	sfence.sel $0xFFFF  }
0xc0: {  	[dreg:$0x0] =	wrdreg $0xFFFFFFFF;
	(pc) =	sbr.abs _section_cstart, $3  }
0xc1: {  	[dreg:$0x1] =	wrdreg $0xFFFFFFFF  }
0xc2: {  	_ =	task.clear_ibuf [dreg:s7], $0x2FFFF;
	_ =	strace $0x9FFFFFFF  }
0xc3: {  	(tm) =	ssettm $0x7FFFFFFF  }
tec
execute0_lowered:
.L_overlay_start_1:
0x0: {  	(tag) =	ssettag $0x1  }
0x1: {  	s0 =	rddreg [dreg:$0x0]  }
0x2: {  	s1 =	rddreg [dreg:$0x1]  }
0x3: {  	s2 =	rddreg [dreg:$0x2]  }
0x4: {  	s3 =	simm.s32 $0x0;
	s4 =	srdreg.scid;
	s11 =	stileid.u32  }
0x5: {  	s28 =	simm.s32 $0x300;
	s29 =	simm.s32 $0x1;
	s30 =	simm.s32 $0x78  }
0x6: {  	s5 =	sand.u32 $0x1, s4;
	s6 =	sshll.u32 s11, $0x1;
	s10 =	smul.u32 $0x51000, s11  }
0x7: {  	s31 =	simm.s32 $0x600;
	s21 =	smul.u32 $0x2880, s11;
	s6 =	sor.u32 s5, s6  }
0x8: {  	[smem:$0x7FF] =	sst s3;
	s8 =	smul.u32 $0xA80, s6;
	s24 =	sshrl.u32 s10, $0x2  }
0x9: {  	s4 =	sadd.s32 $0x2600, s0;
	s18 =	smul.u32 $0x1500, s11;
	s19 =	sadd.s32 s24, s2  }
0xa: {  	_ =	strace $0x80000047;
	s23 =	sadd.s32 s1, s8;
	[dreg:$0x7] =	wrdreg s19  }
0xb: {  	s7 =	smul.u32 $0x28800, s5;
	s10 =	sadd.s32 $0x3C00, s19;
	[dreg:$0x5] =	wrdreg s23  }
0xc: {  	s9 =	ssub.s32 $0x2, s5;
	s12 =	sadd.s32 $0x7800, s19;
	[dreg:$0xa] =	wrdreg s10  }
0xd: {  	s22 =	sshrl.u32 s9, $0x1;
	s13 =	sadd.s32 $0xB400, s19;
	[dreg:$0xb] =	wrdreg s12  }
0xe: {  	s6 =	smul.u32 $0x5400, s6;
	s14 =	sadd.s32 $0xF000, s19;
	[dreg:$0xc] =	wrdreg s13  }
0xf: {  	s7 =	sadd.s32 s21, s7;
	s15 =	sadd.s32 $0x12C00, s19;
	[dreg:$0xd] =	wrdreg s14  }
0x10: {  	s0 =	sadd.s32 s7, s0;
	s25 =	sadd.s32 $0x20, s23;
	[dreg:$0xe] =	wrdreg s15  }
0x11: {  	s7 =	ssub.s32 s9, s22;
	s26 =	sadd.s32 $0x40, s23;
	[dreg:$0x6] =	wrdreg s25  }
0x12: {  	s6 =	sshrl.u32 s6, $0x3;
	s9 =	sadd.s32 $0x60, s23;
	[dreg:$0x8] =	wrdreg s26  }
0x13: {  	s6 =	sadd.s32 s1, s6;
	s0 =	sadd.s32 $0x2AE00, s0;
	[dreg:$0x9] =	wrdreg s9  }
0x14: {  	s5 =	smul.u32 $0xA80, s5;
	s16 =	sadd.s32 $0x80, s6;
	[dreg:$0x17] =	wrdreg s0  }
0x15: {  	s8 =	simm.s32 $0x2;
	s17 =	sadd.s32 $0xA0, s6;
	[dreg:$0xf] =	wrdreg s16  }
0x16: {  	s1 =	sadd.s32 s18, s1;
	s20 =	sadd.s32 $0xC0, s6;
	[dreg:$0x10] =	wrdreg s17  }
0x17: {  	s10 =	simm.s32 $0x7;
	s21 =	sadd.s32 $0xE0, s6;
	[dreg:$0x11] =	wrdreg s20  }
0x18: {  	s12 =	simm.s32 $0x500;
	s22 =	sadd.s32 $0x100, s6;
	[dreg:$0x12] =	wrdreg s21  }
0x19: {  	s13 =	simm.s32 $0x3;
	s23 =	sadd.s32 $0x120, s6;
	[dreg:$0x13] =	wrdreg s22  }
0x1a: {  	s14 =	simm.s32 $0x8;
	s24 =	sadd.s32 $0xA40, s6;
	[dreg:$0x14] =	wrdreg s23  }
0x1b: {  	s18 =	simm.s32 $0x9;
	s25 =	sadd.s32 $0xA60, s6;
	[dreg:$0x15] =	wrdreg s24  }
0x1c: {  	s1 =	sadd.s32 s5, s1;
	s26 =	smax.u32 s7, $0x1;
	[dreg:$0x16] =	wrdreg s25  }
0x1d: {  	s0 =	simm.s32 $0x7E00;
	s6 =	simm.s32 $0x400;
	[dreg:$0x18] =	wrdreg s26  }
0x1e: {  	s9 =	simm.s32 $0x4200;
	s7 =	simm.s32 $0x0;
	[dreg:$0x4] =	wrdreg s1  }
0x1f: {  	s25 =	simm.s32 $0x100;
	s26 =	simm.s32 $0x200;
	s16 =	simm.s32 $0xA  }
0x20: {  	s17 =	simm.s32 $0x4;
	s20 =	simm.s32 $0xB;
	s21 =	simm.s32 $0x5  }
0x21: {  	v0 =	vimm.f32 $0.0e+00;
	s23 =	simm.s32 $0xC;
	s24 =	simm.s32 $0x6;
	s22 =	simm.s32 $0x80  }
.LBB2_1:
0x22: {  	[dreg:$0x19] =	wrdreg s7  }
0x23: {  	s1 =	rddreg [dreg:$0x5]  }
0x24: {  	[tilespmem:s3], [sflag:$0x1] =	stream.linear.gather [hbm4b:s1+s3], $0x100, $0x38;
	[tilespmem:$0x1FE00] =	vst v63  }
0x25: {  	s7 =	rddreg [dreg:$0x6]  }
0x26: {  	[tilespmem:s25], [sflag:$0x2] =	stream.linear.gather [hbm4b:s7+s3], $0x100, $0x38;
	[tilespmem:$0x1FE00] =	vst v63  }
0x27: {  	s11 =	rddreg [dreg:$0x8]  }
0x28: {  	[tilespmem:s26], [sflag:$0x3] =	stream.linear.gather [hbm4b:s11+s3], $0x100, $0x38;
	[tilespmem:$0x1FE00] =	vst v63  }
0x29: {  	s15 =	rddreg [dreg:$0x9]  }
0x2a: {  	[tilespmem:s28], [sflag:$0x4] =	stream.linear.gather [hbm4b:s15+s3], $0x100, $0x38;
	[tilespmem:$0x1FE00] =	vst v63  }
0x2b: {  	_ =	swait.ge [sflag:s29], $0x100  }
0x2c: {  	[sflag:s29] =	ssyncset.done $0x0  }
0x2d: {  	s1 =	simm.s32 $0x0;
	s11 =	simm.s32 $0x200;
	[sflag:s29] =	ssyncadd.s32 $0xFFFFFF00  }
0x2e: {  	[tilespmem:s31], [sflag:$0x7] =	stream.indirect.gather [hbm4b:s4+s30], $0x80, s3, s30, $0xb8;
	[tilespmem:$0x1FE00] =	vst v63  }
.LBB2_2:
0x2f: {  	p0 =	sne.s32 s11, $0xEE00;
	[tilespmem:s1+$0x7E70] =	vst v0  }
0x30: {  	[tilespmem:s1+$0x7E00] =	vst v0  }
0x31: {  	[tilespmem:s1+$0x7E10] =	vst v0  }
.Ltmp0:
0x32: {  	[tilespmem:s1+$0x7E20] =	vst v0;
	(pc) =	sbr.rel @p0 .LBB2_2-.Ltmp0, $4  }
0x33: {  	[tilespmem:s1+$0x7E30] =	vst v0  }
0x34: {  	[tilespmem:s1+$0x7E40] =	vst v0  }
0x35: {  	[tilespmem:s1+$0x7E50] =	vst v0  }
0x36: {  	[tilespmem:s1+$0x7E60] =	vst v0;
	s1 =	sshra.s32 s11, $0x2;
	s11 =	sadd.s32 $0x200, s11  }
0x37: {  	[tilespmem:s1+$0x7E70] =	vst v0  }
0x38: {  	[tilespmem:s1+$0x7E00] =	vst v0  }
0x39: {  	[tilespmem:s1+$0x7E10] =	vst v0  }
0x3a: {  	[tilespmem:s1+$0x7E20] =	vst v0  }
0x3b: {  	[tilespmem:s1+$0x7E30] =	vst v0  }
0x3c: {  	[tilespmem:s1+$0x7E40] =	vst v0  }
0x3d: {  	[tilespmem:s1+$0x7E50] =	vst v0  }
0x3e: {  	[tilespmem:s1+$0x7E60] =	vst v0  }
0x3f: {  	[spmem:s19] =	stream.linear.scatter [tilespmem:s0], [sflag:$0xD], $0x3C00, $0x38;
	[tilespmem:$0x1FE00] =	vst v63  }
0x40: {  	s11 =	rddreg [dreg:$0xa]  }
0x41: {  	[spmem:s11] =	stream.linear.scatter [tilespmem:s0], [sflag:$0xD], $0x3C00, $0x38;
	[tilespmem:$0x1FE00] =	vst v63  }
0x42: {  	s15 =	rddreg [dreg:$0xb]  }
0x43: {  	[spmem:s15] =	stream.linear.scatter [tilespmem:s0], [sflag:$0xD], $0x3C00, $0x38;
	[tilespmem:$0x1FE00] =	vst v63  }
0x44: {  	s19 =	rddreg [dreg:$0xc]  }
0x45: {  	[spmem:s19] =	stream.linear.scatter [tilespmem:s0], [sflag:$0xD], $0x3C00, $0x38;
	[tilespmem:$0x1FE00] =	vst v63  }
0x46: {  	s5 =	rddreg [dreg:$0xd]  }
0x47: {  	[spmem:s5] =	stream.linear.scatter [tilespmem:s0], [sflag:$0xD], $0x3C00, $0x38;
	[tilespmem:$0x1FE00] =	vst v63  }
0x48: {  	s7 =	rddreg [dreg:$0xe];
	s11 =	simm.s32 $0xD  }
0x49: {  	[spmem:s7] =	stream.linear.scatter [tilespmem:s0], [sflag:$0xD], $0x1800, $0x38;
	[tilespmem:$0x1FE00] =	vst v63  }
0x4a: {  	_ =	swait.ge [sflag:s11], $0x3C00  }
0x4b: {  	[sflag:s11] =	ssyncset.done $0x0  }
0x4c: {  	[sflag:s11] =	ssyncadd.s32 $0xFFFFC400  }
0x4d: {  	_ =	swait.ge [sflag:s11], $0x3C00  }
0x4e: {  	[sflag:s11] =	ssyncset.done $0x0  }
0x4f: {  	[sflag:s11] =	ssyncadd.s32 $0xFFFFC400  }
0x50: {  	_ =	swait.ge [sflag:s11], $0x3C00  }
0x51: {  	[sflag:s11] =	ssyncset.done $0x0  }
0x52: {  	[sflag:s11] =	ssyncadd.s32 $0xFFFFC400  }
0x53: {  	_ =	swait.ge [sflag:s11], $0x3C00  }
0x54: {  	[sflag:s11] =	ssyncset.done $0x0  }
0x55: {  	[sflag:s11] =	ssyncadd.s32 $0xFFFFC400  }
0x56: {  	_ =	swait.ge [sflag:s11], $0x3C00  }
0x57: {  	[sflag:s11] =	ssyncset.done $0x0  }
0x58: {  	[sflag:s11] =	ssyncadd.s32 $0xFFFFC400  }
0x59: {  	_ =	swait.ge [sflag:s11], $0x1800  }
0x5a: {  	[sflag:s11] =	ssyncset.done $0x0  }
0x5b: {  	[sflag:s11] =	ssyncadd.s32 $0xFFFFE800  }
0x5c: {  	[bflag:$0x0] =	sbarrier.arrive $0xFFFF  }
0x5d: {  	s1 =	simm.s32 $0x0;
	s11 =	rddreg [dreg:$0xf]  }
0x5e: {  	[tilespmem:s6], [sflag:$0x5] =	stream.linear.gather [hbm4b:s11+s1], $0x100, $0x38;
	[tilespmem:$0x1FE00] =	vst v63  }
0x5f: {  	_ =	swait.ge [sflag:s8], $0x100  }
0x60: {  	[sflag:s8] =	ssyncset.done $0x0  }
0x61: {  	[sflag:s8] =	ssyncadd.s32 $0xFFFFFF00  }
0x62: {  	[tilespmem:s9], [sflag:$0x8] =	stream.indirect.gather [hbm4b:s4+s30], $0x80, s25, s30, $0xb8;
	[tilespmem:$0x1FE00] =	vst v63  }
0x63: {  	_ =	swait.ge [sflag:s10], $0x3C00  }
0x64: {  	[sflag:s10] =	ssyncset.done $0x0  }
0x65: {  	s5 =	simm.s32 $0x80;
	[sflag:s10] =	ssyncadd.s32 $0xFFFFC400  }
0x66: {  	[spmem:s2] =	stream.indirect.scatter.add.f32 [tilespmem:s31], [sflag:$0xA], $0x80, s5, s30, $0xb8;
	[tilespmem:$0x1FE00] =	vst v63  }
0x67: {  	s15 =	rddreg [dreg:$0x10]  }
0x68: {  	[tilespmem:s12], [sflag:$0x6] =	stream.linear.gather [hbm4b:s15+s1], $0x100, $0x38;
	[tilespmem:$0x1FE00] =	vst v63  }
0x69: {  	_ =	swait.ge [sflag:s13], $0x100  }
0x6a: {  	[sflag:s13] =	ssyncset.done $0x0  }
0x6b: {  	[sflag:s13] =	ssyncadd.s32 $0xFFFFFF00  }
0x6c: {  	[tilespmem:s0], [sflag:$0x9] =	stream.indirect.gather [hbm4b:s4+s30], $0x80, s26, s30, $0xb8;
	[tilespmem:$0x1FE00] =	vst v63  }
0x6d: {  	_ =	swait.ge [sflag:s14], $0x3C00  }
0x6e: {  	[sflag:s14] =	ssyncset.done $0x0  }
0x6f: {  	s15 =	simm.s32 $0x180;
	[sflag:s14] =	ssyncadd.s32 $0xFFFFC400  }
0x70: {  	[spmem:s2] =	stream.indirect.scatter.add.f32 [tilespmem:s9], [sflag:$0xB], $0x80, s15, s30, $0xb8;
	[tilespmem:$0x1FE00] =	vst v63  }
0x71: {  	_ =	swait.ge [sflag:s16], $0x3C00  }
0x72: {  	[sflag:s16] =	ssyncset.done $0x0  }
0x73: {  	s19 =	rddreg [dreg:$0x11];
	[sflag:s16] =	ssyncadd.s32 $0xFFFFC400  }
0x74: {  	[tilespmem:s1], [sflag:$0x1] =	stream.linear.gather [hbm4b:s19+s1], $0x100, $0x38;
	[tilespmem:$0x1FE00] =	vst v63  }
0x75: {  	_ =	swait.ge [sflag:s17], $0x100  }
0x76: {  	[sflag:s17] =	ssyncset.done $0x0  }
0x77: {  	[sflag:s17] =	ssyncadd.s32 $0xFFFFFF00  }
0x78: {  	[tilespmem:s31], [sflag:$0x7] =	stream.indirect.gather [hbm4b:s4+s30], $0x80, s28, s30, $0xb8;
	[tilespmem:$0x1FE00] =	vst v63  }
0x79: {  	_ =	swait.ge [sflag:s18], $0x3C00  }
0x7a: {  	[sflag:s18] =	ssyncset.done $0x0  }
0x7b: {  	s19 =	simm.s32 $0x280;
	[sflag:s18] =	ssyncadd.s32 $0xFFFFC400  }
0x7c: {  	[spmem:s2] =	stream.indirect.scatter.add.f32 [tilespmem:s0], [sflag:$0xC], $0x80, s19, s30, $0xb8;
	[tilespmem:$0x1FE00] =	vst v63  }
0x7d: {  	_ =	swait.ge [sflag:s20], $0x3C00  }
0x7e: {  	[sflag:s20] =	ssyncset.done $0x0  }
0x7f: {  	s7 =	rddreg [dreg:$0x12];
	[sflag:s20] =	ssyncadd.s32 $0xFFFFC400  }
0x80: {  	[tilespmem:s25], [sflag:$0x2] =	stream.linear.gather [hbm4b:s7+s1], $0x100, $0x38;
	[tilespmem:$0x1FE00] =	vst v63  }
0x81: {  	_ =	swait.ge [sflag:s21], $0x100  }
0x82: {  	[sflag:s21] =	ssyncset.done $0x0  }
0x83: {  	[sflag:s21] =	ssyncadd.s32 $0xFFFFFF00  }
0x84: {  	[tilespmem:s9], [sflag:$0x8] =	stream.indirect.gather [hbm4b:s4+s30], $0x80, s6, s30, $0xb8;
	[tilespmem:$0x1FE00] =	vst v63  }
0x85: {  	_ =	swait.ge [sflag:s10], $0x3C00  }
0x86: {  	[sflag:s10] =	ssyncset.done $0x0  }
0x87: {  	s7 =	simm.s32 $0x380;
	[sflag:s10] =	ssyncadd.s32 $0xFFFFC400  }
0x88: {  	[spmem:s2] =	stream.indirect.scatter.add.f32 [tilespmem:s31], [sflag:$0xA], $0x80, s7, s30, $0xb8;
	[tilespmem:$0x1FE00] =	vst v63  }
0x89: {  	_ =	swait.ge [sflag:s23], $0x3C00  }
0x8a: {  	[sflag:s23] =	ssyncset.done $0x0  }
0x8b: {  	s7 =	rddreg [dreg:$0x13];
	[sflag:s23] =	ssyncadd.s32 $0xFFFFC400  }
0x8c: {  	[tilespmem:s26], [sflag:$0x3] =	stream.linear.gather [hbm4b:s7+s1], $0x100, $0x38;
	[tilespmem:$0x1FE00] =	vst v63  }
0x8d: {  	_ =	swait.ge [sflag:s24], $0x100  }
0x8e: {  	[sflag:s24] =	ssyncset.done $0x0  }
0x8f: {  	[sflag:s24] =	ssyncadd.s32 $0xFFFFFF00  }
0x90: {  	[tilespmem:s0], [sflag:$0x9] =	stream.indirect.gather [hbm4b:s4+s30], $0x80, s12, s30, $0xb8;
	[tilespmem:$0x1FE00] =	vst v63  }
0x91: {  	_ =	swait.ge [sflag:s14], $0x3C00  }
0x92: {  	[sflag:s14] =	ssyncset.done $0x0  }
0x93: {  	s11 =	simm.s32 $0x480;
	[sflag:s14] =	ssyncadd.s32 $0xFFFFC400  }
0x94: {  	[spmem:s2] =	stream.indirect.scatter.add.f32 [tilespmem:s9], [sflag:$0xB], $0x80, s11, s30, $0xb8;
	[tilespmem:$0x1FE00] =	vst v63  }
0x95: {  	_ =	swait.ge [sflag:s16], $0x3C00  }
0x96: {  	[sflag:s16] =	ssyncset.done $0x0  }
0x97: {  	s7 =	rddreg [dreg:$0x14];
	[sflag:s16] =	ssyncadd.s32 $0xFFFFC400  }
0x98: {  	[tilespmem:s28], [sflag:$0x4] =	stream.linear.gather [hbm4b:s7+s1], $0x100, $0x38;
	[tilespmem:$0x1FE00] =	vst v63  }
0x99: {  	_ =	swait.ge [sflag:s29], $0x100  }
0x9a: {  	[sflag:s29] =	ssyncset.done $0x0  }
0x9b: {  	[sflag:s29] =	ssyncadd.s32 $0xFFFFFF00  }
0x9c: {  	[tilespmem:s31], [sflag:$0x7] =	stream.indirect.gather [hbm4b:s4+s30], $0x80, s1, s30, $0xb8;
	[tilespmem:$0x1FE00] =	vst v63  }
0x9d: {  	_ =	swait.ge [sflag:s18], $0x3C00  }
0x9e: {  	[sflag:s18] =	ssyncset.done $0x0  }
0x9f: {  	s7 =	simm.s32 $0x580;
	[sflag:s18] =	ssyncadd.s32 $0xFFFFC400  }
0xa0: {  	[spmem:s2] =	stream.indirect.scatter.add.f32 [tilespmem:s0], [sflag:$0xC], $0x80, s7, s30, $0xb8;
	[tilespmem:$0x1FE00] =	vst v63  }
0xa1: {  	_ =	swait.ge [sflag:s20], $0x3C00  }
0xa2: {  	s11 =	rddreg [dreg:$0x4]  }
0xa3: {  	[sflag:s20] =	ssyncset.done $0x0;
	s1 =	sadd.s32 $0x0, s11  }
0xa4: {  	[sflag:s20] =	ssyncadd.s32 $0xFFFFC400;
	s7 =	sadd.s32 $0x140, s1  }
0xa5: {  	[tilespmem:s6], [sflag:$0x5] =	stream.linear.gather [hbm4b:s7+s3], $0x100, $0x38;
	[tilespmem:$0x1FE00] =	vst v63  }
0xa6: {  	_ =	swait.ge [sflag:s8], $0x100  }
0xa7: {  	[sflag:s8] =	ssyncset.done $0x0  }
0xa8: {  	[sflag:s8] =	ssyncadd.s32 $0xFFFFFF00  }
0xa9: {  	[tilespmem:s9], [sflag:$0x8] =	stream.indirect.gather [hbm4b:s4+s30], $0x80, s25, s30, $0xb8;
	[tilespmem:$0x1FE00] =	vst v63  }
0xaa: {  	_ =	swait.ge [sflag:s10], $0x3C00  }
0xab: {  	[sflag:s10] =	ssyncset.done $0x0  }
0xac: {  	[sflag:s10] =	ssyncadd.s32 $0xFFFFC400  }
0xad: {  	[spmem:s2] =	stream.indirect.scatter.add.f32 [tilespmem:s31], [sflag:$0xA], $0x80, s5, s30, $0xb8;
	[tilespmem:$0x1FE00] =	vst v63  }
0xae: {  	_ =	swait.ge [sflag:s23], $0x3C00  }
0xaf: {  	[sflag:s23] =	ssyncset.done $0x0  }
0xb0: {  	s7 =	sadd.s32 $0x160, s1;
	[sflag:s23] =	ssyncadd.s32 $0xFFFFC400  }
0xb1: {  	[tilespmem:s12], [sflag:$0x6] =	stream.linear.gather [hbm4b:s7+s3], $0x100, $0x38;
	[tilespmem:$0x1FE00] =	vst v63  }
0xb2: {  	_ =	swait.ge [sflag:s13], $0x100  }
0xb3: {  	[sflag:s13] =	ssyncset.done $0x0  }
0xb4: {  	[sflag:s13] =	ssyncadd.s32 $0xFFFFFF00  }
0xb5: {  	[tilespmem:s0], [sflag:$0x9] =	stream.indirect.gather [hbm4b:s4+s30], $0x80, s26, s30, $0xb8;
	[tilespmem:$0x1FE00] =	vst v63  }
0xb6: {  	_ =	swait.ge [sflag:s14], $0x3C00  }
0xb7: {  	[sflag:s14] =	ssyncset.done $0x0  }
0xb8: {  	[sflag:s14] =	ssyncadd.s32 $0xFFFFC400  }
0xb9: {  	[spmem:s2] =	stream.indirect.scatter.add.f32 [tilespmem:s9], [sflag:$0xB], $0x80, s15, s30, $0xb8;
	[tilespmem:$0x1FE00] =	vst v63  }
0xba: {  	_ =	swait.ge [sflag:s16], $0x3C00  }
0xbb: {  	[sflag:s16] =	ssyncset.done $0x0  }
0xbc: {  	s15 =	sadd.s32 $0x180, s1;
	[sflag:s16] =	ssyncadd.s32 $0xFFFFC400  }
0xbd: {  	[tilespmem:s3], [sflag:$0x1] =	stream.linear.gather [hbm4b:s15+s3], $0x100, $0x38;
	[tilespmem:$0x1FE00] =	vst v63  }
0xbe: {  	_ =	swait.ge [sflag:s17], $0x100  }
0xbf: {  	[sflag:s17] =	ssyncset.done $0x0  }
0xc0: {  	[sflag:s17] =	ssyncadd.s32 $0xFFFFFF00  }
0xc1: {  	[tilespmem:s31], [sflag:$0x7] =	stream.indirect.gather [hbm4b:s4+s30], $0x80, s28, s30, $0xb8;
	[tilespmem:$0x1FE00] =	vst v63  }
0xc2: {  	_ =	swait.ge [sflag:s18], $0x3C00  }
0xc3: {  	[sflag:s18] =	ssyncset.done $0x0  }
0xc4: {  	[sflag:s18] =	ssyncadd.s32 $0xFFFFC400  }
0xc5: {  	[spmem:s2] =	stream.indirect.scatter.add.f32 [tilespmem:s0], [sflag:$0xC], $0x80, s19, s30, $0xb8;
	[tilespmem:$0x1FE00] =	vst v63  }
0xc6: {  	_ =	swait.ge [sflag:s20], $0x3C00  }
0xc7: {  	[sflag:s20] =	ssyncset.done $0x0  }
0xc8: {  	s19 =	sadd.s32 $0x1A0, s1;
	[sflag:s20] =	ssyncadd.s32 $0xFFFFC400  }
0xc9: {  	[tilespmem:s25], [sflag:$0x2] =	stream.linear.gather [hbm4b:s19+s3], $0x100, $0x38;
	[tilespmem:$0x1FE00] =	vst v63  }
0xca: {  	_ =	swait.ge [sflag:s21], $0x100  }
0xcb: {  	[sflag:s21] =	ssyncset.done $0x0  }
0xcc: {  	[sflag:s21] =	ssyncadd.s32 $0xFFFFFF00  }
0xcd: {  	[tilespmem:s9], [sflag:$0x8] =	stream.indirect.gather [hbm4b:s4+s30], $0x80, s6, s30, $0xb8;
	[tilespmem:$0x1FE00] =	vst v63  }
0xce: {  	_ =	swait.ge [sflag:s10], $0x3C00  }
0xcf: {  	[sflag:s10] =	ssyncset.done $0x0  }
0xd0: {  	s15 =	simm.s32 $0x380;
	[sflag:s10] =	ssyncadd.s32 $0xFFFFC400  }
0xd1: {  	[spmem:s2] =	stream.indirect.scatter.add.f32 [tilespmem:s31], [sflag:$0xA], $0x80, s15, s30, $0xb8;
	[tilespmem:$0x1FE00] =	vst v63  }
0xd2: {  	_ =	swait.ge [sflag:s23], $0x3C00  }
0xd3: {  	[sflag:s23] =	ssyncset.done $0x0  }
0xd4: {  	s15 =	sadd.s32 $0x1C0, s1;
	[sflag:s23] =	ssyncadd.s32 $0xFFFFC400  }
0xd5: {  	[tilespmem:s26], [sflag:$0x3] =	stream.linear.gather [hbm4b:s15+s3], $0x100, $0x38;
	[tilespmem:$0x1FE00] =	vst v63  }
0xd6: {  	_ =	swait.ge [sflag:s24], $0x100  }
0xd7: {  	[sflag:s24] =	ssyncset.done $0x0  }
0xd8: {  	[sflag:s24] =	ssyncadd.s32 $0xFFFFFF00  }
0xd9: {  	[tilespmem:s0], [sflag:$0x9] =	stream.indirect.gather [hbm4b:s4+s30], $0x80, s12, s30, $0xb8;
	[tilespmem:$0x1FE00] =	vst v63  }
0xda: {  	_ =	swait.ge [sflag:s14], $0x3C00  }
0xdb: {  	[sflag:s14] =	ssyncset.done $0x0  }
0xdc: {  	s15 =	simm.s32 $0x480;
	[sflag:s14] =	ssyncadd.s32 $0xFFFFC400  }
0xdd: {  	[spmem:s2] =	stream.indirect.scatter.add.f32 [tilespmem:s9], [sflag:$0xB], $0x80, s15, s30, $0xb8;
	[tilespmem:$0x1FE00] =	vst v63  }
0xde: {  	_ =	swait.ge [sflag:s16], $0x3C00  }
0xdf: {  	[sflag:s16] =	ssyncset.done $0x0  }
0xe0: {  	s1 =	sadd.s32 $0x1E0, s1;
	[sflag:s16] =	ssyncadd.s32 $0xFFFFC400  }
0xe1: {  	[tilespmem:s28], [sflag:$0x4] =	stream.linear.gather [hbm4b:s1+s3], $0x100, $0x38;
	[tilespmem:$0x1FE00] =	vst v63  }
0xe2: {  	_ =	swait.ge [sflag:s29], $0x100  }
0xe3: {  	[sflag:s29] =	ssyncset.done $0x0  }
0xe4: {  	[sflag:s29] =	ssyncadd.s32 $0xFFFFFF00  }
0xe5: {  	[tilespmem:s31], [sflag:$0x7] =	stream.indirect.gather [hbm4b:s4+s30], $0x80, s3, s30, $0xb8;
	[tilespmem:$0x1FE00] =	vst v63  }
0xe6: {  	_ =	swait.ge [sflag:s18], $0x3C00  }
0xe7: {  	s5 =	simm.s32 $0x180;
	s7 =	simm.s32 $0x280;
	[sflag:s18] =	ssyncset.done $0x0  }
0xe8: {  	s19 =	simm.s32 $0x380;
	s1 =	simm.s32 $0xC0;
	[sflag:s18] =	ssyncadd.s32 $0xFFFFC400  }
.LBB2_4:
0xe9: {  	s11 =	simm.s32 $0x580  }
0xea: {  	[spmem:s2] =	stream.indirect.scatter.add.f32 [tilespmem:s0], [sflag:$0xC], $0x80, s11, s30, $0xb8;
	[tilespmem:$0x1FE00] =	vst v63  }
0xeb: {  	_ =	swait.ge [sflag:s20], $0x3C00  }
0xec: {  	s11 =	smov.u32 s1;
	s15 =	rddreg [dreg:$0x4]  }
0xed: {  	[sflag:s20] =	ssyncset.done $0x0;
	s11 =	sadd.s32 s11, s15  }
0xee: {  	[sflag:s20] =	ssyncadd.s32 $0xFFFFC400;
	s15 =	sadd.s32 $0x140, s11  }
0xef: {  	[tilespmem:s6], [sflag:$0x5] =	stream.linear.gather [hbm4b:s15+s3], $0x100, $0x38;
	[tilespmem:$0x1FE00] =	vst v63  }
0xf0: {  	_ =	swait.ge [sflag:s8], $0x100  }
0xf1: {  	[sflag:s8] =	ssyncset.done $0x0  }
0xf2: {  	[sflag:s8] =	ssyncadd.s32 $0xFFFFFF00  }
0xf3: {  	[tilespmem:s9], [sflag:$0x8] =	stream.indirect.gather [hbm4b:s4+s30], $0x80, s25, s30, $0xb8;
	[tilespmem:$0x1FE00] =	vst v63  }
0xf4: {  	_ =	swait.ge [sflag:s10], $0x3C00  }
0xf5: {  	[sflag:s10] =	ssyncset.done $0x0  }
0xf6: {  	[sflag:s10] =	ssyncadd.s32 $0xFFFFC400  }
0xf7: {  	[spmem:s2] =	stream.indirect.scatter.add.f32 [tilespmem:s31], [sflag:$0xA], $0x80, s22, s30, $0xb8;
	[tilespmem:$0x1FE00] =	vst v63  }
0xf8: {  	_ =	swait.ge [sflag:s23], $0x3C00  }
0xf9: {  	[sflag:s23] =	ssyncset.done $0x0  }
0xfa: {  	s15 =	sadd.s32 $0x160, s11;
	[sflag:s23] =	ssyncadd.s32 $0xFFFFC400  }
0xfb: {  	[tilespmem:s12], [sflag:$0x6] =	stream.linear.gather [hbm4b:s15+s3], $0x100, $0x38;
	[tilespmem:$0x1FE00] =	vst v63  }
0xfc: {  	_ =	swait.ge [sflag:s13], $0x100  }
0xfd: {  	[sflag:s13] =	ssyncset.done $0x0  }
0xfe: {  	[sflag:s13] =	ssyncadd.s32 $0xFFFFFF00  }
0xff: {  	[tilespmem:s0], [sflag:$0x9] =	stream.indirect.gather [hbm4b:s4+s30], $0x80, s26, s30, $0xb8;
	[tilespmem:$0x1FE00] =	vst v63  }
0x100: {  	_ =	swait.ge [sflag:s14], $0x3C00  }
0x101: {  	[sflag:s14] =	ssyncset.done $0x0  }
0x102: {  	[sflag:s14] =	ssyncadd.s32 $0xFFFFC400  }
0x103: {  	[spmem:s2] =	stream.indirect.scatter.add.f32 [tilespmem:s9], [sflag:$0xB], $0x80, s5, s30, $0xb8;
	[tilespmem:$0x1FE00] =	vst v63  }
0x104: {  	_ =	swait.ge [sflag:s16], $0x3C00  }
0x105: {  	[sflag:s16] =	ssyncset.done $0x0  }
0x106: {  	s15 =	sadd.s32 $0x180, s11;
	[sflag:s16] =	ssyncadd.s32 $0xFFFFC400  }
0x107: {  	[tilespmem:s3], [sflag:$0x1] =	stream.linear.gather [hbm4b:s15+s3], $0x100, $0x38;
	[tilespmem:$0x1FE00] =	vst v63  }
0x108: {  	_ =	swait.ge [sflag:s17], $0x100  }
0x109: {  	[sflag:s17] =	ssyncset.done $0x0  }
0x10a: {  	[sflag:s17] =	ssyncadd.s32 $0xFFFFFF00  }
0x10b: {  	[tilespmem:s31], [sflag:$0x7] =	stream.indirect.gather [hbm4b:s4+s30], $0x80, s28, s30, $0xb8;
	[tilespmem:$0x1FE00] =	vst v63  }
0x10c: {  	_ =	swait.ge [sflag:s18], $0x3C00  }
0x10d: {  	[sflag:s18] =	ssyncset.done $0x0  }
0x10e: {  	[sflag:s18] =	ssyncadd.s32 $0xFFFFC400  }
0x10f: {  	[spmem:s2] =	stream.indirect.scatter.add.f32 [tilespmem:s0], [sflag:$0xC], $0x80, s7, s30, $0xb8;
	[tilespmem:$0x1FE00] =	vst v63  }
0x110: {  	_ =	swait.ge [sflag:s20], $0x3C00  }
0x111: {  	[sflag:s20] =	ssyncset.done $0x0  }
0x112: {  	s15 =	sadd.s32 $0x1A0, s11;
	[sflag:s20] =	ssyncadd.s32 $0xFFFFC400  }
0x113: {  	[tilespmem:s25], [sflag:$0x2] =	stream.linear.gather [hbm4b:s15+s3], $0x100, $0x38;
	[tilespmem:$0x1FE00] =	vst v63  }
0x114: {  	_ =	swait.ge [sflag:s21], $0x100  }
0x115: {  	[sflag:s21] =	ssyncset.done $0x0  }
0x116: {  	[sflag:s21] =	ssyncadd.s32 $0xFFFFFF00  }
0x117: {  	[tilespmem:s9], [sflag:$0x8] =	stream.indirect.gather [hbm4b:s4+s30], $0x80, s6, s30, $0xb8;
	[tilespmem:$0x1FE00] =	vst v63  }
0x118: {  	_ =	swait.ge [sflag:s10], $0x3C00  }
0x119: {  	[sflag:s10] =	ssyncset.done $0x0  }
0x11a: {  	[sflag:s10] =	ssyncadd.s32 $0xFFFFC400  }
0x11b: {  	[spmem:s2] =	stream.indirect.scatter.add.f32 [tilespmem:s31], [sflag:$0xA], $0x80, s19, s30, $0xb8;
	[tilespmem:$0x1FE00] =	vst v63  }
0x11c: {  	_ =	swait.ge [sflag:s23], $0x3C00  }
0x11d: {  	[sflag:s23] =	ssyncset.done $0x0  }
0x11e: {  	s15 =	sadd.s32 $0x1C0, s11;
	[sflag:s23] =	ssyncadd.s32 $0xFFFFC400  }
0x11f: {  	[tilespmem:s26], [sflag:$0x3] =	stream.linear.gather [hbm4b:s15+s3], $0x100, $0x38;
	[tilespmem:$0x1FE00] =	vst v63  }
0x120: {  	_ =	swait.ge [sflag:s24], $0x100  }
0x121: {  	[sflag:s24] =	ssyncset.done $0x0  }
0x122: {  	[sflag:s24] =	ssyncadd.s32 $0xFFFFFF00  }
0x123: {  	[tilespmem:s0], [sflag:$0x9] =	stream.indirect.gather [hbm4b:s4+s30], $0x80, s12, s30, $0xb8;
	[tilespmem:$0x1FE00] =	vst v63  }
0x124: {  	_ =	swait.ge [sflag:s14], $0x3C00  }
0x125: {  	[sflag:s14] =	ssyncset.done $0x0  }
0x126: {  	s15 =	simm.s32 $0x480;
	[sflag:s14] =	ssyncadd.s32 $0xFFFFC400  }
0x127: {  	[spmem:s2] =	stream.indirect.scatter.add.f32 [tilespmem:s9], [sflag:$0xB], $0x80, s15, s30, $0xb8;
	[tilespmem:$0x1FE00] =	vst v63  }
0x128: {  	_ =	swait.ge [sflag:s16], $0x3C00  }
0x129: {  	[sflag:s16] =	ssyncset.done $0x0  }
0x12a: {  	s11 =	sadd.s32 $0x1E0, s11;
	[sflag:s16] =	ssyncadd.s32 $0xFFFFC400  }
0x12b: {  	[tilespmem:s28], [sflag:$0x4] =	stream.linear.gather [hbm4b:s11+s3], $0x100, $0x38;
	[tilespmem:$0x1FE00] =	vst v63  }
0x12c: {  	_ =	swait.ge [sflag:s29], $0x100  }
0x12d: {  	p0 =	sne.s32 s1, $0x840;
	[sflag:s29] =	ssyncset.done $0x0  }
.Ltmp1:
0x12e: {  	[sflag:s29] =	ssyncadd.s32 $0xFFFFFF00;
	(pc) =	sbr.rel @p0 .LBB2_4-.Ltmp1, $4  }
0x12f: {  	[tilespmem:s31], [sflag:$0x7] =	stream.indirect.gather [hbm4b:s4+s30], $0x80, s3, s30, $0xb8;
	[tilespmem:$0x1FE00] =	vst v63  }
0x130: {  	_ =	swait.ge [sflag:s18], $0x3C00  }
0x131: {  	[sflag:s18] =	ssyncset.done $0x0  }
0x132: {  	s1 =	sadd.s32 $0xC0, s1;
	[sflag:s18] =	ssyncadd.s32 $0xFFFFC400  }
0x133: {  	s11 =	simm.s32 $0x580  }
0x134: {  	[spmem:s2] =	stream.indirect.scatter.add.f32 [tilespmem:s0], [sflag:$0xC], $0x80, s11, s30, $0xb8;
	[tilespmem:$0x1FE00] =	vst v63  }
0x135: {  	_ =	swait.ge [sflag:s20], $0x3C00  }
0x136: {  	[sflag:s20] =	ssyncset.done $0x0  }
0x137: {  	s1 =	rddreg [dreg:$0x15];
	[sflag:s20] =	ssyncadd.s32 $0xFFFFC400  }
0x138: {  	[tilespmem:s6], [sflag:$0x5] =	stream.linear.gather [hbm4b:s1+s3], $0x100, $0x38;
	[tilespmem:$0x1FE00] =	vst v63  }
0x139: {  	_ =	swait.ge [sflag:s8], $0x100  }
0x13a: {  	[sflag:s8] =	ssyncset.done $0x0  }
0x13b: {  	[sflag:s8] =	ssyncadd.s32 $0xFFFFFF00  }
0x13c: {  	[tilespmem:s9], [sflag:$0x8] =	stream.indirect.gather [hbm4b:s4+s30], $0x80, s25, s30, $0xb8;
	[tilespmem:$0x1FE00] =	vst v63  }
0x13d: {  	_ =	swait.ge [sflag:s10], $0x3C00  }
0x13e: {  	[sflag:s10] =	ssyncset.done $0x0  }
0x13f: {  	[sflag:s10] =	ssyncadd.s32 $0xFFFFC400  }
0x140: {  	[spmem:s2] =	stream.indirect.scatter.add.f32 [tilespmem:s31], [sflag:$0xA], $0x80, s22, s30, $0xb8;
	[tilespmem:$0x1FE00] =	vst v63  }
0x141: {  	_ =	swait.ge [sflag:s23], $0x3C00  }
0x142: {  	[sflag:s23] =	ssyncset.done $0x0  }
0x143: {  	s1 =	rddreg [dreg:$0x16];
	[sflag:s23] =	ssyncadd.s32 $0xFFFFC400  }
0x144: {  	[tilespmem:s12], [sflag:$0x6] =	stream.linear.gather [hbm4b:s1+s3], $0x100, $0x38;
	[tilespmem:$0x1FE00] =	vst v63  }
0x145: {  	_ =	swait.ge [sflag:s13], $0x100  }
0x146: {  	[sflag:s13] =	ssyncset.done $0x0  }
0x147: {  	[sflag:s13] =	ssyncadd.s32 $0xFFFFFF00  }
0x148: {  	[tilespmem:s0], [sflag:$0x9] =	stream.indirect.gather [hbm4b:s4+s30], $0x80, s26, s30, $0xb8;
	[tilespmem:$0x1FE00] =	vst v63  }
0x149: {  	_ =	swait.ge [sflag:s14], $0x3C00  }
0x14a: {  	[sflag:s14] =	ssyncset.done $0x0  }
0x14b: {  	[sflag:s14] =	ssyncadd.s32 $0xFFFFC400  }
0x14c: {  	[spmem:s2] =	stream.indirect.scatter.add.f32 [tilespmem:s9], [sflag:$0xB], $0x80, s5, s30, $0xb8;
	[tilespmem:$0x1FE00] =	vst v63  }
0x14d: {  	_ =	swait.ge [sflag:s16], $0x3C00  }
0x14e: {  	[sflag:s16] =	ssyncset.done $0x0  }
0x14f: {  	[sflag:s16] =	ssyncadd.s32 $0xFFFFC400  }
0x150: {  	_ =	swait.ge [sflag:s17], $0x100  }
0x151: {  	[sflag:s17] =	ssyncset.done $0x0  }
0x152: {  	[sflag:s17] =	ssyncadd.s32 $0xFFFFFF00  }
0x153: {  	[tilespmem:s31], [sflag:$0x7] =	stream.indirect.gather [hbm4b:s4+s30], $0x80, s28, s30, $0xb8;
	[tilespmem:$0x1FE00] =	vst v63  }
0x154: {  	_ =	swait.ge [sflag:s18], $0x3C00  }
0x155: {  	[sflag:s18] =	ssyncset.done $0x0  }
0x156: {  	[sflag:s18] =	ssyncadd.s32 $0xFFFFC400  }
0x157: {  	[spmem:s2] =	stream.indirect.scatter.add.f32 [tilespmem:s0], [sflag:$0xC], $0x80, s7, s30, $0xb8;
	[tilespmem:$0x1FE00] =	vst v63  }
0x158: {  	_ =	swait.ge [sflag:s20], $0x3C00  }
0x159: {  	[sflag:s20] =	ssyncset.done $0x0  }
0x15a: {  	[sflag:s20] =	ssyncadd.s32 $0xFFFFC400  }
0x15b: {  	_ =	swait.ge [sflag:s21], $0x100  }
0x15c: {  	[sflag:s21] =	ssyncset.done $0x0  }
0x15d: {  	[sflag:s21] =	ssyncadd.s32 $0xFFFFFF00  }
0x15e: {  	[tilespmem:s9], [sflag:$0x8] =	stream.indirect.gather [hbm4b:s4+s30], $0x80, s6, s30, $0xb8;
	[tilespmem:$0x1FE00] =	vst v63  }
0x15f: {  	_ =	swait.ge [sflag:s10], $0x3C00  }
0x160: {  	[sflag:s10] =	ssyncset.done $0x0  }
0x161: {  	[sflag:s10] =	ssyncadd.s32 $0xFFFFC400  }
0x162: {  	[spmem:s2] =	stream.indirect.scatter.add.f32 [tilespmem:s31], [sflag:$0xA], $0x80, s19, s30, $0xb8;
	[tilespmem:$0x1FE00] =	vst v63  }
0x163: {  	_ =	swait.ge [sflag:s23], $0x3C00  }
0x164: {  	[sflag:s23] =	ssyncset.done $0x0  }
0x165: {  	[sflag:s23] =	ssyncadd.s32 $0xFFFFC400  }
0x166: {  	_ =	swait.ge [sflag:s24], $0x100  }
0x167: {  	[sflag:s24] =	ssyncset.done $0x0  }
0x168: {  	[sflag:s24] =	ssyncadd.s32 $0xFFFFFF00  }
0x169: {  	[tilespmem:s0], [sflag:$0x9] =	stream.indirect.gather [hbm4b:s4+s30], $0x80, s12, s30, $0xb8;
	[tilespmem:$0x1FE00] =	vst v63  }
0x16a: {  	_ =	swait.ge [sflag:s14], $0x3C00  }
0x16b: {  	[sflag:s14] =	ssyncset.done $0x0  }
0x16c: {  	[sflag:s14] =	ssyncadd.s32 $0xFFFFC400  }
0x16d: {  	[spmem:s2] =	stream.indirect.scatter.add.f32 [tilespmem:s9], [sflag:$0xB], $0x80, s15, s30, $0xb8;
	[tilespmem:$0x1FE00] =	vst v63  }
0x16e: {  	_ =	swait.ge [sflag:s16], $0x3C00  }
0x16f: {  	[sflag:s16] =	ssyncset.done $0x0  }
0x170: {  	[sflag:s16] =	ssyncadd.s32 $0xFFFFC400  }
0x171: {  	_ =	swait.ge [sflag:s18], $0x3C00  }
0x172: {  	[sflag:s18] =	ssyncset.done $0x0  }
0x173: {  	[sflag:s18] =	ssyncadd.s32 $0xFFFFC400  }
0x174: {  	[spmem:s2] =	stream.indirect.scatter.add.f32 [tilespmem:s0], [sflag:$0xC], $0x80, s11, s30, $0xb8;
	[tilespmem:$0x1FE00] =	vst v63  }
0x175: {  	_ =	swait.ge [sflag:s20], $0x3C00  }
0x176: {  	[sflag:s20] =	ssyncset.done $0x0  }
0x177: {  	[sflag:s20] =	ssyncadd.s32 $0xFFFFC400  }
0x178: {  	_ =	swait.ge [sflag:s23], $0x3C00  }
0x179: {  	[sflag:s23] =	ssyncset.done $0x0  }
0x17a: {  	[sflag:s23] =	ssyncadd.s32 $0xFFFFC400  }
0x17b: {  	s19 =	stileid.u32;
	[bflag:$0x0] =	sbarrier.arrive $0xFFFF  }
0x17c: {  	s1 =	sshll.u32 s19, $0x6;
	s19 =	rddreg [dreg:$0x7]  }
0x17d: {  	s1 =	sor.u32 $0x1C0E, s1;
	s7 =	rddreg [dreg:$0x17];
	s5 =	sshrl.u32 s19, $0x3  }
0x17e: {  	[hbm:s7], [sflag:s1] =	dma.local [spmem:s5], $0x2880  }
0x17f: {  	s5 =	simm.s32 $0xE  }
0x180: {  	_ =	swait.ge [sflag:s5], $0x2880  }
0x181: {  	s11 =	rddreg [dreg:$0x19]  }
0x182: {  	s15 =	rddreg [dreg:$0x18];
	s7 =	sadd.s32 $0x1, s11  }
0x183: {  	p0 =	sne.s32 s7, s15  }
.Ltmp2:
0x184: {  	_ = 	snop;
	(pc) =	sbr.rel @p0 .LBB2_1-.Ltmp2, $3  }
0x185: {  	_ =	sdelay $0x1  }
0x186: {  	[sflag:s5] =	ssyncset.done $0x0  }
0x187: {  	[sflag:s5] =	ssyncadd.s32 $0xFFFFD780  }
0x188: {  	_ =	sfence.sel $0x180000  }
0x189: {  	[bflag:$0x0] =	sbarrier.arrive $0xFFFF  }
0x18a: {  	_ =	strace $0x90000047  }
0x18b: {  	s0 =	stileid.u32;
	[bflag:$0x2] =	sbarrier.arrive $0xFFFF  }
0x18c: {  	p0 =	sne.s32 s0, $0x0;
	s0 =	rddreg [dreg:$0x3]  }
0x18d: {  	s0 =	sadd.s32 @!p0 $0x100000, s0  }
0x18e: {  	[sflag:s0] =	ssyncadd.tile.s32 @!p0 $0x1;
	_ =	shalt  }
.Lfunc_end2:
_tile_overlayer_lowered:
.L_overlay_start_2:
0x18f: {  	(tag) =	ssettag $0x2  }
0x190: {  	s0 =	rddreg [dreg:$0x0];
	s2 =	stileid.u32  }
0x191: {  	s1 =	rddreg [dreg:$0x1];
	p0 =	sne.s32 s2, $0x0  }
0x192: {  	s3 =	rddreg [dreg:$0x2];
	[bflag:$0x3] =	sbarrier.arrive $0xFFFF;
	s2 =	simm.s32 @!p0 $0x1C0E  }
0x193: {  	[timem:s3], [sflag:s2] =	dma.local @!p0 [hbm:s0], s1  }
0x194: {  	s0 =	simm.s32 @!p0 $0xE  }
0x195: {  	_ =	swait.ge @!p0 [sflag:s0], s1  }
0x196: {  	s1 =	ssub.s32 @!p0 $0x0, s1;
	[sflag:s0] =	ssyncset.done @!p0 $0x0  }
0x197: {  	[sflag:s0] =	ssyncadd.s32 @!p0 s1  }
0x198: {  	[bflag:$0x3] =	sbarrier.arrive $0xFFFF  }
0x199: {  	_ =	shalt  }

// kernel: kernel.9.cloned.1.call-start
scs
__scs_entry_jumppad:
0x0: {  	(pc) =	sbr.rel $0x88, $3  }
0x1: {  	(tag) =	ssettag $0x0;
	lr =	simm.s32 $0x1  }
0x2: {  	[smem:$0x3F99] =	sst lr;
	_ =	strace $0xD0000000  }
0x3: {  	_ = 	snop  }
0x4: {  	_ = 	snop  }
0x5: {  	_ = 	snop  }
0x6: {  	_ = 	snop  }
0x7: {  	_ = 	snop  }
__scs_overlays_trampoline_lowered:
0x8: {  	[smem:$0x3FA8] =	sst s0  }
0x9: {  	[smem:$0x3FA9] =	sst s1  }
0xa: {  	[smem:$0x3FAA] =	sst s2  }
0xb: {  	[smem:$0x3FAB] =	sst s3  }
0xc: {  	[smem:$0x3FAC] =	sst s4  }
0xd: {  	[smem:$0x3FAD] =	sst s5  }
0xe: {  	[smem:$0x3FAE] =	sst s6  }
0xf: {  	[smem:$0x3FAF] =	sst s7  }
0x10: {  	[smem:$0x3FB0] =	sst s8  }
0x11: {  	[smem:$0x3FB1] =	sst s9;
	s0 =	simm.s32 @!p0 $0x0  }
0x12: {  	s1 =	sld [smem:$0x3F97];
	s0 =	simm.s32 @p0 $0x1  }
0x13: {  	[smem:$0x3FB2] =	sst s0;
	s0 =	simm.s32 @!p1 $0x0  }
0x14: {  	s2 =	sld [smem:$0x3F96];
	s0 =	simm.s32 @p1 $0x1  }
0x15: {  	[smem:$0x3FB3] =	sst s0;
	s0 =	simm.s32 @!p2 $0x0  }
0x16: {  	s3 =	sld [smem:$0x3FDB];
	s0 =	simm.s32 @p2 $0x1  }
0x17: {  	s4 =	simm.s32 $0x1BF5;
	[smem:$0x3FB5] =	sst s0  }
0x18: {  	s0 =	sld [smem:$0x3F98];
	_ =	swait.ge [sflag:s4], $0x0  }
0x19: {  	s7 =	sld [smem:$0x3F99]  }
0x1a: {  	s8 =	sadd.s32 $0xFFFFE003, lr  }
0x1b: {  	s9 =	sadd.s32 $0xFFFFFEF7, lr;
	s5 =	simm.s32 $0xFFFFFFFF;
	p2 =	slt.u32 s8, $0xFFFFF086  }
0x1c: {  	p1 =	slt.u32 s9, $0xF7A;
	s5 =	simm.s32 @!p2 $0x0  }
0x1d: {  	s5 =	simm.s32 @p1 $0x1;
	p0 =	seq.s32 s7, s2  }
0x1e: {  	s7 =	smul.u32 @!p0 $0xF7A, s2;
	p2 =	seq.s32 @!p0 s5, $0x0  }
0x1f: {  	s9 =	smul.u32 $0xF7A, s1;
	s8 =	simm.s32 @!p0 $0x1BF5;
	p2 =	por !p2, p0  }
0x20: {  	[sflag:s8] =	ssyncset.s32 @!p0 $0xFFFFF086;
	s6 =	sadd.s32 @!p0 s3, s7;
	s7 =	simm.s32 @!p0 $0x108  }
0x21: {  	s3 =	sadd.s32 s3, s9;
	s6 =	sadd.s32 @!p0 $0x88, s6;
	s7 =	simm.s32 @p2 $0x1082  }
0x22: {  	[simem:s7], [sflag:s8] =	dma.local @!p0 [hbm:s6], $0xF7A  }
0x23: {  	s9 =	sor.u32 $0xD0000000, s2;
	s6 =	simm.s32 $0x108;
	_ =	swait.ge @!p0 [sflag:s8], $0x0  }
0x24: {  	s3 =	sadd.s32 $0x88, s3;
	s6 =	simm.s32 @!p1 $0x1082;
	[sflag:s4] =	ssyncset.s32 $0xFFFFF086  }
0x25: {  	[simem:s6], [sflag:s4] =	dma.local [hbm:s3], $0xF7A  }
0x26: {  	[smem:$0x3F99] =	sst s1;
	(tag) =	ssettag s2;
	_ =	strace s9  }
0x27: {  	s1 =	sld [smem:$0x3FA9]  }
0x28: {  	s2 =	sld [smem:$0x3FAA]  }
0x29: {  	s4 =	sld [smem:$0x3FAC]  }
0x2a: {  	p0 =	seq.s32 s5, $0x0;
	s5 =	sld [smem:$0x3FAD]  }
0x2b: {  	s6 =	sld [smem:$0x3FAE]  }
0x2c: {  	s7 =	sld [smem:$0x3FAF]  }
0x2d: {  	s3 =	simm.s32 $0x108;
	s8 =	sld [smem:$0x3FB0]  }
0x2e: {  	s3 =	simm.s32 @!p0 $0x1082;
	s9 =	sld [smem:$0x3FB1]  }
0x2f: {  	lr =	sadd.s32 s0, s3;
	s0 =	sld [smem:$0x3FA8]  }
0x30: {  	s3 =	sld [smem:$0x3FAB]  }
0x31: {  	[smem:$0x3FB4] =	sst s10  }
0x32: {  	s10 =	sld [smem:$0x3FB2];
	_ =	sdelay $0x3  }
0x33: {  	p0 =	seq.s32 s10, $0x1;
	s10 =	sld [smem:$0x3FB4];
	_ =	sdelay $0x3  }
0x34: {  	[smem:$0x3FB4] =	sst s10  }
0x35: {  	s10 =	sld [smem:$0x3FB3];
	_ =	sdelay $0x3  }
0x36: {  	p1 =	seq.s32 s10, $0x1;
	s10 =	sld [smem:$0x3FB4];
	_ =	sdelay $0x3  }
0x37: {  	[smem:$0x3FB4] =	sst s10  }
0x38: {  	s10 =	sld [smem:$0x3FB5]  }
0x39: {  	_ = 	snop;
	(pc) =	sbr.ind lr, $3  }
0x3a: {  	_ = 	snop  }
0x3b: {  	_ = 	snop  }
0x3c: {  	p2 =	seq.s32 s10, $0x1;
	s10 =	sld [smem:$0x3FB4]  }
0x3d: {  	_ =	shalt  }
0x3e: {  	_ =	shalt  }
0x3f: {  	_ =	shalt  }
0x40: {  	_ =	shalt  }
0x41: {  	_ =	shalt  }
0x42: {  	_ =	shalt  }
0x43: {  	_ =	shalt  }
0x44: {  	_ =	shalt  }
0x45: {  	_ =	shalt  }
0x46: {  	_ =	shalt  }
0x47: {  	_ =	shalt  }
0x48: {  	_ =	shalt  }
0x49: {  	_ =	shalt  }
0x4a: {  	_ =	shalt  }
0x4b: {  	_ =	shalt  }
0x4c: {  	_ =	shalt  }
0x4d: {  	_ =	shalt  }
0x4e: {  	_ =	shalt  }
0x4f: {  	_ =	shalt  }
0x50: {  	_ =	shalt  }
0x51: {  	_ =	shalt  }
0x52: {  	_ =	shalt  }
0x53: {  	_ =	shalt  }
0x54: {  	_ =	shalt  }
0x55: {  	_ =	shalt  }
0x56: {  	_ =	shalt  }
0x57: {  	_ =	shalt  }
0x58: {  	_ =	shalt  }
0x59: {  	_ =	shalt  }
0x5a: {  	_ =	shalt  }
0x5b: {  	_ =	shalt  }
0x5c: {  	_ =	shalt  }
0x5d: {  	_ =	shalt  }
0x5e: {  	_ =	shalt  }
0x5f: {  	_ =	shalt  }
0x60: {  	_ =	shalt  }
0x61: {  	_ =	shalt  }
0x62: {  	_ =	shalt  }
0x63: {  	_ =	shalt  }
0x64: {  	_ =	shalt  }
0x65: {  	_ =	shalt  }
0x66: {  	_ =	shalt  }
0x67: {  	_ =	shalt  }
0x68: {  	_ =	shalt  }
0x69: {  	_ =	shalt  }
0x6a: {  	_ =	shalt  }
0x6b: {  	_ =	shalt  }
0x6c: {  	_ =	shalt  }
0x6d: {  	_ =	shalt  }
0x6e: {  	_ =	shalt  }
0x6f: {  	_ =	shalt  }
0x70: {  	_ =	shalt  }
0x71: {  	_ =	shalt  }
0x72: {  	_ =	shalt  }
0x73: {  	_ =	shalt  }
0x74: {  	_ =	shalt  }
0x75: {  	_ =	shalt  }
0x76: {  	_ =	shalt  }
0x77: {  	_ =	shalt  }
0x78: {  	_ =	shalt  }
0x79: {  	_ =	shalt  }
0x7a: {  	_ =	shalt  }
0x7b: {  	_ =	shalt  }
0x7c: {  	_ =	shalt  }
0x7d: {  	_ =	shalt  }
0x7e: {  	_ =	shalt  }
0x7f: {  	_ =	shalt  }
0x80: {  	_ =	shalt  }
0x81: {  	_ =	shalt  }
0x82: {  	_ =	shalt  }
0x83: {  	_ =	shalt  }
0x84: {  	_ =	shalt  }
0x85: {  	_ =	shalt  }
0x86: {  	_ =	shalt  }
0x87: {  	_ =	shalt  }
.Lfunc_end0:
.L_simem_size_0:
called_computation.1_lowered:
.L_overlay_start_0:
0x88: {  	s2 =	sld [smem:$0x3FD9]  }
0x89: {  	s3 =	sld [smem:$0x3FFE];
	_ =	sdelay $0x1  }
0x8a: {  	s1 =	srdreg.scid  }
0x8b: {  	s0 =	sand.u32 $0x1, s1  }
0x8c: {  	s17 =	sshll.u32 s0, $0xA;
	s2 =	sadd.s32 s3, s2  }
0x8d: {  	s2 =	sadd.s32 s2, s17  }
0x8e: {  	[smem:$0x3FC0] =	sst s2  }
0x8f: {  	_ = 	snop  }
0x90: {  	s2 =	sld [smem:$0x3FD0];
	(tm) =	ssettm $0x1  }
0x91: {  	s18 =	sld [smem:$0x3FFB];
	_ =	sdelay $0x3  }
0x92: {  	_ =	strace s18  }
0x93: {  	s3 =	sld [smem:$0x3FFC];
	_ =	sdelay $0x3  }
0x94: {  	_ =	strace s3  }
0x95: {  	s3 =	sld [smem:$0x3FFD];
	_ =	sdelay $0x3  }
0x96: {  	_ =	strace s3  }
0x97: {  	_ =	strace $0x8FFFFFFF  }
0x98: {  	s19 =	sld [smem:$0x3FDB];
	_ =	sdelay $0x1  }
0x99: {  	s4 =	simm.s32 $_scs_section_size  }
0x9a: {  	s5 =	simm.s32 $_size__tile_overlayer_lowered;
	s6 =	simm.s32 $_tile_overlayer_lowered  }
0x9b: {  	s22 =	simm.s32 $0x1BFF;
	s21 =	sshll.u32 s6, $0x1;
	s3 =	sadd.s32 s4, s19  }
0x9c: {  	s7 =	simm.s32 $0x0;
	s20 =	sshll.u32 s5, $0x1;
	s5 =	sadd.s32 s21, s3  }
0x9d: {  	[timem:s7], [sflag:s22] =	dma.local [hbm:s5], s20  }
0x9e: {  	_ =	swait.ge [sflag:s22], s20  }
0x9f: {  	s4 =	ssub.s32 $0x0, s20;
	[sflag:s22] =	ssyncset.done $0x0  }
0xa0: {  	[sflag:s22] =	ssyncadd.s32 s4;
	_ =	sdelay $0x1  }
0xa1: {  	s23 =	simm.s32 $0x1B8B  }
0xa2: {  	_ =	swait.ge [sflag:s23], $0x1  }
0xa3: {  	[sflag:s23] =	ssyncset.done $0x0  }
0xa4: {  	s25 =	simm.s32 $0x1B8E;
	s24 =	sld [smem:$0x3FFE];
	[sflag:s23] =	ssyncadd.s32 $0xFFFFFFFF  }
0xa5: {  	s26 =	simm.s32 $execute0_lowered;
	[smem:$0x3FD2] =	sst s25  }
0xa6: {  	s5 =	sshll.u32 s26, $0x1;
	_ =	strace $0x80000049;
	[dreg:$0x1] =	wrdreg $0xFFFFFFFF  }
0xa7: {  	s28 =	simm.s32 $_size_execute0_lowered;
	s3 =	sadd.s32 s3, s5;
	[dreg:$0x0] =	wrdreg $0x0  }
0xa8: {  	s5 =	sshll.u32 s28, $0x1;
	[dreg:$0x2] =	wrdreg s3  }
0xa9: {  	[dreg:$0x3] =	wrdreg s5  }
0xaa: {  	[dreg:$0x4] =	wrdreg $0xC0  }
0xab: {  	_ =	task [dreg:s7], $0x5FFFF  }
0xac: {  	[dreg:$0x1] =	wrdreg $0xFFFFFFFF  }
0xad: {  	[dreg:$0x0] =	wrdreg $0x60  }
0xae: {  	[dreg:$0x2] =	wrdreg s24  }
0xaf: {  	[dreg:$0x3] =	wrdreg s2  }
0xb0: {  	[dreg:$0x4] =	wrdreg $0xBA000  }
0xb1: {  	[dreg:$0x5] =	wrdreg $0x9  }
0xb2: {  	_ =	task.clear_ibuf [dreg:s7], $0x6FFFF;
	_ =	strace $0x90000049  }
0xb3: {  	s29 =	simm.s32 $0x9;
	_ =	strace $0x8000004B  }
0xb4: {  	_ =	swait.ge [sflag:s29], $0x1  }
0xb5: {  	[sflag:s29] =	ssyncadd.s32 $0xFFFFFFFF  }
0xb6: {  	_ =	strace $0x9000004B  }
0xb7: {  	_ =	sfence  }
0xb8: {  	s30 =	sld [smem:$0x0];
	_ =	sdelay $0x2  }
0xb9: {  	s31 =	sshll.u32 s1, $0xD;
	s1 =	sshrl.u32 s1, $0x2  }
0xba: {  	s3 =	sand.u32 $0x4000, s31;
	s1 =	sadd.s32 s1, s30  }
0xbb: {  	s0 =	sor.u32 s3, s0;
	s1 =	sshll.u32 s1, $0x11  }
0xbc: {  	s0 =	sor.u32 s1, s0  }
0xbd: {  	s0 =	sadd.s32 $0x8F2B, s0  }
0xbe: {  	[sflag:s0] =	ssyncadd.remote.s32 $0x1  }
0xbf: {  	_ =	sfence.sel $0xFFFF  }
0xc0: {  	[dreg:$0x0] =	wrdreg $0xFFFFFFFF;
	(pc) =	sbr.abs _section_cstart, $3  }
0xc1: {  	[dreg:$0x1] =	wrdreg $0xFFFFFFFF  }
0xc2: {  	_ =	task.clear_ibuf [dreg:s7], $0x2FFFF;
	_ =	strace $0x9FFFFFFF  }
0xc3: {  	(tm) =	ssettm $0x7FFFFFFF  }
tec
execute0_lowered:
.L_overlay_start_1:
0x0: {  	(tag) =	ssettag $0x1  }
0x1: {  	s0 =	rddreg [dreg:$0x0]  }
0x2: {  	s1 =	rddreg [dreg:$0x1]  }
0x3: {  	s2 =	rddreg [dreg:$0x2]  }
0x4: {  	s3 =	simm.s32 $0x0;
	s4 =	srdreg.scid;
	s11 =	stileid.u32  }
0x5: {  	s28 =	simm.s32 $0x300;
	s29 =	simm.s32 $0x1;
	s30 =	simm.s32 $0x78  }
0x6: {  	s5 =	sand.u32 $0x1, s4;
	s6 =	sshll.u32 s11, $0x1;
	s10 =	smul.u32 $0x51000, s11  }
0x7: {  	s31 =	simm.s32 $0x600;
	s21 =	smul.u32 $0x2880, s11;
	s6 =	sor.u32 s5, s6  }
0x8: {  	[smem:$0x7FF] =	sst s3;
	s8 =	smul.u32 $0xA80, s6;
	s24 =	sshrl.u32 s10, $0x2  }
0x9: {  	s4 =	sadd.s32 $0x2600, s0;
	s18 =	smul.u32 $0x1500, s11;
	s19 =	sadd.s32 s24, s2  }
0xa: {  	_ =	strace $0x8000004A;
	s23 =	sadd.s32 s1, s8;
	[dreg:$0x7] =	wrdreg s19  }
0xb: {  	s7 =	smul.u32 $0x28800, s5;
	s10 =	sadd.s32 $0x3C00, s19;
	[dreg:$0x5] =	wrdreg s23  }
0xc: {  	s9 =	ssub.s32 $0x2, s5;
	s12 =	sadd.s32 $0x7800, s19;
	[dreg:$0xa] =	wrdreg s10  }
0xd: {  	s22 =	sshrl.u32 s9, $0x1;
	s13 =	sadd.s32 $0xB400, s19;
	[dreg:$0xb] =	wrdreg s12  }
0xe: {  	s6 =	smul.u32 $0x5400, s6;
	s14 =	sadd.s32 $0xF000, s19;
	[dreg:$0xc] =	wrdreg s13  }
0xf: {  	s7 =	sadd.s32 s21, s7;
	s15 =	sadd.s32 $0x12C00, s19;
	[dreg:$0xd] =	wrdreg s14  }
0x10: {  	s0 =	sadd.s32 s7, s0;
	s25 =	sadd.s32 $0x20, s23;
	[dreg:$0xe] =	wrdreg s15  }
0x11: {  	s7 =	ssub.s32 s9, s22;
	s26 =	sadd.s32 $0x40, s23;
	[dreg:$0x6] =	wrdreg s25  }
0x12: {  	s6 =	sshrl.u32 s6, $0x3;
	s9 =	sadd.s32 $0x60, s23;
	[dreg:$0x8] =	wrdreg s26  }
0x13: {  	s6 =	sadd.s32 s1, s6;
	s0 =	sadd.s32 $0x2AE00, s0;
	[dreg:$0x9] =	wrdreg s9  }
0x14: {  	s5 =	smul.u32 $0xA80, s5;
	s16 =	sadd.s32 $0x80, s6;
	[dreg:$0x17] =	wrdreg s0  }
0x15: {  	s8 =	simm.s32 $0x2;
	s17 =	sadd.s32 $0xA0, s6;
	[dreg:$0xf] =	wrdreg s16  }
0x16: {  	s1 =	sadd.s32 s18, s1;
	s20 =	sadd.s32 $0xC0, s6;
	[dreg:$0x10] =	wrdreg s17  }
0x17: {  	s10 =	simm.s32 $0x7;
	s21 =	sadd.s32 $0xE0, s6;
	[dreg:$0x11] =	wrdreg s20  }
0x18: {  	s12 =	simm.s32 $0x500;
	s22 =	sadd.s32 $0x100, s6;
	[dreg:$0x12] =	wrdreg s21  }
0x19: {  	s13 =	simm.s32 $0x3;
	s23 =	sadd.s32 $0x120, s6;
	[dreg:$0x13] =	wrdreg s22  }
0x1a: {  	s14 =	simm.s32 $0x8;
	s24 =	sadd.s32 $0xA40, s6;
	[dreg:$0x14] =	wrdreg s23  }
0x1b: {  	s18 =	simm.s32 $0x9;
	s25 =	sadd.s32 $0xA60, s6;
	[dreg:$0x15] =	wrdreg s24  }
0x1c: {  	s1 =	sadd.s32 s5, s1;
	s26 =	smax.u32 s7, $0x1;
	[dreg:$0x16] =	wrdreg s25  }
0x1d: {  	s0 =	simm.s32 $0x7E00;
	s6 =	simm.s32 $0x400;
	[dreg:$0x18] =	wrdreg s26  }
0x1e: {  	s9 =	simm.s32 $0x4200;
	s7 =	simm.s32 $0x0;
	[dreg:$0x4] =	wrdreg s1  }
0x1f: {  	s25 =	simm.s32 $0x100;
	s26 =	simm.s32 $0x200;
	s16 =	simm.s32 $0xA  }
0x20: {  	s17 =	simm.s32 $0x4;
	s20 =	simm.s32 $0xB;
	s21 =	simm.s32 $0x5  }
0x21: {  	v0 =	vimm.f32 $0.0e+00;
	s23 =	simm.s32 $0xC;
	s24 =	simm.s32 $0x6;
	s22 =	simm.s32 $0x80  }
.LBB2_1:
0x22: {  	[dreg:$0x19] =	wrdreg s7  }
0x23: {  	s1 =	rddreg [dreg:$0x5]  }
0x24: {  	[tilespmem:s3], [sflag:$0x1] =	stream.linear.gather [hbm4b:s1+s3], $0x100, $0x38;
	[tilespmem:$0x1FE00] =	vst v63  }
0x25: {  	s7 =	rddreg [dreg:$0x6]  }
0x26: {  	[tilespmem:s25], [sflag:$0x2] =	stream.linear.gather [hbm4b:s7+s3], $0x100, $0x38;
	[tilespmem:$0x1FE00] =	vst v63  }
0x27: {  	s11 =	rddreg [dreg:$0x8]  }
0x28: {  	[tilespmem:s26], [sflag:$0x3] =	stream.linear.gather [hbm4b:s11+s3], $0x100, $0x38;
	[tilespmem:$0x1FE00] =	vst v63  }
0x29: {  	s15 =	rddreg [dreg:$0x9]  }
0x2a: {  	[tilespmem:s28], [sflag:$0x4] =	stream.linear.gather [hbm4b:s15+s3], $0x100, $0x38;
	[tilespmem:$0x1FE00] =	vst v63  }
0x2b: {  	_ =	swait.ge [sflag:s29], $0x100  }
0x2c: {  	[sflag:s29] =	ssyncset.done $0x0  }
0x2d: {  	s1 =	simm.s32 $0x0;
	s11 =	simm.s32 $0x200;
	[sflag:s29] =	ssyncadd.s32 $0xFFFFFF00  }
0x2e: {  	[tilespmem:s31], [sflag:$0x7] =	stream.indirect.gather [hbm4b:s4+s30], $0x80, s3, s30, $0xb8;
	[tilespmem:$0x1FE00] =	vst v63  }
.LBB2_2:
0x2f: {  	p0 =	sne.s32 s11, $0xEE00;
	[tilespmem:s1+$0x7E70] =	vst v0  }
0x30: {  	[tilespmem:s1+$0x7E00] =	vst v0  }
0x31: {  	[tilespmem:s1+$0x7E10] =	vst v0  }
.Ltmp0:
0x32: {  	[tilespmem:s1+$0x7E20] =	vst v0;
	(pc) =	sbr.rel @p0 .LBB2_2-.Ltmp0, $4  }
0x33: {  	[tilespmem:s1+$0x7E30] =	vst v0  }
0x34: {  	[tilespmem:s1+$0x7E40] =	vst v0  }
0x35: {  	[tilespmem:s1+$0x7E50] =	vst v0  }
0x36: {  	[tilespmem:s1+$0x7E60] =	vst v0;
	s1 =	sshra.s32 s11, $0x2;
	s11 =	sadd.s32 $0x200, s11  }
0x37: {  	[tilespmem:s1+$0x7E70] =	vst v0  }
0x38: {  	[tilespmem:s1+$0x7E00] =	vst v0  }
0x39: {  	[tilespmem:s1+$0x7E10] =	vst v0  }
0x3a: {  	[tilespmem:s1+$0x7E20] =	vst v0  }
0x3b: {  	[tilespmem:s1+$0x7E30] =	vst v0  }
0x3c: {  	[tilespmem:s1+$0x7E40] =	vst v0  }
0x3d: {  	[tilespmem:s1+$0x7E50] =	vst v0  }
0x3e: {  	[tilespmem:s1+$0x7E60] =	vst v0  }
0x3f: {  	[spmem:s19] =	stream.linear.scatter [tilespmem:s0], [sflag:$0xD], $0x3C00, $0x38;
	[tilespmem:$0x1FE00] =	vst v63  }
0x40: {  	s11 =	rddreg [dreg:$0xa]  }
0x41: {  	[spmem:s11] =	stream.linear.scatter [tilespmem:s0], [sflag:$0xD], $0x3C00, $0x38;
	[tilespmem:$0x1FE00] =	vst v63  }
0x42: {  	s15 =	rddreg [dreg:$0xb]  }
0x43: {  	[spmem:s15] =	stream.linear.scatter [tilespmem:s0], [sflag:$0xD], $0x3C00, $0x38;
	[tilespmem:$0x1FE00] =	vst v63  }
0x44: {  	s19 =	rddreg [dreg:$0xc]  }
0x45: {  	[spmem:s19] =	stream.linear.scatter [tilespmem:s0], [sflag:$0xD], $0x3C00, $0x38;
	[tilespmem:$0x1FE00] =	vst v63  }
0x46: {  	s5 =	rddreg [dreg:$0xd]  }
0x47: {  	[spmem:s5] =	stream.linear.scatter [tilespmem:s0], [sflag:$0xD], $0x3C00, $0x38;
	[tilespmem:$0x1FE00] =	vst v63  }
0x48: {  	s7 =	rddreg [dreg:$0xe];
	s11 =	simm.s32 $0xD  }
0x49: {  	[spmem:s7] =	stream.linear.scatter [tilespmem:s0], [sflag:$0xD], $0x1800, $0x38;
	[tilespmem:$0x1FE00] =	vst v63  }
0x4a: {  	_ =	swait.ge [sflag:s11], $0x3C00  }
0x4b: {  	[sflag:s11] =	ssyncset.done $0x0  }
0x4c: {  	[sflag:s11] =	ssyncadd.s32 $0xFFFFC400  }
0x4d: {  	_ =	swait.ge [sflag:s11], $0x3C00  }
0x4e: {  	[sflag:s11] =	ssyncset.done $0x0  }
0x4f: {  	[sflag:s11] =	ssyncadd.s32 $0xFFFFC400  }
0x50: {  	_ =	swait.ge [sflag:s11], $0x3C00  }
0x51: {  	[sflag:s11] =	ssyncset.done $0x0  }
0x52: {  	[sflag:s11] =	ssyncadd.s32 $0xFFFFC400  }
0x53: {  	_ =	swait.ge [sflag:s11], $0x3C00  }
0x54: {  	[sflag:s11] =	ssyncset.done $0x0  }
0x55: {  	[sflag:s11] =	ssyncadd.s32 $0xFFFFC400  }
0x56: {  	_ =	swait.ge [sflag:s11], $0x3C00  }
0x57: {  	[sflag:s11] =	ssyncset.done $0x0  }
0x58: {  	[sflag:s11] =	ssyncadd.s32 $0xFFFFC400  }
0x59: {  	_ =	swait.ge [sflag:s11], $0x1800  }
0x5a: {  	[sflag:s11] =	ssyncset.done $0x0  }
0x5b: {  	[sflag:s11] =	ssyncadd.s32 $0xFFFFE800  }
0x5c: {  	[bflag:$0x0] =	sbarrier.arrive $0xFFFF  }
0x5d: {  	s1 =	simm.s32 $0x0;
	s11 =	rddreg [dreg:$0xf]  }
0x5e: {  	[tilespmem:s6], [sflag:$0x5] =	stream.linear.gather [hbm4b:s11+s1], $0x100, $0x38;
	[tilespmem:$0x1FE00] =	vst v63  }
0x5f: {  	_ =	swait.ge [sflag:s8], $0x100  }
0x60: {  	[sflag:s8] =	ssyncset.done $0x0  }
0x61: {  	[sflag:s8] =	ssyncadd.s32 $0xFFFFFF00  }
0x62: {  	[tilespmem:s9], [sflag:$0x8] =	stream.indirect.gather [hbm4b:s4+s30], $0x80, s25, s30, $0xb8;
	[tilespmem:$0x1FE00] =	vst v63  }
0x63: {  	_ =	swait.ge [sflag:s10], $0x3C00  }
0x64: {  	[sflag:s10] =	ssyncset.done $0x0  }
0x65: {  	s5 =	simm.s32 $0x80;
	[sflag:s10] =	ssyncadd.s32 $0xFFFFC400  }
0x66: {  	[spmem:s2] =	stream.indirect.scatter.add.f32 [tilespmem:s31], [sflag:$0xA], $0x80, s5, s30, $0xb8;
	[tilespmem:$0x1FE00] =	vst v63  }
0x67: {  	s15 =	rddreg [dreg:$0x10]  }
0x68: {  	[tilespmem:s12], [sflag:$0x6] =	stream.linear.gather [hbm4b:s15+s1], $0x100, $0x38;
	[tilespmem:$0x1FE00] =	vst v63  }
0x69: {  	_ =	swait.ge [sflag:s13], $0x100  }
0x6a: {  	[sflag:s13] =	ssyncset.done $0x0  }
0x6b: {  	[sflag:s13] =	ssyncadd.s32 $0xFFFFFF00  }
0x6c: {  	[tilespmem:s0], [sflag:$0x9] =	stream.indirect.gather [hbm4b:s4+s30], $0x80, s26, s30, $0xb8;
	[tilespmem:$0x1FE00] =	vst v63  }
0x6d: {  	_ =	swait.ge [sflag:s14], $0x3C00  }
0x6e: {  	[sflag:s14] =	ssyncset.done $0x0  }
0x6f: {  	s15 =	simm.s32 $0x180;
	[sflag:s14] =	ssyncadd.s32 $0xFFFFC400  }
0x70: {  	[spmem:s2] =	stream.indirect.scatter.add.f32 [tilespmem:s9], [sflag:$0xB], $0x80, s15, s30, $0xb8;
	[tilespmem:$0x1FE00] =	vst v63  }
0x71: {  	_ =	swait.ge [sflag:s16], $0x3C00  }
0x72: {  	[sflag:s16] =	ssyncset.done $0x0  }
0x73: {  	s19 =	rddreg [dreg:$0x11];
	[sflag:s16] =	ssyncadd.s32 $0xFFFFC400  }
0x74: {  	[tilespmem:s1], [sflag:$0x1] =	stream.linear.gather [hbm4b:s19+s1], $0x100, $0x38;
	[tilespmem:$0x1FE00] =	vst v63  }
0x75: {  	_ =	swait.ge [sflag:s17], $0x100  }
0x76: {  	[sflag:s17] =	ssyncset.done $0x0  }
0x77: {  	[sflag:s17] =	ssyncadd.s32 $0xFFFFFF00  }
0x78: {  	[tilespmem:s31], [sflag:$0x7] =	stream.indirect.gather [hbm4b:s4+s30], $0x80, s28, s30, $0xb8;
	[tilespmem:$0x1FE00] =	vst v63  }
0x79: {  	_ =	swait.ge [sflag:s18], $0x3C00  }
0x7a: {  	[sflag:s18] =	ssyncset.done $0x0  }
0x7b: {  	s19 =	simm.s32 $0x280;
	[sflag:s18] =	ssyncadd.s32 $0xFFFFC400  }
0x7c: {  	[spmem:s2] =	stream.indirect.scatter.add.f32 [tilespmem:s0], [sflag:$0xC], $0x80, s19, s30, $0xb8;
	[tilespmem:$0x1FE00] =	vst v63  }
0x7d: {  	_ =	swait.ge [sflag:s20], $0x3C00  }
0x7e: {  	[sflag:s20] =	ssyncset.done $0x0  }
0x7f: {  	s7 =	rddreg [dreg:$0x12];
	[sflag:s20] =	ssyncadd.s32 $0xFFFFC400  }
0x80: {  	[tilespmem:s25], [sflag:$0x2] =	stream.linear.gather [hbm4b:s7+s1], $0x100, $0x38;
	[tilespmem:$0x1FE00] =	vst v63  }
0x81: {  	_ =	swait.ge [sflag:s21], $0x100  }
0x82: {  	[sflag:s21] =	ssyncset.done $0x0  }
0x83: {  	[sflag:s21] =	ssyncadd.s32 $0xFFFFFF00  }
0x84: {  	[tilespmem:s9], [sflag:$0x8] =	stream.indirect.gather [hbm4b:s4+s30], $0x80, s6, s30, $0xb8;
	[tilespmem:$0x1FE00] =	vst v63  }
0x85: {  	_ =	swait.ge [sflag:s10], $0x3C00  }
0x86: {  	[sflag:s10] =	ssyncset.done $0x0  }
0x87: {  	s7 =	simm.s32 $0x380;
	[sflag:s10] =	ssyncadd.s32 $0xFFFFC400  }
0x88: {  	[spmem:s2] =	stream.indirect.scatter.add.f32 [tilespmem:s31], [sflag:$0xA], $0x80, s7, s30, $0xb8;
	[tilespmem:$0x1FE00] =	vst v63  }
0x89: {  	_ =	swait.ge [sflag:s23], $0x3C00  }
0x8a: {  	[sflag:s23] =	ssyncset.done $0x0  }
0x8b: {  	s7 =	rddreg [dreg:$0x13];
	[sflag:s23] =	ssyncadd.s32 $0xFFFFC400  }
0x8c: {  	[tilespmem:s26], [sflag:$0x3] =	stream.linear.gather [hbm4b:s7+s1], $0x100, $0x38;
	[tilespmem:$0x1FE00] =	vst v63  }
0x8d: {  	_ =	swait.ge [sflag:s24], $0x100  }
0x8e: {  	[sflag:s24] =	ssyncset.done $0x0  }
0x8f: {  	[sflag:s24] =	ssyncadd.s32 $0xFFFFFF00  }
0x90: {  	[tilespmem:s0], [sflag:$0x9] =	stream.indirect.gather [hbm4b:s4+s30], $0x80, s12, s30, $0xb8;
	[tilespmem:$0x1FE00] =	vst v63  }
0x91: {  	_ =	swait.ge [sflag:s14], $0x3C00  }
0x92: {  	[sflag:s14] =	ssyncset.done $0x0  }
0x93: {  	s11 =	simm.s32 $0x480;
	[sflag:s14] =	ssyncadd.s32 $0xFFFFC400  }
0x94: {  	[spmem:s2] =	stream.indirect.scatter.add.f32 [tilespmem:s9], [sflag:$0xB], $0x80, s11, s30, $0xb8;
	[tilespmem:$0x1FE00] =	vst v63  }
0x95: {  	_ =	swait.ge [sflag:s16], $0x3C00  }
0x96: {  	[sflag:s16] =	ssyncset.done $0x0  }
0x97: {  	s7 =	rddreg [dreg:$0x14];
	[sflag:s16] =	ssyncadd.s32 $0xFFFFC400  }
0x98: {  	[tilespmem:s28], [sflag:$0x4] =	stream.linear.gather [hbm4b:s7+s1], $0x100, $0x38;
	[tilespmem:$0x1FE00] =	vst v63  }
0x99: {  	_ =	swait.ge [sflag:s29], $0x100  }
0x9a: {  	[sflag:s29] =	ssyncset.done $0x0  }
0x9b: {  	[sflag:s29] =	ssyncadd.s32 $0xFFFFFF00  }
0x9c: {  	[tilespmem:s31], [sflag:$0x7] =	stream.indirect.gather [hbm4b:s4+s30], $0x80, s1, s30, $0xb8;
	[tilespmem:$0x1FE00] =	vst v63  }
0x9d: {  	_ =	swait.ge [sflag:s18], $0x3C00  }
0x9e: {  	[sflag:s18] =	ssyncset.done $0x0  }
0x9f: {  	s7 =	simm.s32 $0x580;
	[sflag:s18] =	ssyncadd.s32 $0xFFFFC400  }
0xa0: {  	[spmem:s2] =	stream.indirect.scatter.add.f32 [tilespmem:s0], [sflag:$0xC], $0x80, s7, s30, $0xb8;
	[tilespmem:$0x1FE00] =	vst v63  }
0xa1: {  	_ =	swait.ge [sflag:s20], $0x3C00  }
0xa2: {  	s11 =	rddreg [dreg:$0x4]  }
0xa3: {  	[sflag:s20] =	ssyncset.done $0x0;
	s1 =	sadd.s32 $0x0, s11  }
0xa4: {  	[sflag:s20] =	ssyncadd.s32 $0xFFFFC400;
	s7 =	sadd.s32 $0x140, s1  }
0xa5: {  	[tilespmem:s6], [sflag:$0x5] =	stream.linear.gather [hbm4b:s7+s3], $0x100, $0x38;
	[tilespmem:$0x1FE00] =	vst v63  }
0xa6: {  	_ =	swait.ge [sflag:s8], $0x100  }
0xa7: {  	[sflag:s8] =	ssyncset.done $0x0  }
0xa8: {  	[sflag:s8] =	ssyncadd.s32 $0xFFFFFF00  }
0xa9: {  	[tilespmem:s9], [sflag:$0x8] =	stream.indirect.gather [hbm4b:s4+s30], $0x80, s25, s30, $0xb8;
	[tilespmem:$0x1FE00] =	vst v63  }
0xaa: {  	_ =	swait.ge [sflag:s10], $0x3C00  }
0xab: {  	[sflag:s10] =	ssyncset.done $0x0  }
0xac: {  	[sflag:s10] =	ssyncadd.s32 $0xFFFFC400  }
0xad: {  	[spmem:s2] =	stream.indirect.scatter.add.f32 [tilespmem:s31], [sflag:$0xA], $0x80, s5, s30, $0xb8;
	[tilespmem:$0x1FE00] =	vst v63  }
0xae: {  	_ =	swait.ge [sflag:s23], $0x3C00  }
0xaf: {  	[sflag:s23] =	ssyncset.done $0x0  }
0xb0: {  	s7 =	sadd.s32 $0x160, s1;
	[sflag:s23] =	ssyncadd.s32 $0xFFFFC400  }
0xb1: {  	[tilespmem:s12], [sflag:$0x6] =	stream.linear.gather [hbm4b:s7+s3], $0x100, $0x38;
	[tilespmem:$0x1FE00] =	vst v63  }
0xb2: {  	_ =	swait.ge [sflag:s13], $0x100  }
0xb3: {  	[sflag:s13] =	ssyncset.done $0x0  }
0xb4: {  	[sflag:s13] =	ssyncadd.s32 $0xFFFFFF00  }
0xb5: {  	[tilespmem:s0], [sflag:$0x9] =	stream.indirect.gather [hbm4b:s4+s30], $0x80, s26, s30, $0xb8;
	[tilespmem:$0x1FE00] =	vst v63  }
0xb6: {  	_ =	swait.ge [sflag:s14], $0x3C00  }
0xb7: {  	[sflag:s14] =	ssyncset.done $0x0  }
0xb8: {  	[sflag:s14] =	ssyncadd.s32 $0xFFFFC400  }
0xb9: {  	[spmem:s2] =	stream.indirect.scatter.add.f32 [tilespmem:s9], [sflag:$0xB], $0x80, s15, s30, $0xb8;
	[tilespmem:$0x1FE00] =	vst v63  }
0xba: {  	_ =	swait.ge [sflag:s16], $0x3C00  }
0xbb: {  	[sflag:s16] =	ssyncset.done $0x0  }
0xbc: {  	s15 =	sadd.s32 $0x180, s1;
	[sflag:s16] =	ssyncadd.s32 $0xFFFFC400  }
0xbd: {  	[tilespmem:s3], [sflag:$0x1] =	stream.linear.gather [hbm4b:s15+s3], $0x100, $0x38;
	[tilespmem:$0x1FE00] =	vst v63  }
0xbe: {  	_ =	swait.ge [sflag:s17], $0x100  }
0xbf: {  	[sflag:s17] =	ssyncset.done $0x0  }
0xc0: {  	[sflag:s17] =	ssyncadd.s32 $0xFFFFFF00  }
0xc1: {  	[tilespmem:s31], [sflag:$0x7] =	stream.indirect.gather [hbm4b:s4+s30], $0x80, s28, s30, $0xb8;
	[tilespmem:$0x1FE00] =	vst v63  }
0xc2: {  	_ =	swait.ge [sflag:s18], $0x3C00  }
0xc3: {  	[sflag:s18] =	ssyncset.done $0x0  }
0xc4: {  	[sflag:s18] =	ssyncadd.s32 $0xFFFFC400  }
0xc5: {  	[spmem:s2] =	stream.indirect.scatter.add.f32 [tilespmem:s0], [sflag:$0xC], $0x80, s19, s30, $0xb8;
	[tilespmem:$0x1FE00] =	vst v63  }
0xc6: {  	_ =	swait.ge [sflag:s20], $0x3C00  }
0xc7: {  	[sflag:s20] =	ssyncset.done $0x0  }
0xc8: {  	s19 =	sadd.s32 $0x1A0, s1;
	[sflag:s20] =	ssyncadd.s32 $0xFFFFC400  }
0xc9: {  	[tilespmem:s25], [sflag:$0x2] =	stream.linear.gather [hbm4b:s19+s3], $0x100, $0x38;
	[tilespmem:$0x1FE00] =	vst v63  }
0xca: {  	_ =	swait.ge [sflag:s21], $0x100  }
0xcb: {  	[sflag:s21] =	ssyncset.done $0x0  }
0xcc: {  	[sflag:s21] =	ssyncadd.s32 $0xFFFFFF00  }
0xcd: {  	[tilespmem:s9], [sflag:$0x8] =	stream.indirect.gather [hbm4b:s4+s30], $0x80, s6, s30, $0xb8;
	[tilespmem:$0x1FE00] =	vst v63  }
0xce: {  	_ =	swait.ge [sflag:s10], $0x3C00  }
0xcf: {  	[sflag:s10] =	ssyncset.done $0x0  }
0xd0: {  	s15 =	simm.s32 $0x380;
	[sflag:s10] =	ssyncadd.s32 $0xFFFFC400  }
0xd1: {  	[spmem:s2] =	stream.indirect.scatter.add.f32 [tilespmem:s31], [sflag:$0xA], $0x80, s15, s30, $0xb8;
	[tilespmem:$0x1FE00] =	vst v63  }
0xd2: {  	_ =	swait.ge [sflag:s23], $0x3C00  }
0xd3: {  	[sflag:s23] =	ssyncset.done $0x0  }
0xd4: {  	s15 =	sadd.s32 $0x1C0, s1;
	[sflag:s23] =	ssyncadd.s32 $0xFFFFC400  }
0xd5: {  	[tilespmem:s26], [sflag:$0x3] =	stream.linear.gather [hbm4b:s15+s3], $0x100, $0x38;
	[tilespmem:$0x1FE00] =	vst v63  }
0xd6: {  	_ =	swait.ge [sflag:s24], $0x100  }
0xd7: {  	[sflag:s24] =	ssyncset.done $0x0  }
0xd8: {  	[sflag:s24] =	ssyncadd.s32 $0xFFFFFF00  }
0xd9: {  	[tilespmem:s0], [sflag:$0x9] =	stream.indirect.gather [hbm4b:s4+s30], $0x80, s12, s30, $0xb8;
	[tilespmem:$0x1FE00] =	vst v63  }
0xda: {  	_ =	swait.ge [sflag:s14], $0x3C00  }
0xdb: {  	[sflag:s14] =	ssyncset.done $0x0  }
0xdc: {  	s15 =	simm.s32 $0x480;
	[sflag:s14] =	ssyncadd.s32 $0xFFFFC400  }
0xdd: {  	[spmem:s2] =	stream.indirect.scatter.add.f32 [tilespmem:s9], [sflag:$0xB], $0x80, s15, s30, $0xb8;
	[tilespmem:$0x1FE00] =	vst v63  }
0xde: {  	_ =	swait.ge [sflag:s16], $0x3C00  }
0xdf: {  	[sflag:s16] =	ssyncset.done $0x0  }
0xe0: {  	s1 =	sadd.s32 $0x1E0, s1;
	[sflag:s16] =	ssyncadd.s32 $0xFFFFC400  }
0xe1: {  	[tilespmem:s28], [sflag:$0x4] =	stream.linear.gather [hbm4b:s1+s3], $0x100, $0x38;
	[tilespmem:$0x1FE00] =	vst v63  }
0xe2: {  	_ =	swait.ge [sflag:s29], $0x100  }
0xe3: {  	[sflag:s29] =	ssyncset.done $0x0  }
0xe4: {  	[sflag:s29] =	ssyncadd.s32 $0xFFFFFF00  }
0xe5: {  	[tilespmem:s31], [sflag:$0x7] =	stream.indirect.gather [hbm4b:s4+s30], $0x80, s3, s30, $0xb8;
	[tilespmem:$0x1FE00] =	vst v63  }
0xe6: {  	_ =	swait.ge [sflag:s18], $0x3C00  }
0xe7: {  	s5 =	simm.s32 $0x180;
	s7 =	simm.s32 $0x280;
	[sflag:s18] =	ssyncset.done $0x0  }
0xe8: {  	s19 =	simm.s32 $0x380;
	s1 =	simm.s32 $0xC0;
	[sflag:s18] =	ssyncadd.s32 $0xFFFFC400  }
.LBB2_4:
0xe9: {  	s11 =	simm.s32 $0x580  }
0xea: {  	[spmem:s2] =	stream.indirect.scatter.add.f32 [tilespmem:s0], [sflag:$0xC], $0x80, s11, s30, $0xb8;
	[tilespmem:$0x1FE00] =	vst v63  }
0xeb: {  	_ =	swait.ge [sflag:s20], $0x3C00  }
0xec: {  	s11 =	smov.u32 s1;
	s15 =	rddreg [dreg:$0x4]  }
0xed: {  	[sflag:s20] =	ssyncset.done $0x0;
	s11 =	sadd.s32 s11, s15  }
0xee: {  	[sflag:s20] =	ssyncadd.s32 $0xFFFFC400;
	s15 =	sadd.s32 $0x140, s11  }
0xef: {  	[tilespmem:s6], [sflag:$0x5] =	stream.linear.gather [hbm4b:s15+s3], $0x100, $0x38;
	[tilespmem:$0x1FE00] =	vst v63  }
0xf0: {  	_ =	swait.ge [sflag:s8], $0x100  }
0xf1: {  	[sflag:s8] =	ssyncset.done $0x0  }
0xf2: {  	[sflag:s8] =	ssyncadd.s32 $0xFFFFFF00  }
0xf3: {  	[tilespmem:s9], [sflag:$0x8] =	stream.indirect.gather [hbm4b:s4+s30], $0x80, s25, s30, $0xb8;
	[tilespmem:$0x1FE00] =	vst v63  }
0xf4: {  	_ =	swait.ge [sflag:s10], $0x3C00  }
0xf5: {  	[sflag:s10] =	ssyncset.done $0x0  }
0xf6: {  	[sflag:s10] =	ssyncadd.s32 $0xFFFFC400  }
0xf7: {  	[spmem:s2] =	stream.indirect.scatter.add.f32 [tilespmem:s31], [sflag:$0xA], $0x80, s22, s30, $0xb8;
	[tilespmem:$0x1FE00] =	vst v63  }
0xf8: {  	_ =	swait.ge [sflag:s23], $0x3C00  }
0xf9: {  	[sflag:s23] =	ssyncset.done $0x0  }
0xfa: {  	s15 =	sadd.s32 $0x160, s11;
	[sflag:s23] =	ssyncadd.s32 $0xFFFFC400  }
0xfb: {  	[tilespmem:s12], [sflag:$0x6] =	stream.linear.gather [hbm4b:s15+s3], $0x100, $0x38;
	[tilespmem:$0x1FE00] =	vst v63  }
0xfc: {  	_ =	swait.ge [sflag:s13], $0x100  }
0xfd: {  	[sflag:s13] =	ssyncset.done $0x0  }
0xfe: {  	[sflag:s13] =	ssyncadd.s32 $0xFFFFFF00  }
0xff: {  	[tilespmem:s0], [sflag:$0x9] =	stream.indirect.gather [hbm4b:s4+s30], $0x80, s26, s30, $0xb8;
	[tilespmem:$0x1FE00] =	vst v63  }
0x100: {  	_ =	swait.ge [sflag:s14], $0x3C00  }
0x101: {  	[sflag:s14] =	ssyncset.done $0x0  }
0x102: {  	[sflag:s14] =	ssyncadd.s32 $0xFFFFC400  }
0x103: {  	[spmem:s2] =	stream.indirect.scatter.add.f32 [tilespmem:s9], [sflag:$0xB], $0x80, s5, s30, $0xb8;
	[tilespmem:$0x1FE00] =	vst v63  }
0x104: {  	_ =	swait.ge [sflag:s16], $0x3C00  }
0x105: {  	[sflag:s16] =	ssyncset.done $0x0  }
0x106: {  	s15 =	sadd.s32 $0x180, s11;
	[sflag:s16] =	ssyncadd.s32 $0xFFFFC400  }
0x107: {  	[tilespmem:s3], [sflag:$0x1] =	stream.linear.gather [hbm4b:s15+s3], $0x100, $0x38;
	[tilespmem:$0x1FE00] =	vst v63  }
0x108: {  	_ =	swait.ge [sflag:s17], $0x100  }
0x109: {  	[sflag:s17] =	ssyncset.done $0x0  }
0x10a: {  	[sflag:s17] =	ssyncadd.s32 $0xFFFFFF00  }
0x10b: {  	[tilespmem:s31], [sflag:$0x7] =	stream.indirect.gather [hbm4b:s4+s30], $0x80, s28, s30, $0xb8;
	[tilespmem:$0x1FE00] =	vst v63  }
0x10c: {  	_ =	swait.ge [sflag:s18], $0x3C00  }
0x10d: {  	[sflag:s18] =	ssyncset.done $0x0  }
0x10e: {  	[sflag:s18] =	ssyncadd.s32 $0xFFFFC400  }
0x10f: {  	[spmem:s2] =	stream.indirect.scatter.add.f32 [tilespmem:s0], [sflag:$0xC], $0x80, s7, s30, $0xb8;
	[tilespmem:$0x1FE00] =	vst v63  }
0x110: {  	_ =	swait.ge [sflag:s20], $0x3C00  }
0x111: {  	[sflag:s20] =	ssyncset.done $0x0  }
0x112: {  	s15 =	sadd.s32 $0x1A0, s11;
	[sflag:s20] =	ssyncadd.s32 $0xFFFFC400  }
0x113: {  	[tilespmem:s25], [sflag:$0x2] =	stream.linear.gather [hbm4b:s15+s3], $0x100, $0x38;
	[tilespmem:$0x1FE00] =	vst v63  }
0x114: {  	_ =	swait.ge [sflag:s21], $0x100  }
0x115: {  	[sflag:s21] =	ssyncset.done $0x0  }
0x116: {  	[sflag:s21] =	ssyncadd.s32 $0xFFFFFF00  }
0x117: {  	[tilespmem:s9], [sflag:$0x8] =	stream.indirect.gather [hbm4b:s4+s30], $0x80, s6, s30, $0xb8;
	[tilespmem:$0x1FE00] =	vst v63  }
0x118: {  	_ =	swait.ge [sflag:s10], $0x3C00  }
0x119: {  	[sflag:s10] =	ssyncset.done $0x0  }
0x11a: {  	[sflag:s10] =	ssyncadd.s32 $0xFFFFC400  }
0x11b: {  	[spmem:s2] =	stream.indirect.scatter.add.f32 [tilespmem:s31], [sflag:$0xA], $0x80, s19, s30, $0xb8;
	[tilespmem:$0x1FE00] =	vst v63  }
0x11c: {  	_ =	swait.ge [sflag:s23], $0x3C00  }
0x11d: {  	[sflag:s23] =	ssyncset.done $0x0  }
0x11e: {  	s15 =	sadd.s32 $0x1C0, s11;
	[sflag:s23] =	ssyncadd.s32 $0xFFFFC400  }
0x11f: {  	[tilespmem:s26], [sflag:$0x3] =	stream.linear.gather [hbm4b:s15+s3], $0x100, $0x38;
	[tilespmem:$0x1FE00] =	vst v63  }
0x120: {  	_ =	swait.ge [sflag:s24], $0x100  }
0x121: {  	[sflag:s24] =	ssyncset.done $0x0  }
0x122: {  	[sflag:s24] =	ssyncadd.s32 $0xFFFFFF00  }
0x123: {  	[tilespmem:s0], [sflag:$0x9] =	stream.indirect.gather [hbm4b:s4+s30], $0x80, s12, s30, $0xb8;
	[tilespmem:$0x1FE00] =	vst v63  }
0x124: {  	_ =	swait.ge [sflag:s14], $0x3C00  }
0x125: {  	[sflag:s14] =	ssyncset.done $0x0  }
0x126: {  	s15 =	simm.s32 $0x480;
	[sflag:s14] =	ssyncadd.s32 $0xFFFFC400  }
0x127: {  	[spmem:s2] =	stream.indirect.scatter.add.f32 [tilespmem:s9], [sflag:$0xB], $0x80, s15, s30, $0xb8;
	[tilespmem:$0x1FE00] =	vst v63  }
0x128: {  	_ =	swait.ge [sflag:s16], $0x3C00  }
0x129: {  	[sflag:s16] =	ssyncset.done $0x0  }
0x12a: {  	s11 =	sadd.s32 $0x1E0, s11;
	[sflag:s16] =	ssyncadd.s32 $0xFFFFC400  }
0x12b: {  	[tilespmem:s28], [sflag:$0x4] =	stream.linear.gather [hbm4b:s11+s3], $0x100, $0x38;
	[tilespmem:$0x1FE00] =	vst v63  }
0x12c: {  	_ =	swait.ge [sflag:s29], $0x100  }
0x12d: {  	p0 =	sne.s32 s1, $0x840;
	[sflag:s29] =	ssyncset.done $0x0  }
.Ltmp1:
0x12e: {  	[sflag:s29] =	ssyncadd.s32 $0xFFFFFF00;
	(pc) =	sbr.rel @p0 .LBB2_4-.Ltmp1, $4  }
0x12f: {  	[tilespmem:s31], [sflag:$0x7] =	stream.indirect.gather [hbm4b:s4+s30], $0x80, s3, s30, $0xb8;
	[tilespmem:$0x1FE00] =	vst v63  }
0x130: {  	_ =	swait.ge [sflag:s18], $0x3C00  }
0x131: {  	[sflag:s18] =	ssyncset.done $0x0  }
0x132: {  	s1 =	sadd.s32 $0xC0, s1;
	[sflag:s18] =	ssyncadd.s32 $0xFFFFC400  }
0x133: {  	s11 =	simm.s32 $0x580  }
0x134: {  	[spmem:s2] =	stream.indirect.scatter.add.f32 [tilespmem:s0], [sflag:$0xC], $0x80, s11, s30, $0xb8;
	[tilespmem:$0x1FE00] =	vst v63  }
0x135: {  	_ =	swait.ge [sflag:s20], $0x3C00  }
0x136: {  	[sflag:s20] =	ssyncset.done $0x0  }
0x137: {  	s1 =	rddreg [dreg:$0x15];
	[sflag:s20] =	ssyncadd.s32 $0xFFFFC400  }
0x138: {  	[tilespmem:s6], [sflag:$0x5] =	stream.linear.gather [hbm4b:s1+s3], $0x100, $0x38;
	[tilespmem:$0x1FE00] =	vst v63  }
0x139: {  	_ =	swait.ge [sflag:s8], $0x100  }
0x13a: {  	[sflag:s8] =	ssyncset.done $0x0  }
0x13b: {  	[sflag:s8] =	ssyncadd.s32 $0xFFFFFF00  }
0x13c: {  	[tilespmem:s9], [sflag:$0x8] =	stream.indirect.gather [hbm4b:s4+s30], $0x80, s25, s30, $0xb8;
	[tilespmem:$0x1FE00] =	vst v63  }
0x13d: {  	_ =	swait.ge [sflag:s10], $0x3C00  }
0x13e: {  	[sflag:s10] =	ssyncset.done $0x0  }
0x13f: {  	[sflag:s10] =	ssyncadd.s32 $0xFFFFC400  }
0x140: {  	[spmem:s2] =	stream.indirect.scatter.add.f32 [tilespmem:s31], [sflag:$0xA], $0x80, s22, s30, $0xb8;
	[tilespmem:$0x1FE00] =	vst v63  }
0x141: {  	_ =	swait.ge [sflag:s23], $0x3C00  }
0x142: {  	[sflag:s23] =	ssyncset.done $0x0  }
0x143: {  	s1 =	rddreg [dreg:$0x16];
	[sflag:s23] =	ssyncadd.s32 $0xFFFFC400  }
0x144: {  	[tilespmem:s12], [sflag:$0x6] =	stream.linear.gather [hbm4b:s1+s3], $0x100, $0x38;
	[tilespmem:$0x1FE00] =	vst v63  }
0x145: {  	_ =	swait.ge [sflag:s13], $0x100  }
0x146: {  	[sflag:s13] =	ssyncset.done $0x0  }
0x147: {  	[sflag:s13] =	ssyncadd.s32 $0xFFFFFF00  }
0x148: {  	[tilespmem:s0], [sflag:$0x9] =	stream.indirect.gather [hbm4b:s4+s30], $0x80, s26, s30, $0xb8;
	[tilespmem:$0x1FE00] =	vst v63  }
0x149: {  	_ =	swait.ge [sflag:s14], $0x3C00  }
0x14a: {  	[sflag:s14] =	ssyncset.done $0x0  }
0x14b: {  	[sflag:s14] =	ssyncadd.s32 $0xFFFFC400  }
0x14c: {  	[spmem:s2] =	stream.indirect.scatter.add.f32 [tilespmem:s9], [sflag:$0xB], $0x80, s5, s30, $0xb8;
	[tilespmem:$0x1FE00] =	vst v63  }
0x14d: {  	_ =	swait.ge [sflag:s16], $0x3C00  }
0x14e: {  	[sflag:s16] =	ssyncset.done $0x0  }
0x14f: {  	[sflag:s16] =	ssyncadd.s32 $0xFFFFC400  }
0x150: {  	_ =	swait.ge [sflag:s17], $0x100  }
0x151: {  	[sflag:s17] =	ssyncset.done $0x0  }
0x152: {  	[sflag:s17] =	ssyncadd.s32 $0xFFFFFF00  }
0x153: {  	[tilespmem:s31], [sflag:$0x7] =	stream.indirect.gather [hbm4b:s4+s30], $0x80, s28, s30, $0xb8;
	[tilespmem:$0x1FE00] =	vst v63  }
0x154: {  	_ =	swait.ge [sflag:s18], $0x3C00  }
0x155: {  	[sflag:s18] =	ssyncset.done $0x0  }
0x156: {  	[sflag:s18] =	ssyncadd.s32 $0xFFFFC400  }
0x157: {  	[spmem:s2] =	stream.indirect.scatter.add.f32 [tilespmem:s0], [sflag:$0xC], $0x80, s7, s30, $0xb8;
	[tilespmem:$0x1FE00] =	vst v63  }
0x158: {  	_ =	swait.ge [sflag:s20], $0x3C00  }
0x159: {  	[sflag:s20] =	ssyncset.done $0x0  }
0x15a: {  	[sflag:s20] =	ssyncadd.s32 $0xFFFFC400  }
0x15b: {  	_ =	swait.ge [sflag:s21], $0x100  }
0x15c: {  	[sflag:s21] =	ssyncset.done $0x0  }
0x15d: {  	[sflag:s21] =	ssyncadd.s32 $0xFFFFFF00  }
0x15e: {  	[tilespmem:s9], [sflag:$0x8] =	stream.indirect.gather [hbm4b:s4+s30], $0x80, s6, s30, $0xb8;
	[tilespmem:$0x1FE00] =	vst v63  }
0x15f: {  	_ =	swait.ge [sflag:s10], $0x3C00  }
0x160: {  	[sflag:s10] =	ssyncset.done $0x0  }
0x161: {  	[sflag:s10] =	ssyncadd.s32 $0xFFFFC400  }
0x162: {  	[spmem:s2] =	stream.indirect.scatter.add.f32 [tilespmem:s31], [sflag:$0xA], $0x80, s19, s30, $0xb8;
	[tilespmem:$0x1FE00] =	vst v63  }
0x163: {  	_ =	swait.ge [sflag:s23], $0x3C00  }
0x164: {  	[sflag:s23] =	ssyncset.done $0x0  }
0x165: {  	[sflag:s23] =	ssyncadd.s32 $0xFFFFC400  }
0x166: {  	_ =	swait.ge [sflag:s24], $0x100  }
0x167: {  	[sflag:s24] =	ssyncset.done $0x0  }
0x168: {  	[sflag:s24] =	ssyncadd.s32 $0xFFFFFF00  }
0x169: {  	[tilespmem:s0], [sflag:$0x9] =	stream.indirect.gather [hbm4b:s4+s30], $0x80, s12, s30, $0xb8;
	[tilespmem:$0x1FE00] =	vst v63  }
0x16a: {  	_ =	swait.ge [sflag:s14], $0x3C00  }
0x16b: {  	[sflag:s14] =	ssyncset.done $0x0  }
0x16c: {  	[sflag:s14] =	ssyncadd.s32 $0xFFFFC400  }
0x16d: {  	[spmem:s2] =	stream.indirect.scatter.add.f32 [tilespmem:s9], [sflag:$0xB], $0x80, s15, s30, $0xb8;
	[tilespmem:$0x1FE00] =	vst v63  }
0x16e: {  	_ =	swait.ge [sflag:s16], $0x3C00  }
0x16f: {  	[sflag:s16] =	ssyncset.done $0x0  }
0x170: {  	[sflag:s16] =	ssyncadd.s32 $0xFFFFC400  }
0x171: {  	_ =	swait.ge [sflag:s18], $0x3C00  }
0x172: {  	[sflag:s18] =	ssyncset.done $0x0  }
0x173: {  	[sflag:s18] =	ssyncadd.s32 $0xFFFFC400  }
0x174: {  	[spmem:s2] =	stream.indirect.scatter.add.f32 [tilespmem:s0], [sflag:$0xC], $0x80, s11, s30, $0xb8;
	[tilespmem:$0x1FE00] =	vst v63  }
0x175: {  	_ =	swait.ge [sflag:s20], $0x3C00  }
0x176: {  	[sflag:s20] =	ssyncset.done $0x0  }
0x177: {  	[sflag:s20] =	ssyncadd.s32 $0xFFFFC400  }
0x178: {  	_ =	swait.ge [sflag:s23], $0x3C00  }
0x179: {  	[sflag:s23] =	ssyncset.done $0x0  }
0x17a: {  	[sflag:s23] =	ssyncadd.s32 $0xFFFFC400  }
0x17b: {  	s19 =	stileid.u32;
	[bflag:$0x0] =	sbarrier.arrive $0xFFFF  }
0x17c: {  	s1 =	sshll.u32 s19, $0x6;
	s19 =	rddreg [dreg:$0x7]  }
0x17d: {  	s1 =	sor.u32 $0x1C0E, s1;
	s7 =	rddreg [dreg:$0x17];
	s5 =	sshrl.u32 s19, $0x3  }
0x17e: {  	[hbm:s7], [sflag:s1] =	dma.local [spmem:s5], $0x2880  }
0x17f: {  	s5 =	simm.s32 $0xE  }
0x180: {  	_ =	swait.ge [sflag:s5], $0x2880  }
0x181: {  	s11 =	rddreg [dreg:$0x19]  }
0x182: {  	s15 =	rddreg [dreg:$0x18];
	s7 =	sadd.s32 $0x1, s11  }
0x183: {  	p0 =	sne.s32 s7, s15  }
.Ltmp2:
0x184: {  	_ = 	snop;
	(pc) =	sbr.rel @p0 .LBB2_1-.Ltmp2, $3  }
0x185: {  	_ =	sdelay $0x1  }
0x186: {  	[sflag:s5] =	ssyncset.done $0x0  }
0x187: {  	[sflag:s5] =	ssyncadd.s32 $0xFFFFD780  }
0x188: {  	_ =	sfence.sel $0x180000  }
0x189: {  	[bflag:$0x0] =	sbarrier.arrive $0xFFFF  }
0x18a: {  	_ =	strace $0x9000004A  }
0x18b: {  	s0 =	stileid.u32;
	[bflag:$0x2] =	sbarrier.arrive $0xFFFF  }
0x18c: {  	p0 =	sne.s32 s0, $0x0;
	s0 =	rddreg [dreg:$0x3]  }
0x18d: {  	s0 =	sadd.s32 @!p0 $0x100000, s0  }
0x18e: {  	[sflag:s0] =	ssyncadd.tile.s32 @!p0 $0x1;
	_ =	shalt  }
.Lfunc_end2:
_tile_overlayer_lowered:
.L_overlay_start_2:
0x18f: {  	(tag) =	ssettag $0x2  }
0x190: {  	s0 =	rddreg [dreg:$0x0];
	s2 =	stileid.u32  }
0x191: {  	s1 =	rddreg [dreg:$0x1];
	p0 =	sne.s32 s2, $0x0  }
0x192: {  	s3 =	rddreg [dreg:$0x2];
	[bflag:$0x3] =	sbarrier.arrive $0xFFFF;
	s2 =	simm.s32 @!p0 $0x1C0E  }
0x193: {  	[timem:s3], [sflag:s2] =	dma.local @!p0 [hbm:s0], s1  }
0x194: {  	s0 =	simm.s32 @!p0 $0xE  }
0x195: {  	_ =	swait.ge @!p0 [sflag:s0], s1  }
0x196: {  	s1 =	ssub.s32 @!p0 $0x0, s1;
	[sflag:s0] =	ssyncset.done @!p0 $0x0  }
0x197: {  	[sflag:s0] =	ssyncadd.s32 @!p0 s1  }
0x198: {  	[bflag:$0x3] =	sbarrier.arrive $0xFFFF  }
0x199: {  	_ =	shalt  }

</sc_bundles>
